<compile_context>
chip_gen: v7x
topology: tpu7x:2x2x1
jax: 0.10.2.dev20260603
libtpu: 0.0.44.dev20260713+nightly
codegen_flags: <defaults>
</compile_context>

<pallas_src>
import jax
import jax.numpy as jnp
from jax import lax
from jax.experimental import pallas as pl
from jax.experimental.pallas import tpu as pltpu
from jax.experimental.pallas import tpu_sc as plsc

VOCAB = 100000
D = 1024
NT = 100
B = 4
S = 2048
TOT = NT + S

NC, NS = 2, 16
NW = NC * NS
T_PER_W = S // NW
L = 16
NG = 16
NBUF = 6
SP_W = NT * 32 // 128


def _sc_body(ids_hbm, wte_hbm, sp_hbm, out_hbm,
             idsbuf, gbuf0, gbuf1, gbuf2, gbuf3, gbuf4, gbuf5, spbuf,
             gidx0, gidx1, gidx2, gidx3, gidx4, gidx5, spgidx,
             g0, g1, g2, g3, g4, g5, s0, s1, s2, s3, s4, s5,
             idsem, spg, sps):
    c = lax.axis_index("c")
    s = lax.axis_index("s")
    wid = s * NC + c
    iota = lax.iota(jnp.int32, L)

    ids_gather = pltpu.async_copy(
        ids_hbm.at[(wid // 2) * 4 + (iota & 3)], idsbuf, idsem)

    @pl.when(wid < SP_W)
    def _sp():
        for u in range(8):
            r = wid * 128 + u * L + iota
            tt = r >> 5
            dcv = (r >> 2) & 7
            spgidx[pl.ds(u * L, L)] = ((tt >> 3) << 6) + (dcv << 3) + (tt & 7)
        pltpu.async_copy(sp_hbm.at[spgidx], spbuf, spg)

    ids_gather.wait()

    gbufs = (gbuf0, gbuf1, gbuf2, gbuf3, gbuf4, gbuf5)
    gidxs = (gidx0, gidx1, gidx2, gidx3, gidx4, gidx5)
    gsems = (g0, g1, g2, g3, g4, g5)
    ssems = (s0, s1, s2, s3, s4, s5)
    half = (wid % 2) * 64
    t0w = NT + wid * T_PER_W
    lane_b0 = (iota & 1) == 0
    lane_b1 = (iota & 2) == 0
    dc_lo = iota >> 2
    dc_hi = (16 + iota) >> 2

    def out_slice(g):
        row0 = (t0w + g * 4) * 32
        return out_hbm.at[pl.ds(pl.multiple_of(row0, 32), 128)]

    def fill_idx(par, g):
        i = g // 4
        vb = []
        for bb in range(B):
            v = idsbuf[bb, pl.ds(half + i * L, L)]
            vb.append(((v >> 3) << 6) + (v & 7))
        for u in range(8):
            tl = (g % 4) * 4 + u // 2
            sel = jnp.where(
                lane_b1,
                jnp.where(lane_b0, vb[0][tl], vb[1][tl]),
                jnp.where(lane_b0, vb[2][tl], vb[3][tl]))
            dcv = dc_lo if u % 2 == 0 else dc_hi
            gidxs[par][pl.ds(u * L, L)] = sel + dcv * 8

    for par in range(NBUF):
        fill_idx(par, par)
        pltpu.async_copy(wte_hbm.at[gidxs[par]], gbufs[par], gsems[par])

    @pl.when(wid < SP_W)
    def _sp_store():
        pltpu.make_async_copy(sp_hbm.at[spgidx], spbuf, spg).wait()
        pltpu.async_copy(
            spbuf,
            out_hbm.at[pl.ds(pl.multiple_of(wid * 128, 128), 128)],
            sps)

    for g in range(NG):
        par = g % NBUF
        pltpu.make_async_copy(wte_hbm.at[gidxs[par]], gbufs[par],
                              gsems[par]).wait()
        pltpu.async_copy(gbufs[par], out_slice(g), ssems[par])
        if g + NBUF < NG:
            fill_idx(par, g + NBUF)
            pltpu.make_async_copy(gbufs[par], out_slice(g), ssems[par]).wait()
            pltpu.async_copy(wte_hbm.at[gidxs[par]], gbufs[par], gsems[par])

    for g in range(NG - NBUF, NG):
        par = g % NBUF
        pltpu.make_async_copy(gbufs[par], out_slice(g), ssems[par]).wait()

    @pl.when(wid < SP_W)
    def _sp_drain():
        pltpu.make_async_copy(
            spbuf,
            out_hbm.at[pl.ds(pl.multiple_of(wid * 128, 128), 128)],
            sps).wait()


@jax.jit
def kernel(input_ids, wte_weight, soft_prompt):
    ids_view = (input_ids.astype(jnp.int32)
                .reshape(B, S // 128, 128).transpose(1, 0, 2)
                .reshape(B * S // 128, 128))
    wte_view = (wte_weight.reshape(VOCAB // 8, 8, 8, 128)
                .transpose(0, 2, 1, 3).reshape(VOCAB * 8, 128))
    sp_pad = jnp.pad(soft_prompt, ((0, 4), (0, 0)))
    sp_view = (sp_pad.reshape(13, 8, 8, 128)
               .transpose(0, 2, 1, 3).reshape(13 * 64, 128))

    mesh = plsc.VectorSubcoreMesh(core_axis_name="c", subcore_axis_name="s",
                                  num_cores=NC, num_subcores=NS)
    out = pl.kernel(
        _sc_body,
        out_type=jax.ShapeDtypeStruct((B * TOT * 8, 128), jnp.float32),
        mesh=mesh,
        scratch_types=(
            [pltpu.VMEM((16, 128), jnp.int32)]
            + [pltpu.VMEM((128, 128), jnp.float32)] * NBUF
            + [pltpu.VMEM((128, 128), jnp.float32)]
            + [pltpu.VMEM((128,), jnp.int32)] * NBUF
            + [pltpu.VMEM((128,), jnp.int32)]
            + [pltpu.SemaphoreType.DMA] * (2 * NBUF + 3)
        ),
    )(ids_view, wte_view, sp_view)
    return (out.reshape(TOT, 8, B, 128).transpose(2, 0, 1, 3)
            .reshape(B, TOT, D))

# --- scband reference (transcript-rebuilt; emitter-appended) ---
"""Pipeline reference for scband-prompt-resource-88802743812316 (READ-ONLY COPY).

The authoritative reference and input builder live on the scoring server;
editing this copy changes nothing except your own understanding.
"""

import jax, jax.numpy as jnp
import numpy as np

VOCAB = 100000
D_MODEL = 1024
N_TOKENS = 100
BATCH = 4
SEQ_LEN = 2048


def setup_inputs(seed: int = 0) -> dict:
    key = jax.random.key(seed)
    k1, k2, k3 = jax.random.split(key, 3)
    input_ids = jax.random.randint(k1, (BATCH, SEQ_LEN), 0, VOCAB, dtype=jnp.int64 if jax.config.jax_enable_x64 else jnp.int32)
    input_ids = input_ids.astype(jnp.int32)
    # wte embedding table (frozen LM embedding)
    wte_weight = jax.random.normal(k2, (VOCAB, D_MODEL), dtype=jnp.float32) * 0.02
    # soft prompt initialized uniform(-random_range, random_range)
    soft_prompt = jax.random.uniform(k3, (N_TOKENS, D_MODEL), dtype=jnp.float32, minval=-0.5, maxval=0.5)
    return {"input_ids": input_ids, "wte_weight": wte_weight, "soft_prompt": soft_prompt}


def reference(input_ids, wte_weight, soft_prompt):
    # inputs_embeds = self.wte(input_ids)
    inputs_embeds = jnp.take(wte_weight, input_ids, axis=0)
    if inputs_embeds.ndim == 2:
        inputs_embeds = inputs_embeds[None, :, :]
    # learned_embeds = self.soft_prompt.weight.repeat(B, 1, 1)
    b = inputs_embeds.shape[0]
    learned_embeds = jnp.broadcast_to(soft_prompt[None, :, :], (b,) + soft_prompt.shape)
    # concat along sequence dim
    out = jnp.concatenate([learned_embeds, inputs_embeds], axis=1)
    return out


if False:  # reference __main__ guard neutralized (emitter)
    inp = setup_inputs()
    out = reference(**inp)
    print(out.shape)

if __name__ == "__main__":
    import jax
    _d = setup_inputs()
    print(jax.jit(kernel)(*tuple(_d.values())))

</pallas_src>

<mosaic_0001>
#map = affine_map<(d0, d1) -> (0, 0)>
module attributes {stable_mosaic.version = 14 : i64} {
  func.func @_sc_body(%arg0: i32, %arg1: i32, %arg2: memref<64x128xi32, #tpu.memory_space<hbm>>, %arg3: memref<800000x128xf32, #tpu.memory_space<hbm>>, %arg4: memref<832x128xf32, #tpu.memory_space<hbm>>, %arg5: memref<68736x128xf32, #tpu.memory_space<hbm>>, %arg6: memref<16x128xi32, #tpu.memory_space<vmem>>, %arg7: memref<128x128xf32, #tpu.memory_space<vmem>>, %arg8: memref<128x128xf32, #tpu.memory_space<vmem>>, %arg9: memref<128x128xf32, #tpu.memory_space<vmem>>, %arg10: memref<128x128xf32, #tpu.memory_space<vmem>>, %arg11: memref<128x128xf32, #tpu.memory_space<vmem>>, %arg12: memref<128x128xf32, #tpu.memory_space<vmem>>, %arg13: memref<128x128xf32, #tpu.memory_space<vmem>>, %arg14: memref<128xi32, #tpu.memory_space<vmem>>, %arg15: memref<128xi32, #tpu.memory_space<vmem>>, %arg16: memref<128xi32, #tpu.memory_space<vmem>>, %arg17: memref<128xi32, #tpu.memory_space<vmem>>, %arg18: memref<128xi32, #tpu.memory_space<vmem>>, %arg19: memref<128xi32, #tpu.memory_space<vmem>>, %arg20: memref<128xi32, #tpu.memory_space<vmem>>, %arg21: memref<!tpu.dma_semaphore, #tpu.memory_space<semaphore_mem>>, %arg22: memref<!tpu.dma_semaphore, #tpu.memory_space<semaphore_mem>>, %arg23: memref<!tpu.dma_semaphore, #tpu.memory_space<semaphore_mem>>, %arg24: memref<!tpu.dma_semaphore, #tpu.memory_space<semaphore_mem>>, %arg25: memref<!tpu.dma_semaphore, #tpu.memory_space<semaphore_mem>>, %arg26: memref<!tpu.dma_semaphore, #tpu.memory_space<semaphore_mem>>, %arg27: memref<!tpu.dma_semaphore, #tpu.memory_space<semaphore_mem>>, %arg28: memref<!tpu.dma_semaphore, #tpu.memory_space<semaphore_mem>>, %arg29: memref<!tpu.dma_semaphore, #tpu.memory_space<semaphore_mem>>, %arg30: memref<!tpu.dma_semaphore, #tpu.memory_space<semaphore_mem>>, %arg31: memref<!tpu.dma_semaphore, #tpu.memory_space<semaphore_mem>>, %arg32: memref<!tpu.dma_semaphore, #tpu.memory_space<semaphore_mem>>, %arg33: memref<!tpu.dma_semaphore, #tpu.memory_space<semaphore_mem>>, %arg34: memref<!tpu.dma_semaphore, #tpu.memory_space<semaphore_mem>>, %arg35: memref<!tpu.dma_semaphore, #tpu.memory_space<semaphore_mem>>) attributes {dimension_semantics = [#tpu.dimension_semantics<core_parallel>, #tpu.dimension_semantics<subcore_parallel>], iteration_bounds = array<i64: 2, 16>, scalar_prefetch = 0 : i64, scratch_operands = 30 : i64, tpu.core_type = #tpu.core_type<sc_vector_subcore>, window_params = [{transform_indices = #map}, {transform_indices = #map}, {transform_indices = #map}, {transform_indices = #map}]} {
    %mul3A = arith.constant 2 : i32
    %mul3A_0 = arith.muli %arg1, %mul3A : i32
    %add3A = arith.addi %mul3A_0, %arg0 : i32
    %iota3A = tpu.iota {dimensions = array<i32: 0>} : vector<16xi32>
    %jit3A = arith.constant 2 : i32
    %div3A = arith.divsi %add3A, %jit3A : i32
    %sign3A = arith.constant 0 : i32
    %sign3A_1 = arith.cmpi sgt, %add3A, %sign3A : i32
    %sign3A_2 = arith.extui %sign3A_1 : i1 to i32
    %sign3A_3 = arith.constant 0 : i32
    %sign3A_4 = arith.cmpi slt, %add3A, %sign3A_3 : i32
    %sign3A_5 = arith.extui %sign3A_4 : i1 to i32
    %sign3A_6 = arith.subi %sign3A_2, %sign3A_5 : i32
    %sign3A_7 = arith.constant 0 : i32
    %sign3A_8 = arith.cmpi sgt, %jit3A, %sign3A_7 : i32
    %sign3A_9 = arith.extui %sign3A_8 : i1 to i32
    %sign3A_10 = arith.constant 0 : i32
    %sign3A_11 = arith.cmpi slt, %jit3A, %sign3A_10 : i32
    %sign3A_12 = arith.extui %sign3A_11 : i1 to i32
    %sign3A_13 = arith.subi %sign3A_9, %sign3A_12 : i32
    %ne3A = arith.cmpi ne, %sign3A_6, %sign3A_13 : i32
    %rem3A = arith.remsi %add3A, %jit3A : i32
    %ne3A_14 = arith.constant 0 : i32
    %ne3A_15 = arith.cmpi ne, %rem3A, %ne3A_14 : i32
    %and3A = arith.andi %ne3A, %ne3A_15 : i1
    %sub3A = arith.constant 1 : i32
    %sub3A_16 = arith.subi %div3A, %sub3A : i32
    %select_n3A = arith.select %and3A, %sub3A_16, %div3A : i32
    %mul3A_17 = arith.constant 4 : i32
    %mul3A_18 = arith.muli %select_n3A, %mul3A_17 : i32
    %and3A_19 = arith.constant 3 : i32
    %and3A_20 = vector.broadcast %and3A_19 : i32 to vector<16xi32>
    %and3A_21 = arith.andi %iota3A, %and3A_20 : vector<16xi32>
    %add3A_22 = vector.broadcast %mul3A_18 : i32 to vector<16xi32>
    %add3A_23 = arith.addi %add3A_22, %and3A_21 : vector<16xi32>
    %dma_start3A = arith.constant 0 : i32
    %dma_start3A_24 = arith.constant 0 : i32
    %dma_start3A_25 = tpu.memref_slice %arg2[%dma_start3A, %dma_start3A_24] : memref<64x128xi32, #tpu.memory_space<hbm>> -> memref<64x128xi32, #tpu.memory_space<hbm>>
    tpu.enqueue_indirect_dma source(%dma_start3A_25 : memref<64x128xi32, #tpu.memory_space<hbm>>) target(%arg6 : memref<16x128xi32, #tpu.memory_space<vmem>>) offsets(%add3A_23 : vector<16xi32>) semaphore(%arg33 : memref<!tpu.dma_semaphore, #tpu.memory_space<semaphore_mem>>)
    %lt3A = arith.constant 25 : i32
    %lt3A_26 = arith.cmpi slt, %add3A, %lt3A : i32
    %convert_element_type3A = arith.extui %lt3A_26 : i1 to i32
    %cond3A = arith.constant 0 : i32
    %cond3A_27 = arith.cmpi ne, %convert_element_type3A, %cond3A : i32
    scf.if %cond3A_27 {
      %mul3A_4490 = arith.constant 128 : i32
      %mul3A_4491 = arith.muli %add3A, %mul3A_4490 : i32
      %add3A_4492 = arith.constant 0 : i32
      %add3A_4493 = arith.addi %mul3A_4491, %add3A_4492 : i32
      %add3A_4494 = vector.broadcast %add3A_4493 : i32 to vector<16xi32>
      %add3A_4495 = arith.addi %add3A_4494, %iota3A : vector<16xi32>
      %shift_right_arithmetic3A_4496 = arith.constant 5 : i32
      %shift_right_arithmetic3A_4497 = vector.broadcast %shift_right_arithmetic3A_4496 : i32 to vector<16xi32>
      %shift_right_arithmetic3A_4498 = arith.shrsi %add3A_4495, %shift_right_arithmetic3A_4497 : vector<16xi32>
      %shift_right_arithmetic3A_4499 = arith.constant 2 : i32
      %shift_right_arithmetic3A_4500 = vector.broadcast %shift_right_arithmetic3A_4499 : i32 to vector<16xi32>
      %shift_right_arithmetic3A_4501 = arith.shrsi %add3A_4495, %shift_right_arithmetic3A_4500 : vector<16xi32>
      %and3A_4502 = arith.constant 7 : i32
      %and3A_4503 = vector.broadcast %and3A_4502 : i32 to vector<16xi32>
      %and3A_4504 = arith.andi %shift_right_arithmetic3A_4501, %and3A_4503 : vector<16xi32>
      %shift_right_arithmetic3A_4505 = arith.constant 3 : i32
      %shift_right_arithmetic3A_4506 = vector.broadcast %shift_right_arithmetic3A_4505 : i32 to vector<16xi32>
      %shift_right_arithmetic3A_4507 = arith.shrsi %shift_right_arithmetic3A_4498, %shift_right_arithmetic3A_4506 : vector<16xi32>
      %shift_left3A_4508 = arith.constant 6 : i32
      %shift_left3A_4509 = vector.broadcast %shift_left3A_4508 : i32 to vector<16xi32>
      %shift_left3A_4510 = arith.shli %shift_right_arithmetic3A_4507, %shift_left3A_4509 : vector<16xi32>
      %shift_left3A_4511 = arith.constant 3 : i32
      %shift_left3A_4512 = vector.broadcast %shift_left3A_4511 : i32 to vector<16xi32>
      %shift_left3A_4513 = arith.shli %and3A_4504, %shift_left3A_4512 : vector<16xi32>
      %add3A_4514 = arith.addi %shift_left3A_4510, %shift_left3A_4513 : vector<16xi32>
      %and3A_4515 = arith.constant 7 : i32
      %and3A_4516 = vector.broadcast %and3A_4515 : i32 to vector<16xi32>
      %and3A_4517 = arith.andi %shift_right_arithmetic3A_4498, %and3A_4516 : vector<16xi32>
      %add3A_4518 = arith.addi %add3A_4514, %and3A_4517 : vector<16xi32>
      %swap3A_4519 = arith.constant 0 : index
      %swap3A_4520 = tpu.vector_load %arg20[%swap3A_4519] {strides = array<i32>} : memref<128xi32, #tpu.memory_space<vmem>>, vector<16xi32>,
      %swap3A_4521 = vector.shape_cast %swap3A_4520 : vector<16xi32> to vector<16xi32>
      %swap3A_4522 = vector.shape_cast %add3A_4518 : vector<16xi32> to vector<16xi32>
      tpu.vector_store %arg20[%swap3A_4519], %swap3A_4522 {strides = array<i32>} : memref<128xi32, #tpu.memory_space<vmem>>, vector<16xi32>,
      %mul3A_4523 = arith.constant 128 : i32
      %mul3A_4524 = arith.muli %add3A, %mul3A_4523 : i32
      %add3A_4525 = arith.constant 16 : i32
      %add3A_4526 = arith.addi %mul3A_4524, %add3A_4525 : i32
      %add3A_4527 = vector.broadcast %add3A_4526 : i32 to vector<16xi32>
      %add3A_4528 = arith.addi %add3A_4527, %iota3A : vector<16xi32>
      %shift_right_arithmetic3A_4529 = arith.constant 5 : i32
      %shift_right_arithmetic3A_4530 = vector.broadcast %shift_right_arithmetic3A_4529 : i32 to vector<16xi32>
      %shift_right_arithmetic3A_4531 = arith.shrsi %add3A_4528, %shift_right_arithmetic3A_4530 : vector<16xi32>
      %shift_right_arithmetic3A_4532 = arith.constant 2 : i32
      %shift_right_arithmetic3A_4533 = vector.broadcast %shift_right_arithmetic3A_4532 : i32 to vector<16xi32>
      %shift_right_arithmetic3A_4534 = arith.shrsi %add3A_4528, %shift_right_arithmetic3A_4533 : vector<16xi32>
      %and3A_4535 = arith.constant 7 : i32
      %and3A_4536 = vector.broadcast %and3A_4535 : i32 to vector<16xi32>
      %and3A_4537 = arith.andi %shift_right_arithmetic3A_4534, %and3A_4536 : vector<16xi32>
      %shift_right_arithmetic3A_4538 = arith.constant 3 : i32
      %shift_right_arithmetic3A_4539 = vector.broadcast %shift_right_arithmetic3A_4538 : i32 to vector<16xi32>
      %shift_right_arithmetic3A_4540 = arith.shrsi %shift_right_arithmetic3A_4531, %shift_right_arithmetic3A_4539 : vector<16xi32>
      %shift_left3A_4541 = arith.constant 6 : i32
      %shift_left3A_4542 = vector.broadcast %shift_left3A_4541 : i32 to vector<16xi32>
      %shift_left3A_4543 = arith.shli %shift_right_arithmetic3A_4540, %shift_left3A_4542 : vector<16xi32>
      %shift_left3A_4544 = arith.constant 3 : i32
      %shift_left3A_4545 = vector.broadcast %shift_left3A_4544 : i32 to vector<16xi32>
      %shift_left3A_4546 = arith.shli %and3A_4537, %shift_left3A_4545 : vector<16xi32>
      %add3A_4547 = arith.addi %shift_left3A_4543, %shift_left3A_4546 : vector<16xi32>
      %and3A_4548 = arith.constant 7 : i32
      %and3A_4549 = vector.broadcast %and3A_4548 : i32 to vector<16xi32>
      %and3A_4550 = arith.andi %shift_right_arithmetic3A_4531, %and3A_4549 : vector<16xi32>
      %add3A_4551 = arith.addi %add3A_4547, %and3A_4550 : vector<16xi32>
      %swap3A_4552 = arith.constant 16 : index
      %swap3A_4553 = tpu.vector_load %arg20[%swap3A_4552] {strides = array<i32>} : memref<128xi32, #tpu.memory_space<vmem>>, vector<16xi32>,
      %swap3A_4554 = vector.shape_cast %swap3A_4553 : vector<16xi32> to vector<16xi32>
      %swap3A_4555 = vector.shape_cast %add3A_4551 : vector<16xi32> to vector<16xi32>
      tpu.vector_store %arg20[%swap3A_4552], %swap3A_4555 {strides = array<i32>} : memref<128xi32, #tpu.memory_space<vmem>>, vector<16xi32>,
      %mul3A_4556 = arith.constant 128 : i32
      %mul3A_4557 = arith.muli %add3A, %mul3A_4556 : i32
      %add3A_4558 = arith.constant 32 : i32
      %add3A_4559 = arith.addi %mul3A_4557, %add3A_4558 : i32
      %add3A_4560 = vector.broadcast %add3A_4559 : i32 to vector<16xi32>
      %add3A_4561 = arith.addi %add3A_4560, %iota3A : vector<16xi32>
      %shift_right_arithmetic3A_4562 = arith.constant 5 : i32
      %shift_right_arithmetic3A_4563 = vector.broadcast %shift_right_arithmetic3A_4562 : i32 to vector<16xi32>
      %shift_right_arithmetic3A_4564 = arith.shrsi %add3A_4561, %shift_right_arithmetic3A_4563 : vector<16xi32>
      %shift_right_arithmetic3A_4565 = arith.constant 2 : i32
      %shift_right_arithmetic3A_4566 = vector.broadcast %shift_right_arithmetic3A_4565 : i32 to vector<16xi32>
      %shift_right_arithmetic3A_4567 = arith.shrsi %add3A_4561, %shift_right_arithmetic3A_4566 : vector<16xi32>
      %and3A_4568 = arith.constant 7 : i32
      %and3A_4569 = vector.broadcast %and3A_4568 : i32 to vector<16xi32>
      %and3A_4570 = arith.andi %shift_right_arithmetic3A_4567, %and3A_4569 : vector<16xi32>
      %shift_right_arithmetic3A_4571 = arith.constant 3 : i32
      %shift_right_arithmetic3A_4572 = vector.broadcast %shift_right_arithmetic3A_4571 : i32 to vector<16xi32>
      %shift_right_arithmetic3A_4573 = arith.shrsi %shift_right_arithmetic3A_4564, %shift_right_arithmetic3A_4572 : vector<16xi32>
      %shift_left3A_4574 = arith.constant 6 : i32
      %shift_left3A_4575 = vector.broadcast %shift_left3A_4574 : i32 to vector<16xi32>
      %shift_left3A_4576 = arith.shli %shift_right_arithmetic3A_4573, %shift_left3A_4575 : vector<16xi32>
      %shift_left3A_4577 = arith.constant 3 : i32
      %shift_left3A_4578 = vector.broadcast %shift_left3A_4577 : i32 to vector<16xi32>
      %shift_left3A_4579 = arith.shli %and3A_4570, %shift_left3A_4578 : vector<16xi32>
      %add3A_4580 = arith.addi %shift_left3A_4576, %shift_left3A_4579 : vector<16xi32>
      %and3A_4581 = arith.constant 7 : i32
      %and3A_4582 = vector.broadcast %and3A_4581 : i32 to vector<16xi32>
      %and3A_4583 = arith.andi %shift_right_arithmetic3A_4564, %and3A_4582 : vector<16xi32>
      %add3A_4584 = arith.addi %add3A_4580, %and3A_4583 : vector<16xi32>
      %swap3A_4585 = arith.constant 32 : index
      %swap3A_4586 = tpu.vector_load %arg20[%swap3A_4585] {strides = array<i32>} : memref<128xi32, #tpu.memory_space<vmem>>, vector<16xi32>,
      %swap3A_4587 = vector.shape_cast %swap3A_4586 : vector<16xi32> to vector<16xi32>
      %swap3A_4588 = vector.shape_cast %add3A_4584 : vector<16xi32> to vector<16xi32>
      tpu.vector_store %arg20[%swap3A_4585], %swap3A_4588 {strides = array<i32>} : memref<128xi32, #tpu.memory_space<vmem>>, vector<16xi32>,
      %mul3A_4589 = arith.constant 128 : i32
      %mul3A_4590 = arith.muli %add3A, %mul3A_4589 : i32
      %add3A_4591 = arith.constant 48 : i32
      %add3A_4592 = arith.addi %mul3A_4590, %add3A_4591 : i32
      %add3A_4593 = vector.broadcast %add3A_4592 : i32 to vector<16xi32>
      %add3A_4594 = arith.addi %add3A_4593, %iota3A : vector<16xi32>
      %shift_right_arithmetic3A_4595 = arith.constant 5 : i32
      %shift_right_arithmetic3A_4596 = vector.broadcast %shift_right_arithmetic3A_4595 : i32 to vector<16xi32>
      %shift_right_arithmetic3A_4597 = arith.shrsi %add3A_4594, %shift_right_arithmetic3A_4596 : vector<16xi32>
      %shift_right_arithmetic3A_4598 = arith.constant 2 : i32
      %shift_right_arithmetic3A_4599 = vector.broadcast %shift_right_arithmetic3A_4598 : i32 to vector<16xi32>
      %shift_right_arithmetic3A_4600 = arith.shrsi %add3A_4594, %shift_right_arithmetic3A_4599 : vector<16xi32>
      %and3A_4601 = arith.constant 7 : i32
      %and3A_4602 = vector.broadcast %and3A_4601 : i32 to vector<16xi32>
      %and3A_4603 = arith.andi %shift_right_arithmetic3A_4600, %and3A_4602 : vector<16xi32>
      %shift_right_arithmetic3A_4604 = arith.constant 3 : i32
      %shift_right_arithmetic3A_4605 = vector.broadcast %shift_right_arithmetic3A_4604 : i32 to vector<16xi32>
      %shift_right_arithmetic3A_4606 = arith.shrsi %shift_right_arithmetic3A_4597, %shift_right_arithmetic3A_4605 : vector<16xi32>
      %shift_left3A_4607 = arith.constant 6 : i32
      %shift_left3A_4608 = vector.broadcast %shift_left3A_4607 : i32 to vector<16xi32>
      %shift_left3A_4609 = arith.shli %shift_right_arithmetic3A_4606, %shift_left3A_4608 : vector<16xi32>
      %shift_left3A_4610 = arith.constant 3 : i32
      %shift_left3A_4611 = vector.broadcast %shift_left3A_4610 : i32 to vector<16xi32>
      %shift_left3A_4612 = arith.shli %and3A_4603, %shift_left3A_4611 : vector<16xi32>
      %add3A_4613 = arith.addi %shift_left3A_4609, %shift_left3A_4612 : vector<16xi32>
      %and3A_4614 = arith.constant 7 : i32
      %and3A_4615 = vector.broadcast %and3A_4614 : i32 to vector<16xi32>
      %and3A_4616 = arith.andi %shift_right_arithmetic3A_4597, %and3A_4615 : vector<16xi32>
      %add3A_4617 = arith.addi %add3A_4613, %and3A_4616 : vector<16xi32>
      %swap3A_4618 = arith.constant 48 : index
      %swap3A_4619 = tpu.vector_load %arg20[%swap3A_4618] {strides = array<i32>} : memref<128xi32, #tpu.memory_space<vmem>>, vector<16xi32>,
      %swap3A_4620 = vector.shape_cast %swap3A_4619 : vector<16xi32> to vector<16xi32>
      %swap3A_4621 = vector.shape_cast %add3A_4617 : vector<16xi32> to vector<16xi32>
      tpu.vector_store %arg20[%swap3A_4618], %swap3A_4621 {strides = array<i32>} : memref<128xi32, #tpu.memory_space<vmem>>, vector<16xi32>,
      %mul3A_4622 = arith.constant 128 : i32
      %mul3A_4623 = arith.muli %add3A, %mul3A_4622 : i32
      %add3A_4624 = arith.constant 64 : i32
      %add3A_4625 = arith.addi %mul3A_4623, %add3A_4624 : i32
      %add3A_4626 = vector.broadcast %add3A_4625 : i32 to vector<16xi32>
      %add3A_4627 = arith.addi %add3A_4626, %iota3A : vector<16xi32>
      %shift_right_arithmetic3A_4628 = arith.constant 5 : i32
      %shift_right_arithmetic3A_4629 = vector.broadcast %shift_right_arithmetic3A_4628 : i32 to vector<16xi32>
      %shift_right_arithmetic3A_4630 = arith.shrsi %add3A_4627, %shift_right_arithmetic3A_4629 : vector<16xi32>
      %shift_right_arithmetic3A_4631 = arith.constant 2 : i32
      %shift_right_arithmetic3A_4632 = vector.broadcast %shift_right_arithmetic3A_4631 : i32 to vector<16xi32>
      %shift_right_arithmetic3A_4633 = arith.shrsi %add3A_4627, %shift_right_arithmetic3A_4632 : vector<16xi32>
      %and3A_4634 = arith.constant 7 : i32
      %and3A_4635 = vector.broadcast %and3A_4634 : i32 to vector<16xi32>
      %and3A_4636 = arith.andi %shift_right_arithmetic3A_4633, %and3A_4635 : vector<16xi32>
      %shift_right_arithmetic3A_4637 = arith.constant 3 : i32
      %shift_right_arithmetic3A_4638 = vector.broadcast %shift_right_arithmetic3A_4637 : i32 to vector<16xi32>
      %shift_right_arithmetic3A_4639 = arith.shrsi %shift_right_arithmetic3A_4630, %shift_right_arithmetic3A_4638 : vector<16xi32>
      %shift_left3A_4640 = arith.constant 6 : i32
      %shift_left3A_4641 = vector.broadcast %shift_left3A_4640 : i32 to vector<16xi32>
      %shift_left3A_4642 = arith.shli %shift_right_arithmetic3A_4639, %shift_left3A_4641 : vector<16xi32>
      %shift_left3A_4643 = arith.constant 3 : i32
      %shift_left3A_4644 = vector.broadcast %shift_left3A_4643 : i32 to vector<16xi32>
      %shift_left3A_4645 = arith.shli %and3A_4636, %shift_left3A_4644 : vector<16xi32>
      %add3A_4646 = arith.addi %shift_left3A_4642, %shift_left3A_4645 : vector<16xi32>
      %and3A_4647 = arith.constant 7 : i32
      %and3A_4648 = vector.broadcast %and3A_4647 : i32 to vector<16xi32>
      %and3A_4649 = arith.andi %shift_right_arithmetic3A_4630, %and3A_4648 : vector<16xi32>
      %add3A_4650 = arith.addi %add3A_4646, %and3A_4649 : vector<16xi32>
      %swap3A_4651 = arith.constant 64 : index
      %swap3A_4652 = tpu.vector_load %arg20[%swap3A_4651] {strides = array<i32>} : memref<128xi32, #tpu.memory_space<vmem>>, vector<16xi32>,
      %swap3A_4653 = vector.shape_cast %swap3A_4652 : vector<16xi32> to vector<16xi32>
      %swap3A_4654 = vector.shape_cast %add3A_4650 : vector<16xi32> to vector<16xi32>
      tpu.vector_store %arg20[%swap3A_4651], %swap3A_4654 {strides = array<i32>} : memref<128xi32, #tpu.memory_space<vmem>>, vector<16xi32>,
      %mul3A_4655 = arith.constant 128 : i32
      %mul3A_4656 = arith.muli %add3A, %mul3A_4655 : i32
      %add3A_4657 = arith.constant 80 : i32
      %add3A_4658 = arith.addi %mul3A_4656, %add3A_4657 : i32
      %add3A_4659 = vector.broadcast %add3A_4658 : i32 to vector<16xi32>
      %add3A_4660 = arith.addi %add3A_4659, %iota3A : vector<16xi32>
      %shift_right_arithmetic3A_4661 = arith.constant 5 : i32
      %shift_right_arithmetic3A_4662 = vector.broadcast %shift_right_arithmetic3A_4661 : i32 to vector<16xi32>
      %shift_right_arithmetic3A_4663 = arith.shrsi %add3A_4660, %shift_right_arithmetic3A_4662 : vector<16xi32>
      %shift_right_arithmetic3A_4664 = arith.constant 2 : i32
      %shift_right_arithmetic3A_4665 = vector.broadcast %shift_right_arithmetic3A_4664 : i32 to vector<16xi32>
      %shift_right_arithmetic3A_4666 = arith.shrsi %add3A_4660, %shift_right_arithmetic3A_4665 : vector<16xi32>
      %and3A_4667 = arith.constant 7 : i32
      %and3A_4668 = vector.broadcast %and3A_4667 : i32 to vector<16xi32>
      %and3A_4669 = arith.andi %shift_right_arithmetic3A_4666, %and3A_4668 : vector<16xi32>
      %shift_right_arithmetic3A_4670 = arith.constant 3 : i32
      %shift_right_arithmetic3A_4671 = vector.broadcast %shift_right_arithmetic3A_4670 : i32 to vector<16xi32>
      %shift_right_arithmetic3A_4672 = arith.shrsi %shift_right_arithmetic3A_4663, %shift_right_arithmetic3A_4671 : vector<16xi32>
      %shift_left3A_4673 = arith.constant 6 : i32
      %shift_left3A_4674 = vector.broadcast %shift_left3A_4673 : i32 to vector<16xi32>
      %shift_left3A_4675 = arith.shli %shift_right_arithmetic3A_4672, %shift_left3A_4674 : vector<16xi32>
      %shift_left3A_4676 = arith.constant 3 : i32
      %shift_left3A_4677 = vector.broadcast %shift_left3A_4676 : i32 to vector<16xi32>
      %shift_left3A_4678 = arith.shli %and3A_4669, %shift_left3A_4677 : vector<16xi32>
      %add3A_4679 = arith.addi %shift_left3A_4675, %shift_left3A_4678 : vector<16xi32>
      %and3A_4680 = arith.constant 7 : i32
      %and3A_4681 = vector.broadcast %and3A_4680 : i32 to vector<16xi32>
      %and3A_4682 = arith.andi %shift_right_arithmetic3A_4663, %and3A_4681 : vector<16xi32>
      %add3A_4683 = arith.addi %add3A_4679, %and3A_4682 : vector<16xi32>
      %swap3A_4684 = arith.constant 80 : index
      %swap3A_4685 = tpu.vector_load %arg20[%swap3A_4684] {strides = array<i32>} : memref<128xi32, #tpu.memory_space<vmem>>, vector<16xi32>,
      %swap3A_4686 = vector.shape_cast %swap3A_4685 : vector<16xi32> to vector<16xi32>
      %swap3A_4687 = vector.shape_cast %add3A_4683 : vector<16xi32> to vector<16xi32>
      tpu.vector_store %arg20[%swap3A_4684], %swap3A_4687 {strides = array<i32>} : memref<128xi32, #tpu.memory_space<vmem>>, vector<16xi32>,
      %mul3A_4688 = arith.constant 128 : i32
      %mul3A_4689 = arith.muli %add3A, %mul3A_4688 : i32
      %add3A_4690 = arith.constant 96 : i32
      %add3A_4691 = arith.addi %mul3A_4689, %add3A_4690 : i32
      %add3A_4692 = vector.broadcast %add3A_4691 : i32 to vector<16xi32>
      %add3A_4693 = arith.addi %add3A_4692, %iota3A : vector<16xi32>
      %shift_right_arithmetic3A_4694 = arith.constant 5 : i32
      %shift_right_arithmetic3A_4695 = vector.broadcast %shift_right_arithmetic3A_4694 : i32 to vector<16xi32>
      %shift_right_arithmetic3A_4696 = arith.shrsi %add3A_4693, %shift_right_arithmetic3A_4695 : vector<16xi32>
      %shift_right_arithmetic3A_4697 = arith.constant 2 : i32
      %shift_right_arithmetic3A_4698 = vector.broadcast %shift_right_arithmetic3A_4697 : i32 to vector<16xi32>
      %shift_right_arithmetic3A_4699 = arith.shrsi %add3A_4693, %shift_right_arithmetic3A_4698 : vector<16xi32>
      %and3A_4700 = arith.constant 7 : i32
      %and3A_4701 = vector.broadcast %and3A_4700 : i32 to vector<16xi32>
      %and3A_4702 = arith.andi %shift_right_arithmetic3A_4699, %and3A_4701 : vector<16xi32>
      %shift_right_arithmetic3A_4703 = arith.constant 3 : i32
      %shift_right_arithmetic3A_4704 = vector.broadcast %shift_right_arithmetic3A_4703 : i32 to vector<16xi32>
      %shift_right_arithmetic3A_4705 = arith.shrsi %shift_right_arithmetic3A_4696, %shift_right_arithmetic3A_4704 : vector<16xi32>
      %shift_left3A_4706 = arith.constant 6 : i32
      %shift_left3A_4707 = vector.broadcast %shift_left3A_4706 : i32 to vector<16xi32>
      %shift_left3A_4708 = arith.shli %shift_right_arithmetic3A_4705, %shift_left3A_4707 : vector<16xi32>
      %shift_left3A_4709 = arith.constant 3 : i32
      %shift_left3A_4710 = vector.broadcast %shift_left3A_4709 : i32 to vector<16xi32>
      %shift_left3A_4711 = arith.shli %and3A_4702, %shift_left3A_4710 : vector<16xi32>
      %add3A_4712 = arith.addi %shift_left3A_4708, %shift_left3A_4711 : vector<16xi32>
      %and3A_4713 = arith.constant 7 : i32
      %and3A_4714 = vector.broadcast %and3A_4713 : i32 to vector<16xi32>
      %and3A_4715 = arith.andi %shift_right_arithmetic3A_4696, %and3A_4714 : vector<16xi32>
      %add3A_4716 = arith.addi %add3A_4712, %and3A_4715 : vector<16xi32>
      %swap3A_4717 = arith.constant 96 : index
      %swap3A_4718 = tpu.vector_load %arg20[%swap3A_4717] {strides = array<i32>} : memref<128xi32, #tpu.memory_space<vmem>>, vector<16xi32>,
      %swap3A_4719 = vector.shape_cast %swap3A_4718 : vector<16xi32> to vector<16xi32>
      %swap3A_4720 = vector.shape_cast %add3A_4716 : vector<16xi32> to vector<16xi32>
      tpu.vector_store %arg20[%swap3A_4717], %swap3A_4720 {strides = array<i32>} : memref<128xi32, #tpu.memory_space<vmem>>, vector<16xi32>,
      %mul3A_4721 = arith.constant 128 : i32
      %mul3A_4722 = arith.muli %add3A, %mul3A_4721 : i32
      %add3A_4723 = arith.constant 112 : i32
      %add3A_4724 = arith.addi %mul3A_4722, %add3A_4723 : i32
      %add3A_4725 = vector.broadcast %add3A_4724 : i32 to vector<16xi32>
      %add3A_4726 = arith.addi %add3A_4725, %iota3A : vector<16xi32>
      %shift_right_arithmetic3A_4727 = arith.constant 5 : i32
      %shift_right_arithmetic3A_4728 = vector.broadcast %shift_right_arithmetic3A_4727 : i32 to vector<16xi32>
      %shift_right_arithmetic3A_4729 = arith.shrsi %add3A_4726, %shift_right_arithmetic3A_4728 : vector<16xi32>
      %shift_right_arithmetic3A_4730 = arith.constant 2 : i32
      %shift_right_arithmetic3A_4731 = vector.broadcast %shift_right_arithmetic3A_4730 : i32 to vector<16xi32>
      %shift_right_arithmetic3A_4732 = arith.shrsi %add3A_4726, %shift_right_arithmetic3A_4731 : vector<16xi32>
      %and3A_4733 = arith.constant 7 : i32
      %and3A_4734 = vector.broadcast %and3A_4733 : i32 to vector<16xi32>
      %and3A_4735 = arith.andi %shift_right_arithmetic3A_4732, %and3A_4734 : vector<16xi32>
      %shift_right_arithmetic3A_4736 = arith.constant 3 : i32
      %shift_right_arithmetic3A_4737 = vector.broadcast %shift_right_arithmetic3A_4736 : i32 to vector<16xi32>
      %shift_right_arithmetic3A_4738 = arith.shrsi %shift_right_arithmetic3A_4729, %shift_right_arithmetic3A_4737 : vector<16xi32>
      %shift_left3A_4739 = arith.constant 6 : i32
      %shift_left3A_4740 = vector.broadcast %shift_left3A_4739 : i32 to vector<16xi32>
      %shift_left3A_4741 = arith.shli %shift_right_arithmetic3A_4738, %shift_left3A_4740 : vector<16xi32>
      %shift_left3A_4742 = arith.constant 3 : i32
      %shift_left3A_4743 = vector.broadcast %shift_left3A_4742 : i32 to vector<16xi32>
      %shift_left3A_4744 = arith.shli %and3A_4735, %shift_left3A_4743 : vector<16xi32>
      %add3A_4745 = arith.addi %shift_left3A_4741, %shift_left3A_4744 : vector<16xi32>
      %and3A_4746 = arith.constant 7 : i32
      %and3A_4747 = vector.broadcast %and3A_4746 : i32 to vector<16xi32>
      %and3A_4748 = arith.andi %shift_right_arithmetic3A_4729, %and3A_4747 : vector<16xi32>
      %add3A_4749 = arith.addi %add3A_4745, %and3A_4748 : vector<16xi32>
      %swap3A_4750 = arith.constant 112 : index
      %swap3A_4751 = tpu.vector_load %arg20[%swap3A_4750] {strides = array<i32>} : memref<128xi32, #tpu.memory_space<vmem>>, vector<16xi32>,
      %swap3A_4752 = vector.shape_cast %swap3A_4751 : vector<16xi32> to vector<16xi32>
      %swap3A_4753 = vector.shape_cast %add3A_4749 : vector<16xi32> to vector<16xi32>
      tpu.vector_store %arg20[%swap3A_4750], %swap3A_4753 {strides = array<i32>} : memref<128xi32, #tpu.memory_space<vmem>>, vector<16xi32>,
      %dma_start3A_4754 = arith.constant 0 : i32
      %dma_start3A_4755 = arith.constant 0 : i32
      %dma_start3A_4756 = tpu.memref_slice %arg4[%dma_start3A_4754, %dma_start3A_4755] : memref<832x128xf32, #tpu.memory_space<hbm>> -> memref<832x128xf32, #tpu.memory_space<hbm>>
      tpu.enqueue_indirect_dma source(%dma_start3A_4756 : memref<832x128xf32, #tpu.memory_space<hbm>>) target(%arg13 : memref<128x128xf32, #tpu.memory_space<vmem>>) offsets(%arg20 : memref<128xi32, #tpu.memory_space<vmem>>) semaphore(%arg34 : memref<!tpu.dma_semaphore, #tpu.memory_space<semaphore_mem>>)
    } else {
    }
    %dma_wait3A = arith.constant 0 : i32
    %dma_wait3A_28 = arith.constant 0 : i32
    %dma_wait3A_29 = tpu.memref_slice %arg2[%dma_wait3A, %dma_wait3A_28] : memref<64x128xi32, #tpu.memory_space<hbm>> -> memref<64x128xi32, #tpu.memory_space<hbm>>
    tpu.wait_indirect_dma semaphore(%arg33 : memref<!tpu.dma_semaphore, #tpu.memory_space<semaphore_mem>>) src(%dma_wait3A_29 : memref<64x128xi32, #tpu.memory_space<hbm>>) dst(%arg6 : memref<16x128xi32, #tpu.memory_space<vmem>>)
    %jit3A_30 = arith.constant 2 : i32
    %eq3A = arith.constant 0 : i32
    %eq3A_31 = arith.cmpi eq, %jit3A_30, %eq3A : i32
    %jit3A_32 = arith.constant 1 : i32
    %select_n3A_33 = arith.select %eq3A_31, %jit3A_32, %jit3A_30 : i32
    %rem3A_34 = arith.remsi %add3A, %select_n3A_33 : i32
    %ne3A_35 = arith.constant 0 : i32
    %ne3A_36 = arith.cmpi ne, %rem3A_34, %ne3A_35 : i32
    %lt3A_37 = arith.constant 0 : i32
    %lt3A_38 = arith.cmpi slt, %rem3A_34, %lt3A_37 : i32
    %lt3A_39 = arith.constant 0 : i32
    %lt3A_40 = arith.cmpi slt, %select_n3A_33, %lt3A_39 : i32
    %ne3A_41 = arith.xori %lt3A_38, %lt3A_40 : i1
    %and3A_42 = arith.andi %ne3A_41, %ne3A_36 : i1
    %add3A_43 = arith.addi %rem3A_34, %select_n3A_33 : i32
    %select_n3A_44 = arith.select %and3A_42, %add3A_43, %rem3A_34 : i32
    %mul3A_45 = arith.constant 64 : i32
    %mul3A_46 = arith.muli %select_n3A_44, %mul3A_45 : i32
    %mul3A_47 = arith.constant 64 : i32
    %mul3A_48 = arith.muli %add3A, %mul3A_47 : i32
    %add3A_49 = arith.constant 100 : i32
    %add3A_50 = arith.addi %add3A_49, %mul3A_48 : i32
    %and3A_51 = arith.constant 1 : i32
    %and3A_52 = vector.broadcast %and3A_51 : i32 to vector<16xi32>
    %and3A_53 = arith.andi %iota3A, %and3A_52 : vector<16xi32>
    %eq3A_54 = arith.constant 0 : i32
    %eq3A_55 = vector.broadcast %eq3A_54 : i32 to vector<16xi32>
    %eq3A_56 = arith.cmpi eq, %and3A_53, %eq3A_55 : vector<16xi32>
    %and3A_57 = arith.constant 2 : i32
    %and3A_58 = vector.broadcast %and3A_57 : i32 to vector<16xi32>
    %and3A_59 = arith.andi %iota3A, %and3A_58 : vector<16xi32>
    %eq3A_60 = arith.constant 0 : i32
    %eq3A_61 = vector.broadcast %eq3A_60 : i32 to vector<16xi32>
    %eq3A_62 = arith.cmpi eq, %and3A_59, %eq3A_61 : vector<16xi32>
    %shift_right_arithmetic3A = arith.constant 2 : i32
    %shift_right_arithmetic3A_63 = vector.broadcast %shift_right_arithmetic3A : i32 to vector<16xi32>
    %shift_right_arithmetic3A_64 = arith.shrsi %iota3A, %shift_right_arithmetic3A_63 : vector<16xi32>
    %add3A_65 = arith.constant 16 : i32
    %add3A_66 = vector.broadcast %add3A_65 : i32 to vector<16xi32>
    %add3A_67 = arith.addi %add3A_66, %iota3A : vector<16xi32>
    %shift_right_arithmetic3A_68 = arith.constant 2 : i32
    %shift_right_arithmetic3A_69 = vector.broadcast %shift_right_arithmetic3A_68 : i32 to vector<16xi32>
    %shift_right_arithmetic3A_70 = arith.shrsi %add3A_67, %shift_right_arithmetic3A_69 : vector<16xi32>
    %add3A_71 = arith.constant 0 : i32
    %add3A_72 = arith.addi %mul3A_46, %add3A_71 : i32
    %get3A = arith.constant 0 : i32
    %get3A_73 = arith.index_cast %get3A : i32 to index
    %get3A_74 = arith.index_cast %add3A_72 : i32 to index
    %get3A_75 = tpu.vector_load %arg6[%get3A_73, %get3A_74] {strides = array<i32>} : memref<16x128xi32, #tpu.memory_space<vmem>>, vector<1x16xi32>,
    %get3A_76 = vector.shape_cast %get3A_75 : vector<1x16xi32> to vector<16xi32>
    %shift_right_arithmetic3A_77 = arith.constant 3 : i32
    %shift_right_arithmetic3A_78 = vector.broadcast %shift_right_arithmetic3A_77 : i32 to vector<16xi32>
    %shift_right_arithmetic3A_79 = arith.shrsi %get3A_76, %shift_right_arithmetic3A_78 : vector<16xi32>
    %shift_left3A = arith.constant 6 : i32
    %shift_left3A_80 = vector.broadcast %shift_left3A : i32 to vector<16xi32>
    %shift_left3A_81 = arith.shli %shift_right_arithmetic3A_79, %shift_left3A_80 : vector<16xi32>
    %and3A_82 = arith.constant 7 : i32
    %and3A_83 = vector.broadcast %and3A_82 : i32 to vector<16xi32>
    %and3A_84 = arith.andi %get3A_76, %and3A_83 : vector<16xi32>
    %add3A_85 = arith.addi %shift_left3A_81, %and3A_84 : vector<16xi32>
    %add3A_86 = arith.constant 0 : i32
    %add3A_87 = arith.addi %mul3A_46, %add3A_86 : i32
    %get3A_88 = arith.constant 1 : i32
    %get3A_89 = arith.index_cast %get3A_88 : i32 to index
    %get3A_90 = arith.index_cast %add3A_87 : i32 to index
    %get3A_91 = tpu.vector_load %arg6[%get3A_89, %get3A_90] {strides = array<i32>} : memref<16x128xi32, #tpu.memory_space<vmem>>, vector<1x16xi32>,
    %get3A_92 = vector.shape_cast %get3A_91 : vector<1x16xi32> to vector<16xi32>
    %shift_right_arithmetic3A_93 = arith.constant 3 : i32
    %shift_right_arithmetic3A_94 = vector.broadcast %shift_right_arithmetic3A_93 : i32 to vector<16xi32>
    %shift_right_arithmetic3A_95 = arith.shrsi %get3A_92, %shift_right_arithmetic3A_94 : vector<16xi32>
    %shift_left3A_96 = arith.constant 6 : i32
    %shift_left3A_97 = vector.broadcast %shift_left3A_96 : i32 to vector<16xi32>
    %shift_left3A_98 = arith.shli %shift_right_arithmetic3A_95, %shift_left3A_97 : vector<16xi32>
    %and3A_99 = arith.constant 7 : i32
    %and3A_100 = vector.broadcast %and3A_99 : i32 to vector<16xi32>
    %and3A_101 = arith.andi %get3A_92, %and3A_100 : vector<16xi32>
    %add3A_102 = arith.addi %shift_left3A_98, %and3A_101 : vector<16xi32>
    %add3A_103 = arith.constant 0 : i32
    %add3A_104 = arith.addi %mul3A_46, %add3A_103 : i32
    %get3A_105 = arith.constant 2 : i32
    %get3A_106 = arith.index_cast %get3A_105 : i32 to index
    %get3A_107 = arith.index_cast %add3A_104 : i32 to index
    %get3A_108 = tpu.vector_load %arg6[%get3A_106, %get3A_107] {strides = array<i32>} : memref<16x128xi32, #tpu.memory_space<vmem>>, vector<1x16xi32>,
    %get3A_109 = vector.shape_cast %get3A_108 : vector<1x16xi32> to vector<16xi32>
    %shift_right_arithmetic3A_110 = arith.constant 3 : i32
    %shift_right_arithmetic3A_111 = vector.broadcast %shift_right_arithmetic3A_110 : i32 to vector<16xi32>
    %shift_right_arithmetic3A_112 = arith.shrsi %get3A_109, %shift_right_arithmetic3A_111 : vector<16xi32>
    %shift_left3A_113 = arith.constant 6 : i32
    %shift_left3A_114 = vector.broadcast %shift_left3A_113 : i32 to vector<16xi32>
    %shift_left3A_115 = arith.shli %shift_right_arithmetic3A_112, %shift_left3A_114 : vector<16xi32>
    %and3A_116 = arith.constant 7 : i32
    %and3A_117 = vector.broadcast %and3A_116 : i32 to vector<16xi32>
    %and3A_118 = arith.andi %get3A_109, %and3A_117 : vector<16xi32>
    %add3A_119 = arith.addi %shift_left3A_115, %and3A_118 : vector<16xi32>
    %add3A_120 = arith.constant 0 : i32
    %add3A_121 = arith.addi %mul3A_46, %add3A_120 : i32
    %get3A_122 = arith.constant 3 : i32
    %get3A_123 = arith.index_cast %get3A_122 : i32 to index
    %get3A_124 = arith.index_cast %add3A_121 : i32 to index
    %get3A_125 = tpu.vector_load %arg6[%get3A_123, %get3A_124] {strides = array<i32>} : memref<16x128xi32, #tpu.memory_space<vmem>>, vector<1x16xi32>,
    %get3A_126 = vector.shape_cast %get3A_125 : vector<1x16xi32> to vector<16xi32>
    %shift_right_arithmetic3A_127 = arith.constant 3 : i32
    %shift_right_arithmetic3A_128 = vector.broadcast %shift_right_arithmetic3A_127 : i32 to vector<16xi32>
    %shift_right_arithmetic3A_129 = arith.shrsi %get3A_126, %shift_right_arithmetic3A_128 : vector<16xi32>
    %shift_left3A_130 = arith.constant 6 : i32
    %shift_left3A_131 = vector.broadcast %shift_left3A_130 : i32 to vector<16xi32>
    %shift_left3A_132 = arith.shli %shift_right_arithmetic3A_129, %shift_left3A_131 : vector<16xi32>
    %and3A_133 = arith.constant 7 : i32
    %and3A_134 = vector.broadcast %and3A_133 : i32 to vector<16xi32>
    %and3A_135 = arith.andi %get3A_126, %and3A_134 : vector<16xi32>
    %add3A_136 = arith.addi %shift_left3A_132, %and3A_135 : vector<16xi32>
    %slice3A = vector.extract_strided_slice %add3A_85 {offsets = [0], sizes = [1], strides = [1]} : vector<16xi32> to vector<1xi32>
    %squeeze3A = vector.extract %slice3A[0] : i32 from vector<1xi32>
    %slice3A_137 = vector.extract_strided_slice %add3A_102 {offsets = [0], sizes = [1], strides = [1]} : vector<16xi32> to vector<1xi32>
    %squeeze3A_138 = vector.extract %slice3A_137[0] : i32 from vector<1xi32>
    %broadcast_in_dim3A = vector.broadcast %squeeze3A : i32 to vector<16xi32>
    %broadcast_in_dim3A_139 = vector.broadcast %squeeze3A_138 : i32 to vector<16xi32>
    %select_n3A_140 = arith.select %eq3A_56, %broadcast_in_dim3A, %broadcast_in_dim3A_139 : vector<16xi1>, vector<16xi32>
    %slice3A_141 = vector.extract_strided_slice %add3A_119 {offsets = [0], sizes = [1], strides = [1]} : vector<16xi32> to vector<1xi32>
    %squeeze3A_142 = vector.extract %slice3A_141[0] : i32 from vector<1xi32>
    %slice3A_143 = vector.extract_strided_slice %add3A_136 {offsets = [0], sizes = [1], strides = [1]} : vector<16xi32> to vector<1xi32>
    %squeeze3A_144 = vector.extract %slice3A_143[0] : i32 from vector<1xi32>
    %broadcast_in_dim3A_145 = vector.broadcast %squeeze3A_142 : i32 to vector<16xi32>
    %broadcast_in_dim3A_146 = vector.broadcast %squeeze3A_144 : i32 to vector<16xi32>
    %select_n3A_147 = arith.select %eq3A_56, %broadcast_in_dim3A_145, %broadcast_in_dim3A_146 : vector<16xi1>, vector<16xi32>
    %select_n3A_148 = arith.select %eq3A_62, %select_n3A_140, %select_n3A_147 : vector<16xi1>, vector<16xi32>
    %mul3A_149 = arith.constant 8 : i32
    %mul3A_150 = vector.broadcast %mul3A_149 : i32 to vector<16xi32>
    %mul3A_151 = arith.muli %shift_right_arithmetic3A_64, %mul3A_150 : vector<16xi32>
    %add3A_152 = arith.addi %select_n3A_148, %mul3A_151 : vector<16xi32>
    %swap3A = arith.constant 0 : index
    %swap3A_153 = tpu.vector_load %arg14[%swap3A] {strides = array<i32>} : memref<128xi32, #tpu.memory_space<vmem>>, vector<16xi32>,
    %swap3A_154 = vector.shape_cast %swap3A_153 : vector<16xi32> to vector<16xi32>
    %swap3A_155 = vector.shape_cast %add3A_152 : vector<16xi32> to vector<16xi32>
    tpu.vector_store %arg14[%swap3A], %swap3A_155 {strides = array<i32>} : memref<128xi32, #tpu.memory_space<vmem>>, vector<16xi32>,
    %slice3A_156 = vector.extract_strided_slice %add3A_85 {offsets = [0], sizes = [1], strides = [1]} : vector<16xi32> to vector<1xi32>
    %squeeze3A_157 = vector.extract %slice3A_156[0] : i32 from vector<1xi32>
    %slice3A_158 = vector.extract_strided_slice %add3A_102 {offsets = [0], sizes = [1], strides = [1]} : vector<16xi32> to vector<1xi32>
    %squeeze3A_159 = vector.extract %slice3A_158[0] : i32 from vector<1xi32>
    %broadcast_in_dim3A_160 = vector.broadcast %squeeze3A_157 : i32 to vector<16xi32>
    %broadcast_in_dim3A_161 = vector.broadcast %squeeze3A_159 : i32 to vector<16xi32>
    %select_n3A_162 = arith.select %eq3A_56, %broadcast_in_dim3A_160, %broadcast_in_dim3A_161 : vector<16xi1>, vector<16xi32>
    %slice3A_163 = vector.extract_strided_slice %add3A_119 {offsets = [0], sizes = [1], strides = [1]} : vector<16xi32> to vector<1xi32>
    %squeeze3A_164 = vector.extract %slice3A_163[0] : i32 from vector<1xi32>
    %slice3A_165 = vector.extract_strided_slice %add3A_136 {offsets = [0], sizes = [1], strides = [1]} : vector<16xi32> to vector<1xi32>
    %squeeze3A_166 = vector.extract %slice3A_165[0] : i32 from vector<1xi32>
    %broadcast_in_dim3A_167 = vector.broadcast %squeeze3A_164 : i32 to vector<16xi32>
    %broadcast_in_dim3A_168 = vector.broadcast %squeeze3A_166 : i32 to vector<16xi32>
    %select_n3A_169 = arith.select %eq3A_56, %broadcast_in_dim3A_167, %broadcast_in_dim3A_168 : vector<16xi1>, vector<16xi32>
    %select_n3A_170 = arith.select %eq3A_62, %select_n3A_162, %select_n3A_169 : vector<16xi1>, vector<16xi32>
    %mul3A_171 = arith.constant 8 : i32
    %mul3A_172 = vector.broadcast %mul3A_171 : i32 to vector<16xi32>
    %mul3A_173 = arith.muli %shift_right_arithmetic3A_70, %mul3A_172 : vector<16xi32>
    %add3A_174 = arith.addi %select_n3A_170, %mul3A_173 : vector<16xi32>
    %swap3A_175 = arith.constant 16 : index
    %swap3A_176 = tpu.vector_load %arg14[%swap3A_175] {strides = array<i32>} : memref<128xi32, #tpu.memory_space<vmem>>, vector<16xi32>,
    %swap3A_177 = vector.shape_cast %swap3A_176 : vector<16xi32> to vector<16xi32>
    %swap3A_178 = vector.shape_cast %add3A_174 : vector<16xi32> to vector<16xi32>
    tpu.vector_store %arg14[%swap3A_175], %swap3A_178 {strides = array<i32>} : memref<128xi32, #tpu.memory_space<vmem>>, vector<16xi32>,
    %slice3A_179 = vector.extract_strided_slice %add3A_85 {offsets = [1], sizes = [1], strides = [1]} : vector<16xi32> to vector<1xi32>
    %squeeze3A_180 = vector.extract %slice3A_179[0] : i32 from vector<1xi32>
    %slice3A_181 = vector.extract_strided_slice %add3A_102 {offsets = [1], sizes = [1], strides = [1]} : vector<16xi32> to vector<1xi32>
    %squeeze3A_182 = vector.extract %slice3A_181[0] : i32 from vector<1xi32>
    %broadcast_in_dim3A_183 = vector.broadcast %squeeze3A_180 : i32 to vector<16xi32>
    %broadcast_in_dim3A_184 = vector.broadcast %squeeze3A_182 : i32 to vector<16xi32>
    %select_n3A_185 = arith.select %eq3A_56, %broadcast_in_dim3A_183, %broadcast_in_dim3A_184 : vector<16xi1>, vector<16xi32>
    %slice3A_186 = vector.extract_strided_slice %add3A_119 {offsets = [1], sizes = [1], strides = [1]} : vector<16xi32> to vector<1xi32>
    %squeeze3A_187 = vector.extract %slice3A_186[0] : i32 from vector<1xi32>
    %slice3A_188 = vector.extract_strided_slice %add3A_136 {offsets = [1], sizes = [1], strides = [1]} : vector<16xi32> to vector<1xi32>
    %squeeze3A_189 = vector.extract %slice3A_188[0] : i32 from vector<1xi32>
    %broadcast_in_dim3A_190 = vector.broadcast %squeeze3A_187 : i32 to vector<16xi32>
    %broadcast_in_dim3A_191 = vector.broadcast %squeeze3A_189 : i32 to vector<16xi32>
    %select_n3A_192 = arith.select %eq3A_56, %broadcast_in_dim3A_190, %broadcast_in_dim3A_191 : vector<16xi1>, vector<16xi32>
    %select_n3A_193 = arith.select %eq3A_62, %select_n3A_185, %select_n3A_192 : vector<16xi1>, vector<16xi32>
    %mul3A_194 = arith.constant 8 : i32
    %mul3A_195 = vector.broadcast %mul3A_194 : i32 to vector<16xi32>
    %mul3A_196 = arith.muli %shift_right_arithmetic3A_64, %mul3A_195 : vector<16xi32>
    %add3A_197 = arith.addi %select_n3A_193, %mul3A_196 : vector<16xi32>
    %swap3A_198 = arith.constant 32 : index
    %swap3A_199 = tpu.vector_load %arg14[%swap3A_198] {strides = array<i32>} : memref<128xi32, #tpu.memory_space<vmem>>, vector<16xi32>,
    %swap3A_200 = vector.shape_cast %swap3A_199 : vector<16xi32> to vector<16xi32>
    %swap3A_201 = vector.shape_cast %add3A_197 : vector<16xi32> to vector<16xi32>
    tpu.vector_store %arg14[%swap3A_198], %swap3A_201 {strides = array<i32>} : memref<128xi32, #tpu.memory_space<vmem>>, vector<16xi32>,
    %slice3A_202 = vector.extract_strided_slice %add3A_85 {offsets = [1], sizes = [1], strides = [1]} : vector<16xi32> to vector<1xi32>
    %squeeze3A_203 = vector.extract %slice3A_202[0] : i32 from vector<1xi32>
    %slice3A_204 = vector.extract_strided_slice %add3A_102 {offsets = [1], sizes = [1], strides = [1]} : vector<16xi32> to vector<1xi32>
    %squeeze3A_205 = vector.extract %slice3A_204[0] : i32 from vector<1xi32>
    %broadcast_in_dim3A_206 = vector.broadcast %squeeze3A_203 : i32 to vector<16xi32>
    %broadcast_in_dim3A_207 = vector.broadcast %squeeze3A_205 : i32 to vector<16xi32>
    %select_n3A_208 = arith.select %eq3A_56, %broadcast_in_dim3A_206, %broadcast_in_dim3A_207 : vector<16xi1>, vector<16xi32>
    %slice3A_209 = vector.extract_strided_slice %add3A_119 {offsets = [1], sizes = [1], strides = [1]} : vector<16xi32> to vector<1xi32>
    %squeeze3A_210 = vector.extract %slice3A_209[0] : i32 from vector<1xi32>
    %slice3A_211 = vector.extract_strided_slice %add3A_136 {offsets = [1], sizes = [1], strides = [1]} : vector<16xi32> to vector<1xi32>
    %squeeze3A_212 = vector.extract %slice3A_211[0] : i32 from vector<1xi32>
    %broadcast_in_dim3A_213 = vector.broadcast %squeeze3A_210 : i32 to vector<16xi32>
    %broadcast_in_dim3A_214 = vector.broadcast %squeeze3A_212 : i32 to vector<16xi32>
    %select_n3A_215 = arith.select %eq3A_56, %broadcast_in_dim3A_213, %broadcast_in_dim3A_214 : vector<16xi1>, vector<16xi32>
    %select_n3A_216 = arith.select %eq3A_62, %select_n3A_208, %select_n3A_215 : vector<16xi1>, vector<16xi32>
    %mul3A_217 = arith.constant 8 : i32
    %mul3A_218 = vector.broadcast %mul3A_217 : i32 to vector<16xi32>
    %mul3A_219 = arith.muli %shift_right_arithmetic3A_70, %mul3A_218 : vector<16xi32>
    %add3A_220 = arith.addi %select_n3A_216, %mul3A_219 : vector<16xi32>
    %swap3A_221 = arith.constant 48 : index
    %swap3A_222 = tpu.vector_load %arg14[%swap3A_221] {strides = array<i32>} : memref<128xi32, #tpu.memory_space<vmem>>, vector<16xi32>,
    %swap3A_223 = vector.shape_cast %swap3A_222 : vector<16xi32> to vector<16xi32>
    %swap3A_224 = vector.shape_cast %add3A_220 : vector<16xi32> to vector<16xi32>
    tpu.vector_store %arg14[%swap3A_221], %swap3A_224 {strides = array<i32>} : memref<128xi32, #tpu.memory_space<vmem>>, vector<16xi32>,
    %slice3A_225 = vector.extract_strided_slice %add3A_85 {offsets = [2], sizes = [1], strides = [1]} : vector<16xi32> to vector<1xi32>
    %squeeze3A_226 = vector.extract %slice3A_225[0] : i32 from vector<1xi32>
    %slice3A_227 = vector.extract_strided_slice %add3A_102 {offsets = [2], sizes = [1], strides = [1]} : vector<16xi32> to vector<1xi32>
    %squeeze3A_228 = vector.extract %slice3A_227[0] : i32 from vector<1xi32>
    %broadcast_in_dim3A_229 = vector.broadcast %squeeze3A_226 : i32 to vector<16xi32>
    %broadcast_in_dim3A_230 = vector.broadcast %squeeze3A_228 : i32 to vector<16xi32>
    %select_n3A_231 = arith.select %eq3A_56, %broadcast_in_dim3A_229, %broadcast_in_dim3A_230 : vector<16xi1>, vector<16xi32>
    %slice3A_232 = vector.extract_strided_slice %add3A_119 {offsets = [2], sizes = [1], strides = [1]} : vector<16xi32> to vector<1xi32>
    %squeeze3A_233 = vector.extract %slice3A_232[0] : i32 from vector<1xi32>
    %slice3A_234 = vector.extract_strided_slice %add3A_136 {offsets = [2], sizes = [1], strides = [1]} : vector<16xi32> to vector<1xi32>
    %squeeze3A_235 = vector.extract %slice3A_234[0] : i32 from vector<1xi32>
    %broadcast_in_dim3A_236 = vector.broadcast %squeeze3A_233 : i32 to vector<16xi32>
    %broadcast_in_dim3A_237 = vector.broadcast %squeeze3A_235 : i32 to vector<16xi32>
    %select_n3A_238 = arith.select %eq3A_56, %broadcast_in_dim3A_236, %broadcast_in_dim3A_237 : vector<16xi1>, vector<16xi32>
    %select_n3A_239 = arith.select %eq3A_62, %select_n3A_231, %select_n3A_238 : vector<16xi1>, vector<16xi32>
    %mul3A_240 = arith.constant 8 : i32
    %mul3A_241 = vector.broadcast %mul3A_240 : i32 to vector<16xi32>
    %mul3A_242 = arith.muli %shift_right_arithmetic3A_64, %mul3A_241 : vector<16xi32>
    %add3A_243 = arith.addi %select_n3A_239, %mul3A_242 : vector<16xi32>
    %swap3A_244 = arith.constant 64 : index
    %swap3A_245 = tpu.vector_load %arg14[%swap3A_244] {strides = array<i32>} : memref<128xi32, #tpu.memory_space<vmem>>, vector<16xi32>,
    %swap3A_246 = vector.shape_cast %swap3A_245 : vector<16xi32> to vector<16xi32>
    %swap3A_247 = vector.shape_cast %add3A_243 : vector<16xi32> to vector<16xi32>
    tpu.vector_store %arg14[%swap3A_244], %swap3A_247 {strides = array<i32>} : memref<128xi32, #tpu.memory_space<vmem>>, vector<16xi32>,
    %slice3A_248 = vector.extract_strided_slice %add3A_85 {offsets = [2], sizes = [1], strides = [1]} : vector<16xi32> to vector<1xi32>
    %squeeze3A_249 = vector.extract %slice3A_248[0] : i32 from vector<1xi32>
    %slice3A_250 = vector.extract_strided_slice %add3A_102 {offsets = [2], sizes = [1], strides = [1]} : vector<16xi32> to vector<1xi32>
    %squeeze3A_251 = vector.extract %slice3A_250[0] : i32 from vector<1xi32>
    %broadcast_in_dim3A_252 = vector.broadcast %squeeze3A_249 : i32 to vector<16xi32>
    %broadcast_in_dim3A_253 = vector.broadcast %squeeze3A_251 : i32 to vector<16xi32>
    %select_n3A_254 = arith.select %eq3A_56, %broadcast_in_dim3A_252, %broadcast_in_dim3A_253 : vector<16xi1>, vector<16xi32>
    %slice3A_255 = vector.extract_strided_slice %add3A_119 {offsets = [2], sizes = [1], strides = [1]} : vector<16xi32> to vector<1xi32>
    %squeeze3A_256 = vector.extract %slice3A_255[0] : i32 from vector<1xi32>
    %slice3A_257 = vector.extract_strided_slice %add3A_136 {offsets = [2], sizes = [1], strides = [1]} : vector<16xi32> to vector<1xi32>
    %squeeze3A_258 = vector.extract %slice3A_257[0] : i32 from vector<1xi32>
    %broadcast_in_dim3A_259 = vector.broadcast %squeeze3A_256 : i32 to vector<16xi32>
    %broadcast_in_dim3A_260 = vector.broadcast %squeeze3A_258 : i32 to vector<16xi32>
    %select_n3A_261 = arith.select %eq3A_56, %broadcast_in_dim3A_259, %broadcast_in_dim3A_260 : vector<16xi1>, vector<16xi32>
    %select_n3A_262 = arith.select %eq3A_62, %select_n3A_254, %select_n3A_261 : vector<16xi1>, vector<16xi32>
    %mul3A_263 = arith.constant 8 : i32
    %mul3A_264 = vector.broadcast %mul3A_263 : i32 to vector<16xi32>
    %mul3A_265 = arith.muli %shift_right_arithmetic3A_70, %mul3A_264 : vector<16xi32>
    %add3A_266 = arith.addi %select_n3A_262, %mul3A_265 : vector<16xi32>
    %swap3A_267 = arith.constant 80 : index
    %swap3A_268 = tpu.vector_load %arg14[%swap3A_267] {strides = array<i32>} : memref<128xi32, #tpu.memory_space<vmem>>, vector<16xi32>,
    %swap3A_269 = vector.shape_cast %swap3A_268 : vector<16xi32> to vector<16xi32>
    %swap3A_270 = vector.shape_cast %add3A_266 : vector<16xi32> to vector<16xi32>
    tpu.vector_store %arg14[%swap3A_267], %swap3A_270 {strides = array<i32>} : memref<128xi32, #tpu.memory_space<vmem>>, vector<16xi32>,
    %slice3A_271 = vector.extract_strided_slice %add3A_85 {offsets = [3], sizes = [1], strides = [1]} : vector<16xi32> to vector<1xi32>
    %squeeze3A_272 = vector.extract %slice3A_271[0] : i32 from vector<1xi32>
    %slice3A_273 = vector.extract_strided_slice %add3A_102 {offsets = [3], sizes = [1], strides = [1]} : vector<16xi32> to vector<1xi32>
    %squeeze3A_274 = vector.extract %slice3A_273[0] : i32 from vector<1xi32>
    %broadcast_in_dim3A_275 = vector.broadcast %squeeze3A_272 : i32 to vector<16xi32>
    %broadcast_in_dim3A_276 = vector.broadcast %squeeze3A_274 : i32 to vector<16xi32>
    %select_n3A_277 = arith.select %eq3A_56, %broadcast_in_dim3A_275, %broadcast_in_dim3A_276 : vector<16xi1>, vector<16xi32>
    %slice3A_278 = vector.extract_strided_slice %add3A_119 {offsets = [3], sizes = [1], strides = [1]} : vector<16xi32> to vector<1xi32>
    %squeeze3A_279 = vector.extract %slice3A_278[0] : i32 from vector<1xi32>
    %slice3A_280 = vector.extract_strided_slice %add3A_136 {offsets = [3], sizes = [1], strides = [1]} : vector<16xi32> to vector<1xi32>
    %squeeze3A_281 = vector.extract %slice3A_280[0] : i32 from vector<1xi32>
    %broadcast_in_dim3A_282 = vector.broadcast %squeeze3A_279 : i32 to vector<16xi32>
    %broadcast_in_dim3A_283 = vector.broadcast %squeeze3A_281 : i32 to vector<16xi32>
    %select_n3A_284 = arith.select %eq3A_56, %broadcast_in_dim3A_282, %broadcast_in_dim3A_283 : vector<16xi1>, vector<16xi32>
    %select_n3A_285 = arith.select %eq3A_62, %select_n3A_277, %select_n3A_284 : vector<16xi1>, vector<16xi32>
    %mul3A_286 = arith.constant 8 : i32
    %mul3A_287 = vector.broadcast %mul3A_286 : i32 to vector<16xi32>
    %mul3A_288 = arith.muli %shift_right_arithmetic3A_64, %mul3A_287 : vector<16xi32>
    %add3A_289 = arith.addi %select_n3A_285, %mul3A_288 : vector<16xi32>
    %swap3A_290 = arith.constant 96 : index
    %swap3A_291 = tpu.vector_load %arg14[%swap3A_290] {strides = array<i32>} : memref<128xi32, #tpu.memory_space<vmem>>, vector<16xi32>,
    %swap3A_292 = vector.shape_cast %swap3A_291 : vector<16xi32> to vector<16xi32>
    %swap3A_293 = vector.shape_cast %add3A_289 : vector<16xi32> to vector<16xi32>
    tpu.vector_store %arg14[%swap3A_290], %swap3A_293 {strides = array<i32>} : memref<128xi32, #tpu.memory_space<vmem>>, vector<16xi32>,
    %slice3A_294 = vector.extract_strided_slice %add3A_85 {offsets = [3], sizes = [1], strides = [1]} : vector<16xi32> to vector<1xi32>
    %squeeze3A_295 = vector.extract %slice3A_294[0] : i32 from vector<1xi32>
    %slice3A_296 = vector.extract_strided_slice %add3A_102 {offsets = [3], sizes = [1], strides = [1]} : vector<16xi32> to vector<1xi32>
    %squeeze3A_297 = vector.extract %slice3A_296[0] : i32 from vector<1xi32>
    %broadcast_in_dim3A_298 = vector.broadcast %squeeze3A_295 : i32 to vector<16xi32>
    %broadcast_in_dim3A_299 = vector.broadcast %squeeze3A_297 : i32 to vector<16xi32>
    %select_n3A_300 = arith.select %eq3A_56, %broadcast_in_dim3A_298, %broadcast_in_dim3A_299 : vector<16xi1>, vector<16xi32>
    %slice3A_301 = vector.extract_strided_slice %add3A_119 {offsets = [3], sizes = [1], strides = [1]} : vector<16xi32> to vector<1xi32>
    %squeeze3A_302 = vector.extract %slice3A_301[0] : i32 from vector<1xi32>
    %slice3A_303 = vector.extract_strided_slice %add3A_136 {offsets = [3], sizes = [1], strides = [1]} : vector<16xi32> to vector<1xi32>
    %squeeze3A_304 = vector.extract %slice3A_303[0] : i32 from vector<1xi32>
    %broadcast_in_dim3A_305 = vector.broadcast %squeeze3A_302 : i32 to vector<16xi32>
    %broadcast_in_dim3A_306 = vector.broadcast %squeeze3A_304 : i32 to vector<16xi32>
    %select_n3A_307 = arith.select %eq3A_56, %broadcast_in_dim3A_305, %broadcast_in_dim3A_306 : vector<16xi1>, vector<16xi32>
    %select_n3A_308 = arith.select %eq3A_62, %select_n3A_300, %select_n3A_307 : vector<16xi1>, vector<16xi32>
    %mul3A_309 = arith.constant 8 : i32
    %mul3A_310 = vector.broadcast %mul3A_309 : i32 to vector<16xi32>
    %mul3A_311 = arith.muli %shift_right_arithmetic3A_70, %mul3A_310 : vector<16xi32>
    %add3A_312 = arith.addi %select_n3A_308, %mul3A_311 : vector<16xi32>
    %swap3A_313 = arith.constant 112 : index
    %swap3A_314 = tpu.vector_load %arg14[%swap3A_313] {strides = array<i32>} : memref<128xi32, #tpu.memory_space<vmem>>, vector<16xi32>,
    %swap3A_315 = vector.shape_cast %swap3A_314 : vector<16xi32> to vector<16xi32>
    %swap3A_316 = vector.shape_cast %add3A_312 : vector<16xi32> to vector<16xi32>
    tpu.vector_store %arg14[%swap3A_313], %swap3A_316 {strides = array<i32>} : memref<128xi32, #tpu.memory_space<vmem>>, vector<16xi32>,
    %dma_start3A_317 = arith.constant 0 : i32
    %dma_start3A_318 = arith.constant 0 : i32
    %dma_start3A_319 = tpu.memref_slice %arg3[%dma_start3A_317, %dma_start3A_318] : memref<800000x128xf32, #tpu.memory_space<hbm>> -> memref<800000x128xf32, #tpu.memory_space<hbm>>
    tpu.enqueue_indirect_dma source(%dma_start3A_319 : memref<800000x128xf32, #tpu.memory_space<hbm>>) target(%arg7 : memref<128x128xf32, #tpu.memory_space<vmem>>) offsets(%arg14 : memref<128xi32, #tpu.memory_space<vmem>>) semaphore(%arg21 : memref<!tpu.dma_semaphore, #tpu.memory_space<semaphore_mem>>)
    %add3A_320 = arith.constant 0 : i32
    %add3A_321 = arith.addi %mul3A_46, %add3A_320 : i32
    %get3A_322 = arith.constant 0 : i32
    %get3A_323 = arith.index_cast %get3A_322 : i32 to index
    %get3A_324 = arith.index_cast %add3A_321 : i32 to index
    %get3A_325 = tpu.vector_load %arg6[%get3A_323, %get3A_324] {strides = array<i32>} : memref<16x128xi32, #tpu.memory_space<vmem>>, vector<1x16xi32>,
    %get3A_326 = vector.shape_cast %get3A_325 : vector<1x16xi32> to vector<16xi32>
    %shift_right_arithmetic3A_327 = arith.constant 3 : i32
    %shift_right_arithmetic3A_328 = vector.broadcast %shift_right_arithmetic3A_327 : i32 to vector<16xi32>
    %shift_right_arithmetic3A_329 = arith.shrsi %get3A_326, %shift_right_arithmetic3A_328 : vector<16xi32>
    %shift_left3A_330 = arith.constant 6 : i32
    %shift_left3A_331 = vector.broadcast %shift_left3A_330 : i32 to vector<16xi32>
    %shift_left3A_332 = arith.shli %shift_right_arithmetic3A_329, %shift_left3A_331 : vector<16xi32>
    %and3A_333 = arith.constant 7 : i32
    %and3A_334 = vector.broadcast %and3A_333 : i32 to vector<16xi32>
    %and3A_335 = arith.andi %get3A_326, %and3A_334 : vector<16xi32>
    %add3A_336 = arith.addi %shift_left3A_332, %and3A_335 : vector<16xi32>
    %add3A_337 = arith.constant 0 : i32
    %add3A_338 = arith.addi %mul3A_46, %add3A_337 : i32
    %get3A_339 = arith.constant 1 : i32
    %get3A_340 = arith.index_cast %get3A_339 : i32 to index
    %get3A_341 = arith.index_cast %add3A_338 : i32 to index
    %get3A_342 = tpu.vector_load %arg6[%get3A_340, %get3A_341] {strides = array<i32>} : memref<16x128xi32, #tpu.memory_space<vmem>>, vector<1x16xi32>,
    %get3A_343 = vector.shape_cast %get3A_342 : vector<1x16xi32> to vector<16xi32>
    %shift_right_arithmetic3A_344 = arith.constant 3 : i32
    %shift_right_arithmetic3A_345 = vector.broadcast %shift_right_arithmetic3A_344 : i32 to vector<16xi32>
    %shift_right_arithmetic3A_346 = arith.shrsi %get3A_343, %shift_right_arithmetic3A_345 : vector<16xi32>
    %shift_left3A_347 = arith.constant 6 : i32
    %shift_left3A_348 = vector.broadcast %shift_left3A_347 : i32 to vector<16xi32>
    %shift_left3A_349 = arith.shli %shift_right_arithmetic3A_346, %shift_left3A_348 : vector<16xi32>
    %and3A_350 = arith.constant 7 : i32
    %and3A_351 = vector.broadcast %and3A_350 : i32 to vector<16xi32>
    %and3A_352 = arith.andi %get3A_343, %and3A_351 : vector<16xi32>
    %add3A_353 = arith.addi %shift_left3A_349, %and3A_352 : vector<16xi32>
    %add3A_354 = arith.constant 0 : i32
    %add3A_355 = arith.addi %mul3A_46, %add3A_354 : i32
    %get3A_356 = arith.constant 2 : i32
    %get3A_357 = arith.index_cast %get3A_356 : i32 to index
    %get3A_358 = arith.index_cast %add3A_355 : i32 to index
    %get3A_359 = tpu.vector_load %arg6[%get3A_357, %get3A_358] {strides = array<i32>} : memref<16x128xi32, #tpu.memory_space<vmem>>, vector<1x16xi32>,
    %get3A_360 = vector.shape_cast %get3A_359 : vector<1x16xi32> to vector<16xi32>
    %shift_right_arithmetic3A_361 = arith.constant 3 : i32
    %shift_right_arithmetic3A_362 = vector.broadcast %shift_right_arithmetic3A_361 : i32 to vector<16xi32>
    %shift_right_arithmetic3A_363 = arith.shrsi %get3A_360, %shift_right_arithmetic3A_362 : vector<16xi32>
    %shift_left3A_364 = arith.constant 6 : i32
    %shift_left3A_365 = vector.broadcast %shift_left3A_364 : i32 to vector<16xi32>
    %shift_left3A_366 = arith.shli %shift_right_arithmetic3A_363, %shift_left3A_365 : vector<16xi32>
    %and3A_367 = arith.constant 7 : i32
    %and3A_368 = vector.broadcast %and3A_367 : i32 to vector<16xi32>
    %and3A_369 = arith.andi %get3A_360, %and3A_368 : vector<16xi32>
    %add3A_370 = arith.addi %shift_left3A_366, %and3A_369 : vector<16xi32>
    %add3A_371 = arith.constant 0 : i32
    %add3A_372 = arith.addi %mul3A_46, %add3A_371 : i32
    %get3A_373 = arith.constant 3 : i32
    %get3A_374 = arith.index_cast %get3A_373 : i32 to index
    %get3A_375 = arith.index_cast %add3A_372 : i32 to index
    %get3A_376 = tpu.vector_load %arg6[%get3A_374, %get3A_375] {strides = array<i32>} : memref<16x128xi32, #tpu.memory_space<vmem>>, vector<1x16xi32>,
    %get3A_377 = vector.shape_cast %get3A_376 : vector<1x16xi32> to vector<16xi32>
    %shift_right_arithmetic3A_378 = arith.constant 3 : i32
    %shift_right_arithmetic3A_379 = vector.broadcast %shift_right_arithmetic3A_378 : i32 to vector<16xi32>
    %shift_right_arithmetic3A_380 = arith.shrsi %get3A_377, %shift_right_arithmetic3A_379 : vector<16xi32>
    %shift_left3A_381 = arith.constant 6 : i32
    %shift_left3A_382 = vector.broadcast %shift_left3A_381 : i32 to vector<16xi32>
    %shift_left3A_383 = arith.shli %shift_right_arithmetic3A_380, %shift_left3A_382 : vector<16xi32>
    %and3A_384 = arith.constant 7 : i32
    %and3A_385 = vector.broadcast %and3A_384 : i32 to vector<16xi32>
    %and3A_386 = arith.andi %get3A_377, %and3A_385 : vector<16xi32>
    %add3A_387 = arith.addi %shift_left3A_383, %and3A_386 : vector<16xi32>
    %slice3A_388 = vector.extract_strided_slice %add3A_336 {offsets = [4], sizes = [1], strides = [1]} : vector<16xi32> to vector<1xi32>
    %squeeze3A_389 = vector.extract %slice3A_388[0] : i32 from vector<1xi32>
    %slice3A_390 = vector.extract_strided_slice %add3A_353 {offsets = [4], sizes = [1], strides = [1]} : vector<16xi32> to vector<1xi32>
    %squeeze3A_391 = vector.extract %slice3A_390[0] : i32 from vector<1xi32>
    %broadcast_in_dim3A_392 = vector.broadcast %squeeze3A_389 : i32 to vector<16xi32>
    %broadcast_in_dim3A_393 = vector.broadcast %squeeze3A_391 : i32 to vector<16xi32>
    %select_n3A_394 = arith.select %eq3A_56, %broadcast_in_dim3A_392, %broadcast_in_dim3A_393 : vector<16xi1>, vector<16xi32>
    %slice3A_395 = vector.extract_strided_slice %add3A_370 {offsets = [4], sizes = [1], strides = [1]} : vector<16xi32> to vector<1xi32>
    %squeeze3A_396 = vector.extract %slice3A_395[0] : i32 from vector<1xi32>
    %slice3A_397 = vector.extract_strided_slice %add3A_387 {offsets = [4], sizes = [1], strides = [1]} : vector<16xi32> to vector<1xi32>
    %squeeze3A_398 = vector.extract %slice3A_397[0] : i32 from vector<1xi32>
    %broadcast_in_dim3A_399 = vector.broadcast %squeeze3A_396 : i32 to vector<16xi32>
    %broadcast_in_dim3A_400 = vector.broadcast %squeeze3A_398 : i32 to vector<16xi32>
    %select_n3A_401 = arith.select %eq3A_56, %broadcast_in_dim3A_399, %broadcast_in_dim3A_400 : vector<16xi1>, vector<16xi32>
    %select_n3A_402 = arith.select %eq3A_62, %select_n3A_394, %select_n3A_401 : vector<16xi1>, vector<16xi32>
    %mul3A_403 = arith.constant 8 : i32
    %mul3A_404 = vector.broadcast %mul3A_403 : i32 to vector<16xi32>
    %mul3A_405 = arith.muli %shift_right_arithmetic3A_64, %mul3A_404 : vector<16xi32>
    %add3A_406 = arith.addi %select_n3A_402, %mul3A_405 : vector<16xi32>
    %swap3A_407 = arith.constant 0 : index
    %swap3A_408 = tpu.vector_load %arg15[%swap3A_407] {strides = array<i32>} : memref<128xi32, #tpu.memory_space<vmem>>, vector<16xi32>,
    %swap3A_409 = vector.shape_cast %swap3A_408 : vector<16xi32> to vector<16xi32>
    %swap3A_410 = vector.shape_cast %add3A_406 : vector<16xi32> to vector<16xi32>
    tpu.vector_store %arg15[%swap3A_407], %swap3A_410 {strides = array<i32>} : memref<128xi32, #tpu.memory_space<vmem>>, vector<16xi32>,
    %slice3A_411 = vector.extract_strided_slice %add3A_336 {offsets = [4], sizes = [1], strides = [1]} : vector<16xi32> to vector<1xi32>
    %squeeze3A_412 = vector.extract %slice3A_411[0] : i32 from vector<1xi32>
    %slice3A_413 = vector.extract_strided_slice %add3A_353 {offsets = [4], sizes = [1], strides = [1]} : vector<16xi32> to vector<1xi32>
    %squeeze3A_414 = vector.extract %slice3A_413[0] : i32 from vector<1xi32>
    %broadcast_in_dim3A_415 = vector.broadcast %squeeze3A_412 : i32 to vector<16xi32>
    %broadcast_in_dim3A_416 = vector.broadcast %squeeze3A_414 : i32 to vector<16xi32>
    %select_n3A_417 = arith.select %eq3A_56, %broadcast_in_dim3A_415, %broadcast_in_dim3A_416 : vector<16xi1>, vector<16xi32>
    %slice3A_418 = vector.extract_strided_slice %add3A_370 {offsets = [4], sizes = [1], strides = [1]} : vector<16xi32> to vector<1xi32>
    %squeeze3A_419 = vector.extract %slice3A_418[0] : i32 from vector<1xi32>
    %slice3A_420 = vector.extract_strided_slice %add3A_387 {offsets = [4], sizes = [1], strides = [1]} : vector<16xi32> to vector<1xi32>
    %squeeze3A_421 = vector.extract %slice3A_420[0] : i32 from vector<1xi32>
    %broadcast_in_dim3A_422 = vector.broadcast %squeeze3A_419 : i32 to vector<16xi32>
    %broadcast_in_dim3A_423 = vector.broadcast %squeeze3A_421 : i32 to vector<16xi32>
    %select_n3A_424 = arith.select %eq3A_56, %broadcast_in_dim3A_422, %broadcast_in_dim3A_423 : vector<16xi1>, vector<16xi32>
    %select_n3A_425 = arith.select %eq3A_62, %select_n3A_417, %select_n3A_424 : vector<16xi1>, vector<16xi32>
    %mul3A_426 = arith.constant 8 : i32
    %mul3A_427 = vector.broadcast %mul3A_426 : i32 to vector<16xi32>
    %mul3A_428 = arith.muli %shift_right_arithmetic3A_70, %mul3A_427 : vector<16xi32>
    %add3A_429 = arith.addi %select_n3A_425, %mul3A_428 : vector<16xi32>
    %swap3A_430 = arith.constant 16 : index
    %swap3A_431 = tpu.vector_load %arg15[%swap3A_430] {strides = array<i32>} : memref<128xi32, #tpu.memory_space<vmem>>, vector<16xi32>,
    %swap3A_432 = vector.shape_cast %swap3A_431 : vector<16xi32> to vector<16xi32>
    %swap3A_433 = vector.shape_cast %add3A_429 : vector<16xi32> to vector<16xi32>
    tpu.vector_store %arg15[%swap3A_430], %swap3A_433 {strides = array<i32>} : memref<128xi32, #tpu.memory_space<vmem>>, vector<16xi32>,
    %slice3A_434 = vector.extract_strided_slice %add3A_336 {offsets = [5], sizes = [1], strides = [1]} : vector<16xi32> to vector<1xi32>
    %squeeze3A_435 = vector.extract %slice3A_434[0] : i32 from vector<1xi32>
    %slice3A_436 = vector.extract_strided_slice %add3A_353 {offsets = [5], sizes = [1], strides = [1]} : vector<16xi32> to vector<1xi32>
    %squeeze3A_437 = vector.extract %slice3A_436[0] : i32 from vector<1xi32>
    %broadcast_in_dim3A_438 = vector.broadcast %squeeze3A_435 : i32 to vector<16xi32>
    %broadcast_in_dim3A_439 = vector.broadcast %squeeze3A_437 : i32 to vector<16xi32>
    %select_n3A_440 = arith.select %eq3A_56, %broadcast_in_dim3A_438, %broadcast_in_dim3A_439 : vector<16xi1>, vector<16xi32>
    %slice3A_441 = vector.extract_strided_slice %add3A_370 {offsets = [5], sizes = [1], strides = [1]} : vector<16xi32> to vector<1xi32>
    %squeeze3A_442 = vector.extract %slice3A_441[0] : i32 from vector<1xi32>
    %slice3A_443 = vector.extract_strided_slice %add3A_387 {offsets = [5], sizes = [1], strides = [1]} : vector<16xi32> to vector<1xi32>
    %squeeze3A_444 = vector.extract %slice3A_443[0] : i32 from vector<1xi32>
    %broadcast_in_dim3A_445 = vector.broadcast %squeeze3A_442 : i32 to vector<16xi32>
    %broadcast_in_dim3A_446 = vector.broadcast %squeeze3A_444 : i32 to vector<16xi32>
    %select_n3A_447 = arith.select %eq3A_56, %broadcast_in_dim3A_445, %broadcast_in_dim3A_446 : vector<16xi1>, vector<16xi32>
    %select_n3A_448 = arith.select %eq3A_62, %select_n3A_440, %select_n3A_447 : vector<16xi1>, vector<16xi32>
    %mul3A_449 = arith.constant 8 : i32
    %mul3A_450 = vector.broadcast %mul3A_449 : i32 to vector<16xi32>
    %mul3A_451 = arith.muli %shift_right_arithmetic3A_64, %mul3A_450 : vector<16xi32>
    %add3A_452 = arith.addi %select_n3A_448, %mul3A_451 : vector<16xi32>
    %swap3A_453 = arith.constant 32 : index
    %swap3A_454 = tpu.vector_load %arg15[%swap3A_453] {strides = array<i32>} : memref<128xi32, #tpu.memory_space<vmem>>, vector<16xi32>,
    %swap3A_455 = vector.shape_cast %swap3A_454 : vector<16xi32> to vector<16xi32>
    %swap3A_456 = vector.shape_cast %add3A_452 : vector<16xi32> to vector<16xi32>
    tpu.vector_store %arg15[%swap3A_453], %swap3A_456 {strides = array<i32>} : memref<128xi32, #tpu.memory_space<vmem>>, vector<16xi32>,
    %slice3A_457 = vector.extract_strided_slice %add3A_336 {offsets = [5], sizes = [1], strides = [1]} : vector<16xi32> to vector<1xi32>
    %squeeze3A_458 = vector.extract %slice3A_457[0] : i32 from vector<1xi32>
    %slice3A_459 = vector.extract_strided_slice %add3A_353 {offsets = [5], sizes = [1], strides = [1]} : vector<16xi32> to vector<1xi32>
    %squeeze3A_460 = vector.extract %slice3A_459[0] : i32 from vector<1xi32>
    %broadcast_in_dim3A_461 = vector.broadcast %squeeze3A_458 : i32 to vector<16xi32>
    %broadcast_in_dim3A_462 = vector.broadcast %squeeze3A_460 : i32 to vector<16xi32>
    %select_n3A_463 = arith.select %eq3A_56, %broadcast_in_dim3A_461, %broadcast_in_dim3A_462 : vector<16xi1>, vector<16xi32>
    %slice3A_464 = vector.extract_strided_slice %add3A_370 {offsets = [5], sizes = [1], strides = [1]} : vector<16xi32> to vector<1xi32>
    %squeeze3A_465 = vector.extract %slice3A_464[0] : i32 from vector<1xi32>
    %slice3A_466 = vector.extract_strided_slice %add3A_387 {offsets = [5], sizes = [1], strides = [1]} : vector<16xi32> to vector<1xi32>
    %squeeze3A_467 = vector.extract %slice3A_466[0] : i32 from vector<1xi32>
    %broadcast_in_dim3A_468 = vector.broadcast %squeeze3A_465 : i32 to vector<16xi32>
    %broadcast_in_dim3A_469 = vector.broadcast %squeeze3A_467 : i32 to vector<16xi32>
    %select_n3A_470 = arith.select %eq3A_56, %broadcast_in_dim3A_468, %broadcast_in_dim3A_469 : vector<16xi1>, vector<16xi32>
    %select_n3A_471 = arith.select %eq3A_62, %select_n3A_463, %select_n3A_470 : vector<16xi1>, vector<16xi32>
    %mul3A_472 = arith.constant 8 : i32
    %mul3A_473 = vector.broadcast %mul3A_472 : i32 to vector<16xi32>
    %mul3A_474 = arith.muli %shift_right_arithmetic3A_70, %mul3A_473 : vector<16xi32>
    %add3A_475 = arith.addi %select_n3A_471, %mul3A_474 : vector<16xi32>
    %swap3A_476 = arith.constant 48 : index
    %swap3A_477 = tpu.vector_load %arg15[%swap3A_476] {strides = array<i32>} : memref<128xi32, #tpu.memory_space<vmem>>, vector<16xi32>,
    %swap3A_478 = vector.shape_cast %swap3A_477 : vector<16xi32> to vector<16xi32>
    %swap3A_479 = vector.shape_cast %add3A_475 : vector<16xi32> to vector<16xi32>
    tpu.vector_store %arg15[%swap3A_476], %swap3A_479 {strides = array<i32>} : memref<128xi32, #tpu.memory_space<vmem>>, vector<16xi32>,
    %slice3A_480 = vector.extract_strided_slice %add3A_336 {offsets = [6], sizes = [1], strides = [1]} : vector<16xi32> to vector<1xi32>
    %squeeze3A_481 = vector.extract %slice3A_480[0] : i32 from vector<1xi32>
    %slice3A_482 = vector.extract_strided_slice %add3A_353 {offsets = [6], sizes = [1], strides = [1]} : vector<16xi32> to vector<1xi32>
    %squeeze3A_483 = vector.extract %slice3A_482[0] : i32 from vector<1xi32>
    %broadcast_in_dim3A_484 = vector.broadcast %squeeze3A_481 : i32 to vector<16xi32>
    %broadcast_in_dim3A_485 = vector.broadcast %squeeze3A_483 : i32 to vector<16xi32>
    %select_n3A_486 = arith.select %eq3A_56, %broadcast_in_dim3A_484, %broadcast_in_dim3A_485 : vector<16xi1>, vector<16xi32>
    %slice3A_487 = vector.extract_strided_slice %add3A_370 {offsets = [6], sizes = [1], strides = [1]} : vector<16xi32> to vector<1xi32>
    %squeeze3A_488 = vector.extract %slice3A_487[0] : i32 from vector<1xi32>
    %slice3A_489 = vector.extract_strided_slice %add3A_387 {offsets = [6], sizes = [1], strides = [1]} : vector<16xi32> to vector<1xi32>
    %squeeze3A_490 = vector.extract %slice3A_489[0] : i32 from vector<1xi32>
    %broadcast_in_dim3A_491 = vector.broadcast %squeeze3A_488 : i32 to vector<16xi32>
    %broadcast_in_dim3A_492 = vector.broadcast %squeeze3A_490 : i32 to vector<16xi32>
    %select_n3A_493 = arith.select %eq3A_56, %broadcast_in_dim3A_491, %broadcast_in_dim3A_492 : vector<16xi1>, vector<16xi32>
    %select_n3A_494 = arith.select %eq3A_62, %select_n3A_486, %select_n3A_493 : vector<16xi1>, vector<16xi32>
    %mul3A_495 = arith.constant 8 : i32
    %mul3A_496 = vector.broadcast %mul3A_495 : i32 to vector<16xi32>
    %mul3A_497 = arith.muli %shift_right_arithmetic3A_64, %mul3A_496 : vector<16xi32>
    %add3A_498 = arith.addi %select_n3A_494, %mul3A_497 : vector<16xi32>
    %swap3A_499 = arith.constant 64 : index
    %swap3A_500 = tpu.vector_load %arg15[%swap3A_499] {strides = array<i32>} : memref<128xi32, #tpu.memory_space<vmem>>, vector<16xi32>,
    %swap3A_501 = vector.shape_cast %swap3A_500 : vector<16xi32> to vector<16xi32>
    %swap3A_502 = vector.shape_cast %add3A_498 : vector<16xi32> to vector<16xi32>
    tpu.vector_store %arg15[%swap3A_499], %swap3A_502 {strides = array<i32>} : memref<128xi32, #tpu.memory_space<vmem>>, vector<16xi32>,
    %slice3A_503 = vector.extract_strided_slice %add3A_336 {offsets = [6], sizes = [1], strides = [1]} : vector<16xi32> to vector<1xi32>
    %squeeze3A_504 = vector.extract %slice3A_503[0] : i32 from vector<1xi32>
    %slice3A_505 = vector.extract_strided_slice %add3A_353 {offsets = [6], sizes = [1], strides = [1]} : vector<16xi32> to vector<1xi32>
    %squeeze3A_506 = vector.extract %slice3A_505[0] : i32 from vector<1xi32>
    %broadcast_in_dim3A_507 = vector.broadcast %squeeze3A_504 : i32 to vector<16xi32>
    %broadcast_in_dim3A_508 = vector.broadcast %squeeze3A_506 : i32 to vector<16xi32>
    %select_n3A_509 = arith.select %eq3A_56, %broadcast_in_dim3A_507, %broadcast_in_dim3A_508 : vector<16xi1>, vector<16xi32>
    %slice3A_510 = vector.extract_strided_slice %add3A_370 {offsets = [6], sizes = [1], strides = [1]} : vector<16xi32> to vector<1xi32>
    %squeeze3A_511 = vector.extract %slice3A_510[0] : i32 from vector<1xi32>
    %slice3A_512 = vector.extract_strided_slice %add3A_387 {offsets = [6], sizes = [1], strides = [1]} : vector<16xi32> to vector<1xi32>
    %squeeze3A_513 = vector.extract %slice3A_512[0] : i32 from vector<1xi32>
    %broadcast_in_dim3A_514 = vector.broadcast %squeeze3A_511 : i32 to vector<16xi32>
    %broadcast_in_dim3A_515 = vector.broadcast %squeeze3A_513 : i32 to vector<16xi32>
    %select_n3A_516 = arith.select %eq3A_56, %broadcast_in_dim3A_514, %broadcast_in_dim3A_515 : vector<16xi1>, vector<16xi32>
    %select_n3A_517 = arith.select %eq3A_62, %select_n3A_509, %select_n3A_516 : vector<16xi1>, vector<16xi32>
    %mul3A_518 = arith.constant 8 : i32
    %mul3A_519 = vector.broadcast %mul3A_518 : i32 to vector<16xi32>
    %mul3A_520 = arith.muli %shift_right_arithmetic3A_70, %mul3A_519 : vector<16xi32>
    %add3A_521 = arith.addi %select_n3A_517, %mul3A_520 : vector<16xi32>
    %swap3A_522 = arith.constant 80 : index
    %swap3A_523 = tpu.vector_load %arg15[%swap3A_522] {strides = array<i32>} : memref<128xi32, #tpu.memory_space<vmem>>, vector<16xi32>,
    %swap3A_524 = vector.shape_cast %swap3A_523 : vector<16xi32> to vector<16xi32>
    %swap3A_525 = vector.shape_cast %add3A_521 : vector<16xi32> to vector<16xi32>
    tpu.vector_store %arg15[%swap3A_522], %swap3A_525 {strides = array<i32>} : memref<128xi32, #tpu.memory_space<vmem>>, vector<16xi32>,
    %slice3A_526 = vector.extract_strided_slice %add3A_336 {offsets = [7], sizes = [1], strides = [1]} : vector<16xi32> to vector<1xi32>
    %squeeze3A_527 = vector.extract %slice3A_526[0] : i32 from vector<1xi32>
    %slice3A_528 = vector.extract_strided_slice %add3A_353 {offsets = [7], sizes = [1], strides = [1]} : vector<16xi32> to vector<1xi32>
    %squeeze3A_529 = vector.extract %slice3A_528[0] : i32 from vector<1xi32>
    %broadcast_in_dim3A_530 = vector.broadcast %squeeze3A_527 : i32 to vector<16xi32>
    %broadcast_in_dim3A_531 = vector.broadcast %squeeze3A_529 : i32 to vector<16xi32>
    %select_n3A_532 = arith.select %eq3A_56, %broadcast_in_dim3A_530, %broadcast_in_dim3A_531 : vector<16xi1>, vector<16xi32>
    %slice3A_533 = vector.extract_strided_slice %add3A_370 {offsets = [7], sizes = [1], strides = [1]} : vector<16xi32> to vector<1xi32>
    %squeeze3A_534 = vector.extract %slice3A_533[0] : i32 from vector<1xi32>
    %slice3A_535 = vector.extract_strided_slice %add3A_387 {offsets = [7], sizes = [1], strides = [1]} : vector<16xi32> to vector<1xi32>
    %squeeze3A_536 = vector.extract %slice3A_535[0] : i32 from vector<1xi32>
    %broadcast_in_dim3A_537 = vector.broadcast %squeeze3A_534 : i32 to vector<16xi32>
    %broadcast_in_dim3A_538 = vector.broadcast %squeeze3A_536 : i32 to vector<16xi32>
    %select_n3A_539 = arith.select %eq3A_56, %broadcast_in_dim3A_537, %broadcast_in_dim3A_538 : vector<16xi1>, vector<16xi32>
    %select_n3A_540 = arith.select %eq3A_62, %select_n3A_532, %select_n3A_539 : vector<16xi1>, vector<16xi32>
    %mul3A_541 = arith.constant 8 : i32
    %mul3A_542 = vector.broadcast %mul3A_541 : i32 to vector<16xi32>
    %mul3A_543 = arith.muli %shift_right_arithmetic3A_64, %mul3A_542 : vector<16xi32>
    %add3A_544 = arith.addi %select_n3A_540, %mul3A_543 : vector<16xi32>
    %swap3A_545 = arith.constant 96 : index
    %swap3A_546 = tpu.vector_load %arg15[%swap3A_545] {strides = array<i32>} : memref<128xi32, #tpu.memory_space<vmem>>, vector<16xi32>,
    %swap3A_547 = vector.shape_cast %swap3A_546 : vector<16xi32> to vector<16xi32>
    %swap3A_548 = vector.shape_cast %add3A_544 : vector<16xi32> to vector<16xi32>
    tpu.vector_store %arg15[%swap3A_545], %swap3A_548 {strides = array<i32>} : memref<128xi32, #tpu.memory_space<vmem>>, vector<16xi32>,
    %slice3A_549 = vector.extract_strided_slice %add3A_336 {offsets = [7], sizes = [1], strides = [1]} : vector<16xi32> to vector<1xi32>
    %squeeze3A_550 = vector.extract %slice3A_549[0] : i32 from vector<1xi32>
    %slice3A_551 = vector.extract_strided_slice %add3A_353 {offsets = [7], sizes = [1], strides = [1]} : vector<16xi32> to vector<1xi32>
    %squeeze3A_552 = vector.extract %slice3A_551[0] : i32 from vector<1xi32>
    %broadcast_in_dim3A_553 = vector.broadcast %squeeze3A_550 : i32 to vector<16xi32>
    %broadcast_in_dim3A_554 = vector.broadcast %squeeze3A_552 : i32 to vector<16xi32>
    %select_n3A_555 = arith.select %eq3A_56, %broadcast_in_dim3A_553, %broadcast_in_dim3A_554 : vector<16xi1>, vector<16xi32>
    %slice3A_556 = vector.extract_strided_slice %add3A_370 {offsets = [7], sizes = [1], strides = [1]} : vector<16xi32> to vector<1xi32>
    %squeeze3A_557 = vector.extract %slice3A_556[0] : i32 from vector<1xi32>
    %slice3A_558 = vector.extract_strided_slice %add3A_387 {offsets = [7], sizes = [1], strides = [1]} : vector<16xi32> to vector<1xi32>
    %squeeze3A_559 = vector.extract %slice3A_558[0] : i32 from vector<1xi32>
    %broadcast_in_dim3A_560 = vector.broadcast %squeeze3A_557 : i32 to vector<16xi32>
    %broadcast_in_dim3A_561 = vector.broadcast %squeeze3A_559 : i32 to vector<16xi32>
    %select_n3A_562 = arith.select %eq3A_56, %broadcast_in_dim3A_560, %broadcast_in_dim3A_561 : vector<16xi1>, vector<16xi32>
    %select_n3A_563 = arith.select %eq3A_62, %select_n3A_555, %select_n3A_562 : vector<16xi1>, vector<16xi32>
    %mul3A_564 = arith.constant 8 : i32
    %mul3A_565 = vector.broadcast %mul3A_564 : i32 to vector<16xi32>
    %mul3A_566 = arith.muli %shift_right_arithmetic3A_70, %mul3A_565 : vector<16xi32>
    %add3A_567 = arith.addi %select_n3A_563, %mul3A_566 : vector<16xi32>
    %swap3A_568 = arith.constant 112 : index
    %swap3A_569 = tpu.vector_load %arg15[%swap3A_568] {strides = array<i32>} : memref<128xi32, #tpu.memory_space<vmem>>, vector<16xi32>,
    %swap3A_570 = vector.shape_cast %swap3A_569 : vector<16xi32> to vector<16xi32>
    %swap3A_571 = vector.shape_cast %add3A_567 : vector<16xi32> to vector<16xi32>
    tpu.vector_store %arg15[%swap3A_568], %swap3A_571 {strides = array<i32>} : memref<128xi32, #tpu.memory_space<vmem>>, vector<16xi32>,
    %dma_start3A_572 = arith.constant 0 : i32
    %dma_start3A_573 = arith.constant 0 : i32
    %dma_start3A_574 = tpu.memref_slice %arg3[%dma_start3A_572, %dma_start3A_573] : memref<800000x128xf32, #tpu.memory_space<hbm>> -> memref<800000x128xf32, #tpu.memory_space<hbm>>
    tpu.enqueue_indirect_dma source(%dma_start3A_574 : memref<800000x128xf32, #tpu.memory_space<hbm>>) target(%arg8 : memref<128x128xf32, #tpu.memory_space<vmem>>) offsets(%arg15 : memref<128xi32, #tpu.memory_space<vmem>>) semaphore(%arg22 : memref<!tpu.dma_semaphore, #tpu.memory_space<semaphore_mem>>)
    %add3A_575 = arith.constant 0 : i32
    %add3A_576 = arith.addi %mul3A_46, %add3A_575 : i32
    %get3A_577 = arith.constant 0 : i32
    %get3A_578 = arith.index_cast %get3A_577 : i32 to index
    %get3A_579 = arith.index_cast %add3A_576 : i32 to index
    %get3A_580 = tpu.vector_load %arg6[%get3A_578, %get3A_579] {strides = array<i32>} : memref<16x128xi32, #tpu.memory_space<vmem>>, vector<1x16xi32>,
    %get3A_581 = vector.shape_cast %get3A_580 : vector<1x16xi32> to vector<16xi32>
    %shift_right_arithmetic3A_582 = arith.constant 3 : i32
    %shift_right_arithmetic3A_583 = vector.broadcast %shift_right_arithmetic3A_582 : i32 to vector<16xi32>
    %shift_right_arithmetic3A_584 = arith.shrsi %get3A_581, %shift_right_arithmetic3A_583 : vector<16xi32>
    %shift_left3A_585 = arith.constant 6 : i32
    %shift_left3A_586 = vector.broadcast %shift_left3A_585 : i32 to vector<16xi32>
    %shift_left3A_587 = arith.shli %shift_right_arithmetic3A_584, %shift_left3A_586 : vector<16xi32>
    %and3A_588 = arith.constant 7 : i32
    %and3A_589 = vector.broadcast %and3A_588 : i32 to vector<16xi32>
    %and3A_590 = arith.andi %get3A_581, %and3A_589 : vector<16xi32>
    %add3A_591 = arith.addi %shift_left3A_587, %and3A_590 : vector<16xi32>
    %add3A_592 = arith.constant 0 : i32
    %add3A_593 = arith.addi %mul3A_46, %add3A_592 : i32
    %get3A_594 = arith.constant 1 : i32
    %get3A_595 = arith.index_cast %get3A_594 : i32 to index
    %get3A_596 = arith.index_cast %add3A_593 : i32 to index
    %get3A_597 = tpu.vector_load %arg6[%get3A_595, %get3A_596] {strides = array<i32>} : memref<16x128xi32, #tpu.memory_space<vmem>>, vector<1x16xi32>,
    %get3A_598 = vector.shape_cast %get3A_597 : vector<1x16xi32> to vector<16xi32>
    %shift_right_arithmetic3A_599 = arith.constant 3 : i32
    %shift_right_arithmetic3A_600 = vector.broadcast %shift_right_arithmetic3A_599 : i32 to vector<16xi32>
    %shift_right_arithmetic3A_601 = arith.shrsi %get3A_598, %shift_right_arithmetic3A_600 : vector<16xi32>
    %shift_left3A_602 = arith.constant 6 : i32
    %shift_left3A_603 = vector.broadcast %shift_left3A_602 : i32 to vector<16xi32>
    %shift_left3A_604 = arith.shli %shift_right_arithmetic3A_601, %shift_left3A_603 : vector<16xi32>
    %and3A_605 = arith.constant 7 : i32
    %and3A_606 = vector.broadcast %and3A_605 : i32 to vector<16xi32>
    %and3A_607 = arith.andi %get3A_598, %and3A_606 : vector<16xi32>
    %add3A_608 = arith.addi %shift_left3A_604, %and3A_607 : vector<16xi32>
    %add3A_609 = arith.constant 0 : i32
    %add3A_610 = arith.addi %mul3A_46, %add3A_609 : i32
    %get3A_611 = arith.constant 2 : i32
    %get3A_612 = arith.index_cast %get3A_611 : i32 to index
    %get3A_613 = arith.index_cast %add3A_610 : i32 to index
    %get3A_614 = tpu.vector_load %arg6[%get3A_612, %get3A_613] {strides = array<i32>} : memref<16x128xi32, #tpu.memory_space<vmem>>, vector<1x16xi32>,
    %get3A_615 = vector.shape_cast %get3A_614 : vector<1x16xi32> to vector<16xi32>
    %shift_right_arithmetic3A_616 = arith.constant 3 : i32
    %shift_right_arithmetic3A_617 = vector.broadcast %shift_right_arithmetic3A_616 : i32 to vector<16xi32>
    %shift_right_arithmetic3A_618 = arith.shrsi %get3A_615, %shift_right_arithmetic3A_617 : vector<16xi32>
    %shift_left3A_619 = arith.constant 6 : i32
    %shift_left3A_620 = vector.broadcast %shift_left3A_619 : i32 to vector<16xi32>
    %shift_left3A_621 = arith.shli %shift_right_arithmetic3A_618, %shift_left3A_620 : vector<16xi32>
    %and3A_622 = arith.constant 7 : i32
    %and3A_623 = vector.broadcast %and3A_622 : i32 to vector<16xi32>
    %and3A_624 = arith.andi %get3A_615, %and3A_623 : vector<16xi32>
    %add3A_625 = arith.addi %shift_left3A_621, %and3A_624 : vector<16xi32>
    %add3A_626 = arith.constant 0 : i32
    %add3A_627 = arith.addi %mul3A_46, %add3A_626 : i32
    %get3A_628 = arith.constant 3 : i32
    %get3A_629 = arith.index_cast %get3A_628 : i32 to index
    %get3A_630 = arith.index_cast %add3A_627 : i32 to index
    %get3A_631 = tpu.vector_load %arg6[%get3A_629, %get3A_630] {strides = array<i32>} : memref<16x128xi32, #tpu.memory_space<vmem>>, vector<1x16xi32>,
    %get3A_632 = vector.shape_cast %get3A_631 : vector<1x16xi32> to vector<16xi32>
    %shift_right_arithmetic3A_633 = arith.constant 3 : i32
    %shift_right_arithmetic3A_634 = vector.broadcast %shift_right_arithmetic3A_633 : i32 to vector<16xi32>
    %shift_right_arithmetic3A_635 = arith.shrsi %get3A_632, %shift_right_arithmetic3A_634 : vector<16xi32>
    %shift_left3A_636 = arith.constant 6 : i32
    %shift_left3A_637 = vector.broadcast %shift_left3A_636 : i32 to vector<16xi32>
    %shift_left3A_638 = arith.shli %shift_right_arithmetic3A_635, %shift_left3A_637 : vector<16xi32>
    %and3A_639 = arith.constant 7 : i32
    %and3A_640 = vector.broadcast %and3A_639 : i32 to vector<16xi32>
    %and3A_641 = arith.andi %get3A_632, %and3A_640 : vector<16xi32>
    %add3A_642 = arith.addi %shift_left3A_638, %and3A_641 : vector<16xi32>
    %slice3A_643 = vector.extract_strided_slice %add3A_591 {offsets = [8], sizes = [1], strides = [1]} : vector<16xi32> to vector<1xi32>
    %squeeze3A_644 = vector.extract %slice3A_643[0] : i32 from vector<1xi32>
    %slice3A_645 = vector.extract_strided_slice %add3A_608 {offsets = [8], sizes = [1], strides = [1]} : vector<16xi32> to vector<1xi32>
    %squeeze3A_646 = vector.extract %slice3A_645[0] : i32 from vector<1xi32>
    %broadcast_in_dim3A_647 = vector.broadcast %squeeze3A_644 : i32 to vector<16xi32>
    %broadcast_in_dim3A_648 = vector.broadcast %squeeze3A_646 : i32 to vector<16xi32>
    %select_n3A_649 = arith.select %eq3A_56, %broadcast_in_dim3A_647, %broadcast_in_dim3A_648 : vector<16xi1>, vector<16xi32>
    %slice3A_650 = vector.extract_strided_slice %add3A_625 {offsets = [8], sizes = [1], strides = [1]} : vector<16xi32> to vector<1xi32>
    %squeeze3A_651 = vector.extract %slice3A_650[0] : i32 from vector<1xi32>
    %slice3A_652 = vector.extract_strided_slice %add3A_642 {offsets = [8], sizes = [1], strides = [1]} : vector<16xi32> to vector<1xi32>
    %squeeze3A_653 = vector.extract %slice3A_652[0] : i32 from vector<1xi32>
    %broadcast_in_dim3A_654 = vector.broadcast %squeeze3A_651 : i32 to vector<16xi32>
    %broadcast_in_dim3A_655 = vector.broadcast %squeeze3A_653 : i32 to vector<16xi32>
    %select_n3A_656 = arith.select %eq3A_56, %broadcast_in_dim3A_654, %broadcast_in_dim3A_655 : vector<16xi1>, vector<16xi32>
    %select_n3A_657 = arith.select %eq3A_62, %select_n3A_649, %select_n3A_656 : vector<16xi1>, vector<16xi32>
    %mul3A_658 = arith.constant 8 : i32
    %mul3A_659 = vector.broadcast %mul3A_658 : i32 to vector<16xi32>
    %mul3A_660 = arith.muli %shift_right_arithmetic3A_64, %mul3A_659 : vector<16xi32>
    %add3A_661 = arith.addi %select_n3A_657, %mul3A_660 : vector<16xi32>
    %swap3A_662 = arith.constant 0 : index
    %swap3A_663 = tpu.vector_load %arg16[%swap3A_662] {strides = array<i32>} : memref<128xi32, #tpu.memory_space<vmem>>, vector<16xi32>,
    %swap3A_664 = vector.shape_cast %swap3A_663 : vector<16xi32> to vector<16xi32>
    %swap3A_665 = vector.shape_cast %add3A_661 : vector<16xi32> to vector<16xi32>
    tpu.vector_store %arg16[%swap3A_662], %swap3A_665 {strides = array<i32>} : memref<128xi32, #tpu.memory_space<vmem>>, vector<16xi32>,
    %slice3A_666 = vector.extract_strided_slice %add3A_591 {offsets = [8], sizes = [1], strides = [1]} : vector<16xi32> to vector<1xi32>
    %squeeze3A_667 = vector.extract %slice3A_666[0] : i32 from vector<1xi32>
    %slice3A_668 = vector.extract_strided_slice %add3A_608 {offsets = [8], sizes = [1], strides = [1]} : vector<16xi32> to vector<1xi32>
    %squeeze3A_669 = vector.extract %slice3A_668[0] : i32 from vector<1xi32>
    %broadcast_in_dim3A_670 = vector.broadcast %squeeze3A_667 : i32 to vector<16xi32>
    %broadcast_in_dim3A_671 = vector.broadcast %squeeze3A_669 : i32 to vector<16xi32>
    %select_n3A_672 = arith.select %eq3A_56, %broadcast_in_dim3A_670, %broadcast_in_dim3A_671 : vector<16xi1>, vector<16xi32>
    %slice3A_673 = vector.extract_strided_slice %add3A_625 {offsets = [8], sizes = [1], strides = [1]} : vector<16xi32> to vector<1xi32>
    %squeeze3A_674 = vector.extract %slice3A_673[0] : i32 from vector<1xi32>
    %slice3A_675 = vector.extract_strided_slice %add3A_642 {offsets = [8], sizes = [1], strides = [1]} : vector<16xi32> to vector<1xi32>
    %squeeze3A_676 = vector.extract %slice3A_675[0] : i32 from vector<1xi32>
    %broadcast_in_dim3A_677 = vector.broadcast %squeeze3A_674 : i32 to vector<16xi32>
    %broadcast_in_dim3A_678 = vector.broadcast %squeeze3A_676 : i32 to vector<16xi32>
    %select_n3A_679 = arith.select %eq3A_56, %broadcast_in_dim3A_677, %broadcast_in_dim3A_678 : vector<16xi1>, vector<16xi32>
    %select_n3A_680 = arith.select %eq3A_62, %select_n3A_672, %select_n3A_679 : vector<16xi1>, vector<16xi32>
    %mul3A_681 = arith.constant 8 : i32
    %mul3A_682 = vector.broadcast %mul3A_681 : i32 to vector<16xi32>
    %mul3A_683 = arith.muli %shift_right_arithmetic3A_70, %mul3A_682 : vector<16xi32>
    %add3A_684 = arith.addi %select_n3A_680, %mul3A_683 : vector<16xi32>
    %swap3A_685 = arith.constant 16 : index
    %swap3A_686 = tpu.vector_load %arg16[%swap3A_685] {strides = array<i32>} : memref<128xi32, #tpu.memory_space<vmem>>, vector<16xi32>,
    %swap3A_687 = vector.shape_cast %swap3A_686 : vector<16xi32> to vector<16xi32>
    %swap3A_688 = vector.shape_cast %add3A_684 : vector<16xi32> to vector<16xi32>
    tpu.vector_store %arg16[%swap3A_685], %swap3A_688 {strides = array<i32>} : memref<128xi32, #tpu.memory_space<vmem>>, vector<16xi32>,
    %slice3A_689 = vector.extract_strided_slice %add3A_591 {offsets = [9], sizes = [1], strides = [1]} : vector<16xi32> to vector<1xi32>
    %squeeze3A_690 = vector.extract %slice3A_689[0] : i32 from vector<1xi32>
    %slice3A_691 = vector.extract_strided_slice %add3A_608 {offsets = [9], sizes = [1], strides = [1]} : vector<16xi32> to vector<1xi32>
    %squeeze3A_692 = vector.extract %slice3A_691[0] : i32 from vector<1xi32>
    %broadcast_in_dim3A_693 = vector.broadcast %squeeze3A_690 : i32 to vector<16xi32>
    %broadcast_in_dim3A_694 = vector.broadcast %squeeze3A_692 : i32 to vector<16xi32>
    %select_n3A_695 = arith.select %eq3A_56, %broadcast_in_dim3A_693, %broadcast_in_dim3A_694 : vector<16xi1>, vector<16xi32>
    %slice3A_696 = vector.extract_strided_slice %add3A_625 {offsets = [9], sizes = [1], strides = [1]} : vector<16xi32> to vector<1xi32>
    %squeeze3A_697 = vector.extract %slice3A_696[0] : i32 from vector<1xi32>
    %slice3A_698 = vector.extract_strided_slice %add3A_642 {offsets = [9], sizes = [1], strides = [1]} : vector<16xi32> to vector<1xi32>
    %squeeze3A_699 = vector.extract %slice3A_698[0] : i32 from vector<1xi32>
    %broadcast_in_dim3A_700 = vector.broadcast %squeeze3A_697 : i32 to vector<16xi32>
    %broadcast_in_dim3A_701 = vector.broadcast %squeeze3A_699 : i32 to vector<16xi32>
    %select_n3A_702 = arith.select %eq3A_56, %broadcast_in_dim3A_700, %broadcast_in_dim3A_701 : vector<16xi1>, vector<16xi32>
    %select_n3A_703 = arith.select %eq3A_62, %select_n3A_695, %select_n3A_702 : vector<16xi1>, vector<16xi32>
    %mul3A_704 = arith.constant 8 : i32
    %mul3A_705 = vector.broadcast %mul3A_704 : i32 to vector<16xi32>
    %mul3A_706 = arith.muli %shift_right_arithmetic3A_64, %mul3A_705 : vector<16xi32>
    %add3A_707 = arith.addi %select_n3A_703, %mul3A_706 : vector<16xi32>
    %swap3A_708 = arith.constant 32 : index
    %swap3A_709 = tpu.vector_load %arg16[%swap3A_708] {strides = array<i32>} : memref<128xi32, #tpu.memory_space<vmem>>, vector<16xi32>,
    %swap3A_710 = vector.shape_cast %swap3A_709 : vector<16xi32> to vector<16xi32>
    %swap3A_711 = vector.shape_cast %add3A_707 : vector<16xi32> to vector<16xi32>
    tpu.vector_store %arg16[%swap3A_708], %swap3A_711 {strides = array<i32>} : memref<128xi32, #tpu.memory_space<vmem>>, vector<16xi32>,
    %slice3A_712 = vector.extract_strided_slice %add3A_591 {offsets = [9], sizes = [1], strides = [1]} : vector<16xi32> to vector<1xi32>
    %squeeze3A_713 = vector.extract %slice3A_712[0] : i32 from vector<1xi32>
    %slice3A_714 = vector.extract_strided_slice %add3A_608 {offsets = [9], sizes = [1], strides = [1]} : vector<16xi32> to vector<1xi32>
    %squeeze3A_715 = vector.extract %slice3A_714[0] : i32 from vector<1xi32>
    %broadcast_in_dim3A_716 = vector.broadcast %squeeze3A_713 : i32 to vector<16xi32>
    %broadcast_in_dim3A_717 = vector.broadcast %squeeze3A_715 : i32 to vector<16xi32>
    %select_n3A_718 = arith.select %eq3A_56, %broadcast_in_dim3A_716, %broadcast_in_dim3A_717 : vector<16xi1>, vector<16xi32>
    %slice3A_719 = vector.extract_strided_slice %add3A_625 {offsets = [9], sizes = [1], strides = [1]} : vector<16xi32> to vector<1xi32>
    %squeeze3A_720 = vector.extract %slice3A_719[0] : i32 from vector<1xi32>
    %slice3A_721 = vector.extract_strided_slice %add3A_642 {offsets = [9], sizes = [1], strides = [1]} : vector<16xi32> to vector<1xi32>
    %squeeze3A_722 = vector.extract %slice3A_721[0] : i32 from vector<1xi32>
    %broadcast_in_dim3A_723 = vector.broadcast %squeeze3A_720 : i32 to vector<16xi32>
    %broadcast_in_dim3A_724 = vector.broadcast %squeeze3A_722 : i32 to vector<16xi32>
    %select_n3A_725 = arith.select %eq3A_56, %broadcast_in_dim3A_723, %broadcast_in_dim3A_724 : vector<16xi1>, vector<16xi32>
    %select_n3A_726 = arith.select %eq3A_62, %select_n3A_718, %select_n3A_725 : vector<16xi1>, vector<16xi32>
    %mul3A_727 = arith.constant 8 : i32
    %mul3A_728 = vector.broadcast %mul3A_727 : i32 to vector<16xi32>
    %mul3A_729 = arith.muli %shift_right_arithmetic3A_70, %mul3A_728 : vector<16xi32>
    %add3A_730 = arith.addi %select_n3A_726, %mul3A_729 : vector<16xi32>
    %swap3A_731 = arith.constant 48 : index
    %swap3A_732 = tpu.vector_load %arg16[%swap3A_731] {strides = array<i32>} : memref<128xi32, #tpu.memory_space<vmem>>, vector<16xi32>,
    %swap3A_733 = vector.shape_cast %swap3A_732 : vector<16xi32> to vector<16xi32>
    %swap3A_734 = vector.shape_cast %add3A_730 : vector<16xi32> to vector<16xi32>
    tpu.vector_store %arg16[%swap3A_731], %swap3A_734 {strides = array<i32>} : memref<128xi32, #tpu.memory_space<vmem>>, vector<16xi32>,
    %slice3A_735 = vector.extract_strided_slice %add3A_591 {offsets = [10], sizes = [1], strides = [1]} : vector<16xi32> to vector<1xi32>
    %squeeze3A_736 = vector.extract %slice3A_735[0] : i32 from vector<1xi32>
    %slice3A_737 = vector.extract_strided_slice %add3A_608 {offsets = [10], sizes = [1], strides = [1]} : vector<16xi32> to vector<1xi32>
    %squeeze3A_738 = vector.extract %slice3A_737[0] : i32 from vector<1xi32>
    %broadcast_in_dim3A_739 = vector.broadcast %squeeze3A_736 : i32 to vector<16xi32>
    %broadcast_in_dim3A_740 = vector.broadcast %squeeze3A_738 : i32 to vector<16xi32>
    %select_n3A_741 = arith.select %eq3A_56, %broadcast_in_dim3A_739, %broadcast_in_dim3A_740 : vector<16xi1>, vector<16xi32>
    %slice3A_742 = vector.extract_strided_slice %add3A_625 {offsets = [10], sizes = [1], strides = [1]} : vector<16xi32> to vector<1xi32>
    %squeeze3A_743 = vector.extract %slice3A_742[0] : i32 from vector<1xi32>
    %slice3A_744 = vector.extract_strided_slice %add3A_642 {offsets = [10], sizes = [1], strides = [1]} : vector<16xi32> to vector<1xi32>
    %squeeze3A_745 = vector.extract %slice3A_744[0] : i32 from vector<1xi32>
    %broadcast_in_dim3A_746 = vector.broadcast %squeeze3A_743 : i32 to vector<16xi32>
    %broadcast_in_dim3A_747 = vector.broadcast %squeeze3A_745 : i32 to vector<16xi32>
    %select_n3A_748 = arith.select %eq3A_56, %broadcast_in_dim3A_746, %broadcast_in_dim3A_747 : vector<16xi1>, vector<16xi32>
    %select_n3A_749 = arith.select %eq3A_62, %select_n3A_741, %select_n3A_748 : vector<16xi1>, vector<16xi32>
    %mul3A_750 = arith.constant 8 : i32
    %mul3A_751 = vector.broadcast %mul3A_750 : i32 to vector<16xi32>
    %mul3A_752 = arith.muli %shift_right_arithmetic3A_64, %mul3A_751 : vector<16xi32>
    %add3A_753 = arith.addi %select_n3A_749, %mul3A_752 : vector<16xi32>
    %swap3A_754 = arith.constant 64 : index
    %swap3A_755 = tpu.vector_load %arg16[%swap3A_754] {strides = array<i32>} : memref<128xi32, #tpu.memory_space<vmem>>, vector<16xi32>,
    %swap3A_756 = vector.shape_cast %swap3A_755 : vector<16xi32> to vector<16xi32>
    %swap3A_757 = vector.shape_cast %add3A_753 : vector<16xi32> to vector<16xi32>
    tpu.vector_store %arg16[%swap3A_754], %swap3A_757 {strides = array<i32>} : memref<128xi32, #tpu.memory_space<vmem>>, vector<16xi32>,
    %slice3A_758 = vector.extract_strided_slice %add3A_591 {offsets = [10], sizes = [1], strides = [1]} : vector<16xi32> to vector<1xi32>
    %squeeze3A_759 = vector.extract %slice3A_758[0] : i32 from vector<1xi32>
    %slice3A_760 = vector.extract_strided_slice %add3A_608 {offsets = [10], sizes = [1], strides = [1]} : vector<16xi32> to vector<1xi32>
    %squeeze3A_761 = vector.extract %slice3A_760[0] : i32 from vector<1xi32>
    %broadcast_in_dim3A_762 = vector.broadcast %squeeze3A_759 : i32 to vector<16xi32>
    %broadcast_in_dim3A_763 = vector.broadcast %squeeze3A_761 : i32 to vector<16xi32>
    %select_n3A_764 = arith.select %eq3A_56, %broadcast_in_dim3A_762, %broadcast_in_dim3A_763 : vector<16xi1>, vector<16xi32>
    %slice3A_765 = vector.extract_strided_slice %add3A_625 {offsets = [10], sizes = [1], strides = [1]} : vector<16xi32> to vector<1xi32>
    %squeeze3A_766 = vector.extract %slice3A_765[0] : i32 from vector<1xi32>
    %slice3A_767 = vector.extract_strided_slice %add3A_642 {offsets = [10], sizes = [1], strides = [1]} : vector<16xi32> to vector<1xi32>
    %squeeze3A_768 = vector.extract %slice3A_767[0] : i32 from vector<1xi32>
    %broadcast_in_dim3A_769 = vector.broadcast %squeeze3A_766 : i32 to vector<16xi32>
    %broadcast_in_dim3A_770 = vector.broadcast %squeeze3A_768 : i32 to vector<16xi32>
    %select_n3A_771 = arith.select %eq3A_56, %broadcast_in_dim3A_769, %broadcast_in_dim3A_770 : vector<16xi1>, vector<16xi32>
    %select_n3A_772 = arith.select %eq3A_62, %select_n3A_764, %select_n3A_771 : vector<16xi1>, vector<16xi32>
    %mul3A_773 = arith.constant 8 : i32
    %mul3A_774 = vector.broadcast %mul3A_773 : i32 to vector<16xi32>
    %mul3A_775 = arith.muli %shift_right_arithmetic3A_70, %mul3A_774 : vector<16xi32>
    %add3A_776 = arith.addi %select_n3A_772, %mul3A_775 : vector<16xi32>
    %swap3A_777 = arith.constant 80 : index
    %swap3A_778 = tpu.vector_load %arg16[%swap3A_777] {strides = array<i32>} : memref<128xi32, #tpu.memory_space<vmem>>, vector<16xi32>,
    %swap3A_779 = vector.shape_cast %swap3A_778 : vector<16xi32> to vector<16xi32>
    %swap3A_780 = vector.shape_cast %add3A_776 : vector<16xi32> to vector<16xi32>
    tpu.vector_store %arg16[%swap3A_777], %swap3A_780 {strides = array<i32>} : memref<128xi32, #tpu.memory_space<vmem>>, vector<16xi32>,
    %slice3A_781 = vector.extract_strided_slice %add3A_591 {offsets = [11], sizes = [1], strides = [1]} : vector<16xi32> to vector<1xi32>
    %squeeze3A_782 = vector.extract %slice3A_781[0] : i32 from vector<1xi32>
    %slice3A_783 = vector.extract_strided_slice %add3A_608 {offsets = [11], sizes = [1], strides = [1]} : vector<16xi32> to vector<1xi32>
    %squeeze3A_784 = vector.extract %slice3A_783[0] : i32 from vector<1xi32>
    %broadcast_in_dim3A_785 = vector.broadcast %squeeze3A_782 : i32 to vector<16xi32>
    %broadcast_in_dim3A_786 = vector.broadcast %squeeze3A_784 : i32 to vector<16xi32>
    %select_n3A_787 = arith.select %eq3A_56, %broadcast_in_dim3A_785, %broadcast_in_dim3A_786 : vector<16xi1>, vector<16xi32>
    %slice3A_788 = vector.extract_strided_slice %add3A_625 {offsets = [11], sizes = [1], strides = [1]} : vector<16xi32> to vector<1xi32>
    %squeeze3A_789 = vector.extract %slice3A_788[0] : i32 from vector<1xi32>
    %slice3A_790 = vector.extract_strided_slice %add3A_642 {offsets = [11], sizes = [1], strides = [1]} : vector<16xi32> to vector<1xi32>
    %squeeze3A_791 = vector.extract %slice3A_790[0] : i32 from vector<1xi32>
    %broadcast_in_dim3A_792 = vector.broadcast %squeeze3A_789 : i32 to vector<16xi32>
    %broadcast_in_dim3A_793 = vector.broadcast %squeeze3A_791 : i32 to vector<16xi32>
    %select_n3A_794 = arith.select %eq3A_56, %broadcast_in_dim3A_792, %broadcast_in_dim3A_793 : vector<16xi1>, vector<16xi32>
    %select_n3A_795 = arith.select %eq3A_62, %select_n3A_787, %select_n3A_794 : vector<16xi1>, vector<16xi32>
    %mul3A_796 = arith.constant 8 : i32
    %mul3A_797 = vector.broadcast %mul3A_796 : i32 to vector<16xi32>
    %mul3A_798 = arith.muli %shift_right_arithmetic3A_64, %mul3A_797 : vector<16xi32>
    %add3A_799 = arith.addi %select_n3A_795, %mul3A_798 : vector<16xi32>
    %swap3A_800 = arith.constant 96 : index
    %swap3A_801 = tpu.vector_load %arg16[%swap3A_800] {strides = array<i32>} : memref<128xi32, #tpu.memory_space<vmem>>, vector<16xi32>,
    %swap3A_802 = vector.shape_cast %swap3A_801 : vector<16xi32> to vector<16xi32>
    %swap3A_803 = vector.shape_cast %add3A_799 : vector<16xi32> to vector<16xi32>
    tpu.vector_store %arg16[%swap3A_800], %swap3A_803 {strides = array<i32>} : memref<128xi32, #tpu.memory_space<vmem>>, vector<16xi32>,
    %slice3A_804 = vector.extract_strided_slice %add3A_591 {offsets = [11], sizes = [1], strides = [1]} : vector<16xi32> to vector<1xi32>
    %squeeze3A_805 = vector.extract %slice3A_804[0] : i32 from vector<1xi32>
    %slice3A_806 = vector.extract_strided_slice %add3A_608 {offsets = [11], sizes = [1], strides = [1]} : vector<16xi32> to vector<1xi32>
    %squeeze3A_807 = vector.extract %slice3A_806[0] : i32 from vector<1xi32>
    %broadcast_in_dim3A_808 = vector.broadcast %squeeze3A_805 : i32 to vector<16xi32>
    %broadcast_in_dim3A_809 = vector.broadcast %squeeze3A_807 : i32 to vector<16xi32>
    %select_n3A_810 = arith.select %eq3A_56, %broadcast_in_dim3A_808, %broadcast_in_dim3A_809 : vector<16xi1>, vector<16xi32>
    %slice3A_811 = vector.extract_strided_slice %add3A_625 {offsets = [11], sizes = [1], strides = [1]} : vector<16xi32> to vector<1xi32>
    %squeeze3A_812 = vector.extract %slice3A_811[0] : i32 from vector<1xi32>
    %slice3A_813 = vector.extract_strided_slice %add3A_642 {offsets = [11], sizes = [1], strides = [1]} : vector<16xi32> to vector<1xi32>
    %squeeze3A_814 = vector.extract %slice3A_813[0] : i32 from vector<1xi32>
    %broadcast_in_dim3A_815 = vector.broadcast %squeeze3A_812 : i32 to vector<16xi32>
    %broadcast_in_dim3A_816 = vector.broadcast %squeeze3A_814 : i32 to vector<16xi32>
    %select_n3A_817 = arith.select %eq3A_56, %broadcast_in_dim3A_815, %broadcast_in_dim3A_816 : vector<16xi1>, vector<16xi32>
    %select_n3A_818 = arith.select %eq3A_62, %select_n3A_810, %select_n3A_817 : vector<16xi1>, vector<16xi32>
    %mul3A_819 = arith.constant 8 : i32
    %mul3A_820 = vector.broadcast %mul3A_819 : i32 to vector<16xi32>
    %mul3A_821 = arith.muli %shift_right_arithmetic3A_70, %mul3A_820 : vector<16xi32>
    %add3A_822 = arith.addi %select_n3A_818, %mul3A_821 : vector<16xi32>
    %swap3A_823 = arith.constant 112 : index
    %swap3A_824 = tpu.vector_load %arg16[%swap3A_823] {strides = array<i32>} : memref<128xi32, #tpu.memory_space<vmem>>, vector<16xi32>,
    %swap3A_825 = vector.shape_cast %swap3A_824 : vector<16xi32> to vector<16xi32>
    %swap3A_826 = vector.shape_cast %add3A_822 : vector<16xi32> to vector<16xi32>
    tpu.vector_store %arg16[%swap3A_823], %swap3A_826 {strides = array<i32>} : memref<128xi32, #tpu.memory_space<vmem>>, vector<16xi32>,
    %dma_start3A_827 = arith.constant 0 : i32
    %dma_start3A_828 = arith.constant 0 : i32
    %dma_start3A_829 = tpu.memref_slice %arg3[%dma_start3A_827, %dma_start3A_828] : memref<800000x128xf32, #tpu.memory_space<hbm>> -> memref<800000x128xf32, #tpu.memory_space<hbm>>
    tpu.enqueue_indirect_dma source(%dma_start3A_829 : memref<800000x128xf32, #tpu.memory_space<hbm>>) target(%arg9 : memref<128x128xf32, #tpu.memory_space<vmem>>) offsets(%arg16 : memref<128xi32, #tpu.memory_space<vmem>>) semaphore(%arg23 : memref<!tpu.dma_semaphore, #tpu.memory_space<semaphore_mem>>)
    %add3A_830 = arith.constant 0 : i32
    %add3A_831 = arith.addi %mul3A_46, %add3A_830 : i32
    %get3A_832 = arith.constant 0 : i32
    %get3A_833 = arith.index_cast %get3A_832 : i32 to index
    %get3A_834 = arith.index_cast %add3A_831 : i32 to index
    %get3A_835 = tpu.vector_load %arg6[%get3A_833, %get3A_834] {strides = array<i32>} : memref<16x128xi32, #tpu.memory_space<vmem>>, vector<1x16xi32>,
    %get3A_836 = vector.shape_cast %get3A_835 : vector<1x16xi32> to vector<16xi32>
    %shift_right_arithmetic3A_837 = arith.constant 3 : i32
    %shift_right_arithmetic3A_838 = vector.broadcast %shift_right_arithmetic3A_837 : i32 to vector<16xi32>
    %shift_right_arithmetic3A_839 = arith.shrsi %get3A_836, %shift_right_arithmetic3A_838 : vector<16xi32>
    %shift_left3A_840 = arith.constant 6 : i32
    %shift_left3A_841 = vector.broadcast %shift_left3A_840 : i32 to vector<16xi32>
    %shift_left3A_842 = arith.shli %shift_right_arithmetic3A_839, %shift_left3A_841 : vector<16xi32>
    %and3A_843 = arith.constant 7 : i32
    %and3A_844 = vector.broadcast %and3A_843 : i32 to vector<16xi32>
    %and3A_845 = arith.andi %get3A_836, %and3A_844 : vector<16xi32>
    %add3A_846 = arith.addi %shift_left3A_842, %and3A_845 : vector<16xi32>
    %add3A_847 = arith.constant 0 : i32
    %add3A_848 = arith.addi %mul3A_46, %add3A_847 : i32
    %get3A_849 = arith.constant 1 : i32
    %get3A_850 = arith.index_cast %get3A_849 : i32 to index
    %get3A_851 = arith.index_cast %add3A_848 : i32 to index
    %get3A_852 = tpu.vector_load %arg6[%get3A_850, %get3A_851] {strides = array<i32>} : memref<16x128xi32, #tpu.memory_space<vmem>>, vector<1x16xi32>,
    %get3A_853 = vector.shape_cast %get3A_852 : vector<1x16xi32> to vector<16xi32>
    %shift_right_arithmetic3A_854 = arith.constant 3 : i32
    %shift_right_arithmetic3A_855 = vector.broadcast %shift_right_arithmetic3A_854 : i32 to vector<16xi32>
    %shift_right_arithmetic3A_856 = arith.shrsi %get3A_853, %shift_right_arithmetic3A_855 : vector<16xi32>
    %shift_left3A_857 = arith.constant 6 : i32
    %shift_left3A_858 = vector.broadcast %shift_left3A_857 : i32 to vector<16xi32>
    %shift_left3A_859 = arith.shli %shift_right_arithmetic3A_856, %shift_left3A_858 : vector<16xi32>
    %and3A_860 = arith.constant 7 : i32
    %and3A_861 = vector.broadcast %and3A_860 : i32 to vector<16xi32>
    %and3A_862 = arith.andi %get3A_853, %and3A_861 : vector<16xi32>
    %add3A_863 = arith.addi %shift_left3A_859, %and3A_862 : vector<16xi32>
    %add3A_864 = arith.constant 0 : i32
    %add3A_865 = arith.addi %mul3A_46, %add3A_864 : i32
    %get3A_866 = arith.constant 2 : i32
    %get3A_867 = arith.index_cast %get3A_866 : i32 to index
    %get3A_868 = arith.index_cast %add3A_865 : i32 to index
    %get3A_869 = tpu.vector_load %arg6[%get3A_867, %get3A_868] {strides = array<i32>} : memref<16x128xi32, #tpu.memory_space<vmem>>, vector<1x16xi32>,
    %get3A_870 = vector.shape_cast %get3A_869 : vector<1x16xi32> to vector<16xi32>
    %shift_right_arithmetic3A_871 = arith.constant 3 : i32
    %shift_right_arithmetic3A_872 = vector.broadcast %shift_right_arithmetic3A_871 : i32 to vector<16xi32>
    %shift_right_arithmetic3A_873 = arith.shrsi %get3A_870, %shift_right_arithmetic3A_872 : vector<16xi32>
    %shift_left3A_874 = arith.constant 6 : i32
    %shift_left3A_875 = vector.broadcast %shift_left3A_874 : i32 to vector<16xi32>
    %shift_left3A_876 = arith.shli %shift_right_arithmetic3A_873, %shift_left3A_875 : vector<16xi32>
    %and3A_877 = arith.constant 7 : i32
    %and3A_878 = vector.broadcast %and3A_877 : i32 to vector<16xi32>
    %and3A_879 = arith.andi %get3A_870, %and3A_878 : vector<16xi32>
    %add3A_880 = arith.addi %shift_left3A_876, %and3A_879 : vector<16xi32>
    %add3A_881 = arith.constant 0 : i32
    %add3A_882 = arith.addi %mul3A_46, %add3A_881 : i32
    %get3A_883 = arith.constant 3 : i32
    %get3A_884 = arith.index_cast %get3A_883 : i32 to index
    %get3A_885 = arith.index_cast %add3A_882 : i32 to index
    %get3A_886 = tpu.vector_load %arg6[%get3A_884, %get3A_885] {strides = array<i32>} : memref<16x128xi32, #tpu.memory_space<vmem>>, vector<1x16xi32>,
    %get3A_887 = vector.shape_cast %get3A_886 : vector<1x16xi32> to vector<16xi32>
    %shift_right_arithmetic3A_888 = arith.constant 3 : i32
    %shift_right_arithmetic3A_889 = vector.broadcast %shift_right_arithmetic3A_888 : i32 to vector<16xi32>
    %shift_right_arithmetic3A_890 = arith.shrsi %get3A_887, %shift_right_arithmetic3A_889 : vector<16xi32>
    %shift_left3A_891 = arith.constant 6 : i32
    %shift_left3A_892 = vector.broadcast %shift_left3A_891 : i32 to vector<16xi32>
    %shift_left3A_893 = arith.shli %shift_right_arithmetic3A_890, %shift_left3A_892 : vector<16xi32>
    %and3A_894 = arith.constant 7 : i32
    %and3A_895 = vector.broadcast %and3A_894 : i32 to vector<16xi32>
    %and3A_896 = arith.andi %get3A_887, %and3A_895 : vector<16xi32>
    %add3A_897 = arith.addi %shift_left3A_893, %and3A_896 : vector<16xi32>
    %slice3A_898 = vector.extract_strided_slice %add3A_846 {offsets = [12], sizes = [1], strides = [1]} : vector<16xi32> to vector<1xi32>
    %squeeze3A_899 = vector.extract %slice3A_898[0] : i32 from vector<1xi32>
    %slice3A_900 = vector.extract_strided_slice %add3A_863 {offsets = [12], sizes = [1], strides = [1]} : vector<16xi32> to vector<1xi32>
    %squeeze3A_901 = vector.extract %slice3A_900[0] : i32 from vector<1xi32>
    %broadcast_in_dim3A_902 = vector.broadcast %squeeze3A_899 : i32 to vector<16xi32>
    %broadcast_in_dim3A_903 = vector.broadcast %squeeze3A_901 : i32 to vector<16xi32>
    %select_n3A_904 = arith.select %eq3A_56, %broadcast_in_dim3A_902, %broadcast_in_dim3A_903 : vector<16xi1>, vector<16xi32>
    %slice3A_905 = vector.extract_strided_slice %add3A_880 {offsets = [12], sizes = [1], strides = [1]} : vector<16xi32> to vector<1xi32>
    %squeeze3A_906 = vector.extract %slice3A_905[0] : i32 from vector<1xi32>
    %slice3A_907 = vector.extract_strided_slice %add3A_897 {offsets = [12], sizes = [1], strides = [1]} : vector<16xi32> to vector<1xi32>
    %squeeze3A_908 = vector.extract %slice3A_907[0] : i32 from vector<1xi32>
    %broadcast_in_dim3A_909 = vector.broadcast %squeeze3A_906 : i32 to vector<16xi32>
    %broadcast_in_dim3A_910 = vector.broadcast %squeeze3A_908 : i32 to vector<16xi32>
    %select_n3A_911 = arith.select %eq3A_56, %broadcast_in_dim3A_909, %broadcast_in_dim3A_910 : vector<16xi1>, vector<16xi32>
    %select_n3A_912 = arith.select %eq3A_62, %select_n3A_904, %select_n3A_911 : vector<16xi1>, vector<16xi32>
    %mul3A_913 = arith.constant 8 : i32
    %mul3A_914 = vector.broadcast %mul3A_913 : i32 to vector<16xi32>
    %mul3A_915 = arith.muli %shift_right_arithmetic3A_64, %mul3A_914 : vector<16xi32>
    %add3A_916 = arith.addi %select_n3A_912, %mul3A_915 : vector<16xi32>
    %swap3A_917 = arith.constant 0 : index
    %swap3A_918 = tpu.vector_load %arg17[%swap3A_917] {strides = array<i32>} : memref<128xi32, #tpu.memory_space<vmem>>, vector<16xi32>,
    %swap3A_919 = vector.shape_cast %swap3A_918 : vector<16xi32> to vector<16xi32>
    %swap3A_920 = vector.shape_cast %add3A_916 : vector<16xi32> to vector<16xi32>
    tpu.vector_store %arg17[%swap3A_917], %swap3A_920 {strides = array<i32>} : memref<128xi32, #tpu.memory_space<vmem>>, vector<16xi32>,
    %slice3A_921 = vector.extract_strided_slice %add3A_846 {offsets = [12], sizes = [1], strides = [1]} : vector<16xi32> to vector<1xi32>
    %squeeze3A_922 = vector.extract %slice3A_921[0] : i32 from vector<1xi32>
    %slice3A_923 = vector.extract_strided_slice %add3A_863 {offsets = [12], sizes = [1], strides = [1]} : vector<16xi32> to vector<1xi32>
    %squeeze3A_924 = vector.extract %slice3A_923[0] : i32 from vector<1xi32>
    %broadcast_in_dim3A_925 = vector.broadcast %squeeze3A_922 : i32 to vector<16xi32>
    %broadcast_in_dim3A_926 = vector.broadcast %squeeze3A_924 : i32 to vector<16xi32>
    %select_n3A_927 = arith.select %eq3A_56, %broadcast_in_dim3A_925, %broadcast_in_dim3A_926 : vector<16xi1>, vector<16xi32>
    %slice3A_928 = vector.extract_strided_slice %add3A_880 {offsets = [12], sizes = [1], strides = [1]} : vector<16xi32> to vector<1xi32>
    %squeeze3A_929 = vector.extract %slice3A_928[0] : i32 from vector<1xi32>
    %slice3A_930 = vector.extract_strided_slice %add3A_897 {offsets = [12], sizes = [1], strides = [1]} : vector<16xi32> to vector<1xi32>
    %squeeze3A_931 = vector.extract %slice3A_930[0] : i32 from vector<1xi32>
    %broadcast_in_dim3A_932 = vector.broadcast %squeeze3A_929 : i32 to vector<16xi32>
    %broadcast_in_dim3A_933 = vector.broadcast %squeeze3A_931 : i32 to vector<16xi32>
    %select_n3A_934 = arith.select %eq3A_56, %broadcast_in_dim3A_932, %broadcast_in_dim3A_933 : vector<16xi1>, vector<16xi32>
    %select_n3A_935 = arith.select %eq3A_62, %select_n3A_927, %select_n3A_934 : vector<16xi1>, vector<16xi32>
    %mul3A_936 = arith.constant 8 : i32
    %mul3A_937 = vector.broadcast %mul3A_936 : i32 to vector<16xi32>
    %mul3A_938 = arith.muli %shift_right_arithmetic3A_70, %mul3A_937 : vector<16xi32>
    %add3A_939 = arith.addi %select_n3A_935, %mul3A_938 : vector<16xi32>
    %swap3A_940 = arith.constant 16 : index
    %swap3A_941 = tpu.vector_load %arg17[%swap3A_940] {strides = array<i32>} : memref<128xi32, #tpu.memory_space<vmem>>, vector<16xi32>,
    %swap3A_942 = vector.shape_cast %swap3A_941 : vector<16xi32> to vector<16xi32>
    %swap3A_943 = vector.shape_cast %add3A_939 : vector<16xi32> to vector<16xi32>
    tpu.vector_store %arg17[%swap3A_940], %swap3A_943 {strides = array<i32>} : memref<128xi32, #tpu.memory_space<vmem>>, vector<16xi32>,
    %slice3A_944 = vector.extract_strided_slice %add3A_846 {offsets = [13], sizes = [1], strides = [1]} : vector<16xi32> to vector<1xi32>
    %squeeze3A_945 = vector.extract %slice3A_944[0] : i32 from vector<1xi32>
    %slice3A_946 = vector.extract_strided_slice %add3A_863 {offsets = [13], sizes = [1], strides = [1]} : vector<16xi32> to vector<1xi32>
    %squeeze3A_947 = vector.extract %slice3A_946[0] : i32 from vector<1xi32>
    %broadcast_in_dim3A_948 = vector.broadcast %squeeze3A_945 : i32 to vector<16xi32>
    %broadcast_in_dim3A_949 = vector.broadcast %squeeze3A_947 : i32 to vector<16xi32>
    %select_n3A_950 = arith.select %eq3A_56, %broadcast_in_dim3A_948, %broadcast_in_dim3A_949 : vector<16xi1>, vector<16xi32>
    %slice3A_951 = vector.extract_strided_slice %add3A_880 {offsets = [13], sizes = [1], strides = [1]} : vector<16xi32> to vector<1xi32>
    %squeeze3A_952 = vector.extract %slice3A_951[0] : i32 from vector<1xi32>
    %slice3A_953 = vector.extract_strided_slice %add3A_897 {offsets = [13], sizes = [1], strides = [1]} : vector<16xi32> to vector<1xi32>
    %squeeze3A_954 = vector.extract %slice3A_953[0] : i32 from vector<1xi32>
    %broadcast_in_dim3A_955 = vector.broadcast %squeeze3A_952 : i32 to vector<16xi32>
    %broadcast_in_dim3A_956 = vector.broadcast %squeeze3A_954 : i32 to vector<16xi32>
    %select_n3A_957 = arith.select %eq3A_56, %broadcast_in_dim3A_955, %broadcast_in_dim3A_956 : vector<16xi1>, vector<16xi32>
    %select_n3A_958 = arith.select %eq3A_62, %select_n3A_950, %select_n3A_957 : vector<16xi1>, vector<16xi32>
    %mul3A_959 = arith.constant 8 : i32
    %mul3A_960 = vector.broadcast %mul3A_959 : i32 to vector<16xi32>
    %mul3A_961 = arith.muli %shift_right_arithmetic3A_64, %mul3A_960 : vector<16xi32>
    %add3A_962 = arith.addi %select_n3A_958, %mul3A_961 : vector<16xi32>
    %swap3A_963 = arith.constant 32 : index
    %swap3A_964 = tpu.vector_load %arg17[%swap3A_963] {strides = array<i32>} : memref<128xi32, #tpu.memory_space<vmem>>, vector<16xi32>,
    %swap3A_965 = vector.shape_cast %swap3A_964 : vector<16xi32> to vector<16xi32>
    %swap3A_966 = vector.shape_cast %add3A_962 : vector<16xi32> to vector<16xi32>
    tpu.vector_store %arg17[%swap3A_963], %swap3A_966 {strides = array<i32>} : memref<128xi32, #tpu.memory_space<vmem>>, vector<16xi32>,
    %slice3A_967 = vector.extract_strided_slice %add3A_846 {offsets = [13], sizes = [1], strides = [1]} : vector<16xi32> to vector<1xi32>
    %squeeze3A_968 = vector.extract %slice3A_967[0] : i32 from vector<1xi32>
    %slice3A_969 = vector.extract_strided_slice %add3A_863 {offsets = [13], sizes = [1], strides = [1]} : vector<16xi32> to vector<1xi32>
    %squeeze3A_970 = vector.extract %slice3A_969[0] : i32 from vector<1xi32>
    %broadcast_in_dim3A_971 = vector.broadcast %squeeze3A_968 : i32 to vector<16xi32>
    %broadcast_in_dim3A_972 = vector.broadcast %squeeze3A_970 : i32 to vector<16xi32>
    %select_n3A_973 = arith.select %eq3A_56, %broadcast_in_dim3A_971, %broadcast_in_dim3A_972 : vector<16xi1>, vector<16xi32>
    %slice3A_974 = vector.extract_strided_slice %add3A_880 {offsets = [13], sizes = [1], strides = [1]} : vector<16xi32> to vector<1xi32>
    %squeeze3A_975 = vector.extract %slice3A_974[0] : i32 from vector<1xi32>
    %slice3A_976 = vector.extract_strided_slice %add3A_897 {offsets = [13], sizes = [1], strides = [1]} : vector<16xi32> to vector<1xi32>
    %squeeze3A_977 = vector.extract %slice3A_976[0] : i32 from vector<1xi32>
    %broadcast_in_dim3A_978 = vector.broadcast %squeeze3A_975 : i32 to vector<16xi32>
    %broadcast_in_dim3A_979 = vector.broadcast %squeeze3A_977 : i32 to vector<16xi32>
    %select_n3A_980 = arith.select %eq3A_56, %broadcast_in_dim3A_978, %broadcast_in_dim3A_979 : vector<16xi1>, vector<16xi32>
    %select_n3A_981 = arith.select %eq3A_62, %select_n3A_973, %select_n3A_980 : vector<16xi1>, vector<16xi32>
    %mul3A_982 = arith.constant 8 : i32
    %mul3A_983 = vector.broadcast %mul3A_982 : i32 to vector<16xi32>
    %mul3A_984 = arith.muli %shift_right_arithmetic3A_70, %mul3A_983 : vector<16xi32>
    %add3A_985 = arith.addi %select_n3A_981, %mul3A_984 : vector<16xi32>
    %swap3A_986 = arith.constant 48 : index
    %swap3A_987 = tpu.vector_load %arg17[%swap3A_986] {strides = array<i32>} : memref<128xi32, #tpu.memory_space<vmem>>, vector<16xi32>,
    %swap3A_988 = vector.shape_cast %swap3A_987 : vector<16xi32> to vector<16xi32>
    %swap3A_989 = vector.shape_cast %add3A_985 : vector<16xi32> to vector<16xi32>
    tpu.vector_store %arg17[%swap3A_986], %swap3A_989 {strides = array<i32>} : memref<128xi32, #tpu.memory_space<vmem>>, vector<16xi32>,
    %slice3A_990 = vector.extract_strided_slice %add3A_846 {offsets = [14], sizes = [1], strides = [1]} : vector<16xi32> to vector<1xi32>
    %squeeze3A_991 = vector.extract %slice3A_990[0] : i32 from vector<1xi32>
    %slice3A_992 = vector.extract_strided_slice %add3A_863 {offsets = [14], sizes = [1], strides = [1]} : vector<16xi32> to vector<1xi32>
    %squeeze3A_993 = vector.extract %slice3A_992[0] : i32 from vector<1xi32>
    %broadcast_in_dim3A_994 = vector.broadcast %squeeze3A_991 : i32 to vector<16xi32>
    %broadcast_in_dim3A_995 = vector.broadcast %squeeze3A_993 : i32 to vector<16xi32>
    %select_n3A_996 = arith.select %eq3A_56, %broadcast_in_dim3A_994, %broadcast_in_dim3A_995 : vector<16xi1>, vector<16xi32>
    %slice3A_997 = vector.extract_strided_slice %add3A_880 {offsets = [14], sizes = [1], strides = [1]} : vector<16xi32> to vector<1xi32>
    %squeeze3A_998 = vector.extract %slice3A_997[0] : i32 from vector<1xi32>
    %slice3A_999 = vector.extract_strided_slice %add3A_897 {offsets = [14], sizes = [1], strides = [1]} : vector<16xi32> to vector<1xi32>
    %squeeze3A_1000 = vector.extract %slice3A_999[0] : i32 from vector<1xi32>
    %broadcast_in_dim3A_1001 = vector.broadcast %squeeze3A_998 : i32 to vector<16xi32>
    %broadcast_in_dim3A_1002 = vector.broadcast %squeeze3A_1000 : i32 to vector<16xi32>
    %select_n3A_1003 = arith.select %eq3A_56, %broadcast_in_dim3A_1001, %broadcast_in_dim3A_1002 : vector<16xi1>, vector<16xi32>
    %select_n3A_1004 = arith.select %eq3A_62, %select_n3A_996, %select_n3A_1003 : vector<16xi1>, vector<16xi32>
    %mul3A_1005 = arith.constant 8 : i32
    %mul3A_1006 = vector.broadcast %mul3A_1005 : i32 to vector<16xi32>
    %mul3A_1007 = arith.muli %shift_right_arithmetic3A_64, %mul3A_1006 : vector<16xi32>
    %add3A_1008 = arith.addi %select_n3A_1004, %mul3A_1007 : vector<16xi32>
    %swap3A_1009 = arith.constant 64 : index
    %swap3A_1010 = tpu.vector_load %arg17[%swap3A_1009] {strides = array<i32>} : memref<128xi32, #tpu.memory_space<vmem>>, vector<16xi32>,
    %swap3A_1011 = vector.shape_cast %swap3A_1010 : vector<16xi32> to vector<16xi32>
    %swap3A_1012 = vector.shape_cast %add3A_1008 : vector<16xi32> to vector<16xi32>
    tpu.vector_store %arg17[%swap3A_1009], %swap3A_1012 {strides = array<i32>} : memref<128xi32, #tpu.memory_space<vmem>>, vector<16xi32>,
    %slice3A_1013 = vector.extract_strided_slice %add3A_846 {offsets = [14], sizes = [1], strides = [1]} : vector<16xi32> to vector<1xi32>
    %squeeze3A_1014 = vector.extract %slice3A_1013[0] : i32 from vector<1xi32>
    %slice3A_1015 = vector.extract_strided_slice %add3A_863 {offsets = [14], sizes = [1], strides = [1]} : vector<16xi32> to vector<1xi32>
    %squeeze3A_1016 = vector.extract %slice3A_1015[0] : i32 from vector<1xi32>
    %broadcast_in_dim3A_1017 = vector.broadcast %squeeze3A_1014 : i32 to vector<16xi32>
    %broadcast_in_dim3A_1018 = vector.broadcast %squeeze3A_1016 : i32 to vector<16xi32>
    %select_n3A_1019 = arith.select %eq3A_56, %broadcast_in_dim3A_1017, %broadcast_in_dim3A_1018 : vector<16xi1>, vector<16xi32>
    %slice3A_1020 = vector.extract_strided_slice %add3A_880 {offsets = [14], sizes = [1], strides = [1]} : vector<16xi32> to vector<1xi32>
    %squeeze3A_1021 = vector.extract %slice3A_1020[0] : i32 from vector<1xi32>
    %slice3A_1022 = vector.extract_strided_slice %add3A_897 {offsets = [14], sizes = [1], strides = [1]} : vector<16xi32> to vector<1xi32>
    %squeeze3A_1023 = vector.extract %slice3A_1022[0] : i32 from vector<1xi32>
    %broadcast_in_dim3A_1024 = vector.broadcast %squeeze3A_1021 : i32 to vector<16xi32>
    %broadcast_in_dim3A_1025 = vector.broadcast %squeeze3A_1023 : i32 to vector<16xi32>
    %select_n3A_1026 = arith.select %eq3A_56, %broadcast_in_dim3A_1024, %broadcast_in_dim3A_1025 : vector<16xi1>, vector<16xi32>
    %select_n3A_1027 = arith.select %eq3A_62, %select_n3A_1019, %select_n3A_1026 : vector<16xi1>, vector<16xi32>
    %mul3A_1028 = arith.constant 8 : i32
    %mul3A_1029 = vector.broadcast %mul3A_1028 : i32 to vector<16xi32>
    %mul3A_1030 = arith.muli %shift_right_arithmetic3A_70, %mul3A_1029 : vector<16xi32>
    %add3A_1031 = arith.addi %select_n3A_1027, %mul3A_1030 : vector<16xi32>
    %swap3A_1032 = arith.constant 80 : index
    %swap3A_1033 = tpu.vector_load %arg17[%swap3A_1032] {strides = array<i32>} : memref<128xi32, #tpu.memory_space<vmem>>, vector<16xi32>,
    %swap3A_1034 = vector.shape_cast %swap3A_1033 : vector<16xi32> to vector<16xi32>
    %swap3A_1035 = vector.shape_cast %add3A_1031 : vector<16xi32> to vector<16xi32>
    tpu.vector_store %arg17[%swap3A_1032], %swap3A_1035 {strides = array<i32>} : memref<128xi32, #tpu.memory_space<vmem>>, vector<16xi32>,
    %slice3A_1036 = vector.extract_strided_slice %add3A_846 {offsets = [15], sizes = [1], strides = [1]} : vector<16xi32> to vector<1xi32>
    %squeeze3A_1037 = vector.extract %slice3A_1036[0] : i32 from vector<1xi32>
    %slice3A_1038 = vector.extract_strided_slice %add3A_863 {offsets = [15], sizes = [1], strides = [1]} : vector<16xi32> to vector<1xi32>
    %squeeze3A_1039 = vector.extract %slice3A_1038[0] : i32 from vector<1xi32>
    %broadcast_in_dim3A_1040 = vector.broadcast %squeeze3A_1037 : i32 to vector<16xi32>
    %broadcast_in_dim3A_1041 = vector.broadcast %squeeze3A_1039 : i32 to vector<16xi32>
    %select_n3A_1042 = arith.select %eq3A_56, %broadcast_in_dim3A_1040, %broadcast_in_dim3A_1041 : vector<16xi1>, vector<16xi32>
    %slice3A_1043 = vector.extract_strided_slice %add3A_880 {offsets = [15], sizes = [1], strides = [1]} : vector<16xi32> to vector<1xi32>
    %squeeze3A_1044 = vector.extract %slice3A_1043[0] : i32 from vector<1xi32>
    %slice3A_1045 = vector.extract_strided_slice %add3A_897 {offsets = [15], sizes = [1], strides = [1]} : vector<16xi32> to vector<1xi32>
    %squeeze3A_1046 = vector.extract %slice3A_1045[0] : i32 from vector<1xi32>
    %broadcast_in_dim3A_1047 = vector.broadcast %squeeze3A_1044 : i32 to vector<16xi32>
    %broadcast_in_dim3A_1048 = vector.broadcast %squeeze3A_1046 : i32 to vector<16xi32>
    %select_n3A_1049 = arith.select %eq3A_56, %broadcast_in_dim3A_1047, %broadcast_in_dim3A_1048 : vector<16xi1>, vector<16xi32>
    %select_n3A_1050 = arith.select %eq3A_62, %select_n3A_1042, %select_n3A_1049 : vector<16xi1>, vector<16xi32>
    %mul3A_1051 = arith.constant 8 : i32
    %mul3A_1052 = vector.broadcast %mul3A_1051 : i32 to vector<16xi32>
    %mul3A_1053 = arith.muli %shift_right_arithmetic3A_64, %mul3A_1052 : vector<16xi32>
    %add3A_1054 = arith.addi %select_n3A_1050, %mul3A_1053 : vector<16xi32>
    %swap3A_1055 = arith.constant 96 : index
    %swap3A_1056 = tpu.vector_load %arg17[%swap3A_1055] {strides = array<i32>} : memref<128xi32, #tpu.memory_space<vmem>>, vector<16xi32>,
    %swap3A_1057 = vector.shape_cast %swap3A_1056 : vector<16xi32> to vector<16xi32>
    %swap3A_1058 = vector.shape_cast %add3A_1054 : vector<16xi32> to vector<16xi32>
    tpu.vector_store %arg17[%swap3A_1055], %swap3A_1058 {strides = array<i32>} : memref<128xi32, #tpu.memory_space<vmem>>, vector<16xi32>,
    %slice3A_1059 = vector.extract_strided_slice %add3A_846 {offsets = [15], sizes = [1], strides = [1]} : vector<16xi32> to vector<1xi32>
    %squeeze3A_1060 = vector.extract %slice3A_1059[0] : i32 from vector<1xi32>
    %slice3A_1061 = vector.extract_strided_slice %add3A_863 {offsets = [15], sizes = [1], strides = [1]} : vector<16xi32> to vector<1xi32>
    %squeeze3A_1062 = vector.extract %slice3A_1061[0] : i32 from vector<1xi32>
    %broadcast_in_dim3A_1063 = vector.broadcast %squeeze3A_1060 : i32 to vector<16xi32>
    %broadcast_in_dim3A_1064 = vector.broadcast %squeeze3A_1062 : i32 to vector<16xi32>
    %select_n3A_1065 = arith.select %eq3A_56, %broadcast_in_dim3A_1063, %broadcast_in_dim3A_1064 : vector<16xi1>, vector<16xi32>
    %slice3A_1066 = vector.extract_strided_slice %add3A_880 {offsets = [15], sizes = [1], strides = [1]} : vector<16xi32> to vector<1xi32>
    %squeeze3A_1067 = vector.extract %slice3A_1066[0] : i32 from vector<1xi32>
    %slice3A_1068 = vector.extract_strided_slice %add3A_897 {offsets = [15], sizes = [1], strides = [1]} : vector<16xi32> to vector<1xi32>
    %squeeze3A_1069 = vector.extract %slice3A_1068[0] : i32 from vector<1xi32>
    %broadcast_in_dim3A_1070 = vector.broadcast %squeeze3A_1067 : i32 to vector<16xi32>
    %broadcast_in_dim3A_1071 = vector.broadcast %squeeze3A_1069 : i32 to vector<16xi32>
    %select_n3A_1072 = arith.select %eq3A_56, %broadcast_in_dim3A_1070, %broadcast_in_dim3A_1071 : vector<16xi1>, vector<16xi32>
    %select_n3A_1073 = arith.select %eq3A_62, %select_n3A_1065, %select_n3A_1072 : vector<16xi1>, vector<16xi32>
    %mul3A_1074 = arith.constant 8 : i32
    %mul3A_1075 = vector.broadcast %mul3A_1074 : i32 to vector<16xi32>
    %mul3A_1076 = arith.muli %shift_right_arithmetic3A_70, %mul3A_1075 : vector<16xi32>
    %add3A_1077 = arith.addi %select_n3A_1073, %mul3A_1076 : vector<16xi32>
    %swap3A_1078 = arith.constant 112 : index
    %swap3A_1079 = tpu.vector_load %arg17[%swap3A_1078] {strides = array<i32>} : memref<128xi32, #tpu.memory_space<vmem>>, vector<16xi32>,
    %swap3A_1080 = vector.shape_cast %swap3A_1079 : vector<16xi32> to vector<16xi32>
    %swap3A_1081 = vector.shape_cast %add3A_1077 : vector<16xi32> to vector<16xi32>
    tpu.vector_store %arg17[%swap3A_1078], %swap3A_1081 {strides = array<i32>} : memref<128xi32, #tpu.memory_space<vmem>>, vector<16xi32>,
    %dma_start3A_1082 = arith.constant 0 : i32
    %dma_start3A_1083 = arith.constant 0 : i32
    %dma_start3A_1084 = tpu.memref_slice %arg3[%dma_start3A_1082, %dma_start3A_1083] : memref<800000x128xf32, #tpu.memory_space<hbm>> -> memref<800000x128xf32, #tpu.memory_space<hbm>>
    tpu.enqueue_indirect_dma source(%dma_start3A_1084 : memref<800000x128xf32, #tpu.memory_space<hbm>>) target(%arg10 : memref<128x128xf32, #tpu.memory_space<vmem>>) offsets(%arg17 : memref<128xi32, #tpu.memory_space<vmem>>) semaphore(%arg24 : memref<!tpu.dma_semaphore, #tpu.memory_space<semaphore_mem>>)
    %add3A_1085 = arith.constant 16 : i32
    %add3A_1086 = arith.addi %mul3A_46, %add3A_1085 : i32
    %get3A_1087 = arith.constant 0 : i32
    %get3A_1088 = arith.index_cast %get3A_1087 : i32 to index
    %get3A_1089 = arith.index_cast %add3A_1086 : i32 to index
    %get3A_1090 = tpu.vector_load %arg6[%get3A_1088, %get3A_1089] {strides = array<i32>} : memref<16x128xi32, #tpu.memory_space<vmem>>, vector<1x16xi32>,
    %get3A_1091 = vector.shape_cast %get3A_1090 : vector<1x16xi32> to vector<16xi32>
    %shift_right_arithmetic3A_1092 = arith.constant 3 : i32
    %shift_right_arithmetic3A_1093 = vector.broadcast %shift_right_arithmetic3A_1092 : i32 to vector<16xi32>
    %shift_right_arithmetic3A_1094 = arith.shrsi %get3A_1091, %shift_right_arithmetic3A_1093 : vector<16xi32>
    %shift_left3A_1095 = arith.constant 6 : i32
    %shift_left3A_1096 = vector.broadcast %shift_left3A_1095 : i32 to vector<16xi32>
    %shift_left3A_1097 = arith.shli %shift_right_arithmetic3A_1094, %shift_left3A_1096 : vector<16xi32>
    %and3A_1098 = arith.constant 7 : i32
    %and3A_1099 = vector.broadcast %and3A_1098 : i32 to vector<16xi32>
    %and3A_1100 = arith.andi %get3A_1091, %and3A_1099 : vector<16xi32>
    %add3A_1101 = arith.addi %shift_left3A_1097, %and3A_1100 : vector<16xi32>
    %add3A_1102 = arith.constant 16 : i32
    %add3A_1103 = arith.addi %mul3A_46, %add3A_1102 : i32
    %get3A_1104 = arith.constant 1 : i32
    %get3A_1105 = arith.index_cast %get3A_1104 : i32 to index
    %get3A_1106 = arith.index_cast %add3A_1103 : i32 to index
    %get3A_1107 = tpu.vector_load %arg6[%get3A_1105, %get3A_1106] {strides = array<i32>} : memref<16x128xi32, #tpu.memory_space<vmem>>, vector<1x16xi32>,
    %get3A_1108 = vector.shape_cast %get3A_1107 : vector<1x16xi32> to vector<16xi32>
    %shift_right_arithmetic3A_1109 = arith.constant 3 : i32
    %shift_right_arithmetic3A_1110 = vector.broadcast %shift_right_arithmetic3A_1109 : i32 to vector<16xi32>
    %shift_right_arithmetic3A_1111 = arith.shrsi %get3A_1108, %shift_right_arithmetic3A_1110 : vector<16xi32>
    %shift_left3A_1112 = arith.constant 6 : i32
    %shift_left3A_1113 = vector.broadcast %shift_left3A_1112 : i32 to vector<16xi32>
    %shift_left3A_1114 = arith.shli %shift_right_arithmetic3A_1111, %shift_left3A_1113 : vector<16xi32>
    %and3A_1115 = arith.constant 7 : i32
    %and3A_1116 = vector.broadcast %and3A_1115 : i32 to vector<16xi32>
    %and3A_1117 = arith.andi %get3A_1108, %and3A_1116 : vector<16xi32>
    %add3A_1118 = arith.addi %shift_left3A_1114, %and3A_1117 : vector<16xi32>
    %add3A_1119 = arith.constant 16 : i32
    %add3A_1120 = arith.addi %mul3A_46, %add3A_1119 : i32
    %get3A_1121 = arith.constant 2 : i32
    %get3A_1122 = arith.index_cast %get3A_1121 : i32 to index
    %get3A_1123 = arith.index_cast %add3A_1120 : i32 to index
    %get3A_1124 = tpu.vector_load %arg6[%get3A_1122, %get3A_1123] {strides = array<i32>} : memref<16x128xi32, #tpu.memory_space<vmem>>, vector<1x16xi32>,
    %get3A_1125 = vector.shape_cast %get3A_1124 : vector<1x16xi32> to vector<16xi32>
    %shift_right_arithmetic3A_1126 = arith.constant 3 : i32
    %shift_right_arithmetic3A_1127 = vector.broadcast %shift_right_arithmetic3A_1126 : i32 to vector<16xi32>
    %shift_right_arithmetic3A_1128 = arith.shrsi %get3A_1125, %shift_right_arithmetic3A_1127 : vector<16xi32>
    %shift_left3A_1129 = arith.constant 6 : i32
    %shift_left3A_1130 = vector.broadcast %shift_left3A_1129 : i32 to vector<16xi32>
    %shift_left3A_1131 = arith.shli %shift_right_arithmetic3A_1128, %shift_left3A_1130 : vector<16xi32>
    %and3A_1132 = arith.constant 7 : i32
    %and3A_1133 = vector.broadcast %and3A_1132 : i32 to vector<16xi32>
    %and3A_1134 = arith.andi %get3A_1125, %and3A_1133 : vector<16xi32>
    %add3A_1135 = arith.addi %shift_left3A_1131, %and3A_1134 : vector<16xi32>
    %add3A_1136 = arith.constant 16 : i32
    %add3A_1137 = arith.addi %mul3A_46, %add3A_1136 : i32
    %get3A_1138 = arith.constant 3 : i32
    %get3A_1139 = arith.index_cast %get3A_1138 : i32 to index
    %get3A_1140 = arith.index_cast %add3A_1137 : i32 to index
    %get3A_1141 = tpu.vector_load %arg6[%get3A_1139, %get3A_1140] {strides = array<i32>} : memref<16x128xi32, #tpu.memory_space<vmem>>, vector<1x16xi32>,
    %get3A_1142 = vector.shape_cast %get3A_1141 : vector<1x16xi32> to vector<16xi32>
    %shift_right_arithmetic3A_1143 = arith.constant 3 : i32
    %shift_right_arithmetic3A_1144 = vector.broadcast %shift_right_arithmetic3A_1143 : i32 to vector<16xi32>
    %shift_right_arithmetic3A_1145 = arith.shrsi %get3A_1142, %shift_right_arithmetic3A_1144 : vector<16xi32>
    %shift_left3A_1146 = arith.constant 6 : i32
    %shift_left3A_1147 = vector.broadcast %shift_left3A_1146 : i32 to vector<16xi32>
    %shift_left3A_1148 = arith.shli %shift_right_arithmetic3A_1145, %shift_left3A_1147 : vector<16xi32>
    %and3A_1149 = arith.constant 7 : i32
    %and3A_1150 = vector.broadcast %and3A_1149 : i32 to vector<16xi32>
    %and3A_1151 = arith.andi %get3A_1142, %and3A_1150 : vector<16xi32>
    %add3A_1152 = arith.addi %shift_left3A_1148, %and3A_1151 : vector<16xi32>
    %slice3A_1153 = vector.extract_strided_slice %add3A_1101 {offsets = [0], sizes = [1], strides = [1]} : vector<16xi32> to vector<1xi32>
    %squeeze3A_1154 = vector.extract %slice3A_1153[0] : i32 from vector<1xi32>
    %slice3A_1155 = vector.extract_strided_slice %add3A_1118 {offsets = [0], sizes = [1], strides = [1]} : vector<16xi32> to vector<1xi32>
    %squeeze3A_1156 = vector.extract %slice3A_1155[0] : i32 from vector<1xi32>
    %broadcast_in_dim3A_1157 = vector.broadcast %squeeze3A_1154 : i32 to vector<16xi32>
    %broadcast_in_dim3A_1158 = vector.broadcast %squeeze3A_1156 : i32 to vector<16xi32>
    %select_n3A_1159 = arith.select %eq3A_56, %broadcast_in_dim3A_1157, %broadcast_in_dim3A_1158 : vector<16xi1>, vector<16xi32>
    %slice3A_1160 = vector.extract_strided_slice %add3A_1135 {offsets = [0], sizes = [1], strides = [1]} : vector<16xi32> to vector<1xi32>
    %squeeze3A_1161 = vector.extract %slice3A_1160[0] : i32 from vector<1xi32>
    %slice3A_1162 = vector.extract_strided_slice %add3A_1152 {offsets = [0], sizes = [1], strides = [1]} : vector<16xi32> to vector<1xi32>
    %squeeze3A_1163 = vector.extract %slice3A_1162[0] : i32 from vector<1xi32>
    %broadcast_in_dim3A_1164 = vector.broadcast %squeeze3A_1161 : i32 to vector<16xi32>
    %broadcast_in_dim3A_1165 = vector.broadcast %squeeze3A_1163 : i32 to vector<16xi32>
    %select_n3A_1166 = arith.select %eq3A_56, %broadcast_in_dim3A_1164, %broadcast_in_dim3A_1165 : vector<16xi1>, vector<16xi32>
    %select_n3A_1167 = arith.select %eq3A_62, %select_n3A_1159, %select_n3A_1166 : vector<16xi1>, vector<16xi32>
    %mul3A_1168 = arith.constant 8 : i32
    %mul3A_1169 = vector.broadcast %mul3A_1168 : i32 to vector<16xi32>
    %mul3A_1170 = arith.muli %shift_right_arithmetic3A_64, %mul3A_1169 : vector<16xi32>
    %add3A_1171 = arith.addi %select_n3A_1167, %mul3A_1170 : vector<16xi32>
    %swap3A_1172 = arith.constant 0 : index
    %swap3A_1173 = tpu.vector_load %arg18[%swap3A_1172] {strides = array<i32>} : memref<128xi32, #tpu.memory_space<vmem>>, vector<16xi32>,
    %swap3A_1174 = vector.shape_cast %swap3A_1173 : vector<16xi32> to vector<16xi32>
    %swap3A_1175 = vector.shape_cast %add3A_1171 : vector<16xi32> to vector<16xi32>
    tpu.vector_store %arg18[%swap3A_1172], %swap3A_1175 {strides = array<i32>} : memref<128xi32, #tpu.memory_space<vmem>>, vector<16xi32>,
    %slice3A_1176 = vector.extract_strided_slice %add3A_1101 {offsets = [0], sizes = [1], strides = [1]} : vector<16xi32> to vector<1xi32>
    %squeeze3A_1177 = vector.extract %slice3A_1176[0] : i32 from vector<1xi32>
    %slice3A_1178 = vector.extract_strided_slice %add3A_1118 {offsets = [0], sizes = [1], strides = [1]} : vector<16xi32> to vector<1xi32>
    %squeeze3A_1179 = vector.extract %slice3A_1178[0] : i32 from vector<1xi32>
    %broadcast_in_dim3A_1180 = vector.broadcast %squeeze3A_1177 : i32 to vector<16xi32>
    %broadcast_in_dim3A_1181 = vector.broadcast %squeeze3A_1179 : i32 to vector<16xi32>
    %select_n3A_1182 = arith.select %eq3A_56, %broadcast_in_dim3A_1180, %broadcast_in_dim3A_1181 : vector<16xi1>, vector<16xi32>
    %slice3A_1183 = vector.extract_strided_slice %add3A_1135 {offsets = [0], sizes = [1], strides = [1]} : vector<16xi32> to vector<1xi32>
    %squeeze3A_1184 = vector.extract %slice3A_1183[0] : i32 from vector<1xi32>
    %slice3A_1185 = vector.extract_strided_slice %add3A_1152 {offsets = [0], sizes = [1], strides = [1]} : vector<16xi32> to vector<1xi32>
    %squeeze3A_1186 = vector.extract %slice3A_1185[0] : i32 from vector<1xi32>
    %broadcast_in_dim3A_1187 = vector.broadcast %squeeze3A_1184 : i32 to vector<16xi32>
    %broadcast_in_dim3A_1188 = vector.broadcast %squeeze3A_1186 : i32 to vector<16xi32>
    %select_n3A_1189 = arith.select %eq3A_56, %broadcast_in_dim3A_1187, %broadcast_in_dim3A_1188 : vector<16xi1>, vector<16xi32>
    %select_n3A_1190 = arith.select %eq3A_62, %select_n3A_1182, %select_n3A_1189 : vector<16xi1>, vector<16xi32>
    %mul3A_1191 = arith.constant 8 : i32
    %mul3A_1192 = vector.broadcast %mul3A_1191 : i32 to vector<16xi32>
    %mul3A_1193 = arith.muli %shift_right_arithmetic3A_70, %mul3A_1192 : vector<16xi32>
    %add3A_1194 = arith.addi %select_n3A_1190, %mul3A_1193 : vector<16xi32>
    %swap3A_1195 = arith.constant 16 : index
    %swap3A_1196 = tpu.vector_load %arg18[%swap3A_1195] {strides = array<i32>} : memref<128xi32, #tpu.memory_space<vmem>>, vector<16xi32>,
    %swap3A_1197 = vector.shape_cast %swap3A_1196 : vector<16xi32> to vector<16xi32>
    %swap3A_1198 = vector.shape_cast %add3A_1194 : vector<16xi32> to vector<16xi32>
    tpu.vector_store %arg18[%swap3A_1195], %swap3A_1198 {strides = array<i32>} : memref<128xi32, #tpu.memory_space<vmem>>, vector<16xi32>,
    %slice3A_1199 = vector.extract_strided_slice %add3A_1101 {offsets = [1], sizes = [1], strides = [1]} : vector<16xi32> to vector<1xi32>
    %squeeze3A_1200 = vector.extract %slice3A_1199[0] : i32 from vector<1xi32>
    %slice3A_1201 = vector.extract_strided_slice %add3A_1118 {offsets = [1], sizes = [1], strides = [1]} : vector<16xi32> to vector<1xi32>
    %squeeze3A_1202 = vector.extract %slice3A_1201[0] : i32 from vector<1xi32>
    %broadcast_in_dim3A_1203 = vector.broadcast %squeeze3A_1200 : i32 to vector<16xi32>
    %broadcast_in_dim3A_1204 = vector.broadcast %squeeze3A_1202 : i32 to vector<16xi32>
    %select_n3A_1205 = arith.select %eq3A_56, %broadcast_in_dim3A_1203, %broadcast_in_dim3A_1204 : vector<16xi1>, vector<16xi32>
    %slice3A_1206 = vector.extract_strided_slice %add3A_1135 {offsets = [1], sizes = [1], strides = [1]} : vector<16xi32> to vector<1xi32>
    %squeeze3A_1207 = vector.extract %slice3A_1206[0] : i32 from vector<1xi32>
    %slice3A_1208 = vector.extract_strided_slice %add3A_1152 {offsets = [1], sizes = [1], strides = [1]} : vector<16xi32> to vector<1xi32>
    %squeeze3A_1209 = vector.extract %slice3A_1208[0] : i32 from vector<1xi32>
    %broadcast_in_dim3A_1210 = vector.broadcast %squeeze3A_1207 : i32 to vector<16xi32>
    %broadcast_in_dim3A_1211 = vector.broadcast %squeeze3A_1209 : i32 to vector<16xi32>
    %select_n3A_1212 = arith.select %eq3A_56, %broadcast_in_dim3A_1210, %broadcast_in_dim3A_1211 : vector<16xi1>, vector<16xi32>
    %select_n3A_1213 = arith.select %eq3A_62, %select_n3A_1205, %select_n3A_1212 : vector<16xi1>, vector<16xi32>
    %mul3A_1214 = arith.constant 8 : i32
    %mul3A_1215 = vector.broadcast %mul3A_1214 : i32 to vector<16xi32>
    %mul3A_1216 = arith.muli %shift_right_arithmetic3A_64, %mul3A_1215 : vector<16xi32>
    %add3A_1217 = arith.addi %select_n3A_1213, %mul3A_1216 : vector<16xi32>
    %swap3A_1218 = arith.constant 32 : index
    %swap3A_1219 = tpu.vector_load %arg18[%swap3A_1218] {strides = array<i32>} : memref<128xi32, #tpu.memory_space<vmem>>, vector<16xi32>,
    %swap3A_1220 = vector.shape_cast %swap3A_1219 : vector<16xi32> to vector<16xi32>
    %swap3A_1221 = vector.shape_cast %add3A_1217 : vector<16xi32> to vector<16xi32>
    tpu.vector_store %arg18[%swap3A_1218], %swap3A_1221 {strides = array<i32>} : memref<128xi32, #tpu.memory_space<vmem>>, vector<16xi32>,
    %slice3A_1222 = vector.extract_strided_slice %add3A_1101 {offsets = [1], sizes = [1], strides = [1]} : vector<16xi32> to vector<1xi32>
    %squeeze3A_1223 = vector.extract %slice3A_1222[0] : i32 from vector<1xi32>
    %slice3A_1224 = vector.extract_strided_slice %add3A_1118 {offsets = [1], sizes = [1], strides = [1]} : vector<16xi32> to vector<1xi32>
    %squeeze3A_1225 = vector.extract %slice3A_1224[0] : i32 from vector<1xi32>
    %broadcast_in_dim3A_1226 = vector.broadcast %squeeze3A_1223 : i32 to vector<16xi32>
    %broadcast_in_dim3A_1227 = vector.broadcast %squeeze3A_1225 : i32 to vector<16xi32>
    %select_n3A_1228 = arith.select %eq3A_56, %broadcast_in_dim3A_1226, %broadcast_in_dim3A_1227 : vector<16xi1>, vector<16xi32>
    %slice3A_1229 = vector.extract_strided_slice %add3A_1135 {offsets = [1], sizes = [1], strides = [1]} : vector<16xi32> to vector<1xi32>
    %squeeze3A_1230 = vector.extract %slice3A_1229[0] : i32 from vector<1xi32>
    %slice3A_1231 = vector.extract_strided_slice %add3A_1152 {offsets = [1], sizes = [1], strides = [1]} : vector<16xi32> to vector<1xi32>
    %squeeze3A_1232 = vector.extract %slice3A_1231[0] : i32 from vector<1xi32>
    %broadcast_in_dim3A_1233 = vector.broadcast %squeeze3A_1230 : i32 to vector<16xi32>
    %broadcast_in_dim3A_1234 = vector.broadcast %squeeze3A_1232 : i32 to vector<16xi32>
    %select_n3A_1235 = arith.select %eq3A_56, %broadcast_in_dim3A_1233, %broadcast_in_dim3A_1234 : vector<16xi1>, vector<16xi32>
    %select_n3A_1236 = arith.select %eq3A_62, %select_n3A_1228, %select_n3A_1235 : vector<16xi1>, vector<16xi32>
    %mul3A_1237 = arith.constant 8 : i32
    %mul3A_1238 = vector.broadcast %mul3A_1237 : i32 to vector<16xi32>
    %mul3A_1239 = arith.muli %shift_right_arithmetic3A_70, %mul3A_1238 : vector<16xi32>
    %add3A_1240 = arith.addi %select_n3A_1236, %mul3A_1239 : vector<16xi32>
    %swap3A_1241 = arith.constant 48 : index
    %swap3A_1242 = tpu.vector_load %arg18[%swap3A_1241] {strides = array<i32>} : memref<128xi32, #tpu.memory_space<vmem>>, vector<16xi32>,
    %swap3A_1243 = vector.shape_cast %swap3A_1242 : vector<16xi32> to vector<16xi32>
    %swap3A_1244 = vector.shape_cast %add3A_1240 : vector<16xi32> to vector<16xi32>
    tpu.vector_store %arg18[%swap3A_1241], %swap3A_1244 {strides = array<i32>} : memref<128xi32, #tpu.memory_space<vmem>>, vector<16xi32>,
    %slice3A_1245 = vector.extract_strided_slice %add3A_1101 {offsets = [2], sizes = [1], strides = [1]} : vector<16xi32> to vector<1xi32>
    %squeeze3A_1246 = vector.extract %slice3A_1245[0] : i32 from vector<1xi32>
    %slice3A_1247 = vector.extract_strided_slice %add3A_1118 {offsets = [2], sizes = [1], strides = [1]} : vector<16xi32> to vector<1xi32>
    %squeeze3A_1248 = vector.extract %slice3A_1247[0] : i32 from vector<1xi32>
    %broadcast_in_dim3A_1249 = vector.broadcast %squeeze3A_1246 : i32 to vector<16xi32>
    %broadcast_in_dim3A_1250 = vector.broadcast %squeeze3A_1248 : i32 to vector<16xi32>
    %select_n3A_1251 = arith.select %eq3A_56, %broadcast_in_dim3A_1249, %broadcast_in_dim3A_1250 : vector<16xi1>, vector<16xi32>
    %slice3A_1252 = vector.extract_strided_slice %add3A_1135 {offsets = [2], sizes = [1], strides = [1]} : vector<16xi32> to vector<1xi32>
    %squeeze3A_1253 = vector.extract %slice3A_1252[0] : i32 from vector<1xi32>
    %slice3A_1254 = vector.extract_strided_slice %add3A_1152 {offsets = [2], sizes = [1], strides = [1]} : vector<16xi32> to vector<1xi32>
    %squeeze3A_1255 = vector.extract %slice3A_1254[0] : i32 from vector<1xi32>
    %broadcast_in_dim3A_1256 = vector.broadcast %squeeze3A_1253 : i32 to vector<16xi32>
    %broadcast_in_dim3A_1257 = vector.broadcast %squeeze3A_1255 : i32 to vector<16xi32>
    %select_n3A_1258 = arith.select %eq3A_56, %broadcast_in_dim3A_1256, %broadcast_in_dim3A_1257 : vector<16xi1>, vector<16xi32>
    %select_n3A_1259 = arith.select %eq3A_62, %select_n3A_1251, %select_n3A_1258 : vector<16xi1>, vector<16xi32>
    %mul3A_1260 = arith.constant 8 : i32
    %mul3A_1261 = vector.broadcast %mul3A_1260 : i32 to vector<16xi32>
    %mul3A_1262 = arith.muli %shift_right_arithmetic3A_64, %mul3A_1261 : vector<16xi32>
    %add3A_1263 = arith.addi %select_n3A_1259, %mul3A_1262 : vector<16xi32>
    %swap3A_1264 = arith.constant 64 : index
    %swap3A_1265 = tpu.vector_load %arg18[%swap3A_1264] {strides = array<i32>} : memref<128xi32, #tpu.memory_space<vmem>>, vector<16xi32>,
    %swap3A_1266 = vector.shape_cast %swap3A_1265 : vector<16xi32> to vector<16xi32>
    %swap3A_1267 = vector.shape_cast %add3A_1263 : vector<16xi32> to vector<16xi32>
    tpu.vector_store %arg18[%swap3A_1264], %swap3A_1267 {strides = array<i32>} : memref<128xi32, #tpu.memory_space<vmem>>, vector<16xi32>,
    %slice3A_1268 = vector.extract_strided_slice %add3A_1101 {offsets = [2], sizes = [1], strides = [1]} : vector<16xi32> to vector<1xi32>
    %squeeze3A_1269 = vector.extract %slice3A_1268[0] : i32 from vector<1xi32>
    %slice3A_1270 = vector.extract_strided_slice %add3A_1118 {offsets = [2], sizes = [1], strides = [1]} : vector<16xi32> to vector<1xi32>
    %squeeze3A_1271 = vector.extract %slice3A_1270[0] : i32 from vector<1xi32>
    %broadcast_in_dim3A_1272 = vector.broadcast %squeeze3A_1269 : i32 to vector<16xi32>
    %broadcast_in_dim3A_1273 = vector.broadcast %squeeze3A_1271 : i32 to vector<16xi32>
    %select_n3A_1274 = arith.select %eq3A_56, %broadcast_in_dim3A_1272, %broadcast_in_dim3A_1273 : vector<16xi1>, vector<16xi32>
    %slice3A_1275 = vector.extract_strided_slice %add3A_1135 {offsets = [2], sizes = [1], strides = [1]} : vector<16xi32> to vector<1xi32>
    %squeeze3A_1276 = vector.extract %slice3A_1275[0] : i32 from vector<1xi32>
    %slice3A_1277 = vector.extract_strided_slice %add3A_1152 {offsets = [2], sizes = [1], strides = [1]} : vector<16xi32> to vector<1xi32>
    %squeeze3A_1278 = vector.extract %slice3A_1277[0] : i32 from vector<1xi32>
    %broadcast_in_dim3A_1279 = vector.broadcast %squeeze3A_1276 : i32 to vector<16xi32>
    %broadcast_in_dim3A_1280 = vector.broadcast %squeeze3A_1278 : i32 to vector<16xi32>
    %select_n3A_1281 = arith.select %eq3A_56, %broadcast_in_dim3A_1279, %broadcast_in_dim3A_1280 : vector<16xi1>, vector<16xi32>
    %select_n3A_1282 = arith.select %eq3A_62, %select_n3A_1274, %select_n3A_1281 : vector<16xi1>, vector<16xi32>
    %mul3A_1283 = arith.constant 8 : i32
    %mul3A_1284 = vector.broadcast %mul3A_1283 : i32 to vector<16xi32>
    %mul3A_1285 = arith.muli %shift_right_arithmetic3A_70, %mul3A_1284 : vector<16xi32>
    %add3A_1286 = arith.addi %select_n3A_1282, %mul3A_1285 : vector<16xi32>
    %swap3A_1287 = arith.constant 80 : index
    %swap3A_1288 = tpu.vector_load %arg18[%swap3A_1287] {strides = array<i32>} : memref<128xi32, #tpu.memory_space<vmem>>, vector<16xi32>,
    %swap3A_1289 = vector.shape_cast %swap3A_1288 : vector<16xi32> to vector<16xi32>
    %swap3A_1290 = vector.shape_cast %add3A_1286 : vector<16xi32> to vector<16xi32>
    tpu.vector_store %arg18[%swap3A_1287], %swap3A_1290 {strides = array<i32>} : memref<128xi32, #tpu.memory_space<vmem>>, vector<16xi32>,
    %slice3A_1291 = vector.extract_strided_slice %add3A_1101 {offsets = [3], sizes = [1], strides = [1]} : vector<16xi32> to vector<1xi32>
    %squeeze3A_1292 = vector.extract %slice3A_1291[0] : i32 from vector<1xi32>
    %slice3A_1293 = vector.extract_strided_slice %add3A_1118 {offsets = [3], sizes = [1], strides = [1]} : vector<16xi32> to vector<1xi32>
    %squeeze3A_1294 = vector.extract %slice3A_1293[0] : i32 from vector<1xi32>
    %broadcast_in_dim3A_1295 = vector.broadcast %squeeze3A_1292 : i32 to vector<16xi32>
    %broadcast_in_dim3A_1296 = vector.broadcast %squeeze3A_1294 : i32 to vector<16xi32>
    %select_n3A_1297 = arith.select %eq3A_56, %broadcast_in_dim3A_1295, %broadcast_in_dim3A_1296 : vector<16xi1>, vector<16xi32>
    %slice3A_1298 = vector.extract_strided_slice %add3A_1135 {offsets = [3], sizes = [1], strides = [1]} : vector<16xi32> to vector<1xi32>
    %squeeze3A_1299 = vector.extract %slice3A_1298[0] : i32 from vector<1xi32>
    %slice3A_1300 = vector.extract_strided_slice %add3A_1152 {offsets = [3], sizes = [1], strides = [1]} : vector<16xi32> to vector<1xi32>
    %squeeze3A_1301 = vector.extract %slice3A_1300[0] : i32 from vector<1xi32>
    %broadcast_in_dim3A_1302 = vector.broadcast %squeeze3A_1299 : i32 to vector<16xi32>
    %broadcast_in_dim3A_1303 = vector.broadcast %squeeze3A_1301 : i32 to vector<16xi32>
    %select_n3A_1304 = arith.select %eq3A_56, %broadcast_in_dim3A_1302, %broadcast_in_dim3A_1303 : vector<16xi1>, vector<16xi32>
    %select_n3A_1305 = arith.select %eq3A_62, %select_n3A_1297, %select_n3A_1304 : vector<16xi1>, vector<16xi32>
    %mul3A_1306 = arith.constant 8 : i32
    %mul3A_1307 = vector.broadcast %mul3A_1306 : i32 to vector<16xi32>
    %mul3A_1308 = arith.muli %shift_right_arithmetic3A_64, %mul3A_1307 : vector<16xi32>
    %add3A_1309 = arith.addi %select_n3A_1305, %mul3A_1308 : vector<16xi32>
    %swap3A_1310 = arith.constant 96 : index
    %swap3A_1311 = tpu.vector_load %arg18[%swap3A_1310] {strides = array<i32>} : memref<128xi32, #tpu.memory_space<vmem>>, vector<16xi32>,
    %swap3A_1312 = vector.shape_cast %swap3A_1311 : vector<16xi32> to vector<16xi32>
    %swap3A_1313 = vector.shape_cast %add3A_1309 : vector<16xi32> to vector<16xi32>
    tpu.vector_store %arg18[%swap3A_1310], %swap3A_1313 {strides = array<i32>} : memref<128xi32, #tpu.memory_space<vmem>>, vector<16xi32>,
    %slice3A_1314 = vector.extract_strided_slice %add3A_1101 {offsets = [3], sizes = [1], strides = [1]} : vector<16xi32> to vector<1xi32>
    %squeeze3A_1315 = vector.extract %slice3A_1314[0] : i32 from vector<1xi32>
    %slice3A_1316 = vector.extract_strided_slice %add3A_1118 {offsets = [3], sizes = [1], strides = [1]} : vector<16xi32> to vector<1xi32>
    %squeeze3A_1317 = vector.extract %slice3A_1316[0] : i32 from vector<1xi32>
    %broadcast_in_dim3A_1318 = vector.broadcast %squeeze3A_1315 : i32 to vector<16xi32>
    %broadcast_in_dim3A_1319 = vector.broadcast %squeeze3A_1317 : i32 to vector<16xi32>
    %select_n3A_1320 = arith.select %eq3A_56, %broadcast_in_dim3A_1318, %broadcast_in_dim3A_1319 : vector<16xi1>, vector<16xi32>
    %slice3A_1321 = vector.extract_strided_slice %add3A_1135 {offsets = [3], sizes = [1], strides = [1]} : vector<16xi32> to vector<1xi32>
    %squeeze3A_1322 = vector.extract %slice3A_1321[0] : i32 from vector<1xi32>
    %slice3A_1323 = vector.extract_strided_slice %add3A_1152 {offsets = [3], sizes = [1], strides = [1]} : vector<16xi32> to vector<1xi32>
    %squeeze3A_1324 = vector.extract %slice3A_1323[0] : i32 from vector<1xi32>
    %broadcast_in_dim3A_1325 = vector.broadcast %squeeze3A_1322 : i32 to vector<16xi32>
    %broadcast_in_dim3A_1326 = vector.broadcast %squeeze3A_1324 : i32 to vector<16xi32>
    %select_n3A_1327 = arith.select %eq3A_56, %broadcast_in_dim3A_1325, %broadcast_in_dim3A_1326 : vector<16xi1>, vector<16xi32>
    %select_n3A_1328 = arith.select %eq3A_62, %select_n3A_1320, %select_n3A_1327 : vector<16xi1>, vector<16xi32>
    %mul3A_1329 = arith.constant 8 : i32
    %mul3A_1330 = vector.broadcast %mul3A_1329 : i32 to vector<16xi32>
    %mul3A_1331 = arith.muli %shift_right_arithmetic3A_70, %mul3A_1330 : vector<16xi32>
    %add3A_1332 = arith.addi %select_n3A_1328, %mul3A_1331 : vector<16xi32>
    %swap3A_1333 = arith.constant 112 : index
    %swap3A_1334 = tpu.vector_load %arg18[%swap3A_1333] {strides = array<i32>} : memref<128xi32, #tpu.memory_space<vmem>>, vector<16xi32>,
    %swap3A_1335 = vector.shape_cast %swap3A_1334 : vector<16xi32> to vector<16xi32>
    %swap3A_1336 = vector.shape_cast %add3A_1332 : vector<16xi32> to vector<16xi32>
    tpu.vector_store %arg18[%swap3A_1333], %swap3A_1336 {strides = array<i32>} : memref<128xi32, #tpu.memory_space<vmem>>, vector<16xi32>,
    %dma_start3A_1337 = arith.constant 0 : i32
    %dma_start3A_1338 = arith.constant 0 : i32
    %dma_start3A_1339 = tpu.memref_slice %arg3[%dma_start3A_1337, %dma_start3A_1338] : memref<800000x128xf32, #tpu.memory_space<hbm>> -> memref<800000x128xf32, #tpu.memory_space<hbm>>
    tpu.enqueue_indirect_dma source(%dma_start3A_1339 : memref<800000x128xf32, #tpu.memory_space<hbm>>) target(%arg11 : memref<128x128xf32, #tpu.memory_space<vmem>>) offsets(%arg18 : memref<128xi32, #tpu.memory_space<vmem>>) semaphore(%arg25 : memref<!tpu.dma_semaphore, #tpu.memory_space<semaphore_mem>>)
    %add3A_1340 = arith.constant 16 : i32
    %add3A_1341 = arith.addi %mul3A_46, %add3A_1340 : i32
    %get3A_1342 = arith.constant 0 : i32
    %get3A_1343 = arith.index_cast %get3A_1342 : i32 to index
    %get3A_1344 = arith.index_cast %add3A_1341 : i32 to index
    %get3A_1345 = tpu.vector_load %arg6[%get3A_1343, %get3A_1344] {strides = array<i32>} : memref<16x128xi32, #tpu.memory_space<vmem>>, vector<1x16xi32>,
    %get3A_1346 = vector.shape_cast %get3A_1345 : vector<1x16xi32> to vector<16xi32>
    %shift_right_arithmetic3A_1347 = arith.constant 3 : i32
    %shift_right_arithmetic3A_1348 = vector.broadcast %shift_right_arithmetic3A_1347 : i32 to vector<16xi32>
    %shift_right_arithmetic3A_1349 = arith.shrsi %get3A_1346, %shift_right_arithmetic3A_1348 : vector<16xi32>
    %shift_left3A_1350 = arith.constant 6 : i32
    %shift_left3A_1351 = vector.broadcast %shift_left3A_1350 : i32 to vector<16xi32>
    %shift_left3A_1352 = arith.shli %shift_right_arithmetic3A_1349, %shift_left3A_1351 : vector<16xi32>
    %and3A_1353 = arith.constant 7 : i32
    %and3A_1354 = vector.broadcast %and3A_1353 : i32 to vector<16xi32>
    %and3A_1355 = arith.andi %get3A_1346, %and3A_1354 : vector<16xi32>
    %add3A_1356 = arith.addi %shift_left3A_1352, %and3A_1355 : vector<16xi32>
    %add3A_1357 = arith.constant 16 : i32
    %add3A_1358 = arith.addi %mul3A_46, %add3A_1357 : i32
    %get3A_1359 = arith.constant 1 : i32
    %get3A_1360 = arith.index_cast %get3A_1359 : i32 to index
    %get3A_1361 = arith.index_cast %add3A_1358 : i32 to index
    %get3A_1362 = tpu.vector_load %arg6[%get3A_1360, %get3A_1361] {strides = array<i32>} : memref<16x128xi32, #tpu.memory_space<vmem>>, vector<1x16xi32>,
    %get3A_1363 = vector.shape_cast %get3A_1362 : vector<1x16xi32> to vector<16xi32>
    %shift_right_arithmetic3A_1364 = arith.constant 3 : i32
    %shift_right_arithmetic3A_1365 = vector.broadcast %shift_right_arithmetic3A_1364 : i32 to vector<16xi32>
    %shift_right_arithmetic3A_1366 = arith.shrsi %get3A_1363, %shift_right_arithmetic3A_1365 : vector<16xi32>
    %shift_left3A_1367 = arith.constant 6 : i32
    %shift_left3A_1368 = vector.broadcast %shift_left3A_1367 : i32 to vector<16xi32>
    %shift_left3A_1369 = arith.shli %shift_right_arithmetic3A_1366, %shift_left3A_1368 : vector<16xi32>
    %and3A_1370 = arith.constant 7 : i32
    %and3A_1371 = vector.broadcast %and3A_1370 : i32 to vector<16xi32>
    %and3A_1372 = arith.andi %get3A_1363, %and3A_1371 : vector<16xi32>
    %add3A_1373 = arith.addi %shift_left3A_1369, %and3A_1372 : vector<16xi32>
    %add3A_1374 = arith.constant 16 : i32
    %add3A_1375 = arith.addi %mul3A_46, %add3A_1374 : i32
    %get3A_1376 = arith.constant 2 : i32
    %get3A_1377 = arith.index_cast %get3A_1376 : i32 to index
    %get3A_1378 = arith.index_cast %add3A_1375 : i32 to index
    %get3A_1379 = tpu.vector_load %arg6[%get3A_1377, %get3A_1378] {strides = array<i32>} : memref<16x128xi32, #tpu.memory_space<vmem>>, vector<1x16xi32>,
    %get3A_1380 = vector.shape_cast %get3A_1379 : vector<1x16xi32> to vector<16xi32>
    %shift_right_arithmetic3A_1381 = arith.constant 3 : i32
    %shift_right_arithmetic3A_1382 = vector.broadcast %shift_right_arithmetic3A_1381 : i32 to vector<16xi32>
    %shift_right_arithmetic3A_1383 = arith.shrsi %get3A_1380, %shift_right_arithmetic3A_1382 : vector<16xi32>
    %shift_left3A_1384 = arith.constant 6 : i32
    %shift_left3A_1385 = vector.broadcast %shift_left3A_1384 : i32 to vector<16xi32>
    %shift_left3A_1386 = arith.shli %shift_right_arithmetic3A_1383, %shift_left3A_1385 : vector<16xi32>
    %and3A_1387 = arith.constant 7 : i32
    %and3A_1388 = vector.broadcast %and3A_1387 : i32 to vector<16xi32>
    %and3A_1389 = arith.andi %get3A_1380, %and3A_1388 : vector<16xi32>
    %add3A_1390 = arith.addi %shift_left3A_1386, %and3A_1389 : vector<16xi32>
    %add3A_1391 = arith.constant 16 : i32
    %add3A_1392 = arith.addi %mul3A_46, %add3A_1391 : i32
    %get3A_1393 = arith.constant 3 : i32
    %get3A_1394 = arith.index_cast %get3A_1393 : i32 to index
    %get3A_1395 = arith.index_cast %add3A_1392 : i32 to index
    %get3A_1396 = tpu.vector_load %arg6[%get3A_1394, %get3A_1395] {strides = array<i32>} : memref<16x128xi32, #tpu.memory_space<vmem>>, vector<1x16xi32>,
    %get3A_1397 = vector.shape_cast %get3A_1396 : vector<1x16xi32> to vector<16xi32>
    %shift_right_arithmetic3A_1398 = arith.constant 3 : i32
    %shift_right_arithmetic3A_1399 = vector.broadcast %shift_right_arithmetic3A_1398 : i32 to vector<16xi32>
    %shift_right_arithmetic3A_1400 = arith.shrsi %get3A_1397, %shift_right_arithmetic3A_1399 : vector<16xi32>
    %shift_left3A_1401 = arith.constant 6 : i32
    %shift_left3A_1402 = vector.broadcast %shift_left3A_1401 : i32 to vector<16xi32>
    %shift_left3A_1403 = arith.shli %shift_right_arithmetic3A_1400, %shift_left3A_1402 : vector<16xi32>
    %and3A_1404 = arith.constant 7 : i32
    %and3A_1405 = vector.broadcast %and3A_1404 : i32 to vector<16xi32>
    %and3A_1406 = arith.andi %get3A_1397, %and3A_1405 : vector<16xi32>
    %add3A_1407 = arith.addi %shift_left3A_1403, %and3A_1406 : vector<16xi32>
    %slice3A_1408 = vector.extract_strided_slice %add3A_1356 {offsets = [4], sizes = [1], strides = [1]} : vector<16xi32> to vector<1xi32>
    %squeeze3A_1409 = vector.extract %slice3A_1408[0] : i32 from vector<1xi32>
    %slice3A_1410 = vector.extract_strided_slice %add3A_1373 {offsets = [4], sizes = [1], strides = [1]} : vector<16xi32> to vector<1xi32>
    %squeeze3A_1411 = vector.extract %slice3A_1410[0] : i32 from vector<1xi32>
    %broadcast_in_dim3A_1412 = vector.broadcast %squeeze3A_1409 : i32 to vector<16xi32>
    %broadcast_in_dim3A_1413 = vector.broadcast %squeeze3A_1411 : i32 to vector<16xi32>
    %select_n3A_1414 = arith.select %eq3A_56, %broadcast_in_dim3A_1412, %broadcast_in_dim3A_1413 : vector<16xi1>, vector<16xi32>
    %slice3A_1415 = vector.extract_strided_slice %add3A_1390 {offsets = [4], sizes = [1], strides = [1]} : vector<16xi32> to vector<1xi32>
    %squeeze3A_1416 = vector.extract %slice3A_1415[0] : i32 from vector<1xi32>
    %slice3A_1417 = vector.extract_strided_slice %add3A_1407 {offsets = [4], sizes = [1], strides = [1]} : vector<16xi32> to vector<1xi32>
    %squeeze3A_1418 = vector.extract %slice3A_1417[0] : i32 from vector<1xi32>
    %broadcast_in_dim3A_1419 = vector.broadcast %squeeze3A_1416 : i32 to vector<16xi32>
    %broadcast_in_dim3A_1420 = vector.broadcast %squeeze3A_1418 : i32 to vector<16xi32>
    %select_n3A_1421 = arith.select %eq3A_56, %broadcast_in_dim3A_1419, %broadcast_in_dim3A_1420 : vector<16xi1>, vector<16xi32>
    %select_n3A_1422 = arith.select %eq3A_62, %select_n3A_1414, %select_n3A_1421 : vector<16xi1>, vector<16xi32>
    %mul3A_1423 = arith.constant 8 : i32
    %mul3A_1424 = vector.broadcast %mul3A_1423 : i32 to vector<16xi32>
    %mul3A_1425 = arith.muli %shift_right_arithmetic3A_64, %mul3A_1424 : vector<16xi32>
    %add3A_1426 = arith.addi %select_n3A_1422, %mul3A_1425 : vector<16xi32>
    %swap3A_1427 = arith.constant 0 : index
    %swap3A_1428 = tpu.vector_load %arg19[%swap3A_1427] {strides = array<i32>} : memref<128xi32, #tpu.memory_space<vmem>>, vector<16xi32>,
    %swap3A_1429 = vector.shape_cast %swap3A_1428 : vector<16xi32> to vector<16xi32>
    %swap3A_1430 = vector.shape_cast %add3A_1426 : vector<16xi32> to vector<16xi32>
    tpu.vector_store %arg19[%swap3A_1427], %swap3A_1430 {strides = array<i32>} : memref<128xi32, #tpu.memory_space<vmem>>, vector<16xi32>,
    %slice3A_1431 = vector.extract_strided_slice %add3A_1356 {offsets = [4], sizes = [1], strides = [1]} : vector<16xi32> to vector<1xi32>
    %squeeze3A_1432 = vector.extract %slice3A_1431[0] : i32 from vector<1xi32>
    %slice3A_1433 = vector.extract_strided_slice %add3A_1373 {offsets = [4], sizes = [1], strides = [1]} : vector<16xi32> to vector<1xi32>
    %squeeze3A_1434 = vector.extract %slice3A_1433[0] : i32 from vector<1xi32>
    %broadcast_in_dim3A_1435 = vector.broadcast %squeeze3A_1432 : i32 to vector<16xi32>
    %broadcast_in_dim3A_1436 = vector.broadcast %squeeze3A_1434 : i32 to vector<16xi32>
    %select_n3A_1437 = arith.select %eq3A_56, %broadcast_in_dim3A_1435, %broadcast_in_dim3A_1436 : vector<16xi1>, vector<16xi32>
    %slice3A_1438 = vector.extract_strided_slice %add3A_1390 {offsets = [4], sizes = [1], strides = [1]} : vector<16xi32> to vector<1xi32>
    %squeeze3A_1439 = vector.extract %slice3A_1438[0] : i32 from vector<1xi32>
    %slice3A_1440 = vector.extract_strided_slice %add3A_1407 {offsets = [4], sizes = [1], strides = [1]} : vector<16xi32> to vector<1xi32>
    %squeeze3A_1441 = vector.extract %slice3A_1440[0] : i32 from vector<1xi32>
    %broadcast_in_dim3A_1442 = vector.broadcast %squeeze3A_1439 : i32 to vector<16xi32>
    %broadcast_in_dim3A_1443 = vector.broadcast %squeeze3A_1441 : i32 to vector<16xi32>
    %select_n3A_1444 = arith.select %eq3A_56, %broadcast_in_dim3A_1442, %broadcast_in_dim3A_1443 : vector<16xi1>, vector<16xi32>
    %select_n3A_1445 = arith.select %eq3A_62, %select_n3A_1437, %select_n3A_1444 : vector<16xi1>, vector<16xi32>
    %mul3A_1446 = arith.constant 8 : i32
    %mul3A_1447 = vector.broadcast %mul3A_1446 : i32 to vector<16xi32>
    %mul3A_1448 = arith.muli %shift_right_arithmetic3A_70, %mul3A_1447 : vector<16xi32>
    %add3A_1449 = arith.addi %select_n3A_1445, %mul3A_1448 : vector<16xi32>
    %swap3A_1450 = arith.constant 16 : index
    %swap3A_1451 = tpu.vector_load %arg19[%swap3A_1450] {strides = array<i32>} : memref<128xi32, #tpu.memory_space<vmem>>, vector<16xi32>,
    %swap3A_1452 = vector.shape_cast %swap3A_1451 : vector<16xi32> to vector<16xi32>
    %swap3A_1453 = vector.shape_cast %add3A_1449 : vector<16xi32> to vector<16xi32>
    tpu.vector_store %arg19[%swap3A_1450], %swap3A_1453 {strides = array<i32>} : memref<128xi32, #tpu.memory_space<vmem>>, vector<16xi32>,
    %slice3A_1454 = vector.extract_strided_slice %add3A_1356 {offsets = [5], sizes = [1], strides = [1]} : vector<16xi32> to vector<1xi32>
    %squeeze3A_1455 = vector.extract %slice3A_1454[0] : i32 from vector<1xi32>
    %slice3A_1456 = vector.extract_strided_slice %add3A_1373 {offsets = [5], sizes = [1], strides = [1]} : vector<16xi32> to vector<1xi32>
    %squeeze3A_1457 = vector.extract %slice3A_1456[0] : i32 from vector<1xi32>
    %broadcast_in_dim3A_1458 = vector.broadcast %squeeze3A_1455 : i32 to vector<16xi32>
    %broadcast_in_dim3A_1459 = vector.broadcast %squeeze3A_1457 : i32 to vector<16xi32>
    %select_n3A_1460 = arith.select %eq3A_56, %broadcast_in_dim3A_1458, %broadcast_in_dim3A_1459 : vector<16xi1>, vector<16xi32>
    %slice3A_1461 = vector.extract_strided_slice %add3A_1390 {offsets = [5], sizes = [1], strides = [1]} : vector<16xi32> to vector<1xi32>
    %squeeze3A_1462 = vector.extract %slice3A_1461[0] : i32 from vector<1xi32>
    %slice3A_1463 = vector.extract_strided_slice %add3A_1407 {offsets = [5], sizes = [1], strides = [1]} : vector<16xi32> to vector<1xi32>
    %squeeze3A_1464 = vector.extract %slice3A_1463[0] : i32 from vector<1xi32>
    %broadcast_in_dim3A_1465 = vector.broadcast %squeeze3A_1462 : i32 to vector<16xi32>
    %broadcast_in_dim3A_1466 = vector.broadcast %squeeze3A_1464 : i32 to vector<16xi32>
    %select_n3A_1467 = arith.select %eq3A_56, %broadcast_in_dim3A_1465, %broadcast_in_dim3A_1466 : vector<16xi1>, vector<16xi32>
    %select_n3A_1468 = arith.select %eq3A_62, %select_n3A_1460, %select_n3A_1467 : vector<16xi1>, vector<16xi32>
    %mul3A_1469 = arith.constant 8 : i32
    %mul3A_1470 = vector.broadcast %mul3A_1469 : i32 to vector<16xi32>
    %mul3A_1471 = arith.muli %shift_right_arithmetic3A_64, %mul3A_1470 : vector<16xi32>
    %add3A_1472 = arith.addi %select_n3A_1468, %mul3A_1471 : vector<16xi32>
    %swap3A_1473 = arith.constant 32 : index
    %swap3A_1474 = tpu.vector_load %arg19[%swap3A_1473] {strides = array<i32>} : memref<128xi32, #tpu.memory_space<vmem>>, vector<16xi32>,
    %swap3A_1475 = vector.shape_cast %swap3A_1474 : vector<16xi32> to vector<16xi32>
    %swap3A_1476 = vector.shape_cast %add3A_1472 : vector<16xi32> to vector<16xi32>
    tpu.vector_store %arg19[%swap3A_1473], %swap3A_1476 {strides = array<i32>} : memref<128xi32, #tpu.memory_space<vmem>>, vector<16xi32>,
    %slice3A_1477 = vector.extract_strided_slice %add3A_1356 {offsets = [5], sizes = [1], strides = [1]} : vector<16xi32> to vector<1xi32>
    %squeeze3A_1478 = vector.extract %slice3A_1477[0] : i32 from vector<1xi32>
    %slice3A_1479 = vector.extract_strided_slice %add3A_1373 {offsets = [5], sizes = [1], strides = [1]} : vector<16xi32> to vector<1xi32>
    %squeeze3A_1480 = vector.extract %slice3A_1479[0] : i32 from vector<1xi32>
    %broadcast_in_dim3A_1481 = vector.broadcast %squeeze3A_1478 : i32 to vector<16xi32>
    %broadcast_in_dim3A_1482 = vector.broadcast %squeeze3A_1480 : i32 to vector<16xi32>
    %select_n3A_1483 = arith.select %eq3A_56, %broadcast_in_dim3A_1481, %broadcast_in_dim3A_1482 : vector<16xi1>, vector<16xi32>
    %slice3A_1484 = vector.extract_strided_slice %add3A_1390 {offsets = [5], sizes = [1], strides = [1]} : vector<16xi32> to vector<1xi32>
    %squeeze3A_1485 = vector.extract %slice3A_1484[0] : i32 from vector<1xi32>
    %slice3A_1486 = vector.extract_strided_slice %add3A_1407 {offsets = [5], sizes = [1], strides = [1]} : vector<16xi32> to vector<1xi32>
    %squeeze3A_1487 = vector.extract %slice3A_1486[0] : i32 from vector<1xi32>
    %broadcast_in_dim3A_1488 = vector.broadcast %squeeze3A_1485 : i32 to vector<16xi32>
    %broadcast_in_dim3A_1489 = vector.broadcast %squeeze3A_1487 : i32 to vector<16xi32>
    %select_n3A_1490 = arith.select %eq3A_56, %broadcast_in_dim3A_1488, %broadcast_in_dim3A_1489 : vector<16xi1>, vector<16xi32>
    %select_n3A_1491 = arith.select %eq3A_62, %select_n3A_1483, %select_n3A_1490 : vector<16xi1>, vector<16xi32>
    %mul3A_1492 = arith.constant 8 : i32
    %mul3A_1493 = vector.broadcast %mul3A_1492 : i32 to vector<16xi32>
    %mul3A_1494 = arith.muli %shift_right_arithmetic3A_70, %mul3A_1493 : vector<16xi32>
    %add3A_1495 = arith.addi %select_n3A_1491, %mul3A_1494 : vector<16xi32>
    %swap3A_1496 = arith.constant 48 : index
    %swap3A_1497 = tpu.vector_load %arg19[%swap3A_1496] {strides = array<i32>} : memref<128xi32, #tpu.memory_space<vmem>>, vector<16xi32>,
    %swap3A_1498 = vector.shape_cast %swap3A_1497 : vector<16xi32> to vector<16xi32>
    %swap3A_1499 = vector.shape_cast %add3A_1495 : vector<16xi32> to vector<16xi32>
    tpu.vector_store %arg19[%swap3A_1496], %swap3A_1499 {strides = array<i32>} : memref<128xi32, #tpu.memory_space<vmem>>, vector<16xi32>,
    %slice3A_1500 = vector.extract_strided_slice %add3A_1356 {offsets = [6], sizes = [1], strides = [1]} : vector<16xi32> to vector<1xi32>
    %squeeze3A_1501 = vector.extract %slice3A_1500[0] : i32 from vector<1xi32>
    %slice3A_1502 = vector.extract_strided_slice %add3A_1373 {offsets = [6], sizes = [1], strides = [1]} : vector<16xi32> to vector<1xi32>
    %squeeze3A_1503 = vector.extract %slice3A_1502[0] : i32 from vector<1xi32>
    %broadcast_in_dim3A_1504 = vector.broadcast %squeeze3A_1501 : i32 to vector<16xi32>
    %broadcast_in_dim3A_1505 = vector.broadcast %squeeze3A_1503 : i32 to vector<16xi32>
    %select_n3A_1506 = arith.select %eq3A_56, %broadcast_in_dim3A_1504, %broadcast_in_dim3A_1505 : vector<16xi1>, vector<16xi32>
    %slice3A_1507 = vector.extract_strided_slice %add3A_1390 {offsets = [6], sizes = [1], strides = [1]} : vector<16xi32> to vector<1xi32>
    %squeeze3A_1508 = vector.extract %slice3A_1507[0] : i32 from vector<1xi32>
    %slice3A_1509 = vector.extract_strided_slice %add3A_1407 {offsets = [6], sizes = [1], strides = [1]} : vector<16xi32> to vector<1xi32>
    %squeeze3A_1510 = vector.extract %slice3A_1509[0] : i32 from vector<1xi32>
    %broadcast_in_dim3A_1511 = vector.broadcast %squeeze3A_1508 : i32 to vector<16xi32>
    %broadcast_in_dim3A_1512 = vector.broadcast %squeeze3A_1510 : i32 to vector<16xi32>
    %select_n3A_1513 = arith.select %eq3A_56, %broadcast_in_dim3A_1511, %broadcast_in_dim3A_1512 : vector<16xi1>, vector<16xi32>
    %select_n3A_1514 = arith.select %eq3A_62, %select_n3A_1506, %select_n3A_1513 : vector<16xi1>, vector<16xi32>
    %mul3A_1515 = arith.constant 8 : i32
    %mul3A_1516 = vector.broadcast %mul3A_1515 : i32 to vector<16xi32>
    %mul3A_1517 = arith.muli %shift_right_arithmetic3A_64, %mul3A_1516 : vector<16xi32>
    %add3A_1518 = arith.addi %select_n3A_1514, %mul3A_1517 : vector<16xi32>
    %swap3A_1519 = arith.constant 64 : index
    %swap3A_1520 = tpu.vector_load %arg19[%swap3A_1519] {strides = array<i32>} : memref<128xi32, #tpu.memory_space<vmem>>, vector<16xi32>,
    %swap3A_1521 = vector.shape_cast %swap3A_1520 : vector<16xi32> to vector<16xi32>
    %swap3A_1522 = vector.shape_cast %add3A_1518 : vector<16xi32> to vector<16xi32>
    tpu.vector_store %arg19[%swap3A_1519], %swap3A_1522 {strides = array<i32>} : memref<128xi32, #tpu.memory_space<vmem>>, vector<16xi32>,
    %slice3A_1523 = vector.extract_strided_slice %add3A_1356 {offsets = [6], sizes = [1], strides = [1]} : vector<16xi32> to vector<1xi32>
    %squeeze3A_1524 = vector.extract %slice3A_1523[0] : i32 from vector<1xi32>
    %slice3A_1525 = vector.extract_strided_slice %add3A_1373 {offsets = [6], sizes = [1], strides = [1]} : vector<16xi32> to vector<1xi32>
    %squeeze3A_1526 = vector.extract %slice3A_1525[0] : i32 from vector<1xi32>
    %broadcast_in_dim3A_1527 = vector.broadcast %squeeze3A_1524 : i32 to vector<16xi32>
    %broadcast_in_dim3A_1528 = vector.broadcast %squeeze3A_1526 : i32 to vector<16xi32>
    %select_n3A_1529 = arith.select %eq3A_56, %broadcast_in_dim3A_1527, %broadcast_in_dim3A_1528 : vector<16xi1>, vector<16xi32>
    %slice3A_1530 = vector.extract_strided_slice %add3A_1390 {offsets = [6], sizes = [1], strides = [1]} : vector<16xi32> to vector<1xi32>
    %squeeze3A_1531 = vector.extract %slice3A_1530[0] : i32 from vector<1xi32>
    %slice3A_1532 = vector.extract_strided_slice %add3A_1407 {offsets = [6], sizes = [1], strides = [1]} : vector<16xi32> to vector<1xi32>
    %squeeze3A_1533 = vector.extract %slice3A_1532[0] : i32 from vector<1xi32>
    %broadcast_in_dim3A_1534 = vector.broadcast %squeeze3A_1531 : i32 to vector<16xi32>
    %broadcast_in_dim3A_1535 = vector.broadcast %squeeze3A_1533 : i32 to vector<16xi32>
    %select_n3A_1536 = arith.select %eq3A_56, %broadcast_in_dim3A_1534, %broadcast_in_dim3A_1535 : vector<16xi1>, vector<16xi32>
    %select_n3A_1537 = arith.select %eq3A_62, %select_n3A_1529, %select_n3A_1536 : vector<16xi1>, vector<16xi32>
    %mul3A_1538 = arith.constant 8 : i32
    %mul3A_1539 = vector.broadcast %mul3A_1538 : i32 to vector<16xi32>
    %mul3A_1540 = arith.muli %shift_right_arithmetic3A_70, %mul3A_1539 : vector<16xi32>
    %add3A_1541 = arith.addi %select_n3A_1537, %mul3A_1540 : vector<16xi32>
    %swap3A_1542 = arith.constant 80 : index
    %swap3A_1543 = tpu.vector_load %arg19[%swap3A_1542] {strides = array<i32>} : memref<128xi32, #tpu.memory_space<vmem>>, vector<16xi32>,
    %swap3A_1544 = vector.shape_cast %swap3A_1543 : vector<16xi32> to vector<16xi32>
    %swap3A_1545 = vector.shape_cast %add3A_1541 : vector<16xi32> to vector<16xi32>
    tpu.vector_store %arg19[%swap3A_1542], %swap3A_1545 {strides = array<i32>} : memref<128xi32, #tpu.memory_space<vmem>>, vector<16xi32>,
    %slice3A_1546 = vector.extract_strided_slice %add3A_1356 {offsets = [7], sizes = [1], strides = [1]} : vector<16xi32> to vector<1xi32>
    %squeeze3A_1547 = vector.extract %slice3A_1546[0] : i32 from vector<1xi32>
    %slice3A_1548 = vector.extract_strided_slice %add3A_1373 {offsets = [7], sizes = [1], strides = [1]} : vector<16xi32> to vector<1xi32>
    %squeeze3A_1549 = vector.extract %slice3A_1548[0] : i32 from vector<1xi32>
    %broadcast_in_dim3A_1550 = vector.broadcast %squeeze3A_1547 : i32 to vector<16xi32>
    %broadcast_in_dim3A_1551 = vector.broadcast %squeeze3A_1549 : i32 to vector<16xi32>
    %select_n3A_1552 = arith.select %eq3A_56, %broadcast_in_dim3A_1550, %broadcast_in_dim3A_1551 : vector<16xi1>, vector<16xi32>
    %slice3A_1553 = vector.extract_strided_slice %add3A_1390 {offsets = [7], sizes = [1], strides = [1]} : vector<16xi32> to vector<1xi32>
    %squeeze3A_1554 = vector.extract %slice3A_1553[0] : i32 from vector<1xi32>
    %slice3A_1555 = vector.extract_strided_slice %add3A_1407 {offsets = [7], sizes = [1], strides = [1]} : vector<16xi32> to vector<1xi32>
    %squeeze3A_1556 = vector.extract %slice3A_1555[0] : i32 from vector<1xi32>
    %broadcast_in_dim3A_1557 = vector.broadcast %squeeze3A_1554 : i32 to vector<16xi32>
    %broadcast_in_dim3A_1558 = vector.broadcast %squeeze3A_1556 : i32 to vector<16xi32>
    %select_n3A_1559 = arith.select %eq3A_56, %broadcast_in_dim3A_1557, %broadcast_in_dim3A_1558 : vector<16xi1>, vector<16xi32>
    %select_n3A_1560 = arith.select %eq3A_62, %select_n3A_1552, %select_n3A_1559 : vector<16xi1>, vector<16xi32>
    %mul3A_1561 = arith.constant 8 : i32
    %mul3A_1562 = vector.broadcast %mul3A_1561 : i32 to vector<16xi32>
    %mul3A_1563 = arith.muli %shift_right_arithmetic3A_64, %mul3A_1562 : vector<16xi32>
    %add3A_1564 = arith.addi %select_n3A_1560, %mul3A_1563 : vector<16xi32>
    %swap3A_1565 = arith.constant 96 : index
    %swap3A_1566 = tpu.vector_load %arg19[%swap3A_1565] {strides = array<i32>} : memref<128xi32, #tpu.memory_space<vmem>>, vector<16xi32>,
    %swap3A_1567 = vector.shape_cast %swap3A_1566 : vector<16xi32> to vector<16xi32>
    %swap3A_1568 = vector.shape_cast %add3A_1564 : vector<16xi32> to vector<16xi32>
    tpu.vector_store %arg19[%swap3A_1565], %swap3A_1568 {strides = array<i32>} : memref<128xi32, #tpu.memory_space<vmem>>, vector<16xi32>,
    %slice3A_1569 = vector.extract_strided_slice %add3A_1356 {offsets = [7], sizes = [1], strides = [1]} : vector<16xi32> to vector<1xi32>
    %squeeze3A_1570 = vector.extract %slice3A_1569[0] : i32 from vector<1xi32>
    %slice3A_1571 = vector.extract_strided_slice %add3A_1373 {offsets = [7], sizes = [1], strides = [1]} : vector<16xi32> to vector<1xi32>
    %squeeze3A_1572 = vector.extract %slice3A_1571[0] : i32 from vector<1xi32>
    %broadcast_in_dim3A_1573 = vector.broadcast %squeeze3A_1570 : i32 to vector<16xi32>
    %broadcast_in_dim3A_1574 = vector.broadcast %squeeze3A_1572 : i32 to vector<16xi32>
    %select_n3A_1575 = arith.select %eq3A_56, %broadcast_in_dim3A_1573, %broadcast_in_dim3A_1574 : vector<16xi1>, vector<16xi32>
    %slice3A_1576 = vector.extract_strided_slice %add3A_1390 {offsets = [7], sizes = [1], strides = [1]} : vector<16xi32> to vector<1xi32>
    %squeeze3A_1577 = vector.extract %slice3A_1576[0] : i32 from vector<1xi32>
    %slice3A_1578 = vector.extract_strided_slice %add3A_1407 {offsets = [7], sizes = [1], strides = [1]} : vector<16xi32> to vector<1xi32>
    %squeeze3A_1579 = vector.extract %slice3A_1578[0] : i32 from vector<1xi32>
    %broadcast_in_dim3A_1580 = vector.broadcast %squeeze3A_1577 : i32 to vector<16xi32>
    %broadcast_in_dim3A_1581 = vector.broadcast %squeeze3A_1579 : i32 to vector<16xi32>
    %select_n3A_1582 = arith.select %eq3A_56, %broadcast_in_dim3A_1580, %broadcast_in_dim3A_1581 : vector<16xi1>, vector<16xi32>
    %select_n3A_1583 = arith.select %eq3A_62, %select_n3A_1575, %select_n3A_1582 : vector<16xi1>, vector<16xi32>
    %mul3A_1584 = arith.constant 8 : i32
    %mul3A_1585 = vector.broadcast %mul3A_1584 : i32 to vector<16xi32>
    %mul3A_1586 = arith.muli %shift_right_arithmetic3A_70, %mul3A_1585 : vector<16xi32>
    %add3A_1587 = arith.addi %select_n3A_1583, %mul3A_1586 : vector<16xi32>
    %swap3A_1588 = arith.constant 112 : index
    %swap3A_1589 = tpu.vector_load %arg19[%swap3A_1588] {strides = array<i32>} : memref<128xi32, #tpu.memory_space<vmem>>, vector<16xi32>,
    %swap3A_1590 = vector.shape_cast %swap3A_1589 : vector<16xi32> to vector<16xi32>
    %swap3A_1591 = vector.shape_cast %add3A_1587 : vector<16xi32> to vector<16xi32>
    tpu.vector_store %arg19[%swap3A_1588], %swap3A_1591 {strides = array<i32>} : memref<128xi32, #tpu.memory_space<vmem>>, vector<16xi32>,
    %dma_start3A_1592 = arith.constant 0 : i32
    %dma_start3A_1593 = arith.constant 0 : i32
    %dma_start3A_1594 = tpu.memref_slice %arg3[%dma_start3A_1592, %dma_start3A_1593] : memref<800000x128xf32, #tpu.memory_space<hbm>> -> memref<800000x128xf32, #tpu.memory_space<hbm>>
    tpu.enqueue_indirect_dma source(%dma_start3A_1594 : memref<800000x128xf32, #tpu.memory_space<hbm>>) target(%arg12 : memref<128x128xf32, #tpu.memory_space<vmem>>) offsets(%arg19 : memref<128xi32, #tpu.memory_space<vmem>>) semaphore(%arg26 : memref<!tpu.dma_semaphore, #tpu.memory_space<semaphore_mem>>)
    %lt3A_1595 = arith.constant 25 : i32
    %lt3A_1596 = arith.cmpi slt, %add3A, %lt3A_1595 : i32
    %convert_element_type3A_1597 = arith.extui %lt3A_1596 : i1 to i32
    %cond3A_1598 = arith.constant 0 : i32
    %cond3A_1599 = arith.cmpi ne, %convert_element_type3A_1597, %cond3A_1598 : i32
    scf.if %cond3A_1599 {
      %dma_wait3A_4490 = arith.constant 0 : i32
      %dma_wait3A_4491 = arith.constant 0 : i32
      %dma_wait3A_4492 = tpu.memref_slice %arg4[%dma_wait3A_4490, %dma_wait3A_4491] : memref<832x128xf32, #tpu.memory_space<hbm>> -> memref<832x128xf32, #tpu.memory_space<hbm>>
      tpu.wait_indirect_dma semaphore(%arg34 : memref<!tpu.dma_semaphore, #tpu.memory_space<semaphore_mem>>) src(%dma_wait3A_4492 : memref<832x128xf32, #tpu.memory_space<hbm>>) dst(%arg13 : memref<128x128xf32, #tpu.memory_space<vmem>>)
      %mul3A_4493 = arith.constant 128 : i32
      %mul3A_4494 = arith.muli %add3A, %mul3A_4493 : i32
      %multiple_of3A_4495 = tpu.assume_multiple %mul3A_4494, 128 : i32
      %dma_start3A_4496 = arith.constant 0 : i32
      %dma_start3A_4497 = tpu.memref_slice %arg5[%multiple_of3A_4495, %dma_start3A_4496] : memref<68736x128xf32, #tpu.memory_space<hbm>> -> memref<128x128xf32, #tpu.memory_space<hbm>>
      %dma_start3A_4498 = arith.constant 0 : i32
      %dma_start3A_4499 = tpu.memref_slice %arg5[%multiple_of3A_4495, %dma_start3A_4498] : memref<68736x128xf32, #tpu.memory_space<hbm>> -> memref<128x128xf32, #tpu.memory_space<hbm>>
      tpu.enqueue_dma source(%arg13 : memref<128x128xf32, #tpu.memory_space<vmem>>) target(%dma_start3A_4499 : memref<128x128xf32, #tpu.memory_space<hbm>>) target_semaphore(%arg35 : memref<!tpu.dma_semaphore, #tpu.memory_space<semaphore_mem>>)
    } else {
    }
    %dma_wait3A_1600 = arith.constant 0 : i32
    %dma_wait3A_1601 = arith.constant 0 : i32
    %dma_wait3A_1602 = tpu.memref_slice %arg3[%dma_wait3A_1600, %dma_wait3A_1601] : memref<800000x128xf32, #tpu.memory_space<hbm>> -> memref<800000x128xf32, #tpu.memory_space<hbm>>
    tpu.wait_indirect_dma semaphore(%arg21 : memref<!tpu.dma_semaphore, #tpu.memory_space<semaphore_mem>>) src(%dma_wait3A_1602 : memref<800000x128xf32, #tpu.memory_space<hbm>>) dst(%arg7 : memref<128x128xf32, #tpu.memory_space<vmem>>)
    %add3A_1603 = arith.constant 0 : i32
    %add3A_1604 = arith.addi %add3A_50, %add3A_1603 : i32
    %mul3A_1605 = arith.constant 32 : i32
    %mul3A_1606 = arith.muli %add3A_1604, %mul3A_1605 : i32
    %multiple_of3A = tpu.assume_multiple %mul3A_1606, 32 : i32
    %dma_start3A_1607 = arith.constant 0 : i32
    %dma_start3A_1608 = tpu.memref_slice %arg5[%multiple_of3A, %dma_start3A_1607] : memref<68736x128xf32, #tpu.memory_space<hbm>> -> memref<128x128xf32, #tpu.memory_space<hbm>>
    %dma_start3A_1609 = arith.constant 0 : i32
    %dma_start3A_1610 = tpu.memref_slice %arg5[%multiple_of3A, %dma_start3A_1609] : memref<68736x128xf32, #tpu.memory_space<hbm>> -> memref<128x128xf32, #tpu.memory_space<hbm>>
    tpu.enqueue_dma source(%arg7 : memref<128x128xf32, #tpu.memory_space<vmem>>) target(%dma_start3A_1610 : memref<128x128xf32, #tpu.memory_space<hbm>>) target_semaphore(%arg27 : memref<!tpu.dma_semaphore, #tpu.memory_space<semaphore_mem>>)
    %add3A_1611 = arith.constant 16 : i32
    %add3A_1612 = arith.addi %mul3A_46, %add3A_1611 : i32
    %get3A_1613 = arith.constant 0 : i32
    %get3A_1614 = arith.index_cast %get3A_1613 : i32 to index
    %get3A_1615 = arith.index_cast %add3A_1612 : i32 to index
    %get3A_1616 = tpu.vector_load %arg6[%get3A_1614, %get3A_1615] {strides = array<i32>} : memref<16x128xi32, #tpu.memory_space<vmem>>, vector<1x16xi32>,
    %get3A_1617 = vector.shape_cast %get3A_1616 : vector<1x16xi32> to vector<16xi32>
    %shift_right_arithmetic3A_1618 = arith.constant 3 : i32
    %shift_right_arithmetic3A_1619 = vector.broadcast %shift_right_arithmetic3A_1618 : i32 to vector<16xi32>
    %shift_right_arithmetic3A_1620 = arith.shrsi %get3A_1617, %shift_right_arithmetic3A_1619 : vector<16xi32>
    %shift_left3A_1621 = arith.constant 6 : i32
    %shift_left3A_1622 = vector.broadcast %shift_left3A_1621 : i32 to vector<16xi32>
    %shift_left3A_1623 = arith.shli %shift_right_arithmetic3A_1620, %shift_left3A_1622 : vector<16xi32>
    %and3A_1624 = arith.constant 7 : i32
    %and3A_1625 = vector.broadcast %and3A_1624 : i32 to vector<16xi32>
    %and3A_1626 = arith.andi %get3A_1617, %and3A_1625 : vector<16xi32>
    %add3A_1627 = arith.addi %shift_left3A_1623, %and3A_1626 : vector<16xi32>
    %add3A_1628 = arith.constant 16 : i32
    %add3A_1629 = arith.addi %mul3A_46, %add3A_1628 : i32
    %get3A_1630 = arith.constant 1 : i32
    %get3A_1631 = arith.index_cast %get3A_1630 : i32 to index
    %get3A_1632 = arith.index_cast %add3A_1629 : i32 to index
    %get3A_1633 = tpu.vector_load %arg6[%get3A_1631, %get3A_1632] {strides = array<i32>} : memref<16x128xi32, #tpu.memory_space<vmem>>, vector<1x16xi32>,
    %get3A_1634 = vector.shape_cast %get3A_1633 : vector<1x16xi32> to vector<16xi32>
    %shift_right_arithmetic3A_1635 = arith.constant 3 : i32
    %shift_right_arithmetic3A_1636 = vector.broadcast %shift_right_arithmetic3A_1635 : i32 to vector<16xi32>
    %shift_right_arithmetic3A_1637 = arith.shrsi %get3A_1634, %shift_right_arithmetic3A_1636 : vector<16xi32>
    %shift_left3A_1638 = arith.constant 6 : i32
    %shift_left3A_1639 = vector.broadcast %shift_left3A_1638 : i32 to vector<16xi32>
    %shift_left3A_1640 = arith.shli %shift_right_arithmetic3A_1637, %shift_left3A_1639 : vector<16xi32>
    %and3A_1641 = arith.constant 7 : i32
    %and3A_1642 = vector.broadcast %and3A_1641 : i32 to vector<16xi32>
    %and3A_1643 = arith.andi %get3A_1634, %and3A_1642 : vector<16xi32>
    %add3A_1644 = arith.addi %shift_left3A_1640, %and3A_1643 : vector<16xi32>
    %add3A_1645 = arith.constant 16 : i32
    %add3A_1646 = arith.addi %mul3A_46, %add3A_1645 : i32
    %get3A_1647 = arith.constant 2 : i32
    %get3A_1648 = arith.index_cast %get3A_1647 : i32 to index
    %get3A_1649 = arith.index_cast %add3A_1646 : i32 to index
    %get3A_1650 = tpu.vector_load %arg6[%get3A_1648, %get3A_1649] {strides = array<i32>} : memref<16x128xi32, #tpu.memory_space<vmem>>, vector<1x16xi32>,
    %get3A_1651 = vector.shape_cast %get3A_1650 : vector<1x16xi32> to vector<16xi32>
    %shift_right_arithmetic3A_1652 = arith.constant 3 : i32
    %shift_right_arithmetic3A_1653 = vector.broadcast %shift_right_arithmetic3A_1652 : i32 to vector<16xi32>
    %shift_right_arithmetic3A_1654 = arith.shrsi %get3A_1651, %shift_right_arithmetic3A_1653 : vector<16xi32>
    %shift_left3A_1655 = arith.constant 6 : i32
    %shift_left3A_1656 = vector.broadcast %shift_left3A_1655 : i32 to vector<16xi32>
    %shift_left3A_1657 = arith.shli %shift_right_arithmetic3A_1654, %shift_left3A_1656 : vector<16xi32>
    %and3A_1658 = arith.constant 7 : i32
    %and3A_1659 = vector.broadcast %and3A_1658 : i32 to vector<16xi32>
    %and3A_1660 = arith.andi %get3A_1651, %and3A_1659 : vector<16xi32>
    %add3A_1661 = arith.addi %shift_left3A_1657, %and3A_1660 : vector<16xi32>
    %add3A_1662 = arith.constant 16 : i32
    %add3A_1663 = arith.addi %mul3A_46, %add3A_1662 : i32
    %get3A_1664 = arith.constant 3 : i32
    %get3A_1665 = arith.index_cast %get3A_1664 : i32 to index
    %get3A_1666 = arith.index_cast %add3A_1663 : i32 to index
    %get3A_1667 = tpu.vector_load %arg6[%get3A_1665, %get3A_1666] {strides = array<i32>} : memref<16x128xi32, #tpu.memory_space<vmem>>, vector<1x16xi32>,
    %get3A_1668 = vector.shape_cast %get3A_1667 : vector<1x16xi32> to vector<16xi32>
    %shift_right_arithmetic3A_1669 = arith.constant 3 : i32
    %shift_right_arithmetic3A_1670 = vector.broadcast %shift_right_arithmetic3A_1669 : i32 to vector<16xi32>
    %shift_right_arithmetic3A_1671 = arith.shrsi %get3A_1668, %shift_right_arithmetic3A_1670 : vector<16xi32>
    %shift_left3A_1672 = arith.constant 6 : i32
    %shift_left3A_1673 = vector.broadcast %shift_left3A_1672 : i32 to vector<16xi32>
    %shift_left3A_1674 = arith.shli %shift_right_arithmetic3A_1671, %shift_left3A_1673 : vector<16xi32>
    %and3A_1675 = arith.constant 7 : i32
    %and3A_1676 = vector.broadcast %and3A_1675 : i32 to vector<16xi32>
    %and3A_1677 = arith.andi %get3A_1668, %and3A_1676 : vector<16xi32>
    %add3A_1678 = arith.addi %shift_left3A_1674, %and3A_1677 : vector<16xi32>
    %slice3A_1679 = vector.extract_strided_slice %add3A_1627 {offsets = [8], sizes = [1], strides = [1]} : vector<16xi32> to vector<1xi32>
    %squeeze3A_1680 = vector.extract %slice3A_1679[0] : i32 from vector<1xi32>
    %slice3A_1681 = vector.extract_strided_slice %add3A_1644 {offsets = [8], sizes = [1], strides = [1]} : vector<16xi32> to vector<1xi32>
    %squeeze3A_1682 = vector.extract %slice3A_1681[0] : i32 from vector<1xi32>
    %broadcast_in_dim3A_1683 = vector.broadcast %squeeze3A_1680 : i32 to vector<16xi32>
    %broadcast_in_dim3A_1684 = vector.broadcast %squeeze3A_1682 : i32 to vector<16xi32>
    %select_n3A_1685 = arith.select %eq3A_56, %broadcast_in_dim3A_1683, %broadcast_in_dim3A_1684 : vector<16xi1>, vector<16xi32>
    %slice3A_1686 = vector.extract_strided_slice %add3A_1661 {offsets = [8], sizes = [1], strides = [1]} : vector<16xi32> to vector<1xi32>
    %squeeze3A_1687 = vector.extract %slice3A_1686[0] : i32 from vector<1xi32>
    %slice3A_1688 = vector.extract_strided_slice %add3A_1678 {offsets = [8], sizes = [1], strides = [1]} : vector<16xi32> to vector<1xi32>
    %squeeze3A_1689 = vector.extract %slice3A_1688[0] : i32 from vector<1xi32>
    %broadcast_in_dim3A_1690 = vector.broadcast %squeeze3A_1687 : i32 to vector<16xi32>
    %broadcast_in_dim3A_1691 = vector.broadcast %squeeze3A_1689 : i32 to vector<16xi32>
    %select_n3A_1692 = arith.select %eq3A_56, %broadcast_in_dim3A_1690, %broadcast_in_dim3A_1691 : vector<16xi1>, vector<16xi32>
    %select_n3A_1693 = arith.select %eq3A_62, %select_n3A_1685, %select_n3A_1692 : vector<16xi1>, vector<16xi32>
    %mul3A_1694 = arith.constant 8 : i32
    %mul3A_1695 = vector.broadcast %mul3A_1694 : i32 to vector<16xi32>
    %mul3A_1696 = arith.muli %shift_right_arithmetic3A_64, %mul3A_1695 : vector<16xi32>
    %add3A_1697 = arith.addi %select_n3A_1693, %mul3A_1696 : vector<16xi32>
    %swap3A_1698 = arith.constant 0 : index
    %swap3A_1699 = tpu.vector_load %arg14[%swap3A_1698] {strides = array<i32>} : memref<128xi32, #tpu.memory_space<vmem>>, vector<16xi32>,
    %swap3A_1700 = vector.shape_cast %swap3A_1699 : vector<16xi32> to vector<16xi32>
    %swap3A_1701 = vector.shape_cast %add3A_1697 : vector<16xi32> to vector<16xi32>
    tpu.vector_store %arg14[%swap3A_1698], %swap3A_1701 {strides = array<i32>} : memref<128xi32, #tpu.memory_space<vmem>>, vector<16xi32>,
    %slice3A_1702 = vector.extract_strided_slice %add3A_1627 {offsets = [8], sizes = [1], strides = [1]} : vector<16xi32> to vector<1xi32>
    %squeeze3A_1703 = vector.extract %slice3A_1702[0] : i32 from vector<1xi32>
    %slice3A_1704 = vector.extract_strided_slice %add3A_1644 {offsets = [8], sizes = [1], strides = [1]} : vector<16xi32> to vector<1xi32>
    %squeeze3A_1705 = vector.extract %slice3A_1704[0] : i32 from vector<1xi32>
    %broadcast_in_dim3A_1706 = vector.broadcast %squeeze3A_1703 : i32 to vector<16xi32>
    %broadcast_in_dim3A_1707 = vector.broadcast %squeeze3A_1705 : i32 to vector<16xi32>
    %select_n3A_1708 = arith.select %eq3A_56, %broadcast_in_dim3A_1706, %broadcast_in_dim3A_1707 : vector<16xi1>, vector<16xi32>
    %slice3A_1709 = vector.extract_strided_slice %add3A_1661 {offsets = [8], sizes = [1], strides = [1]} : vector<16xi32> to vector<1xi32>
    %squeeze3A_1710 = vector.extract %slice3A_1709[0] : i32 from vector<1xi32>
    %slice3A_1711 = vector.extract_strided_slice %add3A_1678 {offsets = [8], sizes = [1], strides = [1]} : vector<16xi32> to vector<1xi32>
    %squeeze3A_1712 = vector.extract %slice3A_1711[0] : i32 from vector<1xi32>
    %broadcast_in_dim3A_1713 = vector.broadcast %squeeze3A_1710 : i32 to vector<16xi32>
    %broadcast_in_dim3A_1714 = vector.broadcast %squeeze3A_1712 : i32 to vector<16xi32>
    %select_n3A_1715 = arith.select %eq3A_56, %broadcast_in_dim3A_1713, %broadcast_in_dim3A_1714 : vector<16xi1>, vector<16xi32>
    %select_n3A_1716 = arith.select %eq3A_62, %select_n3A_1708, %select_n3A_1715 : vector<16xi1>, vector<16xi32>
    %mul3A_1717 = arith.constant 8 : i32
    %mul3A_1718 = vector.broadcast %mul3A_1717 : i32 to vector<16xi32>
    %mul3A_1719 = arith.muli %shift_right_arithmetic3A_70, %mul3A_1718 : vector<16xi32>
    %add3A_1720 = arith.addi %select_n3A_1716, %mul3A_1719 : vector<16xi32>
    %swap3A_1721 = arith.constant 16 : index
    %swap3A_1722 = tpu.vector_load %arg14[%swap3A_1721] {strides = array<i32>} : memref<128xi32, #tpu.memory_space<vmem>>, vector<16xi32>,
    %swap3A_1723 = vector.shape_cast %swap3A_1722 : vector<16xi32> to vector<16xi32>
    %swap3A_1724 = vector.shape_cast %add3A_1720 : vector<16xi32> to vector<16xi32>
    tpu.vector_store %arg14[%swap3A_1721], %swap3A_1724 {strides = array<i32>} : memref<128xi32, #tpu.memory_space<vmem>>, vector<16xi32>,
    %slice3A_1725 = vector.extract_strided_slice %add3A_1627 {offsets = [9], sizes = [1], strides = [1]} : vector<16xi32> to vector<1xi32>
    %squeeze3A_1726 = vector.extract %slice3A_1725[0] : i32 from vector<1xi32>
    %slice3A_1727 = vector.extract_strided_slice %add3A_1644 {offsets = [9], sizes = [1], strides = [1]} : vector<16xi32> to vector<1xi32>
    %squeeze3A_1728 = vector.extract %slice3A_1727[0] : i32 from vector<1xi32>
    %broadcast_in_dim3A_1729 = vector.broadcast %squeeze3A_1726 : i32 to vector<16xi32>
    %broadcast_in_dim3A_1730 = vector.broadcast %squeeze3A_1728 : i32 to vector<16xi32>
    %select_n3A_1731 = arith.select %eq3A_56, %broadcast_in_dim3A_1729, %broadcast_in_dim3A_1730 : vector<16xi1>, vector<16xi32>
    %slice3A_1732 = vector.extract_strided_slice %add3A_1661 {offsets = [9], sizes = [1], strides = [1]} : vector<16xi32> to vector<1xi32>
    %squeeze3A_1733 = vector.extract %slice3A_1732[0] : i32 from vector<1xi32>
    %slice3A_1734 = vector.extract_strided_slice %add3A_1678 {offsets = [9], sizes = [1], strides = [1]} : vector<16xi32> to vector<1xi32>
    %squeeze3A_1735 = vector.extract %slice3A_1734[0] : i32 from vector<1xi32>
    %broadcast_in_dim3A_1736 = vector.broadcast %squeeze3A_1733 : i32 to vector<16xi32>
    %broadcast_in_dim3A_1737 = vector.broadcast %squeeze3A_1735 : i32 to vector<16xi32>
    %select_n3A_1738 = arith.select %eq3A_56, %broadcast_in_dim3A_1736, %broadcast_in_dim3A_1737 : vector<16xi1>, vector<16xi32>
    %select_n3A_1739 = arith.select %eq3A_62, %select_n3A_1731, %select_n3A_1738 : vector<16xi1>, vector<16xi32>
    %mul3A_1740 = arith.constant 8 : i32
    %mul3A_1741 = vector.broadcast %mul3A_1740 : i32 to vector<16xi32>
    %mul3A_1742 = arith.muli %shift_right_arithmetic3A_64, %mul3A_1741 : vector<16xi32>
    %add3A_1743 = arith.addi %select_n3A_1739, %mul3A_1742 : vector<16xi32>
    %swap3A_1744 = arith.constant 32 : index
    %swap3A_1745 = tpu.vector_load %arg14[%swap3A_1744] {strides = array<i32>} : memref<128xi32, #tpu.memory_space<vmem>>, vector<16xi32>,
    %swap3A_1746 = vector.shape_cast %swap3A_1745 : vector<16xi32> to vector<16xi32>
    %swap3A_1747 = vector.shape_cast %add3A_1743 : vector<16xi32> to vector<16xi32>
    tpu.vector_store %arg14[%swap3A_1744], %swap3A_1747 {strides = array<i32>} : memref<128xi32, #tpu.memory_space<vmem>>, vector<16xi32>,
    %slice3A_1748 = vector.extract_strided_slice %add3A_1627 {offsets = [9], sizes = [1], strides = [1]} : vector<16xi32> to vector<1xi32>
    %squeeze3A_1749 = vector.extract %slice3A_1748[0] : i32 from vector<1xi32>
    %slice3A_1750 = vector.extract_strided_slice %add3A_1644 {offsets = [9], sizes = [1], strides = [1]} : vector<16xi32> to vector<1xi32>
    %squeeze3A_1751 = vector.extract %slice3A_1750[0] : i32 from vector<1xi32>
    %broadcast_in_dim3A_1752 = vector.broadcast %squeeze3A_1749 : i32 to vector<16xi32>
    %broadcast_in_dim3A_1753 = vector.broadcast %squeeze3A_1751 : i32 to vector<16xi32>
    %select_n3A_1754 = arith.select %eq3A_56, %broadcast_in_dim3A_1752, %broadcast_in_dim3A_1753 : vector<16xi1>, vector<16xi32>
    %slice3A_1755 = vector.extract_strided_slice %add3A_1661 {offsets = [9], sizes = [1], strides = [1]} : vector<16xi32> to vector<1xi32>
    %squeeze3A_1756 = vector.extract %slice3A_1755[0] : i32 from vector<1xi32>
    %slice3A_1757 = vector.extract_strided_slice %add3A_1678 {offsets = [9], sizes = [1], strides = [1]} : vector<16xi32> to vector<1xi32>
    %squeeze3A_1758 = vector.extract %slice3A_1757[0] : i32 from vector<1xi32>
    %broadcast_in_dim3A_1759 = vector.broadcast %squeeze3A_1756 : i32 to vector<16xi32>
    %broadcast_in_dim3A_1760 = vector.broadcast %squeeze3A_1758 : i32 to vector<16xi32>
    %select_n3A_1761 = arith.select %eq3A_56, %broadcast_in_dim3A_1759, %broadcast_in_dim3A_1760 : vector<16xi1>, vector<16xi32>
    %select_n3A_1762 = arith.select %eq3A_62, %select_n3A_1754, %select_n3A_1761 : vector<16xi1>, vector<16xi32>
    %mul3A_1763 = arith.constant 8 : i32
    %mul3A_1764 = vector.broadcast %mul3A_1763 : i32 to vector<16xi32>
    %mul3A_1765 = arith.muli %shift_right_arithmetic3A_70, %mul3A_1764 : vector<16xi32>
    %add3A_1766 = arith.addi %select_n3A_1762, %mul3A_1765 : vector<16xi32>
    %swap3A_1767 = arith.constant 48 : index
    %swap3A_1768 = tpu.vector_load %arg14[%swap3A_1767] {strides = array<i32>} : memref<128xi32, #tpu.memory_space<vmem>>, vector<16xi32>,
    %swap3A_1769 = vector.shape_cast %swap3A_1768 : vector<16xi32> to vector<16xi32>
    %swap3A_1770 = vector.shape_cast %add3A_1766 : vector<16xi32> to vector<16xi32>
    tpu.vector_store %arg14[%swap3A_1767], %swap3A_1770 {strides = array<i32>} : memref<128xi32, #tpu.memory_space<vmem>>, vector<16xi32>,
    %slice3A_1771 = vector.extract_strided_slice %add3A_1627 {offsets = [10], sizes = [1], strides = [1]} : vector<16xi32> to vector<1xi32>
    %squeeze3A_1772 = vector.extract %slice3A_1771[0] : i32 from vector<1xi32>
    %slice3A_1773 = vector.extract_strided_slice %add3A_1644 {offsets = [10], sizes = [1], strides = [1]} : vector<16xi32> to vector<1xi32>
    %squeeze3A_1774 = vector.extract %slice3A_1773[0] : i32 from vector<1xi32>
    %broadcast_in_dim3A_1775 = vector.broadcast %squeeze3A_1772 : i32 to vector<16xi32>
    %broadcast_in_dim3A_1776 = vector.broadcast %squeeze3A_1774 : i32 to vector<16xi32>
    %select_n3A_1777 = arith.select %eq3A_56, %broadcast_in_dim3A_1775, %broadcast_in_dim3A_1776 : vector<16xi1>, vector<16xi32>
    %slice3A_1778 = vector.extract_strided_slice %add3A_1661 {offsets = [10], sizes = [1], strides = [1]} : vector<16xi32> to vector<1xi32>
    %squeeze3A_1779 = vector.extract %slice3A_1778[0] : i32 from vector<1xi32>
    %slice3A_1780 = vector.extract_strided_slice %add3A_1678 {offsets = [10], sizes = [1], strides = [1]} : vector<16xi32> to vector<1xi32>
    %squeeze3A_1781 = vector.extract %slice3A_1780[0] : i32 from vector<1xi32>
    %broadcast_in_dim3A_1782 = vector.broadcast %squeeze3A_1779 : i32 to vector<16xi32>
    %broadcast_in_dim3A_1783 = vector.broadcast %squeeze3A_1781 : i32 to vector<16xi32>
    %select_n3A_1784 = arith.select %eq3A_56, %broadcast_in_dim3A_1782, %broadcast_in_dim3A_1783 : vector<16xi1>, vector<16xi32>
    %select_n3A_1785 = arith.select %eq3A_62, %select_n3A_1777, %select_n3A_1784 : vector<16xi1>, vector<16xi32>
    %mul3A_1786 = arith.constant 8 : i32
    %mul3A_1787 = vector.broadcast %mul3A_1786 : i32 to vector<16xi32>
    %mul3A_1788 = arith.muli %shift_right_arithmetic3A_64, %mul3A_1787 : vector<16xi32>
    %add3A_1789 = arith.addi %select_n3A_1785, %mul3A_1788 : vector<16xi32>
    %swap3A_1790 = arith.constant 64 : index
    %swap3A_1791 = tpu.vector_load %arg14[%swap3A_1790] {strides = array<i32>} : memref<128xi32, #tpu.memory_space<vmem>>, vector<16xi32>,
    %swap3A_1792 = vector.shape_cast %swap3A_1791 : vector<16xi32> to vector<16xi32>
    %swap3A_1793 = vector.shape_cast %add3A_1789 : vector<16xi32> to vector<16xi32>
    tpu.vector_store %arg14[%swap3A_1790], %swap3A_1793 {strides = array<i32>} : memref<128xi32, #tpu.memory_space<vmem>>, vector<16xi32>,
    %slice3A_1794 = vector.extract_strided_slice %add3A_1627 {offsets = [10], sizes = [1], strides = [1]} : vector<16xi32> to vector<1xi32>
    %squeeze3A_1795 = vector.extract %slice3A_1794[0] : i32 from vector<1xi32>
    %slice3A_1796 = vector.extract_strided_slice %add3A_1644 {offsets = [10], sizes = [1], strides = [1]} : vector<16xi32> to vector<1xi32>
    %squeeze3A_1797 = vector.extract %slice3A_1796[0] : i32 from vector<1xi32>
    %broadcast_in_dim3A_1798 = vector.broadcast %squeeze3A_1795 : i32 to vector<16xi32>
    %broadcast_in_dim3A_1799 = vector.broadcast %squeeze3A_1797 : i32 to vector<16xi32>
    %select_n3A_1800 = arith.select %eq3A_56, %broadcast_in_dim3A_1798, %broadcast_in_dim3A_1799 : vector<16xi1>, vector<16xi32>
    %slice3A_1801 = vector.extract_strided_slice %add3A_1661 {offsets = [10], sizes = [1], strides = [1]} : vector<16xi32> to vector<1xi32>
    %squeeze3A_1802 = vector.extract %slice3A_1801[0] : i32 from vector<1xi32>
    %slice3A_1803 = vector.extract_strided_slice %add3A_1678 {offsets = [10], sizes = [1], strides = [1]} : vector<16xi32> to vector<1xi32>
    %squeeze3A_1804 = vector.extract %slice3A_1803[0] : i32 from vector<1xi32>
    %broadcast_in_dim3A_1805 = vector.broadcast %squeeze3A_1802 : i32 to vector<16xi32>
    %broadcast_in_dim3A_1806 = vector.broadcast %squeeze3A_1804 : i32 to vector<16xi32>
    %select_n3A_1807 = arith.select %eq3A_56, %broadcast_in_dim3A_1805, %broadcast_in_dim3A_1806 : vector<16xi1>, vector<16xi32>
    %select_n3A_1808 = arith.select %eq3A_62, %select_n3A_1800, %select_n3A_1807 : vector<16xi1>, vector<16xi32>
    %mul3A_1809 = arith.constant 8 : i32
    %mul3A_1810 = vector.broadcast %mul3A_1809 : i32 to vector<16xi32>
    %mul3A_1811 = arith.muli %shift_right_arithmetic3A_70, %mul3A_1810 : vector<16xi32>
    %add3A_1812 = arith.addi %select_n3A_1808, %mul3A_1811 : vector<16xi32>
    %swap3A_1813 = arith.constant 80 : index
    %swap3A_1814 = tpu.vector_load %arg14[%swap3A_1813] {strides = array<i32>} : memref<128xi32, #tpu.memory_space<vmem>>, vector<16xi32>,
    %swap3A_1815 = vector.shape_cast %swap3A_1814 : vector<16xi32> to vector<16xi32>
    %swap3A_1816 = vector.shape_cast %add3A_1812 : vector<16xi32> to vector<16xi32>
    tpu.vector_store %arg14[%swap3A_1813], %swap3A_1816 {strides = array<i32>} : memref<128xi32, #tpu.memory_space<vmem>>, vector<16xi32>,
    %slice3A_1817 = vector.extract_strided_slice %add3A_1627 {offsets = [11], sizes = [1], strides = [1]} : vector<16xi32> to vector<1xi32>
    %squeeze3A_1818 = vector.extract %slice3A_1817[0] : i32 from vector<1xi32>
    %slice3A_1819 = vector.extract_strided_slice %add3A_1644 {offsets = [11], sizes = [1], strides = [1]} : vector<16xi32> to vector<1xi32>
    %squeeze3A_1820 = vector.extract %slice3A_1819[0] : i32 from vector<1xi32>
    %broadcast_in_dim3A_1821 = vector.broadcast %squeeze3A_1818 : i32 to vector<16xi32>
    %broadcast_in_dim3A_1822 = vector.broadcast %squeeze3A_1820 : i32 to vector<16xi32>
    %select_n3A_1823 = arith.select %eq3A_56, %broadcast_in_dim3A_1821, %broadcast_in_dim3A_1822 : vector<16xi1>, vector<16xi32>
    %slice3A_1824 = vector.extract_strided_slice %add3A_1661 {offsets = [11], sizes = [1], strides = [1]} : vector<16xi32> to vector<1xi32>
    %squeeze3A_1825 = vector.extract %slice3A_1824[0] : i32 from vector<1xi32>
    %slice3A_1826 = vector.extract_strided_slice %add3A_1678 {offsets = [11], sizes = [1], strides = [1]} : vector<16xi32> to vector<1xi32>
    %squeeze3A_1827 = vector.extract %slice3A_1826[0] : i32 from vector<1xi32>
    %broadcast_in_dim3A_1828 = vector.broadcast %squeeze3A_1825 : i32 to vector<16xi32>
    %broadcast_in_dim3A_1829 = vector.broadcast %squeeze3A_1827 : i32 to vector<16xi32>
    %select_n3A_1830 = arith.select %eq3A_56, %broadcast_in_dim3A_1828, %broadcast_in_dim3A_1829 : vector<16xi1>, vector<16xi32>
    %select_n3A_1831 = arith.select %eq3A_62, %select_n3A_1823, %select_n3A_1830 : vector<16xi1>, vector<16xi32>
    %mul3A_1832 = arith.constant 8 : i32
    %mul3A_1833 = vector.broadcast %mul3A_1832 : i32 to vector<16xi32>
    %mul3A_1834 = arith.muli %shift_right_arithmetic3A_64, %mul3A_1833 : vector<16xi32>
    %add3A_1835 = arith.addi %select_n3A_1831, %mul3A_1834 : vector<16xi32>
    %swap3A_1836 = arith.constant 96 : index
    %swap3A_1837 = tpu.vector_load %arg14[%swap3A_1836] {strides = array<i32>} : memref<128xi32, #tpu.memory_space<vmem>>, vector<16xi32>,
    %swap3A_1838 = vector.shape_cast %swap3A_1837 : vector<16xi32> to vector<16xi32>
    %swap3A_1839 = vector.shape_cast %add3A_1835 : vector<16xi32> to vector<16xi32>
    tpu.vector_store %arg14[%swap3A_1836], %swap3A_1839 {strides = array<i32>} : memref<128xi32, #tpu.memory_space<vmem>>, vector<16xi32>,
    %slice3A_1840 = vector.extract_strided_slice %add3A_1627 {offsets = [11], sizes = [1], strides = [1]} : vector<16xi32> to vector<1xi32>
    %squeeze3A_1841 = vector.extract %slice3A_1840[0] : i32 from vector<1xi32>
    %slice3A_1842 = vector.extract_strided_slice %add3A_1644 {offsets = [11], sizes = [1], strides = [1]} : vector<16xi32> to vector<1xi32>
    %squeeze3A_1843 = vector.extract %slice3A_1842[0] : i32 from vector<1xi32>
    %broadcast_in_dim3A_1844 = vector.broadcast %squeeze3A_1841 : i32 to vector<16xi32>
    %broadcast_in_dim3A_1845 = vector.broadcast %squeeze3A_1843 : i32 to vector<16xi32>
    %select_n3A_1846 = arith.select %eq3A_56, %broadcast_in_dim3A_1844, %broadcast_in_dim3A_1845 : vector<16xi1>, vector<16xi32>
    %slice3A_1847 = vector.extract_strided_slice %add3A_1661 {offsets = [11], sizes = [1], strides = [1]} : vector<16xi32> to vector<1xi32>
    %squeeze3A_1848 = vector.extract %slice3A_1847[0] : i32 from vector<1xi32>
    %slice3A_1849 = vector.extract_strided_slice %add3A_1678 {offsets = [11], sizes = [1], strides = [1]} : vector<16xi32> to vector<1xi32>
    %squeeze3A_1850 = vector.extract %slice3A_1849[0] : i32 from vector<1xi32>
    %broadcast_in_dim3A_1851 = vector.broadcast %squeeze3A_1848 : i32 to vector<16xi32>
    %broadcast_in_dim3A_1852 = vector.broadcast %squeeze3A_1850 : i32 to vector<16xi32>
    %select_n3A_1853 = arith.select %eq3A_56, %broadcast_in_dim3A_1851, %broadcast_in_dim3A_1852 : vector<16xi1>, vector<16xi32>
    %select_n3A_1854 = arith.select %eq3A_62, %select_n3A_1846, %select_n3A_1853 : vector<16xi1>, vector<16xi32>
    %mul3A_1855 = arith.constant 8 : i32
    %mul3A_1856 = vector.broadcast %mul3A_1855 : i32 to vector<16xi32>
    %mul3A_1857 = arith.muli %shift_right_arithmetic3A_70, %mul3A_1856 : vector<16xi32>
    %add3A_1858 = arith.addi %select_n3A_1854, %mul3A_1857 : vector<16xi32>
    %swap3A_1859 = arith.constant 112 : index
    %swap3A_1860 = tpu.vector_load %arg14[%swap3A_1859] {strides = array<i32>} : memref<128xi32, #tpu.memory_space<vmem>>, vector<16xi32>,
    %swap3A_1861 = vector.shape_cast %swap3A_1860 : vector<16xi32> to vector<16xi32>
    %swap3A_1862 = vector.shape_cast %add3A_1858 : vector<16xi32> to vector<16xi32>
    tpu.vector_store %arg14[%swap3A_1859], %swap3A_1862 {strides = array<i32>} : memref<128xi32, #tpu.memory_space<vmem>>, vector<16xi32>,
    %add3A_1863 = arith.constant 0 : i32
    %add3A_1864 = arith.addi %add3A_50, %add3A_1863 : i32
    %mul3A_1865 = arith.constant 32 : i32
    %mul3A_1866 = arith.muli %add3A_1864, %mul3A_1865 : i32
    %multiple_of3A_1867 = tpu.assume_multiple %mul3A_1866, 32 : i32
    %dma_wait3A_1868 = arith.constant 0 : i32
    %dma_wait3A_1869 = tpu.memref_slice %arg5[%multiple_of3A_1867, %dma_wait3A_1868] : memref<68736x128xf32, #tpu.memory_space<hbm>> -> memref<128x128xf32, #tpu.memory_space<hbm>>
    %dma_wait3A_1870 = arith.constant 0 : i32
    %dma_wait3A_1871 = tpu.memref_slice %arg5[%multiple_of3A_1867, %dma_wait3A_1870] : memref<68736x128xf32, #tpu.memory_space<hbm>> -> memref<128x128xf32, #tpu.memory_space<hbm>>
    tpu.wait_dma2 semaphore(%arg27 : memref<!tpu.dma_semaphore, #tpu.memory_space<semaphore_mem>>) src(%arg7 : memref<128x128xf32, #tpu.memory_space<vmem>>) dst(%dma_wait3A_1871 : memref<128x128xf32, #tpu.memory_space<hbm>>)
    %dma_start3A_1872 = arith.constant 0 : i32
    %dma_start3A_1873 = arith.constant 0 : i32
    %dma_start3A_1874 = tpu.memref_slice %arg3[%dma_start3A_1872, %dma_start3A_1873] : memref<800000x128xf32, #tpu.memory_space<hbm>> -> memref<800000x128xf32, #tpu.memory_space<hbm>>
    tpu.enqueue_indirect_dma source(%dma_start3A_1874 : memref<800000x128xf32, #tpu.memory_space<hbm>>) target(%arg7 : memref<128x128xf32, #tpu.memory_space<vmem>>) offsets(%arg14 : memref<128xi32, #tpu.memory_space<vmem>>) semaphore(%arg21 : memref<!tpu.dma_semaphore, #tpu.memory_space<semaphore_mem>>)
    %dma_wait3A_1875 = arith.constant 0 : i32
    %dma_wait3A_1876 = arith.constant 0 : i32
    %dma_wait3A_1877 = tpu.memref_slice %arg3[%dma_wait3A_1875, %dma_wait3A_1876] : memref<800000x128xf32, #tpu.memory_space<hbm>> -> memref<800000x128xf32, #tpu.memory_space<hbm>>
    tpu.wait_indirect_dma semaphore(%arg22 : memref<!tpu.dma_semaphore, #tpu.memory_space<semaphore_mem>>) src(%dma_wait3A_1877 : memref<800000x128xf32, #tpu.memory_space<hbm>>) dst(%arg8 : memref<128x128xf32, #tpu.memory_space<vmem>>)
    %add3A_1878 = arith.constant 4 : i32
    %add3A_1879 = arith.addi %add3A_50, %add3A_1878 : i32
    %mul3A_1880 = arith.constant 32 : i32
    %mul3A_1881 = arith.muli %add3A_1879, %mul3A_1880 : i32
    %multiple_of3A_1882 = tpu.assume_multiple %mul3A_1881, 32 : i32
    %dma_start3A_1883 = arith.constant 0 : i32
    %dma_start3A_1884 = tpu.memref_slice %arg5[%multiple_of3A_1882, %dma_start3A_1883] : memref<68736x128xf32, #tpu.memory_space<hbm>> -> memref<128x128xf32, #tpu.memory_space<hbm>>
    %dma_start3A_1885 = arith.constant 0 : i32
    %dma_start3A_1886 = tpu.memref_slice %arg5[%multiple_of3A_1882, %dma_start3A_1885] : memref<68736x128xf32, #tpu.memory_space<hbm>> -> memref<128x128xf32, #tpu.memory_space<hbm>>
    tpu.enqueue_dma source(%arg8 : memref<128x128xf32, #tpu.memory_space<vmem>>) target(%dma_start3A_1886 : memref<128x128xf32, #tpu.memory_space<hbm>>) target_semaphore(%arg28 : memref<!tpu.dma_semaphore, #tpu.memory_space<semaphore_mem>>)
    %add3A_1887 = arith.constant 16 : i32
    %add3A_1888 = arith.addi %mul3A_46, %add3A_1887 : i32
    %get3A_1889 = arith.constant 0 : i32
    %get3A_1890 = arith.index_cast %get3A_1889 : i32 to index
    %get3A_1891 = arith.index_cast %add3A_1888 : i32 to index
    %get3A_1892 = tpu.vector_load %arg6[%get3A_1890, %get3A_1891] {strides = array<i32>} : memref<16x128xi32, #tpu.memory_space<vmem>>, vector<1x16xi32>,
    %get3A_1893 = vector.shape_cast %get3A_1892 : vector<1x16xi32> to vector<16xi32>
    %shift_right_arithmetic3A_1894 = arith.constant 3 : i32
    %shift_right_arithmetic3A_1895 = vector.broadcast %shift_right_arithmetic3A_1894 : i32 to vector<16xi32>
    %shift_right_arithmetic3A_1896 = arith.shrsi %get3A_1893, %shift_right_arithmetic3A_1895 : vector<16xi32>
    %shift_left3A_1897 = arith.constant 6 : i32
    %shift_left3A_1898 = vector.broadcast %shift_left3A_1897 : i32 to vector<16xi32>
    %shift_left3A_1899 = arith.shli %shift_right_arithmetic3A_1896, %shift_left3A_1898 : vector<16xi32>
    %and3A_1900 = arith.constant 7 : i32
    %and3A_1901 = vector.broadcast %and3A_1900 : i32 to vector<16xi32>
    %and3A_1902 = arith.andi %get3A_1893, %and3A_1901 : vector<16xi32>
    %add3A_1903 = arith.addi %shift_left3A_1899, %and3A_1902 : vector<16xi32>
    %add3A_1904 = arith.constant 16 : i32
    %add3A_1905 = arith.addi %mul3A_46, %add3A_1904 : i32
    %get3A_1906 = arith.constant 1 : i32
    %get3A_1907 = arith.index_cast %get3A_1906 : i32 to index
    %get3A_1908 = arith.index_cast %add3A_1905 : i32 to index
    %get3A_1909 = tpu.vector_load %arg6[%get3A_1907, %get3A_1908] {strides = array<i32>} : memref<16x128xi32, #tpu.memory_space<vmem>>, vector<1x16xi32>,
    %get3A_1910 = vector.shape_cast %get3A_1909 : vector<1x16xi32> to vector<16xi32>
    %shift_right_arithmetic3A_1911 = arith.constant 3 : i32
    %shift_right_arithmetic3A_1912 = vector.broadcast %shift_right_arithmetic3A_1911 : i32 to vector<16xi32>
    %shift_right_arithmetic3A_1913 = arith.shrsi %get3A_1910, %shift_right_arithmetic3A_1912 : vector<16xi32>
    %shift_left3A_1914 = arith.constant 6 : i32
    %shift_left3A_1915 = vector.broadcast %shift_left3A_1914 : i32 to vector<16xi32>
    %shift_left3A_1916 = arith.shli %shift_right_arithmetic3A_1913, %shift_left3A_1915 : vector<16xi32>
    %and3A_1917 = arith.constant 7 : i32
    %and3A_1918 = vector.broadcast %and3A_1917 : i32 to vector<16xi32>
    %and3A_1919 = arith.andi %get3A_1910, %and3A_1918 : vector<16xi32>
    %add3A_1920 = arith.addi %shift_left3A_1916, %and3A_1919 : vector<16xi32>
    %add3A_1921 = arith.constant 16 : i32
    %add3A_1922 = arith.addi %mul3A_46, %add3A_1921 : i32
    %get3A_1923 = arith.constant 2 : i32
    %get3A_1924 = arith.index_cast %get3A_1923 : i32 to index
    %get3A_1925 = arith.index_cast %add3A_1922 : i32 to index
    %get3A_1926 = tpu.vector_load %arg6[%get3A_1924, %get3A_1925] {strides = array<i32>} : memref<16x128xi32, #tpu.memory_space<vmem>>, vector<1x16xi32>,
    %get3A_1927 = vector.shape_cast %get3A_1926 : vector<1x16xi32> to vector<16xi32>
    %shift_right_arithmetic3A_1928 = arith.constant 3 : i32
    %shift_right_arithmetic3A_1929 = vector.broadcast %shift_right_arithmetic3A_1928 : i32 to vector<16xi32>
    %shift_right_arithmetic3A_1930 = arith.shrsi %get3A_1927, %shift_right_arithmetic3A_1929 : vector<16xi32>
    %shift_left3A_1931 = arith.constant 6 : i32
    %shift_left3A_1932 = vector.broadcast %shift_left3A_1931 : i32 to vector<16xi32>
    %shift_left3A_1933 = arith.shli %shift_right_arithmetic3A_1930, %shift_left3A_1932 : vector<16xi32>
    %and3A_1934 = arith.constant 7 : i32
    %and3A_1935 = vector.broadcast %and3A_1934 : i32 to vector<16xi32>
    %and3A_1936 = arith.andi %get3A_1927, %and3A_1935 : vector<16xi32>
    %add3A_1937 = arith.addi %shift_left3A_1933, %and3A_1936 : vector<16xi32>
    %add3A_1938 = arith.constant 16 : i32
    %add3A_1939 = arith.addi %mul3A_46, %add3A_1938 : i32
    %get3A_1940 = arith.constant 3 : i32
    %get3A_1941 = arith.index_cast %get3A_1940 : i32 to index
    %get3A_1942 = arith.index_cast %add3A_1939 : i32 to index
    %get3A_1943 = tpu.vector_load %arg6[%get3A_1941, %get3A_1942] {strides = array<i32>} : memref<16x128xi32, #tpu.memory_space<vmem>>, vector<1x16xi32>,
    %get3A_1944 = vector.shape_cast %get3A_1943 : vector<1x16xi32> to vector<16xi32>
    %shift_right_arithmetic3A_1945 = arith.constant 3 : i32
    %shift_right_arithmetic3A_1946 = vector.broadcast %shift_right_arithmetic3A_1945 : i32 to vector<16xi32>
    %shift_right_arithmetic3A_1947 = arith.shrsi %get3A_1944, %shift_right_arithmetic3A_1946 : vector<16xi32>
    %shift_left3A_1948 = arith.constant 6 : i32
    %shift_left3A_1949 = vector.broadcast %shift_left3A_1948 : i32 to vector<16xi32>
    %shift_left3A_1950 = arith.shli %shift_right_arithmetic3A_1947, %shift_left3A_1949 : vector<16xi32>
    %and3A_1951 = arith.constant 7 : i32
    %and3A_1952 = vector.broadcast %and3A_1951 : i32 to vector<16xi32>
    %and3A_1953 = arith.andi %get3A_1944, %and3A_1952 : vector<16xi32>
    %add3A_1954 = arith.addi %shift_left3A_1950, %and3A_1953 : vector<16xi32>
    %slice3A_1955 = vector.extract_strided_slice %add3A_1903 {offsets = [12], sizes = [1], strides = [1]} : vector<16xi32> to vector<1xi32>
    %squeeze3A_1956 = vector.extract %slice3A_1955[0] : i32 from vector<1xi32>
    %slice3A_1957 = vector.extract_strided_slice %add3A_1920 {offsets = [12], sizes = [1], strides = [1]} : vector<16xi32> to vector<1xi32>
    %squeeze3A_1958 = vector.extract %slice3A_1957[0] : i32 from vector<1xi32>
    %broadcast_in_dim3A_1959 = vector.broadcast %squeeze3A_1956 : i32 to vector<16xi32>
    %broadcast_in_dim3A_1960 = vector.broadcast %squeeze3A_1958 : i32 to vector<16xi32>
    %select_n3A_1961 = arith.select %eq3A_56, %broadcast_in_dim3A_1959, %broadcast_in_dim3A_1960 : vector<16xi1>, vector<16xi32>
    %slice3A_1962 = vector.extract_strided_slice %add3A_1937 {offsets = [12], sizes = [1], strides = [1]} : vector<16xi32> to vector<1xi32>
    %squeeze3A_1963 = vector.extract %slice3A_1962[0] : i32 from vector<1xi32>
    %slice3A_1964 = vector.extract_strided_slice %add3A_1954 {offsets = [12], sizes = [1], strides = [1]} : vector<16xi32> to vector<1xi32>
    %squeeze3A_1965 = vector.extract %slice3A_1964[0] : i32 from vector<1xi32>
    %broadcast_in_dim3A_1966 = vector.broadcast %squeeze3A_1963 : i32 to vector<16xi32>
    %broadcast_in_dim3A_1967 = vector.broadcast %squeeze3A_1965 : i32 to vector<16xi32>
    %select_n3A_1968 = arith.select %eq3A_56, %broadcast_in_dim3A_1966, %broadcast_in_dim3A_1967 : vector<16xi1>, vector<16xi32>
    %select_n3A_1969 = arith.select %eq3A_62, %select_n3A_1961, %select_n3A_1968 : vector<16xi1>, vector<16xi32>
    %mul3A_1970 = arith.constant 8 : i32
    %mul3A_1971 = vector.broadcast %mul3A_1970 : i32 to vector<16xi32>
    %mul3A_1972 = arith.muli %shift_right_arithmetic3A_64, %mul3A_1971 : vector<16xi32>
    %add3A_1973 = arith.addi %select_n3A_1969, %mul3A_1972 : vector<16xi32>
    %swap3A_1974 = arith.constant 0 : index
    %swap3A_1975 = tpu.vector_load %arg15[%swap3A_1974] {strides = array<i32>} : memref<128xi32, #tpu.memory_space<vmem>>, vector<16xi32>,
    %swap3A_1976 = vector.shape_cast %swap3A_1975 : vector<16xi32> to vector<16xi32>
    %swap3A_1977 = vector.shape_cast %add3A_1973 : vector<16xi32> to vector<16xi32>
    tpu.vector_store %arg15[%swap3A_1974], %swap3A_1977 {strides = array<i32>} : memref<128xi32, #tpu.memory_space<vmem>>, vector<16xi32>,
    %slice3A_1978 = vector.extract_strided_slice %add3A_1903 {offsets = [12], sizes = [1], strides = [1]} : vector<16xi32> to vector<1xi32>
    %squeeze3A_1979 = vector.extract %slice3A_1978[0] : i32 from vector<1xi32>
    %slice3A_1980 = vector.extract_strided_slice %add3A_1920 {offsets = [12], sizes = [1], strides = [1]} : vector<16xi32> to vector<1xi32>
    %squeeze3A_1981 = vector.extract %slice3A_1980[0] : i32 from vector<1xi32>
    %broadcast_in_dim3A_1982 = vector.broadcast %squeeze3A_1979 : i32 to vector<16xi32>
    %broadcast_in_dim3A_1983 = vector.broadcast %squeeze3A_1981 : i32 to vector<16xi32>
    %select_n3A_1984 = arith.select %eq3A_56, %broadcast_in_dim3A_1982, %broadcast_in_dim3A_1983 : vector<16xi1>, vector<16xi32>
    %slice3A_1985 = vector.extract_strided_slice %add3A_1937 {offsets = [12], sizes = [1], strides = [1]} : vector<16xi32> to vector<1xi32>
    %squeeze3A_1986 = vector.extract %slice3A_1985[0] : i32 from vector<1xi32>
    %slice3A_1987 = vector.extract_strided_slice %add3A_1954 {offsets = [12], sizes = [1], strides = [1]} : vector<16xi32> to vector<1xi32>
    %squeeze3A_1988 = vector.extract %slice3A_1987[0] : i32 from vector<1xi32>
    %broadcast_in_dim3A_1989 = vector.broadcast %squeeze3A_1986 : i32 to vector<16xi32>
    %broadcast_in_dim3A_1990 = vector.broadcast %squeeze3A_1988 : i32 to vector<16xi32>
    %select_n3A_1991 = arith.select %eq3A_56, %broadcast_in_dim3A_1989, %broadcast_in_dim3A_1990 : vector<16xi1>, vector<16xi32>
    %select_n3A_1992 = arith.select %eq3A_62, %select_n3A_1984, %select_n3A_1991 : vector<16xi1>, vector<16xi32>
    %mul3A_1993 = arith.constant 8 : i32
    %mul3A_1994 = vector.broadcast %mul3A_1993 : i32 to vector<16xi32>
    %mul3A_1995 = arith.muli %shift_right_arithmetic3A_70, %mul3A_1994 : vector<16xi32>
    %add3A_1996 = arith.addi %select_n3A_1992, %mul3A_1995 : vector<16xi32>
    %swap3A_1997 = arith.constant 16 : index
    %swap3A_1998 = tpu.vector_load %arg15[%swap3A_1997] {strides = array<i32>} : memref<128xi32, #tpu.memory_space<vmem>>, vector<16xi32>,
    %swap3A_1999 = vector.shape_cast %swap3A_1998 : vector<16xi32> to vector<16xi32>
    %swap3A_2000 = vector.shape_cast %add3A_1996 : vector<16xi32> to vector<16xi32>
    tpu.vector_store %arg15[%swap3A_1997], %swap3A_2000 {strides = array<i32>} : memref<128xi32, #tpu.memory_space<vmem>>, vector<16xi32>,
    %slice3A_2001 = vector.extract_strided_slice %add3A_1903 {offsets = [13], sizes = [1], strides = [1]} : vector<16xi32> to vector<1xi32>
    %squeeze3A_2002 = vector.extract %slice3A_2001[0] : i32 from vector<1xi32>
    %slice3A_2003 = vector.extract_strided_slice %add3A_1920 {offsets = [13], sizes = [1], strides = [1]} : vector<16xi32> to vector<1xi32>
    %squeeze3A_2004 = vector.extract %slice3A_2003[0] : i32 from vector<1xi32>
    %broadcast_in_dim3A_2005 = vector.broadcast %squeeze3A_2002 : i32 to vector<16xi32>
    %broadcast_in_dim3A_2006 = vector.broadcast %squeeze3A_2004 : i32 to vector<16xi32>
    %select_n3A_2007 = arith.select %eq3A_56, %broadcast_in_dim3A_2005, %broadcast_in_dim3A_2006 : vector<16xi1>, vector<16xi32>
    %slice3A_2008 = vector.extract_strided_slice %add3A_1937 {offsets = [13], sizes = [1], strides = [1]} : vector<16xi32> to vector<1xi32>
    %squeeze3A_2009 = vector.extract %slice3A_2008[0] : i32 from vector<1xi32>
    %slice3A_2010 = vector.extract_strided_slice %add3A_1954 {offsets = [13], sizes = [1], strides = [1]} : vector<16xi32> to vector<1xi32>
    %squeeze3A_2011 = vector.extract %slice3A_2010[0] : i32 from vector<1xi32>
    %broadcast_in_dim3A_2012 = vector.broadcast %squeeze3A_2009 : i32 to vector<16xi32>
    %broadcast_in_dim3A_2013 = vector.broadcast %squeeze3A_2011 : i32 to vector<16xi32>
    %select_n3A_2014 = arith.select %eq3A_56, %broadcast_in_dim3A_2012, %broadcast_in_dim3A_2013 : vector<16xi1>, vector<16xi32>
    %select_n3A_2015 = arith.select %eq3A_62, %select_n3A_2007, %select_n3A_2014 : vector<16xi1>, vector<16xi32>
    %mul3A_2016 = arith.constant 8 : i32
    %mul3A_2017 = vector.broadcast %mul3A_2016 : i32 to vector<16xi32>
    %mul3A_2018 = arith.muli %shift_right_arithmetic3A_64, %mul3A_2017 : vector<16xi32>
    %add3A_2019 = arith.addi %select_n3A_2015, %mul3A_2018 : vector<16xi32>
    %swap3A_2020 = arith.constant 32 : index
    %swap3A_2021 = tpu.vector_load %arg15[%swap3A_2020] {strides = array<i32>} : memref<128xi32, #tpu.memory_space<vmem>>, vector<16xi32>,
    %swap3A_2022 = vector.shape_cast %swap3A_2021 : vector<16xi32> to vector<16xi32>
    %swap3A_2023 = vector.shape_cast %add3A_2019 : vector<16xi32> to vector<16xi32>
    tpu.vector_store %arg15[%swap3A_2020], %swap3A_2023 {strides = array<i32>} : memref<128xi32, #tpu.memory_space<vmem>>, vector<16xi32>,
    %slice3A_2024 = vector.extract_strided_slice %add3A_1903 {offsets = [13], sizes = [1], strides = [1]} : vector<16xi32> to vector<1xi32>
    %squeeze3A_2025 = vector.extract %slice3A_2024[0] : i32 from vector<1xi32>
    %slice3A_2026 = vector.extract_strided_slice %add3A_1920 {offsets = [13], sizes = [1], strides = [1]} : vector<16xi32> to vector<1xi32>
    %squeeze3A_2027 = vector.extract %slice3A_2026[0] : i32 from vector<1xi32>
    %broadcast_in_dim3A_2028 = vector.broadcast %squeeze3A_2025 : i32 to vector<16xi32>
    %broadcast_in_dim3A_2029 = vector.broadcast %squeeze3A_2027 : i32 to vector<16xi32>
    %select_n3A_2030 = arith.select %eq3A_56, %broadcast_in_dim3A_2028, %broadcast_in_dim3A_2029 : vector<16xi1>, vector<16xi32>
    %slice3A_2031 = vector.extract_strided_slice %add3A_1937 {offsets = [13], sizes = [1], strides = [1]} : vector<16xi32> to vector<1xi32>
    %squeeze3A_2032 = vector.extract %slice3A_2031[0] : i32 from vector<1xi32>
    %slice3A_2033 = vector.extract_strided_slice %add3A_1954 {offsets = [13], sizes = [1], strides = [1]} : vector<16xi32> to vector<1xi32>
    %squeeze3A_2034 = vector.extract %slice3A_2033[0] : i32 from vector<1xi32>
    %broadcast_in_dim3A_2035 = vector.broadcast %squeeze3A_2032 : i32 to vector<16xi32>
    %broadcast_in_dim3A_2036 = vector.broadcast %squeeze3A_2034 : i32 to vector<16xi32>
    %select_n3A_2037 = arith.select %eq3A_56, %broadcast_in_dim3A_2035, %broadcast_in_dim3A_2036 : vector<16xi1>, vector<16xi32>
    %select_n3A_2038 = arith.select %eq3A_62, %select_n3A_2030, %select_n3A_2037 : vector<16xi1>, vector<16xi32>
    %mul3A_2039 = arith.constant 8 : i32
    %mul3A_2040 = vector.broadcast %mul3A_2039 : i32 to vector<16xi32>
    %mul3A_2041 = arith.muli %shift_right_arithmetic3A_70, %mul3A_2040 : vector<16xi32>
    %add3A_2042 = arith.addi %select_n3A_2038, %mul3A_2041 : vector<16xi32>
    %swap3A_2043 = arith.constant 48 : index
    %swap3A_2044 = tpu.vector_load %arg15[%swap3A_2043] {strides = array<i32>} : memref<128xi32, #tpu.memory_space<vmem>>, vector<16xi32>,
    %swap3A_2045 = vector.shape_cast %swap3A_2044 : vector<16xi32> to vector<16xi32>
    %swap3A_2046 = vector.shape_cast %add3A_2042 : vector<16xi32> to vector<16xi32>
    tpu.vector_store %arg15[%swap3A_2043], %swap3A_2046 {strides = array<i32>} : memref<128xi32, #tpu.memory_space<vmem>>, vector<16xi32>,
    %slice3A_2047 = vector.extract_strided_slice %add3A_1903 {offsets = [14], sizes = [1], strides = [1]} : vector<16xi32> to vector<1xi32>
    %squeeze3A_2048 = vector.extract %slice3A_2047[0] : i32 from vector<1xi32>
    %slice3A_2049 = vector.extract_strided_slice %add3A_1920 {offsets = [14], sizes = [1], strides = [1]} : vector<16xi32> to vector<1xi32>
    %squeeze3A_2050 = vector.extract %slice3A_2049[0] : i32 from vector<1xi32>
    %broadcast_in_dim3A_2051 = vector.broadcast %squeeze3A_2048 : i32 to vector<16xi32>
    %broadcast_in_dim3A_2052 = vector.broadcast %squeeze3A_2050 : i32 to vector<16xi32>
    %select_n3A_2053 = arith.select %eq3A_56, %broadcast_in_dim3A_2051, %broadcast_in_dim3A_2052 : vector<16xi1>, vector<16xi32>
    %slice3A_2054 = vector.extract_strided_slice %add3A_1937 {offsets = [14], sizes = [1], strides = [1]} : vector<16xi32> to vector<1xi32>
    %squeeze3A_2055 = vector.extract %slice3A_2054[0] : i32 from vector<1xi32>
    %slice3A_2056 = vector.extract_strided_slice %add3A_1954 {offsets = [14], sizes = [1], strides = [1]} : vector<16xi32> to vector<1xi32>
    %squeeze3A_2057 = vector.extract %slice3A_2056[0] : i32 from vector<1xi32>
    %broadcast_in_dim3A_2058 = vector.broadcast %squeeze3A_2055 : i32 to vector<16xi32>
    %broadcast_in_dim3A_2059 = vector.broadcast %squeeze3A_2057 : i32 to vector<16xi32>
    %select_n3A_2060 = arith.select %eq3A_56, %broadcast_in_dim3A_2058, %broadcast_in_dim3A_2059 : vector<16xi1>, vector<16xi32>
    %select_n3A_2061 = arith.select %eq3A_62, %select_n3A_2053, %select_n3A_2060 : vector<16xi1>, vector<16xi32>
    %mul3A_2062 = arith.constant 8 : i32
    %mul3A_2063 = vector.broadcast %mul3A_2062 : i32 to vector<16xi32>
    %mul3A_2064 = arith.muli %shift_right_arithmetic3A_64, %mul3A_2063 : vector<16xi32>
    %add3A_2065 = arith.addi %select_n3A_2061, %mul3A_2064 : vector<16xi32>
    %swap3A_2066 = arith.constant 64 : index
    %swap3A_2067 = tpu.vector_load %arg15[%swap3A_2066] {strides = array<i32>} : memref<128xi32, #tpu.memory_space<vmem>>, vector<16xi32>,
    %swap3A_2068 = vector.shape_cast %swap3A_2067 : vector<16xi32> to vector<16xi32>
    %swap3A_2069 = vector.shape_cast %add3A_2065 : vector<16xi32> to vector<16xi32>
    tpu.vector_store %arg15[%swap3A_2066], %swap3A_2069 {strides = array<i32>} : memref<128xi32, #tpu.memory_space<vmem>>, vector<16xi32>,
    %slice3A_2070 = vector.extract_strided_slice %add3A_1903 {offsets = [14], sizes = [1], strides = [1]} : vector<16xi32> to vector<1xi32>
    %squeeze3A_2071 = vector.extract %slice3A_2070[0] : i32 from vector<1xi32>
    %slice3A_2072 = vector.extract_strided_slice %add3A_1920 {offsets = [14], sizes = [1], strides = [1]} : vector<16xi32> to vector<1xi32>
    %squeeze3A_2073 = vector.extract %slice3A_2072[0] : i32 from vector<1xi32>
    %broadcast_in_dim3A_2074 = vector.broadcast %squeeze3A_2071 : i32 to vector<16xi32>
    %broadcast_in_dim3A_2075 = vector.broadcast %squeeze3A_2073 : i32 to vector<16xi32>
    %select_n3A_2076 = arith.select %eq3A_56, %broadcast_in_dim3A_2074, %broadcast_in_dim3A_2075 : vector<16xi1>, vector<16xi32>
    %slice3A_2077 = vector.extract_strided_slice %add3A_1937 {offsets = [14], sizes = [1], strides = [1]} : vector<16xi32> to vector<1xi32>
    %squeeze3A_2078 = vector.extract %slice3A_2077[0] : i32 from vector<1xi32>
    %slice3A_2079 = vector.extract_strided_slice %add3A_1954 {offsets = [14], sizes = [1], strides = [1]} : vector<16xi32> to vector<1xi32>
    %squeeze3A_2080 = vector.extract %slice3A_2079[0] : i32 from vector<1xi32>
    %broadcast_in_dim3A_2081 = vector.broadcast %squeeze3A_2078 : i32 to vector<16xi32>
    %broadcast_in_dim3A_2082 = vector.broadcast %squeeze3A_2080 : i32 to vector<16xi32>
    %select_n3A_2083 = arith.select %eq3A_56, %broadcast_in_dim3A_2081, %broadcast_in_dim3A_2082 : vector<16xi1>, vector<16xi32>
    %select_n3A_2084 = arith.select %eq3A_62, %select_n3A_2076, %select_n3A_2083 : vector<16xi1>, vector<16xi32>
    %mul3A_2085 = arith.constant 8 : i32
    %mul3A_2086 = vector.broadcast %mul3A_2085 : i32 to vector<16xi32>
    %mul3A_2087 = arith.muli %shift_right_arithmetic3A_70, %mul3A_2086 : vector<16xi32>
    %add3A_2088 = arith.addi %select_n3A_2084, %mul3A_2087 : vector<16xi32>
    %swap3A_2089 = arith.constant 80 : index
    %swap3A_2090 = tpu.vector_load %arg15[%swap3A_2089] {strides = array<i32>} : memref<128xi32, #tpu.memory_space<vmem>>, vector<16xi32>,
    %swap3A_2091 = vector.shape_cast %swap3A_2090 : vector<16xi32> to vector<16xi32>
    %swap3A_2092 = vector.shape_cast %add3A_2088 : vector<16xi32> to vector<16xi32>
    tpu.vector_store %arg15[%swap3A_2089], %swap3A_2092 {strides = array<i32>} : memref<128xi32, #tpu.memory_space<vmem>>, vector<16xi32>,
    %slice3A_2093 = vector.extract_strided_slice %add3A_1903 {offsets = [15], sizes = [1], strides = [1]} : vector<16xi32> to vector<1xi32>
    %squeeze3A_2094 = vector.extract %slice3A_2093[0] : i32 from vector<1xi32>
    %slice3A_2095 = vector.extract_strided_slice %add3A_1920 {offsets = [15], sizes = [1], strides = [1]} : vector<16xi32> to vector<1xi32>
    %squeeze3A_2096 = vector.extract %slice3A_2095[0] : i32 from vector<1xi32>
    %broadcast_in_dim3A_2097 = vector.broadcast %squeeze3A_2094 : i32 to vector<16xi32>
    %broadcast_in_dim3A_2098 = vector.broadcast %squeeze3A_2096 : i32 to vector<16xi32>
    %select_n3A_2099 = arith.select %eq3A_56, %broadcast_in_dim3A_2097, %broadcast_in_dim3A_2098 : vector<16xi1>, vector<16xi32>
    %slice3A_2100 = vector.extract_strided_slice %add3A_1937 {offsets = [15], sizes = [1], strides = [1]} : vector<16xi32> to vector<1xi32>
    %squeeze3A_2101 = vector.extract %slice3A_2100[0] : i32 from vector<1xi32>
    %slice3A_2102 = vector.extract_strided_slice %add3A_1954 {offsets = [15], sizes = [1], strides = [1]} : vector<16xi32> to vector<1xi32>
    %squeeze3A_2103 = vector.extract %slice3A_2102[0] : i32 from vector<1xi32>
    %broadcast_in_dim3A_2104 = vector.broadcast %squeeze3A_2101 : i32 to vector<16xi32>
    %broadcast_in_dim3A_2105 = vector.broadcast %squeeze3A_2103 : i32 to vector<16xi32>
    %select_n3A_2106 = arith.select %eq3A_56, %broadcast_in_dim3A_2104, %broadcast_in_dim3A_2105 : vector<16xi1>, vector<16xi32>
    %select_n3A_2107 = arith.select %eq3A_62, %select_n3A_2099, %select_n3A_2106 : vector<16xi1>, vector<16xi32>
    %mul3A_2108 = arith.constant 8 : i32
    %mul3A_2109 = vector.broadcast %mul3A_2108 : i32 to vector<16xi32>
    %mul3A_2110 = arith.muli %shift_right_arithmetic3A_64, %mul3A_2109 : vector<16xi32>
    %add3A_2111 = arith.addi %select_n3A_2107, %mul3A_2110 : vector<16xi32>
    %swap3A_2112 = arith.constant 96 : index
    %swap3A_2113 = tpu.vector_load %arg15[%swap3A_2112] {strides = array<i32>} : memref<128xi32, #tpu.memory_space<vmem>>, vector<16xi32>,
    %swap3A_2114 = vector.shape_cast %swap3A_2113 : vector<16xi32> to vector<16xi32>
    %swap3A_2115 = vector.shape_cast %add3A_2111 : vector<16xi32> to vector<16xi32>
    tpu.vector_store %arg15[%swap3A_2112], %swap3A_2115 {strides = array<i32>} : memref<128xi32, #tpu.memory_space<vmem>>, vector<16xi32>,
    %slice3A_2116 = vector.extract_strided_slice %add3A_1903 {offsets = [15], sizes = [1], strides = [1]} : vector<16xi32> to vector<1xi32>
    %squeeze3A_2117 = vector.extract %slice3A_2116[0] : i32 from vector<1xi32>
    %slice3A_2118 = vector.extract_strided_slice %add3A_1920 {offsets = [15], sizes = [1], strides = [1]} : vector<16xi32> to vector<1xi32>
    %squeeze3A_2119 = vector.extract %slice3A_2118[0] : i32 from vector<1xi32>
    %broadcast_in_dim3A_2120 = vector.broadcast %squeeze3A_2117 : i32 to vector<16xi32>
    %broadcast_in_dim3A_2121 = vector.broadcast %squeeze3A_2119 : i32 to vector<16xi32>
    %select_n3A_2122 = arith.select %eq3A_56, %broadcast_in_dim3A_2120, %broadcast_in_dim3A_2121 : vector<16xi1>, vector<16xi32>
    %slice3A_2123 = vector.extract_strided_slice %add3A_1937 {offsets = [15], sizes = [1], strides = [1]} : vector<16xi32> to vector<1xi32>
    %squeeze3A_2124 = vector.extract %slice3A_2123[0] : i32 from vector<1xi32>
    %slice3A_2125 = vector.extract_strided_slice %add3A_1954 {offsets = [15], sizes = [1], strides = [1]} : vector<16xi32> to vector<1xi32>
    %squeeze3A_2126 = vector.extract %slice3A_2125[0] : i32 from vector<1xi32>
    %broadcast_in_dim3A_2127 = vector.broadcast %squeeze3A_2124 : i32 to vector<16xi32>
    %broadcast_in_dim3A_2128 = vector.broadcast %squeeze3A_2126 : i32 to vector<16xi32>
    %select_n3A_2129 = arith.select %eq3A_56, %broadcast_in_dim3A_2127, %broadcast_in_dim3A_2128 : vector<16xi1>, vector<16xi32>
    %select_n3A_2130 = arith.select %eq3A_62, %select_n3A_2122, %select_n3A_2129 : vector<16xi1>, vector<16xi32>
    %mul3A_2131 = arith.constant 8 : i32
    %mul3A_2132 = vector.broadcast %mul3A_2131 : i32 to vector<16xi32>
    %mul3A_2133 = arith.muli %shift_right_arithmetic3A_70, %mul3A_2132 : vector<16xi32>
    %add3A_2134 = arith.addi %select_n3A_2130, %mul3A_2133 : vector<16xi32>
    %swap3A_2135 = arith.constant 112 : index
    %swap3A_2136 = tpu.vector_load %arg15[%swap3A_2135] {strides = array<i32>} : memref<128xi32, #tpu.memory_space<vmem>>, vector<16xi32>,
    %swap3A_2137 = vector.shape_cast %swap3A_2136 : vector<16xi32> to vector<16xi32>
    %swap3A_2138 = vector.shape_cast %add3A_2134 : vector<16xi32> to vector<16xi32>
    tpu.vector_store %arg15[%swap3A_2135], %swap3A_2138 {strides = array<i32>} : memref<128xi32, #tpu.memory_space<vmem>>, vector<16xi32>,
    %add3A_2139 = arith.constant 4 : i32
    %add3A_2140 = arith.addi %add3A_50, %add3A_2139 : i32
    %mul3A_2141 = arith.constant 32 : i32
    %mul3A_2142 = arith.muli %add3A_2140, %mul3A_2141 : i32
    %multiple_of3A_2143 = tpu.assume_multiple %mul3A_2142, 32 : i32
    %dma_wait3A_2144 = arith.constant 0 : i32
    %dma_wait3A_2145 = tpu.memref_slice %arg5[%multiple_of3A_2143, %dma_wait3A_2144] : memref<68736x128xf32, #tpu.memory_space<hbm>> -> memref<128x128xf32, #tpu.memory_space<hbm>>
    %dma_wait3A_2146 = arith.constant 0 : i32
    %dma_wait3A_2147 = tpu.memref_slice %arg5[%multiple_of3A_2143, %dma_wait3A_2146] : memref<68736x128xf32, #tpu.memory_space<hbm>> -> memref<128x128xf32, #tpu.memory_space<hbm>>
    tpu.wait_dma2 semaphore(%arg28 : memref<!tpu.dma_semaphore, #tpu.memory_space<semaphore_mem>>) src(%arg8 : memref<128x128xf32, #tpu.memory_space<vmem>>) dst(%dma_wait3A_2147 : memref<128x128xf32, #tpu.memory_space<hbm>>)
    %dma_start3A_2148 = arith.constant 0 : i32
    %dma_start3A_2149 = arith.constant 0 : i32
    %dma_start3A_2150 = tpu.memref_slice %arg3[%dma_start3A_2148, %dma_start3A_2149] : memref<800000x128xf32, #tpu.memory_space<hbm>> -> memref<800000x128xf32, #tpu.memory_space<hbm>>
    tpu.enqueue_indirect_dma source(%dma_start3A_2150 : memref<800000x128xf32, #tpu.memory_space<hbm>>) target(%arg8 : memref<128x128xf32, #tpu.memory_space<vmem>>) offsets(%arg15 : memref<128xi32, #tpu.memory_space<vmem>>) semaphore(%arg22 : memref<!tpu.dma_semaphore, #tpu.memory_space<semaphore_mem>>)
    %dma_wait3A_2151 = arith.constant 0 : i32
    %dma_wait3A_2152 = arith.constant 0 : i32
    %dma_wait3A_2153 = tpu.memref_slice %arg3[%dma_wait3A_2151, %dma_wait3A_2152] : memref<800000x128xf32, #tpu.memory_space<hbm>> -> memref<800000x128xf32, #tpu.memory_space<hbm>>
    tpu.wait_indirect_dma semaphore(%arg23 : memref<!tpu.dma_semaphore, #tpu.memory_space<semaphore_mem>>) src(%dma_wait3A_2153 : memref<800000x128xf32, #tpu.memory_space<hbm>>) dst(%arg9 : memref<128x128xf32, #tpu.memory_space<vmem>>)
    %add3A_2154 = arith.constant 8 : i32
    %add3A_2155 = arith.addi %add3A_50, %add3A_2154 : i32
    %mul3A_2156 = arith.constant 32 : i32
    %mul3A_2157 = arith.muli %add3A_2155, %mul3A_2156 : i32
    %multiple_of3A_2158 = tpu.assume_multiple %mul3A_2157, 32 : i32
    %dma_start3A_2159 = arith.constant 0 : i32
    %dma_start3A_2160 = tpu.memref_slice %arg5[%multiple_of3A_2158, %dma_start3A_2159] : memref<68736x128xf32, #tpu.memory_space<hbm>> -> memref<128x128xf32, #tpu.memory_space<hbm>>
    %dma_start3A_2161 = arith.constant 0 : i32
    %dma_start3A_2162 = tpu.memref_slice %arg5[%multiple_of3A_2158, %dma_start3A_2161] : memref<68736x128xf32, #tpu.memory_space<hbm>> -> memref<128x128xf32, #tpu.memory_space<hbm>>
    tpu.enqueue_dma source(%arg9 : memref<128x128xf32, #tpu.memory_space<vmem>>) target(%dma_start3A_2162 : memref<128x128xf32, #tpu.memory_space<hbm>>) target_semaphore(%arg29 : memref<!tpu.dma_semaphore, #tpu.memory_space<semaphore_mem>>)
    %add3A_2163 = arith.constant 32 : i32
    %add3A_2164 = arith.addi %mul3A_46, %add3A_2163 : i32
    %get3A_2165 = arith.constant 0 : i32
    %get3A_2166 = arith.index_cast %get3A_2165 : i32 to index
    %get3A_2167 = arith.index_cast %add3A_2164 : i32 to index
    %get3A_2168 = tpu.vector_load %arg6[%get3A_2166, %get3A_2167] {strides = array<i32>} : memref<16x128xi32, #tpu.memory_space<vmem>>, vector<1x16xi32>,
    %get3A_2169 = vector.shape_cast %get3A_2168 : vector<1x16xi32> to vector<16xi32>
    %shift_right_arithmetic3A_2170 = arith.constant 3 : i32
    %shift_right_arithmetic3A_2171 = vector.broadcast %shift_right_arithmetic3A_2170 : i32 to vector<16xi32>
    %shift_right_arithmetic3A_2172 = arith.shrsi %get3A_2169, %shift_right_arithmetic3A_2171 : vector<16xi32>
    %shift_left3A_2173 = arith.constant 6 : i32
    %shift_left3A_2174 = vector.broadcast %shift_left3A_2173 : i32 to vector<16xi32>
    %shift_left3A_2175 = arith.shli %shift_right_arithmetic3A_2172, %shift_left3A_2174 : vector<16xi32>
    %and3A_2176 = arith.constant 7 : i32
    %and3A_2177 = vector.broadcast %and3A_2176 : i32 to vector<16xi32>
    %and3A_2178 = arith.andi %get3A_2169, %and3A_2177 : vector<16xi32>
    %add3A_2179 = arith.addi %shift_left3A_2175, %and3A_2178 : vector<16xi32>
    %add3A_2180 = arith.constant 32 : i32
    %add3A_2181 = arith.addi %mul3A_46, %add3A_2180 : i32
    %get3A_2182 = arith.constant 1 : i32
    %get3A_2183 = arith.index_cast %get3A_2182 : i32 to index
    %get3A_2184 = arith.index_cast %add3A_2181 : i32 to index
    %get3A_2185 = tpu.vector_load %arg6[%get3A_2183, %get3A_2184] {strides = array<i32>} : memref<16x128xi32, #tpu.memory_space<vmem>>, vector<1x16xi32>,
    %get3A_2186 = vector.shape_cast %get3A_2185 : vector<1x16xi32> to vector<16xi32>
    %shift_right_arithmetic3A_2187 = arith.constant 3 : i32
    %shift_right_arithmetic3A_2188 = vector.broadcast %shift_right_arithmetic3A_2187 : i32 to vector<16xi32>
    %shift_right_arithmetic3A_2189 = arith.shrsi %get3A_2186, %shift_right_arithmetic3A_2188 : vector<16xi32>
    %shift_left3A_2190 = arith.constant 6 : i32
    %shift_left3A_2191 = vector.broadcast %shift_left3A_2190 : i32 to vector<16xi32>
    %shift_left3A_2192 = arith.shli %shift_right_arithmetic3A_2189, %shift_left3A_2191 : vector<16xi32>
    %and3A_2193 = arith.constant 7 : i32
    %and3A_2194 = vector.broadcast %and3A_2193 : i32 to vector<16xi32>
    %and3A_2195 = arith.andi %get3A_2186, %and3A_2194 : vector<16xi32>
    %add3A_2196 = arith.addi %shift_left3A_2192, %and3A_2195 : vector<16xi32>
    %add3A_2197 = arith.constant 32 : i32
    %add3A_2198 = arith.addi %mul3A_46, %add3A_2197 : i32
    %get3A_2199 = arith.constant 2 : i32
    %get3A_2200 = arith.index_cast %get3A_2199 : i32 to index
    %get3A_2201 = arith.index_cast %add3A_2198 : i32 to index
    %get3A_2202 = tpu.vector_load %arg6[%get3A_2200, %get3A_2201] {strides = array<i32>} : memref<16x128xi32, #tpu.memory_space<vmem>>, vector<1x16xi32>,
    %get3A_2203 = vector.shape_cast %get3A_2202 : vector<1x16xi32> to vector<16xi32>
    %shift_right_arithmetic3A_2204 = arith.constant 3 : i32
    %shift_right_arithmetic3A_2205 = vector.broadcast %shift_right_arithmetic3A_2204 : i32 to vector<16xi32>
    %shift_right_arithmetic3A_2206 = arith.shrsi %get3A_2203, %shift_right_arithmetic3A_2205 : vector<16xi32>
    %shift_left3A_2207 = arith.constant 6 : i32
    %shift_left3A_2208 = vector.broadcast %shift_left3A_2207 : i32 to vector<16xi32>
    %shift_left3A_2209 = arith.shli %shift_right_arithmetic3A_2206, %shift_left3A_2208 : vector<16xi32>
    %and3A_2210 = arith.constant 7 : i32
    %and3A_2211 = vector.broadcast %and3A_2210 : i32 to vector<16xi32>
    %and3A_2212 = arith.andi %get3A_2203, %and3A_2211 : vector<16xi32>
    %add3A_2213 = arith.addi %shift_left3A_2209, %and3A_2212 : vector<16xi32>
    %add3A_2214 = arith.constant 32 : i32
    %add3A_2215 = arith.addi %mul3A_46, %add3A_2214 : i32
    %get3A_2216 = arith.constant 3 : i32
    %get3A_2217 = arith.index_cast %get3A_2216 : i32 to index
    %get3A_2218 = arith.index_cast %add3A_2215 : i32 to index
    %get3A_2219 = tpu.vector_load %arg6[%get3A_2217, %get3A_2218] {strides = array<i32>} : memref<16x128xi32, #tpu.memory_space<vmem>>, vector<1x16xi32>,
    %get3A_2220 = vector.shape_cast %get3A_2219 : vector<1x16xi32> to vector<16xi32>
    %shift_right_arithmetic3A_2221 = arith.constant 3 : i32
    %shift_right_arithmetic3A_2222 = vector.broadcast %shift_right_arithmetic3A_2221 : i32 to vector<16xi32>
    %shift_right_arithmetic3A_2223 = arith.shrsi %get3A_2220, %shift_right_arithmetic3A_2222 : vector<16xi32>
    %shift_left3A_2224 = arith.constant 6 : i32
    %shift_left3A_2225 = vector.broadcast %shift_left3A_2224 : i32 to vector<16xi32>
    %shift_left3A_2226 = arith.shli %shift_right_arithmetic3A_2223, %shift_left3A_2225 : vector<16xi32>
    %and3A_2227 = arith.constant 7 : i32
    %and3A_2228 = vector.broadcast %and3A_2227 : i32 to vector<16xi32>
    %and3A_2229 = arith.andi %get3A_2220, %and3A_2228 : vector<16xi32>
    %add3A_2230 = arith.addi %shift_left3A_2226, %and3A_2229 : vector<16xi32>
    %slice3A_2231 = vector.extract_strided_slice %add3A_2179 {offsets = [0], sizes = [1], strides = [1]} : vector<16xi32> to vector<1xi32>
    %squeeze3A_2232 = vector.extract %slice3A_2231[0] : i32 from vector<1xi32>
    %slice3A_2233 = vector.extract_strided_slice %add3A_2196 {offsets = [0], sizes = [1], strides = [1]} : vector<16xi32> to vector<1xi32>
    %squeeze3A_2234 = vector.extract %slice3A_2233[0] : i32 from vector<1xi32>
    %broadcast_in_dim3A_2235 = vector.broadcast %squeeze3A_2232 : i32 to vector<16xi32>
    %broadcast_in_dim3A_2236 = vector.broadcast %squeeze3A_2234 : i32 to vector<16xi32>
    %select_n3A_2237 = arith.select %eq3A_56, %broadcast_in_dim3A_2235, %broadcast_in_dim3A_2236 : vector<16xi1>, vector<16xi32>
    %slice3A_2238 = vector.extract_strided_slice %add3A_2213 {offsets = [0], sizes = [1], strides = [1]} : vector<16xi32> to vector<1xi32>
    %squeeze3A_2239 = vector.extract %slice3A_2238[0] : i32 from vector<1xi32>
    %slice3A_2240 = vector.extract_strided_slice %add3A_2230 {offsets = [0], sizes = [1], strides = [1]} : vector<16xi32> to vector<1xi32>
    %squeeze3A_2241 = vector.extract %slice3A_2240[0] : i32 from vector<1xi32>
    %broadcast_in_dim3A_2242 = vector.broadcast %squeeze3A_2239 : i32 to vector<16xi32>
    %broadcast_in_dim3A_2243 = vector.broadcast %squeeze3A_2241 : i32 to vector<16xi32>
    %select_n3A_2244 = arith.select %eq3A_56, %broadcast_in_dim3A_2242, %broadcast_in_dim3A_2243 : vector<16xi1>, vector<16xi32>
    %select_n3A_2245 = arith.select %eq3A_62, %select_n3A_2237, %select_n3A_2244 : vector<16xi1>, vector<16xi32>
    %mul3A_2246 = arith.constant 8 : i32
    %mul3A_2247 = vector.broadcast %mul3A_2246 : i32 to vector<16xi32>
    %mul3A_2248 = arith.muli %shift_right_arithmetic3A_64, %mul3A_2247 : vector<16xi32>
    %add3A_2249 = arith.addi %select_n3A_2245, %mul3A_2248 : vector<16xi32>
    %swap3A_2250 = arith.constant 0 : index
    %swap3A_2251 = tpu.vector_load %arg16[%swap3A_2250] {strides = array<i32>} : memref<128xi32, #tpu.memory_space<vmem>>, vector<16xi32>,
    %swap3A_2252 = vector.shape_cast %swap3A_2251 : vector<16xi32> to vector<16xi32>
    %swap3A_2253 = vector.shape_cast %add3A_2249 : vector<16xi32> to vector<16xi32>
    tpu.vector_store %arg16[%swap3A_2250], %swap3A_2253 {strides = array<i32>} : memref<128xi32, #tpu.memory_space<vmem>>, vector<16xi32>,
    %slice3A_2254 = vector.extract_strided_slice %add3A_2179 {offsets = [0], sizes = [1], strides = [1]} : vector<16xi32> to vector<1xi32>
    %squeeze3A_2255 = vector.extract %slice3A_2254[0] : i32 from vector<1xi32>
    %slice3A_2256 = vector.extract_strided_slice %add3A_2196 {offsets = [0], sizes = [1], strides = [1]} : vector<16xi32> to vector<1xi32>
    %squeeze3A_2257 = vector.extract %slice3A_2256[0] : i32 from vector<1xi32>
    %broadcast_in_dim3A_2258 = vector.broadcast %squeeze3A_2255 : i32 to vector<16xi32>
    %broadcast_in_dim3A_2259 = vector.broadcast %squeeze3A_2257 : i32 to vector<16xi32>
    %select_n3A_2260 = arith.select %eq3A_56, %broadcast_in_dim3A_2258, %broadcast_in_dim3A_2259 : vector<16xi1>, vector<16xi32>
    %slice3A_2261 = vector.extract_strided_slice %add3A_2213 {offsets = [0], sizes = [1], strides = [1]} : vector<16xi32> to vector<1xi32>
    %squeeze3A_2262 = vector.extract %slice3A_2261[0] : i32 from vector<1xi32>
    %slice3A_2263 = vector.extract_strided_slice %add3A_2230 {offsets = [0], sizes = [1], strides = [1]} : vector<16xi32> to vector<1xi32>
    %squeeze3A_2264 = vector.extract %slice3A_2263[0] : i32 from vector<1xi32>
    %broadcast_in_dim3A_2265 = vector.broadcast %squeeze3A_2262 : i32 to vector<16xi32>
    %broadcast_in_dim3A_2266 = vector.broadcast %squeeze3A_2264 : i32 to vector<16xi32>
    %select_n3A_2267 = arith.select %eq3A_56, %broadcast_in_dim3A_2265, %broadcast_in_dim3A_2266 : vector<16xi1>, vector<16xi32>
    %select_n3A_2268 = arith.select %eq3A_62, %select_n3A_2260, %select_n3A_2267 : vector<16xi1>, vector<16xi32>
    %mul3A_2269 = arith.constant 8 : i32
    %mul3A_2270 = vector.broadcast %mul3A_2269 : i32 to vector<16xi32>
    %mul3A_2271 = arith.muli %shift_right_arithmetic3A_70, %mul3A_2270 : vector<16xi32>
    %add3A_2272 = arith.addi %select_n3A_2268, %mul3A_2271 : vector<16xi32>
    %swap3A_2273 = arith.constant 16 : index
    %swap3A_2274 = tpu.vector_load %arg16[%swap3A_2273] {strides = array<i32>} : memref<128xi32, #tpu.memory_space<vmem>>, vector<16xi32>,
    %swap3A_2275 = vector.shape_cast %swap3A_2274 : vector<16xi32> to vector<16xi32>
    %swap3A_2276 = vector.shape_cast %add3A_2272 : vector<16xi32> to vector<16xi32>
    tpu.vector_store %arg16[%swap3A_2273], %swap3A_2276 {strides = array<i32>} : memref<128xi32, #tpu.memory_space<vmem>>, vector<16xi32>,
    %slice3A_2277 = vector.extract_strided_slice %add3A_2179 {offsets = [1], sizes = [1], strides = [1]} : vector<16xi32> to vector<1xi32>
    %squeeze3A_2278 = vector.extract %slice3A_2277[0] : i32 from vector<1xi32>
    %slice3A_2279 = vector.extract_strided_slice %add3A_2196 {offsets = [1], sizes = [1], strides = [1]} : vector<16xi32> to vector<1xi32>
    %squeeze3A_2280 = vector.extract %slice3A_2279[0] : i32 from vector<1xi32>
    %broadcast_in_dim3A_2281 = vector.broadcast %squeeze3A_2278 : i32 to vector<16xi32>
    %broadcast_in_dim3A_2282 = vector.broadcast %squeeze3A_2280 : i32 to vector<16xi32>
    %select_n3A_2283 = arith.select %eq3A_56, %broadcast_in_dim3A_2281, %broadcast_in_dim3A_2282 : vector<16xi1>, vector<16xi32>
    %slice3A_2284 = vector.extract_strided_slice %add3A_2213 {offsets = [1], sizes = [1], strides = [1]} : vector<16xi32> to vector<1xi32>
    %squeeze3A_2285 = vector.extract %slice3A_2284[0] : i32 from vector<1xi32>
    %slice3A_2286 = vector.extract_strided_slice %add3A_2230 {offsets = [1], sizes = [1], strides = [1]} : vector<16xi32> to vector<1xi32>
    %squeeze3A_2287 = vector.extract %slice3A_2286[0] : i32 from vector<1xi32>
    %broadcast_in_dim3A_2288 = vector.broadcast %squeeze3A_2285 : i32 to vector<16xi32>
    %broadcast_in_dim3A_2289 = vector.broadcast %squeeze3A_2287 : i32 to vector<16xi32>
    %select_n3A_2290 = arith.select %eq3A_56, %broadcast_in_dim3A_2288, %broadcast_in_dim3A_2289 : vector<16xi1>, vector<16xi32>
    %select_n3A_2291 = arith.select %eq3A_62, %select_n3A_2283, %select_n3A_2290 : vector<16xi1>, vector<16xi32>
    %mul3A_2292 = arith.constant 8 : i32
    %mul3A_2293 = vector.broadcast %mul3A_2292 : i32 to vector<16xi32>
    %mul3A_2294 = arith.muli %shift_right_arithmetic3A_64, %mul3A_2293 : vector<16xi32>
    %add3A_2295 = arith.addi %select_n3A_2291, %mul3A_2294 : vector<16xi32>
    %swap3A_2296 = arith.constant 32 : index
    %swap3A_2297 = tpu.vector_load %arg16[%swap3A_2296] {strides = array<i32>} : memref<128xi32, #tpu.memory_space<vmem>>, vector<16xi32>,
    %swap3A_2298 = vector.shape_cast %swap3A_2297 : vector<16xi32> to vector<16xi32>
    %swap3A_2299 = vector.shape_cast %add3A_2295 : vector<16xi32> to vector<16xi32>
    tpu.vector_store %arg16[%swap3A_2296], %swap3A_2299 {strides = array<i32>} : memref<128xi32, #tpu.memory_space<vmem>>, vector<16xi32>,
    %slice3A_2300 = vector.extract_strided_slice %add3A_2179 {offsets = [1], sizes = [1], strides = [1]} : vector<16xi32> to vector<1xi32>
    %squeeze3A_2301 = vector.extract %slice3A_2300[0] : i32 from vector<1xi32>
    %slice3A_2302 = vector.extract_strided_slice %add3A_2196 {offsets = [1], sizes = [1], strides = [1]} : vector<16xi32> to vector<1xi32>
    %squeeze3A_2303 = vector.extract %slice3A_2302[0] : i32 from vector<1xi32>
    %broadcast_in_dim3A_2304 = vector.broadcast %squeeze3A_2301 : i32 to vector<16xi32>
    %broadcast_in_dim3A_2305 = vector.broadcast %squeeze3A_2303 : i32 to vector<16xi32>
    %select_n3A_2306 = arith.select %eq3A_56, %broadcast_in_dim3A_2304, %broadcast_in_dim3A_2305 : vector<16xi1>, vector<16xi32>
    %slice3A_2307 = vector.extract_strided_slice %add3A_2213 {offsets = [1], sizes = [1], strides = [1]} : vector<16xi32> to vector<1xi32>
    %squeeze3A_2308 = vector.extract %slice3A_2307[0] : i32 from vector<1xi32>
    %slice3A_2309 = vector.extract_strided_slice %add3A_2230 {offsets = [1], sizes = [1], strides = [1]} : vector<16xi32> to vector<1xi32>
    %squeeze3A_2310 = vector.extract %slice3A_2309[0] : i32 from vector<1xi32>
    %broadcast_in_dim3A_2311 = vector.broadcast %squeeze3A_2308 : i32 to vector<16xi32>
    %broadcast_in_dim3A_2312 = vector.broadcast %squeeze3A_2310 : i32 to vector<16xi32>
    %select_n3A_2313 = arith.select %eq3A_56, %broadcast_in_dim3A_2311, %broadcast_in_dim3A_2312 : vector<16xi1>, vector<16xi32>
    %select_n3A_2314 = arith.select %eq3A_62, %select_n3A_2306, %select_n3A_2313 : vector<16xi1>, vector<16xi32>
    %mul3A_2315 = arith.constant 8 : i32
    %mul3A_2316 = vector.broadcast %mul3A_2315 : i32 to vector<16xi32>
    %mul3A_2317 = arith.muli %shift_right_arithmetic3A_70, %mul3A_2316 : vector<16xi32>
    %add3A_2318 = arith.addi %select_n3A_2314, %mul3A_2317 : vector<16xi32>
    %swap3A_2319 = arith.constant 48 : index
    %swap3A_2320 = tpu.vector_load %arg16[%swap3A_2319] {strides = array<i32>} : memref<128xi32, #tpu.memory_space<vmem>>, vector<16xi32>,
    %swap3A_2321 = vector.shape_cast %swap3A_2320 : vector<16xi32> to vector<16xi32>
    %swap3A_2322 = vector.shape_cast %add3A_2318 : vector<16xi32> to vector<16xi32>
    tpu.vector_store %arg16[%swap3A_2319], %swap3A_2322 {strides = array<i32>} : memref<128xi32, #tpu.memory_space<vmem>>, vector<16xi32>,
    %slice3A_2323 = vector.extract_strided_slice %add3A_2179 {offsets = [2], sizes = [1], strides = [1]} : vector<16xi32> to vector<1xi32>
    %squeeze3A_2324 = vector.extract %slice3A_2323[0] : i32 from vector<1xi32>
    %slice3A_2325 = vector.extract_strided_slice %add3A_2196 {offsets = [2], sizes = [1], strides = [1]} : vector<16xi32> to vector<1xi32>
    %squeeze3A_2326 = vector.extract %slice3A_2325[0] : i32 from vector<1xi32>
    %broadcast_in_dim3A_2327 = vector.broadcast %squeeze3A_2324 : i32 to vector<16xi32>
    %broadcast_in_dim3A_2328 = vector.broadcast %squeeze3A_2326 : i32 to vector<16xi32>
    %select_n3A_2329 = arith.select %eq3A_56, %broadcast_in_dim3A_2327, %broadcast_in_dim3A_2328 : vector<16xi1>, vector<16xi32>
    %slice3A_2330 = vector.extract_strided_slice %add3A_2213 {offsets = [2], sizes = [1], strides = [1]} : vector<16xi32> to vector<1xi32>
    %squeeze3A_2331 = vector.extract %slice3A_2330[0] : i32 from vector<1xi32>
    %slice3A_2332 = vector.extract_strided_slice %add3A_2230 {offsets = [2], sizes = [1], strides = [1]} : vector<16xi32> to vector<1xi32>
    %squeeze3A_2333 = vector.extract %slice3A_2332[0] : i32 from vector<1xi32>
    %broadcast_in_dim3A_2334 = vector.broadcast %squeeze3A_2331 : i32 to vector<16xi32>
    %broadcast_in_dim3A_2335 = vector.broadcast %squeeze3A_2333 : i32 to vector<16xi32>
    %select_n3A_2336 = arith.select %eq3A_56, %broadcast_in_dim3A_2334, %broadcast_in_dim3A_2335 : vector<16xi1>, vector<16xi32>
    %select_n3A_2337 = arith.select %eq3A_62, %select_n3A_2329, %select_n3A_2336 : vector<16xi1>, vector<16xi32>
    %mul3A_2338 = arith.constant 8 : i32
    %mul3A_2339 = vector.broadcast %mul3A_2338 : i32 to vector<16xi32>
    %mul3A_2340 = arith.muli %shift_right_arithmetic3A_64, %mul3A_2339 : vector<16xi32>
    %add3A_2341 = arith.addi %select_n3A_2337, %mul3A_2340 : vector<16xi32>
    %swap3A_2342 = arith.constant 64 : index
    %swap3A_2343 = tpu.vector_load %arg16[%swap3A_2342] {strides = array<i32>} : memref<128xi32, #tpu.memory_space<vmem>>, vector<16xi32>,
    %swap3A_2344 = vector.shape_cast %swap3A_2343 : vector<16xi32> to vector<16xi32>
    %swap3A_2345 = vector.shape_cast %add3A_2341 : vector<16xi32> to vector<16xi32>
    tpu.vector_store %arg16[%swap3A_2342], %swap3A_2345 {strides = array<i32>} : memref<128xi32, #tpu.memory_space<vmem>>, vector<16xi32>,
    %slice3A_2346 = vector.extract_strided_slice %add3A_2179 {offsets = [2], sizes = [1], strides = [1]} : vector<16xi32> to vector<1xi32>
    %squeeze3A_2347 = vector.extract %slice3A_2346[0] : i32 from vector<1xi32>
    %slice3A_2348 = vector.extract_strided_slice %add3A_2196 {offsets = [2], sizes = [1], strides = [1]} : vector<16xi32> to vector<1xi32>
    %squeeze3A_2349 = vector.extract %slice3A_2348[0] : i32 from vector<1xi32>
    %broadcast_in_dim3A_2350 = vector.broadcast %squeeze3A_2347 : i32 to vector<16xi32>
    %broadcast_in_dim3A_2351 = vector.broadcast %squeeze3A_2349 : i32 to vector<16xi32>
    %select_n3A_2352 = arith.select %eq3A_56, %broadcast_in_dim3A_2350, %broadcast_in_dim3A_2351 : vector<16xi1>, vector<16xi32>
    %slice3A_2353 = vector.extract_strided_slice %add3A_2213 {offsets = [2], sizes = [1], strides = [1]} : vector<16xi32> to vector<1xi32>
    %squeeze3A_2354 = vector.extract %slice3A_2353[0] : i32 from vector<1xi32>
    %slice3A_2355 = vector.extract_strided_slice %add3A_2230 {offsets = [2], sizes = [1], strides = [1]} : vector<16xi32> to vector<1xi32>
    %squeeze3A_2356 = vector.extract %slice3A_2355[0] : i32 from vector<1xi32>
    %broadcast_in_dim3A_2357 = vector.broadcast %squeeze3A_2354 : i32 to vector<16xi32>
    %broadcast_in_dim3A_2358 = vector.broadcast %squeeze3A_2356 : i32 to vector<16xi32>
    %select_n3A_2359 = arith.select %eq3A_56, %broadcast_in_dim3A_2357, %broadcast_in_dim3A_2358 : vector<16xi1>, vector<16xi32>
    %select_n3A_2360 = arith.select %eq3A_62, %select_n3A_2352, %select_n3A_2359 : vector<16xi1>, vector<16xi32>
    %mul3A_2361 = arith.constant 8 : i32
    %mul3A_2362 = vector.broadcast %mul3A_2361 : i32 to vector<16xi32>
    %mul3A_2363 = arith.muli %shift_right_arithmetic3A_70, %mul3A_2362 : vector<16xi32>
    %add3A_2364 = arith.addi %select_n3A_2360, %mul3A_2363 : vector<16xi32>
    %swap3A_2365 = arith.constant 80 : index
    %swap3A_2366 = tpu.vector_load %arg16[%swap3A_2365] {strides = array<i32>} : memref<128xi32, #tpu.memory_space<vmem>>, vector<16xi32>,
    %swap3A_2367 = vector.shape_cast %swap3A_2366 : vector<16xi32> to vector<16xi32>
    %swap3A_2368 = vector.shape_cast %add3A_2364 : vector<16xi32> to vector<16xi32>
    tpu.vector_store %arg16[%swap3A_2365], %swap3A_2368 {strides = array<i32>} : memref<128xi32, #tpu.memory_space<vmem>>, vector<16xi32>,
    %slice3A_2369 = vector.extract_strided_slice %add3A_2179 {offsets = [3], sizes = [1], strides = [1]} : vector<16xi32> to vector<1xi32>
    %squeeze3A_2370 = vector.extract %slice3A_2369[0] : i32 from vector<1xi32>
    %slice3A_2371 = vector.extract_strided_slice %add3A_2196 {offsets = [3], sizes = [1], strides = [1]} : vector<16xi32> to vector<1xi32>
    %squeeze3A_2372 = vector.extract %slice3A_2371[0] : i32 from vector<1xi32>
    %broadcast_in_dim3A_2373 = vector.broadcast %squeeze3A_2370 : i32 to vector<16xi32>
    %broadcast_in_dim3A_2374 = vector.broadcast %squeeze3A_2372 : i32 to vector<16xi32>
    %select_n3A_2375 = arith.select %eq3A_56, %broadcast_in_dim3A_2373, %broadcast_in_dim3A_2374 : vector<16xi1>, vector<16xi32>
    %slice3A_2376 = vector.extract_strided_slice %add3A_2213 {offsets = [3], sizes = [1], strides = [1]} : vector<16xi32> to vector<1xi32>
    %squeeze3A_2377 = vector.extract %slice3A_2376[0] : i32 from vector<1xi32>
    %slice3A_2378 = vector.extract_strided_slice %add3A_2230 {offsets = [3], sizes = [1], strides = [1]} : vector<16xi32> to vector<1xi32>
    %squeeze3A_2379 = vector.extract %slice3A_2378[0] : i32 from vector<1xi32>
    %broadcast_in_dim3A_2380 = vector.broadcast %squeeze3A_2377 : i32 to vector<16xi32>
    %broadcast_in_dim3A_2381 = vector.broadcast %squeeze3A_2379 : i32 to vector<16xi32>
    %select_n3A_2382 = arith.select %eq3A_56, %broadcast_in_dim3A_2380, %broadcast_in_dim3A_2381 : vector<16xi1>, vector<16xi32>
    %select_n3A_2383 = arith.select %eq3A_62, %select_n3A_2375, %select_n3A_2382 : vector<16xi1>, vector<16xi32>
    %mul3A_2384 = arith.constant 8 : i32
    %mul3A_2385 = vector.broadcast %mul3A_2384 : i32 to vector<16xi32>
    %mul3A_2386 = arith.muli %shift_right_arithmetic3A_64, %mul3A_2385 : vector<16xi32>
    %add3A_2387 = arith.addi %select_n3A_2383, %mul3A_2386 : vector<16xi32>
    %swap3A_2388 = arith.constant 96 : index
    %swap3A_2389 = tpu.vector_load %arg16[%swap3A_2388] {strides = array<i32>} : memref<128xi32, #tpu.memory_space<vmem>>, vector<16xi32>,
    %swap3A_2390 = vector.shape_cast %swap3A_2389 : vector<16xi32> to vector<16xi32>
    %swap3A_2391 = vector.shape_cast %add3A_2387 : vector<16xi32> to vector<16xi32>
    tpu.vector_store %arg16[%swap3A_2388], %swap3A_2391 {strides = array<i32>} : memref<128xi32, #tpu.memory_space<vmem>>, vector<16xi32>,
    %slice3A_2392 = vector.extract_strided_slice %add3A_2179 {offsets = [3], sizes = [1], strides = [1]} : vector<16xi32> to vector<1xi32>
    %squeeze3A_2393 = vector.extract %slice3A_2392[0] : i32 from vector<1xi32>
    %slice3A_2394 = vector.extract_strided_slice %add3A_2196 {offsets = [3], sizes = [1], strides = [1]} : vector<16xi32> to vector<1xi32>
    %squeeze3A_2395 = vector.extract %slice3A_2394[0] : i32 from vector<1xi32>
    %broadcast_in_dim3A_2396 = vector.broadcast %squeeze3A_2393 : i32 to vector<16xi32>
    %broadcast_in_dim3A_2397 = vector.broadcast %squeeze3A_2395 : i32 to vector<16xi32>
    %select_n3A_2398 = arith.select %eq3A_56, %broadcast_in_dim3A_2396, %broadcast_in_dim3A_2397 : vector<16xi1>, vector<16xi32>
    %slice3A_2399 = vector.extract_strided_slice %add3A_2213 {offsets = [3], sizes = [1], strides = [1]} : vector<16xi32> to vector<1xi32>
    %squeeze3A_2400 = vector.extract %slice3A_2399[0] : i32 from vector<1xi32>
    %slice3A_2401 = vector.extract_strided_slice %add3A_2230 {offsets = [3], sizes = [1], strides = [1]} : vector<16xi32> to vector<1xi32>
    %squeeze3A_2402 = vector.extract %slice3A_2401[0] : i32 from vector<1xi32>
    %broadcast_in_dim3A_2403 = vector.broadcast %squeeze3A_2400 : i32 to vector<16xi32>
    %broadcast_in_dim3A_2404 = vector.broadcast %squeeze3A_2402 : i32 to vector<16xi32>
    %select_n3A_2405 = arith.select %eq3A_56, %broadcast_in_dim3A_2403, %broadcast_in_dim3A_2404 : vector<16xi1>, vector<16xi32>
    %select_n3A_2406 = arith.select %eq3A_62, %select_n3A_2398, %select_n3A_2405 : vector<16xi1>, vector<16xi32>
    %mul3A_2407 = arith.constant 8 : i32
    %mul3A_2408 = vector.broadcast %mul3A_2407 : i32 to vector<16xi32>
    %mul3A_2409 = arith.muli %shift_right_arithmetic3A_70, %mul3A_2408 : vector<16xi32>
    %add3A_2410 = arith.addi %select_n3A_2406, %mul3A_2409 : vector<16xi32>
    %swap3A_2411 = arith.constant 112 : index
    %swap3A_2412 = tpu.vector_load %arg16[%swap3A_2411] {strides = array<i32>} : memref<128xi32, #tpu.memory_space<vmem>>, vector<16xi32>,
    %swap3A_2413 = vector.shape_cast %swap3A_2412 : vector<16xi32> to vector<16xi32>
    %swap3A_2414 = vector.shape_cast %add3A_2410 : vector<16xi32> to vector<16xi32>
    tpu.vector_store %arg16[%swap3A_2411], %swap3A_2414 {strides = array<i32>} : memref<128xi32, #tpu.memory_space<vmem>>, vector<16xi32>,
    %add3A_2415 = arith.constant 8 : i32
    %add3A_2416 = arith.addi %add3A_50, %add3A_2415 : i32
    %mul3A_2417 = arith.constant 32 : i32
    %mul3A_2418 = arith.muli %add3A_2416, %mul3A_2417 : i32
    %multiple_of3A_2419 = tpu.assume_multiple %mul3A_2418, 32 : i32
    %dma_wait3A_2420 = arith.constant 0 : i32
    %dma_wait3A_2421 = tpu.memref_slice %arg5[%multiple_of3A_2419, %dma_wait3A_2420] : memref<68736x128xf32, #tpu.memory_space<hbm>> -> memref<128x128xf32, #tpu.memory_space<hbm>>
    %dma_wait3A_2422 = arith.constant 0 : i32
    %dma_wait3A_2423 = tpu.memref_slice %arg5[%multiple_of3A_2419, %dma_wait3A_2422] : memref<68736x128xf32, #tpu.memory_space<hbm>> -> memref<128x128xf32, #tpu.memory_space<hbm>>
    tpu.wait_dma2 semaphore(%arg29 : memref<!tpu.dma_semaphore, #tpu.memory_space<semaphore_mem>>) src(%arg9 : memref<128x128xf32, #tpu.memory_space<vmem>>) dst(%dma_wait3A_2423 : memref<128x128xf32, #tpu.memory_space<hbm>>)
    %dma_start3A_2424 = arith.constant 0 : i32
    %dma_start3A_2425 = arith.constant 0 : i32
    %dma_start3A_2426 = tpu.memref_slice %arg3[%dma_start3A_2424, %dma_start3A_2425] : memref<800000x128xf32, #tpu.memory_space<hbm>> -> memref<800000x128xf32, #tpu.memory_space<hbm>>
    tpu.enqueue_indirect_dma source(%dma_start3A_2426 : memref<800000x128xf32, #tpu.memory_space<hbm>>) target(%arg9 : memref<128x128xf32, #tpu.memory_space<vmem>>) offsets(%arg16 : memref<128xi32, #tpu.memory_space<vmem>>) semaphore(%arg23 : memref<!tpu.dma_semaphore, #tpu.memory_space<semaphore_mem>>)
    %dma_wait3A_2427 = arith.constant 0 : i32
    %dma_wait3A_2428 = arith.constant 0 : i32
    %dma_wait3A_2429 = tpu.memref_slice %arg3[%dma_wait3A_2427, %dma_wait3A_2428] : memref<800000x128xf32, #tpu.memory_space<hbm>> -> memref<800000x128xf32, #tpu.memory_space<hbm>>
    tpu.wait_indirect_dma semaphore(%arg24 : memref<!tpu.dma_semaphore, #tpu.memory_space<semaphore_mem>>) src(%dma_wait3A_2429 : memref<800000x128xf32, #tpu.memory_space<hbm>>) dst(%arg10 : memref<128x128xf32, #tpu.memory_space<vmem>>)
    %add3A_2430 = arith.constant 12 : i32
    %add3A_2431 = arith.addi %add3A_50, %add3A_2430 : i32
    %mul3A_2432 = arith.constant 32 : i32
    %mul3A_2433 = arith.muli %add3A_2431, %mul3A_2432 : i32
    %multiple_of3A_2434 = tpu.assume_multiple %mul3A_2433, 32 : i32
    %dma_start3A_2435 = arith.constant 0 : i32
    %dma_start3A_2436 = tpu.memref_slice %arg5[%multiple_of3A_2434, %dma_start3A_2435] : memref<68736x128xf32, #tpu.memory_space<hbm>> -> memref<128x128xf32, #tpu.memory_space<hbm>>
    %dma_start3A_2437 = arith.constant 0 : i32
    %dma_start3A_2438 = tpu.memref_slice %arg5[%multiple_of3A_2434, %dma_start3A_2437] : memref<68736x128xf32, #tpu.memory_space<hbm>> -> memref<128x128xf32, #tpu.memory_space<hbm>>
    tpu.enqueue_dma source(%arg10 : memref<128x128xf32, #tpu.memory_space<vmem>>) target(%dma_start3A_2438 : memref<128x128xf32, #tpu.memory_space<hbm>>) target_semaphore(%arg30 : memref<!tpu.dma_semaphore, #tpu.memory_space<semaphore_mem>>)
    %add3A_2439 = arith.constant 32 : i32
    %add3A_2440 = arith.addi %mul3A_46, %add3A_2439 : i32
    %get3A_2441 = arith.constant 0 : i32
    %get3A_2442 = arith.index_cast %get3A_2441 : i32 to index
    %get3A_2443 = arith.index_cast %add3A_2440 : i32 to index
    %get3A_2444 = tpu.vector_load %arg6[%get3A_2442, %get3A_2443] {strides = array<i32>} : memref<16x128xi32, #tpu.memory_space<vmem>>, vector<1x16xi32>,
    %get3A_2445 = vector.shape_cast %get3A_2444 : vector<1x16xi32> to vector<16xi32>
    %shift_right_arithmetic3A_2446 = arith.constant 3 : i32
    %shift_right_arithmetic3A_2447 = vector.broadcast %shift_right_arithmetic3A_2446 : i32 to vector<16xi32>
    %shift_right_arithmetic3A_2448 = arith.shrsi %get3A_2445, %shift_right_arithmetic3A_2447 : vector<16xi32>
    %shift_left3A_2449 = arith.constant 6 : i32
    %shift_left3A_2450 = vector.broadcast %shift_left3A_2449 : i32 to vector<16xi32>
    %shift_left3A_2451 = arith.shli %shift_right_arithmetic3A_2448, %shift_left3A_2450 : vector<16xi32>
    %and3A_2452 = arith.constant 7 : i32
    %and3A_2453 = vector.broadcast %and3A_2452 : i32 to vector<16xi32>
    %and3A_2454 = arith.andi %get3A_2445, %and3A_2453 : vector<16xi32>
    %add3A_2455 = arith.addi %shift_left3A_2451, %and3A_2454 : vector<16xi32>
    %add3A_2456 = arith.constant 32 : i32
    %add3A_2457 = arith.addi %mul3A_46, %add3A_2456 : i32
    %get3A_2458 = arith.constant 1 : i32
    %get3A_2459 = arith.index_cast %get3A_2458 : i32 to index
    %get3A_2460 = arith.index_cast %add3A_2457 : i32 to index
    %get3A_2461 = tpu.vector_load %arg6[%get3A_2459, %get3A_2460] {strides = array<i32>} : memref<16x128xi32, #tpu.memory_space<vmem>>, vector<1x16xi32>,
    %get3A_2462 = vector.shape_cast %get3A_2461 : vector<1x16xi32> to vector<16xi32>
    %shift_right_arithmetic3A_2463 = arith.constant 3 : i32
    %shift_right_arithmetic3A_2464 = vector.broadcast %shift_right_arithmetic3A_2463 : i32 to vector<16xi32>
    %shift_right_arithmetic3A_2465 = arith.shrsi %get3A_2462, %shift_right_arithmetic3A_2464 : vector<16xi32>
    %shift_left3A_2466 = arith.constant 6 : i32
    %shift_left3A_2467 = vector.broadcast %shift_left3A_2466 : i32 to vector<16xi32>
    %shift_left3A_2468 = arith.shli %shift_right_arithmetic3A_2465, %shift_left3A_2467 : vector<16xi32>
    %and3A_2469 = arith.constant 7 : i32
    %and3A_2470 = vector.broadcast %and3A_2469 : i32 to vector<16xi32>
    %and3A_2471 = arith.andi %get3A_2462, %and3A_2470 : vector<16xi32>
    %add3A_2472 = arith.addi %shift_left3A_2468, %and3A_2471 : vector<16xi32>
    %add3A_2473 = arith.constant 32 : i32
    %add3A_2474 = arith.addi %mul3A_46, %add3A_2473 : i32
    %get3A_2475 = arith.constant 2 : i32
    %get3A_2476 = arith.index_cast %get3A_2475 : i32 to index
    %get3A_2477 = arith.index_cast %add3A_2474 : i32 to index
    %get3A_2478 = tpu.vector_load %arg6[%get3A_2476, %get3A_2477] {strides = array<i32>} : memref<16x128xi32, #tpu.memory_space<vmem>>, vector<1x16xi32>,
    %get3A_2479 = vector.shape_cast %get3A_2478 : vector<1x16xi32> to vector<16xi32>
    %shift_right_arithmetic3A_2480 = arith.constant 3 : i32
    %shift_right_arithmetic3A_2481 = vector.broadcast %shift_right_arithmetic3A_2480 : i32 to vector<16xi32>
    %shift_right_arithmetic3A_2482 = arith.shrsi %get3A_2479, %shift_right_arithmetic3A_2481 : vector<16xi32>
    %shift_left3A_2483 = arith.constant 6 : i32
    %shift_left3A_2484 = vector.broadcast %shift_left3A_2483 : i32 to vector<16xi32>
    %shift_left3A_2485 = arith.shli %shift_right_arithmetic3A_2482, %shift_left3A_2484 : vector<16xi32>
    %and3A_2486 = arith.constant 7 : i32
    %and3A_2487 = vector.broadcast %and3A_2486 : i32 to vector<16xi32>
    %and3A_2488 = arith.andi %get3A_2479, %and3A_2487 : vector<16xi32>
    %add3A_2489 = arith.addi %shift_left3A_2485, %and3A_2488 : vector<16xi32>
    %add3A_2490 = arith.constant 32 : i32
    %add3A_2491 = arith.addi %mul3A_46, %add3A_2490 : i32
    %get3A_2492 = arith.constant 3 : i32
    %get3A_2493 = arith.index_cast %get3A_2492 : i32 to index
    %get3A_2494 = arith.index_cast %add3A_2491 : i32 to index
    %get3A_2495 = tpu.vector_load %arg6[%get3A_2493, %get3A_2494] {strides = array<i32>} : memref<16x128xi32, #tpu.memory_space<vmem>>, vector<1x16xi32>,
    %get3A_2496 = vector.shape_cast %get3A_2495 : vector<1x16xi32> to vector<16xi32>
    %shift_right_arithmetic3A_2497 = arith.constant 3 : i32
    %shift_right_arithmetic3A_2498 = vector.broadcast %shift_right_arithmetic3A_2497 : i32 to vector<16xi32>
    %shift_right_arithmetic3A_2499 = arith.shrsi %get3A_2496, %shift_right_arithmetic3A_2498 : vector<16xi32>
    %shift_left3A_2500 = arith.constant 6 : i32
    %shift_left3A_2501 = vector.broadcast %shift_left3A_2500 : i32 to vector<16xi32>
    %shift_left3A_2502 = arith.shli %shift_right_arithmetic3A_2499, %shift_left3A_2501 : vector<16xi32>
    %and3A_2503 = arith.constant 7 : i32
    %and3A_2504 = vector.broadcast %and3A_2503 : i32 to vector<16xi32>
    %and3A_2505 = arith.andi %get3A_2496, %and3A_2504 : vector<16xi32>
    %add3A_2506 = arith.addi %shift_left3A_2502, %and3A_2505 : vector<16xi32>
    %slice3A_2507 = vector.extract_strided_slice %add3A_2455 {offsets = [4], sizes = [1], strides = [1]} : vector<16xi32> to vector<1xi32>
    %squeeze3A_2508 = vector.extract %slice3A_2507[0] : i32 from vector<1xi32>
    %slice3A_2509 = vector.extract_strided_slice %add3A_2472 {offsets = [4], sizes = [1], strides = [1]} : vector<16xi32> to vector<1xi32>
    %squeeze3A_2510 = vector.extract %slice3A_2509[0] : i32 from vector<1xi32>
    %broadcast_in_dim3A_2511 = vector.broadcast %squeeze3A_2508 : i32 to vector<16xi32>
    %broadcast_in_dim3A_2512 = vector.broadcast %squeeze3A_2510 : i32 to vector<16xi32>
    %select_n3A_2513 = arith.select %eq3A_56, %broadcast_in_dim3A_2511, %broadcast_in_dim3A_2512 : vector<16xi1>, vector<16xi32>
    %slice3A_2514 = vector.extract_strided_slice %add3A_2489 {offsets = [4], sizes = [1], strides = [1]} : vector<16xi32> to vector<1xi32>
    %squeeze3A_2515 = vector.extract %slice3A_2514[0] : i32 from vector<1xi32>
    %slice3A_2516 = vector.extract_strided_slice %add3A_2506 {offsets = [4], sizes = [1], strides = [1]} : vector<16xi32> to vector<1xi32>
    %squeeze3A_2517 = vector.extract %slice3A_2516[0] : i32 from vector<1xi32>
    %broadcast_in_dim3A_2518 = vector.broadcast %squeeze3A_2515 : i32 to vector<16xi32>
    %broadcast_in_dim3A_2519 = vector.broadcast %squeeze3A_2517 : i32 to vector<16xi32>
    %select_n3A_2520 = arith.select %eq3A_56, %broadcast_in_dim3A_2518, %broadcast_in_dim3A_2519 : vector<16xi1>, vector<16xi32>
    %select_n3A_2521 = arith.select %eq3A_62, %select_n3A_2513, %select_n3A_2520 : vector<16xi1>, vector<16xi32>
    %mul3A_2522 = arith.constant 8 : i32
    %mul3A_2523 = vector.broadcast %mul3A_2522 : i32 to vector<16xi32>
    %mul3A_2524 = arith.muli %shift_right_arithmetic3A_64, %mul3A_2523 : vector<16xi32>
    %add3A_2525 = arith.addi %select_n3A_2521, %mul3A_2524 : vector<16xi32>
    %swap3A_2526 = arith.constant 0 : index
    %swap3A_2527 = tpu.vector_load %arg17[%swap3A_2526] {strides = array<i32>} : memref<128xi32, #tpu.memory_space<vmem>>, vector<16xi32>,
    %swap3A_2528 = vector.shape_cast %swap3A_2527 : vector<16xi32> to vector<16xi32>
    %swap3A_2529 = vector.shape_cast %add3A_2525 : vector<16xi32> to vector<16xi32>
    tpu.vector_store %arg17[%swap3A_2526], %swap3A_2529 {strides = array<i32>} : memref<128xi32, #tpu.memory_space<vmem>>, vector<16xi32>,
    %slice3A_2530 = vector.extract_strided_slice %add3A_2455 {offsets = [4], sizes = [1], strides = [1]} : vector<16xi32> to vector<1xi32>
    %squeeze3A_2531 = vector.extract %slice3A_2530[0] : i32 from vector<1xi32>
    %slice3A_2532 = vector.extract_strided_slice %add3A_2472 {offsets = [4], sizes = [1], strides = [1]} : vector<16xi32> to vector<1xi32>
    %squeeze3A_2533 = vector.extract %slice3A_2532[0] : i32 from vector<1xi32>
    %broadcast_in_dim3A_2534 = vector.broadcast %squeeze3A_2531 : i32 to vector<16xi32>
    %broadcast_in_dim3A_2535 = vector.broadcast %squeeze3A_2533 : i32 to vector<16xi32>
    %select_n3A_2536 = arith.select %eq3A_56, %broadcast_in_dim3A_2534, %broadcast_in_dim3A_2535 : vector<16xi1>, vector<16xi32>
    %slice3A_2537 = vector.extract_strided_slice %add3A_2489 {offsets = [4], sizes = [1], strides = [1]} : vector<16xi32> to vector<1xi32>
    %squeeze3A_2538 = vector.extract %slice3A_2537[0] : i32 from vector<1xi32>
    %slice3A_2539 = vector.extract_strided_slice %add3A_2506 {offsets = [4], sizes = [1], strides = [1]} : vector<16xi32> to vector<1xi32>
    %squeeze3A_2540 = vector.extract %slice3A_2539[0] : i32 from vector<1xi32>
    %broadcast_in_dim3A_2541 = vector.broadcast %squeeze3A_2538 : i32 to vector<16xi32>
    %broadcast_in_dim3A_2542 = vector.broadcast %squeeze3A_2540 : i32 to vector<16xi32>
    %select_n3A_2543 = arith.select %eq3A_56, %broadcast_in_dim3A_2541, %broadcast_in_dim3A_2542 : vector<16xi1>, vector<16xi32>
    %select_n3A_2544 = arith.select %eq3A_62, %select_n3A_2536, %select_n3A_2543 : vector<16xi1>, vector<16xi32>
    %mul3A_2545 = arith.constant 8 : i32
    %mul3A_2546 = vector.broadcast %mul3A_2545 : i32 to vector<16xi32>
    %mul3A_2547 = arith.muli %shift_right_arithmetic3A_70, %mul3A_2546 : vector<16xi32>
    %add3A_2548 = arith.addi %select_n3A_2544, %mul3A_2547 : vector<16xi32>
    %swap3A_2549 = arith.constant 16 : index
    %swap3A_2550 = tpu.vector_load %arg17[%swap3A_2549] {strides = array<i32>} : memref<128xi32, #tpu.memory_space<vmem>>, vector<16xi32>,
    %swap3A_2551 = vector.shape_cast %swap3A_2550 : vector<16xi32> to vector<16xi32>
    %swap3A_2552 = vector.shape_cast %add3A_2548 : vector<16xi32> to vector<16xi32>
    tpu.vector_store %arg17[%swap3A_2549], %swap3A_2552 {strides = array<i32>} : memref<128xi32, #tpu.memory_space<vmem>>, vector<16xi32>,
    %slice3A_2553 = vector.extract_strided_slice %add3A_2455 {offsets = [5], sizes = [1], strides = [1]} : vector<16xi32> to vector<1xi32>
    %squeeze3A_2554 = vector.extract %slice3A_2553[0] : i32 from vector<1xi32>
    %slice3A_2555 = vector.extract_strided_slice %add3A_2472 {offsets = [5], sizes = [1], strides = [1]} : vector<16xi32> to vector<1xi32>
    %squeeze3A_2556 = vector.extract %slice3A_2555[0] : i32 from vector<1xi32>
    %broadcast_in_dim3A_2557 = vector.broadcast %squeeze3A_2554 : i32 to vector<16xi32>
    %broadcast_in_dim3A_2558 = vector.broadcast %squeeze3A_2556 : i32 to vector<16xi32>
    %select_n3A_2559 = arith.select %eq3A_56, %broadcast_in_dim3A_2557, %broadcast_in_dim3A_2558 : vector<16xi1>, vector<16xi32>
    %slice3A_2560 = vector.extract_strided_slice %add3A_2489 {offsets = [5], sizes = [1], strides = [1]} : vector<16xi32> to vector<1xi32>
    %squeeze3A_2561 = vector.extract %slice3A_2560[0] : i32 from vector<1xi32>
    %slice3A_2562 = vector.extract_strided_slice %add3A_2506 {offsets = [5], sizes = [1], strides = [1]} : vector<16xi32> to vector<1xi32>
    %squeeze3A_2563 = vector.extract %slice3A_2562[0] : i32 from vector<1xi32>
    %broadcast_in_dim3A_2564 = vector.broadcast %squeeze3A_2561 : i32 to vector<16xi32>
    %broadcast_in_dim3A_2565 = vector.broadcast %squeeze3A_2563 : i32 to vector<16xi32>
    %select_n3A_2566 = arith.select %eq3A_56, %broadcast_in_dim3A_2564, %broadcast_in_dim3A_2565 : vector<16xi1>, vector<16xi32>
    %select_n3A_2567 = arith.select %eq3A_62, %select_n3A_2559, %select_n3A_2566 : vector<16xi1>, vector<16xi32>
    %mul3A_2568 = arith.constant 8 : i32
    %mul3A_2569 = vector.broadcast %mul3A_2568 : i32 to vector<16xi32>
    %mul3A_2570 = arith.muli %shift_right_arithmetic3A_64, %mul3A_2569 : vector<16xi32>
    %add3A_2571 = arith.addi %select_n3A_2567, %mul3A_2570 : vector<16xi32>
    %swap3A_2572 = arith.constant 32 : index
    %swap3A_2573 = tpu.vector_load %arg17[%swap3A_2572] {strides = array<i32>} : memref<128xi32, #tpu.memory_space<vmem>>, vector<16xi32>,
    %swap3A_2574 = vector.shape_cast %swap3A_2573 : vector<16xi32> to vector<16xi32>
    %swap3A_2575 = vector.shape_cast %add3A_2571 : vector<16xi32> to vector<16xi32>
    tpu.vector_store %arg17[%swap3A_2572], %swap3A_2575 {strides = array<i32>} : memref<128xi32, #tpu.memory_space<vmem>>, vector<16xi32>,
    %slice3A_2576 = vector.extract_strided_slice %add3A_2455 {offsets = [5], sizes = [1], strides = [1]} : vector<16xi32> to vector<1xi32>
    %squeeze3A_2577 = vector.extract %slice3A_2576[0] : i32 from vector<1xi32>
    %slice3A_2578 = vector.extract_strided_slice %add3A_2472 {offsets = [5], sizes = [1], strides = [1]} : vector<16xi32> to vector<1xi32>
    %squeeze3A_2579 = vector.extract %slice3A_2578[0] : i32 from vector<1xi32>
    %broadcast_in_dim3A_2580 = vector.broadcast %squeeze3A_2577 : i32 to vector<16xi32>
    %broadcast_in_dim3A_2581 = vector.broadcast %squeeze3A_2579 : i32 to vector<16xi32>
    %select_n3A_2582 = arith.select %eq3A_56, %broadcast_in_dim3A_2580, %broadcast_in_dim3A_2581 : vector<16xi1>, vector<16xi32>
    %slice3A_2583 = vector.extract_strided_slice %add3A_2489 {offsets = [5], sizes = [1], strides = [1]} : vector<16xi32> to vector<1xi32>
    %squeeze3A_2584 = vector.extract %slice3A_2583[0] : i32 from vector<1xi32>
    %slice3A_2585 = vector.extract_strided_slice %add3A_2506 {offsets = [5], sizes = [1], strides = [1]} : vector<16xi32> to vector<1xi32>
    %squeeze3A_2586 = vector.extract %slice3A_2585[0] : i32 from vector<1xi32>
    %broadcast_in_dim3A_2587 = vector.broadcast %squeeze3A_2584 : i32 to vector<16xi32>
    %broadcast_in_dim3A_2588 = vector.broadcast %squeeze3A_2586 : i32 to vector<16xi32>
    %select_n3A_2589 = arith.select %eq3A_56, %broadcast_in_dim3A_2587, %broadcast_in_dim3A_2588 : vector<16xi1>, vector<16xi32>
    %select_n3A_2590 = arith.select %eq3A_62, %select_n3A_2582, %select_n3A_2589 : vector<16xi1>, vector<16xi32>
    %mul3A_2591 = arith.constant 8 : i32
    %mul3A_2592 = vector.broadcast %mul3A_2591 : i32 to vector<16xi32>
    %mul3A_2593 = arith.muli %shift_right_arithmetic3A_70, %mul3A_2592 : vector<16xi32>
    %add3A_2594 = arith.addi %select_n3A_2590, %mul3A_2593 : vector<16xi32>
    %swap3A_2595 = arith.constant 48 : index
    %swap3A_2596 = tpu.vector_load %arg17[%swap3A_2595] {strides = array<i32>} : memref<128xi32, #tpu.memory_space<vmem>>, vector<16xi32>,
    %swap3A_2597 = vector.shape_cast %swap3A_2596 : vector<16xi32> to vector<16xi32>
    %swap3A_2598 = vector.shape_cast %add3A_2594 : vector<16xi32> to vector<16xi32>
    tpu.vector_store %arg17[%swap3A_2595], %swap3A_2598 {strides = array<i32>} : memref<128xi32, #tpu.memory_space<vmem>>, vector<16xi32>,
    %slice3A_2599 = vector.extract_strided_slice %add3A_2455 {offsets = [6], sizes = [1], strides = [1]} : vector<16xi32> to vector<1xi32>
    %squeeze3A_2600 = vector.extract %slice3A_2599[0] : i32 from vector<1xi32>
    %slice3A_2601 = vector.extract_strided_slice %add3A_2472 {offsets = [6], sizes = [1], strides = [1]} : vector<16xi32> to vector<1xi32>
    %squeeze3A_2602 = vector.extract %slice3A_2601[0] : i32 from vector<1xi32>
    %broadcast_in_dim3A_2603 = vector.broadcast %squeeze3A_2600 : i32 to vector<16xi32>
    %broadcast_in_dim3A_2604 = vector.broadcast %squeeze3A_2602 : i32 to vector<16xi32>
    %select_n3A_2605 = arith.select %eq3A_56, %broadcast_in_dim3A_2603, %broadcast_in_dim3A_2604 : vector<16xi1>, vector<16xi32>
    %slice3A_2606 = vector.extract_strided_slice %add3A_2489 {offsets = [6], sizes = [1], strides = [1]} : vector<16xi32> to vector<1xi32>
    %squeeze3A_2607 = vector.extract %slice3A_2606[0] : i32 from vector<1xi32>
    %slice3A_2608 = vector.extract_strided_slice %add3A_2506 {offsets = [6], sizes = [1], strides = [1]} : vector<16xi32> to vector<1xi32>
    %squeeze3A_2609 = vector.extract %slice3A_2608[0] : i32 from vector<1xi32>
    %broadcast_in_dim3A_2610 = vector.broadcast %squeeze3A_2607 : i32 to vector<16xi32>
    %broadcast_in_dim3A_2611 = vector.broadcast %squeeze3A_2609 : i32 to vector<16xi32>
    %select_n3A_2612 = arith.select %eq3A_56, %broadcast_in_dim3A_2610, %broadcast_in_dim3A_2611 : vector<16xi1>, vector<16xi32>
    %select_n3A_2613 = arith.select %eq3A_62, %select_n3A_2605, %select_n3A_2612 : vector<16xi1>, vector<16xi32>
    %mul3A_2614 = arith.constant 8 : i32
    %mul3A_2615 = vector.broadcast %mul3A_2614 : i32 to vector<16xi32>
    %mul3A_2616 = arith.muli %shift_right_arithmetic3A_64, %mul3A_2615 : vector<16xi32>
    %add3A_2617 = arith.addi %select_n3A_2613, %mul3A_2616 : vector<16xi32>
    %swap3A_2618 = arith.constant 64 : index
    %swap3A_2619 = tpu.vector_load %arg17[%swap3A_2618] {strides = array<i32>} : memref<128xi32, #tpu.memory_space<vmem>>, vector<16xi32>,
    %swap3A_2620 = vector.shape_cast %swap3A_2619 : vector<16xi32> to vector<16xi32>
    %swap3A_2621 = vector.shape_cast %add3A_2617 : vector<16xi32> to vector<16xi32>
    tpu.vector_store %arg17[%swap3A_2618], %swap3A_2621 {strides = array<i32>} : memref<128xi32, #tpu.memory_space<vmem>>, vector<16xi32>,
    %slice3A_2622 = vector.extract_strided_slice %add3A_2455 {offsets = [6], sizes = [1], strides = [1]} : vector<16xi32> to vector<1xi32>
    %squeeze3A_2623 = vector.extract %slice3A_2622[0] : i32 from vector<1xi32>
    %slice3A_2624 = vector.extract_strided_slice %add3A_2472 {offsets = [6], sizes = [1], strides = [1]} : vector<16xi32> to vector<1xi32>
    %squeeze3A_2625 = vector.extract %slice3A_2624[0] : i32 from vector<1xi32>
    %broadcast_in_dim3A_2626 = vector.broadcast %squeeze3A_2623 : i32 to vector<16xi32>
    %broadcast_in_dim3A_2627 = vector.broadcast %squeeze3A_2625 : i32 to vector<16xi32>
    %select_n3A_2628 = arith.select %eq3A_56, %broadcast_in_dim3A_2626, %broadcast_in_dim3A_2627 : vector<16xi1>, vector<16xi32>
    %slice3A_2629 = vector.extract_strided_slice %add3A_2489 {offsets = [6], sizes = [1], strides = [1]} : vector<16xi32> to vector<1xi32>
    %squeeze3A_2630 = vector.extract %slice3A_2629[0] : i32 from vector<1xi32>
    %slice3A_2631 = vector.extract_strided_slice %add3A_2506 {offsets = [6], sizes = [1], strides = [1]} : vector<16xi32> to vector<1xi32>
    %squeeze3A_2632 = vector.extract %slice3A_2631[0] : i32 from vector<1xi32>
    %broadcast_in_dim3A_2633 = vector.broadcast %squeeze3A_2630 : i32 to vector<16xi32>
    %broadcast_in_dim3A_2634 = vector.broadcast %squeeze3A_2632 : i32 to vector<16xi32>
    %select_n3A_2635 = arith.select %eq3A_56, %broadcast_in_dim3A_2633, %broadcast_in_dim3A_2634 : vector<16xi1>, vector<16xi32>
    %select_n3A_2636 = arith.select %eq3A_62, %select_n3A_2628, %select_n3A_2635 : vector<16xi1>, vector<16xi32>
    %mul3A_2637 = arith.constant 8 : i32
    %mul3A_2638 = vector.broadcast %mul3A_2637 : i32 to vector<16xi32>
    %mul3A_2639 = arith.muli %shift_right_arithmetic3A_70, %mul3A_2638 : vector<16xi32>
    %add3A_2640 = arith.addi %select_n3A_2636, %mul3A_2639 : vector<16xi32>
    %swap3A_2641 = arith.constant 80 : index
    %swap3A_2642 = tpu.vector_load %arg17[%swap3A_2641] {strides = array<i32>} : memref<128xi32, #tpu.memory_space<vmem>>, vector<16xi32>,
    %swap3A_2643 = vector.shape_cast %swap3A_2642 : vector<16xi32> to vector<16xi32>
    %swap3A_2644 = vector.shape_cast %add3A_2640 : vector<16xi32> to vector<16xi32>
    tpu.vector_store %arg17[%swap3A_2641], %swap3A_2644 {strides = array<i32>} : memref<128xi32, #tpu.memory_space<vmem>>, vector<16xi32>,
    %slice3A_2645 = vector.extract_strided_slice %add3A_2455 {offsets = [7], sizes = [1], strides = [1]} : vector<16xi32> to vector<1xi32>
    %squeeze3A_2646 = vector.extract %slice3A_2645[0] : i32 from vector<1xi32>
    %slice3A_2647 = vector.extract_strided_slice %add3A_2472 {offsets = [7], sizes = [1], strides = [1]} : vector<16xi32> to vector<1xi32>
    %squeeze3A_2648 = vector.extract %slice3A_2647[0] : i32 from vector<1xi32>
    %broadcast_in_dim3A_2649 = vector.broadcast %squeeze3A_2646 : i32 to vector<16xi32>
    %broadcast_in_dim3A_2650 = vector.broadcast %squeeze3A_2648 : i32 to vector<16xi32>
    %select_n3A_2651 = arith.select %eq3A_56, %broadcast_in_dim3A_2649, %broadcast_in_dim3A_2650 : vector<16xi1>, vector<16xi32>
    %slice3A_2652 = vector.extract_strided_slice %add3A_2489 {offsets = [7], sizes = [1], strides = [1]} : vector<16xi32> to vector<1xi32>
    %squeeze3A_2653 = vector.extract %slice3A_2652[0] : i32 from vector<1xi32>
    %slice3A_2654 = vector.extract_strided_slice %add3A_2506 {offsets = [7], sizes = [1], strides = [1]} : vector<16xi32> to vector<1xi32>
    %squeeze3A_2655 = vector.extract %slice3A_2654[0] : i32 from vector<1xi32>
    %broadcast_in_dim3A_2656 = vector.broadcast %squeeze3A_2653 : i32 to vector<16xi32>
    %broadcast_in_dim3A_2657 = vector.broadcast %squeeze3A_2655 : i32 to vector<16xi32>
    %select_n3A_2658 = arith.select %eq3A_56, %broadcast_in_dim3A_2656, %broadcast_in_dim3A_2657 : vector<16xi1>, vector<16xi32>
    %select_n3A_2659 = arith.select %eq3A_62, %select_n3A_2651, %select_n3A_2658 : vector<16xi1>, vector<16xi32>
    %mul3A_2660 = arith.constant 8 : i32
    %mul3A_2661 = vector.broadcast %mul3A_2660 : i32 to vector<16xi32>
    %mul3A_2662 = arith.muli %shift_right_arithmetic3A_64, %mul3A_2661 : vector<16xi32>
    %add3A_2663 = arith.addi %select_n3A_2659, %mul3A_2662 : vector<16xi32>
    %swap3A_2664 = arith.constant 96 : index
    %swap3A_2665 = tpu.vector_load %arg17[%swap3A_2664] {strides = array<i32>} : memref<128xi32, #tpu.memory_space<vmem>>, vector<16xi32>,
    %swap3A_2666 = vector.shape_cast %swap3A_2665 : vector<16xi32> to vector<16xi32>
    %swap3A_2667 = vector.shape_cast %add3A_2663 : vector<16xi32> to vector<16xi32>
    tpu.vector_store %arg17[%swap3A_2664], %swap3A_2667 {strides = array<i32>} : memref<128xi32, #tpu.memory_space<vmem>>, vector<16xi32>,
    %slice3A_2668 = vector.extract_strided_slice %add3A_2455 {offsets = [7], sizes = [1], strides = [1]} : vector<16xi32> to vector<1xi32>
    %squeeze3A_2669 = vector.extract %slice3A_2668[0] : i32 from vector<1xi32>
    %slice3A_2670 = vector.extract_strided_slice %add3A_2472 {offsets = [7], sizes = [1], strides = [1]} : vector<16xi32> to vector<1xi32>
    %squeeze3A_2671 = vector.extract %slice3A_2670[0] : i32 from vector<1xi32>
    %broadcast_in_dim3A_2672 = vector.broadcast %squeeze3A_2669 : i32 to vector<16xi32>
    %broadcast_in_dim3A_2673 = vector.broadcast %squeeze3A_2671 : i32 to vector<16xi32>
    %select_n3A_2674 = arith.select %eq3A_56, %broadcast_in_dim3A_2672, %broadcast_in_dim3A_2673 : vector<16xi1>, vector<16xi32>
    %slice3A_2675 = vector.extract_strided_slice %add3A_2489 {offsets = [7], sizes = [1], strides = [1]} : vector<16xi32> to vector<1xi32>
    %squeeze3A_2676 = vector.extract %slice3A_2675[0] : i32 from vector<1xi32>
    %slice3A_2677 = vector.extract_strided_slice %add3A_2506 {offsets = [7], sizes = [1], strides = [1]} : vector<16xi32> to vector<1xi32>
    %squeeze3A_2678 = vector.extract %slice3A_2677[0] : i32 from vector<1xi32>
    %broadcast_in_dim3A_2679 = vector.broadcast %squeeze3A_2676 : i32 to vector<16xi32>
    %broadcast_in_dim3A_2680 = vector.broadcast %squeeze3A_2678 : i32 to vector<16xi32>
    %select_n3A_2681 = arith.select %eq3A_56, %broadcast_in_dim3A_2679, %broadcast_in_dim3A_2680 : vector<16xi1>, vector<16xi32>
    %select_n3A_2682 = arith.select %eq3A_62, %select_n3A_2674, %select_n3A_2681 : vector<16xi1>, vector<16xi32>
    %mul3A_2683 = arith.constant 8 : i32
    %mul3A_2684 = vector.broadcast %mul3A_2683 : i32 to vector<16xi32>
    %mul3A_2685 = arith.muli %shift_right_arithmetic3A_70, %mul3A_2684 : vector<16xi32>
    %add3A_2686 = arith.addi %select_n3A_2682, %mul3A_2685 : vector<16xi32>
    %swap3A_2687 = arith.constant 112 : index
    %swap3A_2688 = tpu.vector_load %arg17[%swap3A_2687] {strides = array<i32>} : memref<128xi32, #tpu.memory_space<vmem>>, vector<16xi32>,
    %swap3A_2689 = vector.shape_cast %swap3A_2688 : vector<16xi32> to vector<16xi32>
    %swap3A_2690 = vector.shape_cast %add3A_2686 : vector<16xi32> to vector<16xi32>
    tpu.vector_store %arg17[%swap3A_2687], %swap3A_2690 {strides = array<i32>} : memref<128xi32, #tpu.memory_space<vmem>>, vector<16xi32>,
    %add3A_2691 = arith.constant 12 : i32
    %add3A_2692 = arith.addi %add3A_50, %add3A_2691 : i32
    %mul3A_2693 = arith.constant 32 : i32
    %mul3A_2694 = arith.muli %add3A_2692, %mul3A_2693 : i32
    %multiple_of3A_2695 = tpu.assume_multiple %mul3A_2694, 32 : i32
    %dma_wait3A_2696 = arith.constant 0 : i32
    %dma_wait3A_2697 = tpu.memref_slice %arg5[%multiple_of3A_2695, %dma_wait3A_2696] : memref<68736x128xf32, #tpu.memory_space<hbm>> -> memref<128x128xf32, #tpu.memory_space<hbm>>
    %dma_wait3A_2698 = arith.constant 0 : i32
    %dma_wait3A_2699 = tpu.memref_slice %arg5[%multiple_of3A_2695, %dma_wait3A_2698] : memref<68736x128xf32, #tpu.memory_space<hbm>> -> memref<128x128xf32, #tpu.memory_space<hbm>>
    tpu.wait_dma2 semaphore(%arg30 : memref<!tpu.dma_semaphore, #tpu.memory_space<semaphore_mem>>) src(%arg10 : memref<128x128xf32, #tpu.memory_space<vmem>>) dst(%dma_wait3A_2699 : memref<128x128xf32, #tpu.memory_space<hbm>>)
    %dma_start3A_2700 = arith.constant 0 : i32
    %dma_start3A_2701 = arith.constant 0 : i32
    %dma_start3A_2702 = tpu.memref_slice %arg3[%dma_start3A_2700, %dma_start3A_2701] : memref<800000x128xf32, #tpu.memory_space<hbm>> -> memref<800000x128xf32, #tpu.memory_space<hbm>>
    tpu.enqueue_indirect_dma source(%dma_start3A_2702 : memref<800000x128xf32, #tpu.memory_space<hbm>>) target(%arg10 : memref<128x128xf32, #tpu.memory_space<vmem>>) offsets(%arg17 : memref<128xi32, #tpu.memory_space<vmem>>) semaphore(%arg24 : memref<!tpu.dma_semaphore, #tpu.memory_space<semaphore_mem>>)
    %dma_wait3A_2703 = arith.constant 0 : i32
    %dma_wait3A_2704 = arith.constant 0 : i32
    %dma_wait3A_2705 = tpu.memref_slice %arg3[%dma_wait3A_2703, %dma_wait3A_2704] : memref<800000x128xf32, #tpu.memory_space<hbm>> -> memref<800000x128xf32, #tpu.memory_space<hbm>>
    tpu.wait_indirect_dma semaphore(%arg25 : memref<!tpu.dma_semaphore, #tpu.memory_space<semaphore_mem>>) src(%dma_wait3A_2705 : memref<800000x128xf32, #tpu.memory_space<hbm>>) dst(%arg11 : memref<128x128xf32, #tpu.memory_space<vmem>>)
    %add3A_2706 = arith.constant 16 : i32
    %add3A_2707 = arith.addi %add3A_50, %add3A_2706 : i32
    %mul3A_2708 = arith.constant 32 : i32
    %mul3A_2709 = arith.muli %add3A_2707, %mul3A_2708 : i32
    %multiple_of3A_2710 = tpu.assume_multiple %mul3A_2709, 32 : i32
    %dma_start3A_2711 = arith.constant 0 : i32
    %dma_start3A_2712 = tpu.memref_slice %arg5[%multiple_of3A_2710, %dma_start3A_2711] : memref<68736x128xf32, #tpu.memory_space<hbm>> -> memref<128x128xf32, #tpu.memory_space<hbm>>
    %dma_start3A_2713 = arith.constant 0 : i32
    %dma_start3A_2714 = tpu.memref_slice %arg5[%multiple_of3A_2710, %dma_start3A_2713] : memref<68736x128xf32, #tpu.memory_space<hbm>> -> memref<128x128xf32, #tpu.memory_space<hbm>>
    tpu.enqueue_dma source(%arg11 : memref<128x128xf32, #tpu.memory_space<vmem>>) target(%dma_start3A_2714 : memref<128x128xf32, #tpu.memory_space<hbm>>) target_semaphore(%arg31 : memref<!tpu.dma_semaphore, #tpu.memory_space<semaphore_mem>>)
    %add3A_2715 = arith.constant 32 : i32
    %add3A_2716 = arith.addi %mul3A_46, %add3A_2715 : i32
    %get3A_2717 = arith.constant 0 : i32
    %get3A_2718 = arith.index_cast %get3A_2717 : i32 to index
    %get3A_2719 = arith.index_cast %add3A_2716 : i32 to index
    %get3A_2720 = tpu.vector_load %arg6[%get3A_2718, %get3A_2719] {strides = array<i32>} : memref<16x128xi32, #tpu.memory_space<vmem>>, vector<1x16xi32>,
    %get3A_2721 = vector.shape_cast %get3A_2720 : vector<1x16xi32> to vector<16xi32>
    %shift_right_arithmetic3A_2722 = arith.constant 3 : i32
    %shift_right_arithmetic3A_2723 = vector.broadcast %shift_right_arithmetic3A_2722 : i32 to vector<16xi32>
    %shift_right_arithmetic3A_2724 = arith.shrsi %get3A_2721, %shift_right_arithmetic3A_2723 : vector<16xi32>
    %shift_left3A_2725 = arith.constant 6 : i32
    %shift_left3A_2726 = vector.broadcast %shift_left3A_2725 : i32 to vector<16xi32>
    %shift_left3A_2727 = arith.shli %shift_right_arithmetic3A_2724, %shift_left3A_2726 : vector<16xi32>
    %and3A_2728 = arith.constant 7 : i32
    %and3A_2729 = vector.broadcast %and3A_2728 : i32 to vector<16xi32>
    %and3A_2730 = arith.andi %get3A_2721, %and3A_2729 : vector<16xi32>
    %add3A_2731 = arith.addi %shift_left3A_2727, %and3A_2730 : vector<16xi32>
    %add3A_2732 = arith.constant 32 : i32
    %add3A_2733 = arith.addi %mul3A_46, %add3A_2732 : i32
    %get3A_2734 = arith.constant 1 : i32
    %get3A_2735 = arith.index_cast %get3A_2734 : i32 to index
    %get3A_2736 = arith.index_cast %add3A_2733 : i32 to index
    %get3A_2737 = tpu.vector_load %arg6[%get3A_2735, %get3A_2736] {strides = array<i32>} : memref<16x128xi32, #tpu.memory_space<vmem>>, vector<1x16xi32>,
    %get3A_2738 = vector.shape_cast %get3A_2737 : vector<1x16xi32> to vector<16xi32>
    %shift_right_arithmetic3A_2739 = arith.constant 3 : i32
    %shift_right_arithmetic3A_2740 = vector.broadcast %shift_right_arithmetic3A_2739 : i32 to vector<16xi32>
    %shift_right_arithmetic3A_2741 = arith.shrsi %get3A_2738, %shift_right_arithmetic3A_2740 : vector<16xi32>
    %shift_left3A_2742 = arith.constant 6 : i32
    %shift_left3A_2743 = vector.broadcast %shift_left3A_2742 : i32 to vector<16xi32>
    %shift_left3A_2744 = arith.shli %shift_right_arithmetic3A_2741, %shift_left3A_2743 : vector<16xi32>
    %and3A_2745 = arith.constant 7 : i32
    %and3A_2746 = vector.broadcast %and3A_2745 : i32 to vector<16xi32>
    %and3A_2747 = arith.andi %get3A_2738, %and3A_2746 : vector<16xi32>
    %add3A_2748 = arith.addi %shift_left3A_2744, %and3A_2747 : vector<16xi32>
    %add3A_2749 = arith.constant 32 : i32
    %add3A_2750 = arith.addi %mul3A_46, %add3A_2749 : i32
    %get3A_2751 = arith.constant 2 : i32
    %get3A_2752 = arith.index_cast %get3A_2751 : i32 to index
    %get3A_2753 = arith.index_cast %add3A_2750 : i32 to index
    %get3A_2754 = tpu.vector_load %arg6[%get3A_2752, %get3A_2753] {strides = array<i32>} : memref<16x128xi32, #tpu.memory_space<vmem>>, vector<1x16xi32>,
    %get3A_2755 = vector.shape_cast %get3A_2754 : vector<1x16xi32> to vector<16xi32>
    %shift_right_arithmetic3A_2756 = arith.constant 3 : i32
    %shift_right_arithmetic3A_2757 = vector.broadcast %shift_right_arithmetic3A_2756 : i32 to vector<16xi32>
    %shift_right_arithmetic3A_2758 = arith.shrsi %get3A_2755, %shift_right_arithmetic3A_2757 : vector<16xi32>
    %shift_left3A_2759 = arith.constant 6 : i32
    %shift_left3A_2760 = vector.broadcast %shift_left3A_2759 : i32 to vector<16xi32>
    %shift_left3A_2761 = arith.shli %shift_right_arithmetic3A_2758, %shift_left3A_2760 : vector<16xi32>
    %and3A_2762 = arith.constant 7 : i32
    %and3A_2763 = vector.broadcast %and3A_2762 : i32 to vector<16xi32>
    %and3A_2764 = arith.andi %get3A_2755, %and3A_2763 : vector<16xi32>
    %add3A_2765 = arith.addi %shift_left3A_2761, %and3A_2764 : vector<16xi32>
    %add3A_2766 = arith.constant 32 : i32
    %add3A_2767 = arith.addi %mul3A_46, %add3A_2766 : i32
    %get3A_2768 = arith.constant 3 : i32
    %get3A_2769 = arith.index_cast %get3A_2768 : i32 to index
    %get3A_2770 = arith.index_cast %add3A_2767 : i32 to index
    %get3A_2771 = tpu.vector_load %arg6[%get3A_2769, %get3A_2770] {strides = array<i32>} : memref<16x128xi32, #tpu.memory_space<vmem>>, vector<1x16xi32>,
    %get3A_2772 = vector.shape_cast %get3A_2771 : vector<1x16xi32> to vector<16xi32>
    %shift_right_arithmetic3A_2773 = arith.constant 3 : i32
    %shift_right_arithmetic3A_2774 = vector.broadcast %shift_right_arithmetic3A_2773 : i32 to vector<16xi32>
    %shift_right_arithmetic3A_2775 = arith.shrsi %get3A_2772, %shift_right_arithmetic3A_2774 : vector<16xi32>
    %shift_left3A_2776 = arith.constant 6 : i32
    %shift_left3A_2777 = vector.broadcast %shift_left3A_2776 : i32 to vector<16xi32>
    %shift_left3A_2778 = arith.shli %shift_right_arithmetic3A_2775, %shift_left3A_2777 : vector<16xi32>
    %and3A_2779 = arith.constant 7 : i32
    %and3A_2780 = vector.broadcast %and3A_2779 : i32 to vector<16xi32>
    %and3A_2781 = arith.andi %get3A_2772, %and3A_2780 : vector<16xi32>
    %add3A_2782 = arith.addi %shift_left3A_2778, %and3A_2781 : vector<16xi32>
    %slice3A_2783 = vector.extract_strided_slice %add3A_2731 {offsets = [8], sizes = [1], strides = [1]} : vector<16xi32> to vector<1xi32>
    %squeeze3A_2784 = vector.extract %slice3A_2783[0] : i32 from vector<1xi32>
    %slice3A_2785 = vector.extract_strided_slice %add3A_2748 {offsets = [8], sizes = [1], strides = [1]} : vector<16xi32> to vector<1xi32>
    %squeeze3A_2786 = vector.extract %slice3A_2785[0] : i32 from vector<1xi32>
    %broadcast_in_dim3A_2787 = vector.broadcast %squeeze3A_2784 : i32 to vector<16xi32>
    %broadcast_in_dim3A_2788 = vector.broadcast %squeeze3A_2786 : i32 to vector<16xi32>
    %select_n3A_2789 = arith.select %eq3A_56, %broadcast_in_dim3A_2787, %broadcast_in_dim3A_2788 : vector<16xi1>, vector<16xi32>
    %slice3A_2790 = vector.extract_strided_slice %add3A_2765 {offsets = [8], sizes = [1], strides = [1]} : vector<16xi32> to vector<1xi32>
    %squeeze3A_2791 = vector.extract %slice3A_2790[0] : i32 from vector<1xi32>
    %slice3A_2792 = vector.extract_strided_slice %add3A_2782 {offsets = [8], sizes = [1], strides = [1]} : vector<16xi32> to vector<1xi32>
    %squeeze3A_2793 = vector.extract %slice3A_2792[0] : i32 from vector<1xi32>
    %broadcast_in_dim3A_2794 = vector.broadcast %squeeze3A_2791 : i32 to vector<16xi32>
    %broadcast_in_dim3A_2795 = vector.broadcast %squeeze3A_2793 : i32 to vector<16xi32>
    %select_n3A_2796 = arith.select %eq3A_56, %broadcast_in_dim3A_2794, %broadcast_in_dim3A_2795 : vector<16xi1>, vector<16xi32>
    %select_n3A_2797 = arith.select %eq3A_62, %select_n3A_2789, %select_n3A_2796 : vector<16xi1>, vector<16xi32>
    %mul3A_2798 = arith.constant 8 : i32
    %mul3A_2799 = vector.broadcast %mul3A_2798 : i32 to vector<16xi32>
    %mul3A_2800 = arith.muli %shift_right_arithmetic3A_64, %mul3A_2799 : vector<16xi32>
    %add3A_2801 = arith.addi %select_n3A_2797, %mul3A_2800 : vector<16xi32>
    %swap3A_2802 = arith.constant 0 : index
    %swap3A_2803 = tpu.vector_load %arg18[%swap3A_2802] {strides = array<i32>} : memref<128xi32, #tpu.memory_space<vmem>>, vector<16xi32>,
    %swap3A_2804 = vector.shape_cast %swap3A_2803 : vector<16xi32> to vector<16xi32>
    %swap3A_2805 = vector.shape_cast %add3A_2801 : vector<16xi32> to vector<16xi32>
    tpu.vector_store %arg18[%swap3A_2802], %swap3A_2805 {strides = array<i32>} : memref<128xi32, #tpu.memory_space<vmem>>, vector<16xi32>,
    %slice3A_2806 = vector.extract_strided_slice %add3A_2731 {offsets = [8], sizes = [1], strides = [1]} : vector<16xi32> to vector<1xi32>
    %squeeze3A_2807 = vector.extract %slice3A_2806[0] : i32 from vector<1xi32>
    %slice3A_2808 = vector.extract_strided_slice %add3A_2748 {offsets = [8], sizes = [1], strides = [1]} : vector<16xi32> to vector<1xi32>
    %squeeze3A_2809 = vector.extract %slice3A_2808[0] : i32 from vector<1xi32>
    %broadcast_in_dim3A_2810 = vector.broadcast %squeeze3A_2807 : i32 to vector<16xi32>
    %broadcast_in_dim3A_2811 = vector.broadcast %squeeze3A_2809 : i32 to vector<16xi32>
    %select_n3A_2812 = arith.select %eq3A_56, %broadcast_in_dim3A_2810, %broadcast_in_dim3A_2811 : vector<16xi1>, vector<16xi32>
    %slice3A_2813 = vector.extract_strided_slice %add3A_2765 {offsets = [8], sizes = [1], strides = [1]} : vector<16xi32> to vector<1xi32>
    %squeeze3A_2814 = vector.extract %slice3A_2813[0] : i32 from vector<1xi32>
    %slice3A_2815 = vector.extract_strided_slice %add3A_2782 {offsets = [8], sizes = [1], strides = [1]} : vector<16xi32> to vector<1xi32>
    %squeeze3A_2816 = vector.extract %slice3A_2815[0] : i32 from vector<1xi32>
    %broadcast_in_dim3A_2817 = vector.broadcast %squeeze3A_2814 : i32 to vector<16xi32>
    %broadcast_in_dim3A_2818 = vector.broadcast %squeeze3A_2816 : i32 to vector<16xi32>
    %select_n3A_2819 = arith.select %eq3A_56, %broadcast_in_dim3A_2817, %broadcast_in_dim3A_2818 : vector<16xi1>, vector<16xi32>
    %select_n3A_2820 = arith.select %eq3A_62, %select_n3A_2812, %select_n3A_2819 : vector<16xi1>, vector<16xi32>
    %mul3A_2821 = arith.constant 8 : i32
    %mul3A_2822 = vector.broadcast %mul3A_2821 : i32 to vector<16xi32>
    %mul3A_2823 = arith.muli %shift_right_arithmetic3A_70, %mul3A_2822 : vector<16xi32>
    %add3A_2824 = arith.addi %select_n3A_2820, %mul3A_2823 : vector<16xi32>
    %swap3A_2825 = arith.constant 16 : index
    %swap3A_2826 = tpu.vector_load %arg18[%swap3A_2825] {strides = array<i32>} : memref<128xi32, #tpu.memory_space<vmem>>, vector<16xi32>,
    %swap3A_2827 = vector.shape_cast %swap3A_2826 : vector<16xi32> to vector<16xi32>
    %swap3A_2828 = vector.shape_cast %add3A_2824 : vector<16xi32> to vector<16xi32>
    tpu.vector_store %arg18[%swap3A_2825], %swap3A_2828 {strides = array<i32>} : memref<128xi32, #tpu.memory_space<vmem>>, vector<16xi32>,
    %slice3A_2829 = vector.extract_strided_slice %add3A_2731 {offsets = [9], sizes = [1], strides = [1]} : vector<16xi32> to vector<1xi32>
    %squeeze3A_2830 = vector.extract %slice3A_2829[0] : i32 from vector<1xi32>
    %slice3A_2831 = vector.extract_strided_slice %add3A_2748 {offsets = [9], sizes = [1], strides = [1]} : vector<16xi32> to vector<1xi32>
    %squeeze3A_2832 = vector.extract %slice3A_2831[0] : i32 from vector<1xi32>
    %broadcast_in_dim3A_2833 = vector.broadcast %squeeze3A_2830 : i32 to vector<16xi32>
    %broadcast_in_dim3A_2834 = vector.broadcast %squeeze3A_2832 : i32 to vector<16xi32>
    %select_n3A_2835 = arith.select %eq3A_56, %broadcast_in_dim3A_2833, %broadcast_in_dim3A_2834 : vector<16xi1>, vector<16xi32>
    %slice3A_2836 = vector.extract_strided_slice %add3A_2765 {offsets = [9], sizes = [1], strides = [1]} : vector<16xi32> to vector<1xi32>
    %squeeze3A_2837 = vector.extract %slice3A_2836[0] : i32 from vector<1xi32>
    %slice3A_2838 = vector.extract_strided_slice %add3A_2782 {offsets = [9], sizes = [1], strides = [1]} : vector<16xi32> to vector<1xi32>
    %squeeze3A_2839 = vector.extract %slice3A_2838[0] : i32 from vector<1xi32>
    %broadcast_in_dim3A_2840 = vector.broadcast %squeeze3A_2837 : i32 to vector<16xi32>
    %broadcast_in_dim3A_2841 = vector.broadcast %squeeze3A_2839 : i32 to vector<16xi32>
    %select_n3A_2842 = arith.select %eq3A_56, %broadcast_in_dim3A_2840, %broadcast_in_dim3A_2841 : vector<16xi1>, vector<16xi32>
    %select_n3A_2843 = arith.select %eq3A_62, %select_n3A_2835, %select_n3A_2842 : vector<16xi1>, vector<16xi32>
    %mul3A_2844 = arith.constant 8 : i32
    %mul3A_2845 = vector.broadcast %mul3A_2844 : i32 to vector<16xi32>
    %mul3A_2846 = arith.muli %shift_right_arithmetic3A_64, %mul3A_2845 : vector<16xi32>
    %add3A_2847 = arith.addi %select_n3A_2843, %mul3A_2846 : vector<16xi32>
    %swap3A_2848 = arith.constant 32 : index
    %swap3A_2849 = tpu.vector_load %arg18[%swap3A_2848] {strides = array<i32>} : memref<128xi32, #tpu.memory_space<vmem>>, vector<16xi32>,
    %swap3A_2850 = vector.shape_cast %swap3A_2849 : vector<16xi32> to vector<16xi32>
    %swap3A_2851 = vector.shape_cast %add3A_2847 : vector<16xi32> to vector<16xi32>
    tpu.vector_store %arg18[%swap3A_2848], %swap3A_2851 {strides = array<i32>} : memref<128xi32, #tpu.memory_space<vmem>>, vector<16xi32>,
    %slice3A_2852 = vector.extract_strided_slice %add3A_2731 {offsets = [9], sizes = [1], strides = [1]} : vector<16xi32> to vector<1xi32>
    %squeeze3A_2853 = vector.extract %slice3A_2852[0] : i32 from vector<1xi32>
    %slice3A_2854 = vector.extract_strided_slice %add3A_2748 {offsets = [9], sizes = [1], strides = [1]} : vector<16xi32> to vector<1xi32>
    %squeeze3A_2855 = vector.extract %slice3A_2854[0] : i32 from vector<1xi32>
    %broadcast_in_dim3A_2856 = vector.broadcast %squeeze3A_2853 : i32 to vector<16xi32>
    %broadcast_in_dim3A_2857 = vector.broadcast %squeeze3A_2855 : i32 to vector<16xi32>
    %select_n3A_2858 = arith.select %eq3A_56, %broadcast_in_dim3A_2856, %broadcast_in_dim3A_2857 : vector<16xi1>, vector<16xi32>
    %slice3A_2859 = vector.extract_strided_slice %add3A_2765 {offsets = [9], sizes = [1], strides = [1]} : vector<16xi32> to vector<1xi32>
    %squeeze3A_2860 = vector.extract %slice3A_2859[0] : i32 from vector<1xi32>
    %slice3A_2861 = vector.extract_strided_slice %add3A_2782 {offsets = [9], sizes = [1], strides = [1]} : vector<16xi32> to vector<1xi32>
    %squeeze3A_2862 = vector.extract %slice3A_2861[0] : i32 from vector<1xi32>
    %broadcast_in_dim3A_2863 = vector.broadcast %squeeze3A_2860 : i32 to vector<16xi32>
    %broadcast_in_dim3A_2864 = vector.broadcast %squeeze3A_2862 : i32 to vector<16xi32>
    %select_n3A_2865 = arith.select %eq3A_56, %broadcast_in_dim3A_2863, %broadcast_in_dim3A_2864 : vector<16xi1>, vector<16xi32>
    %select_n3A_2866 = arith.select %eq3A_62, %select_n3A_2858, %select_n3A_2865 : vector<16xi1>, vector<16xi32>
    %mul3A_2867 = arith.constant 8 : i32
    %mul3A_2868 = vector.broadcast %mul3A_2867 : i32 to vector<16xi32>
    %mul3A_2869 = arith.muli %shift_right_arithmetic3A_70, %mul3A_2868 : vector<16xi32>
    %add3A_2870 = arith.addi %select_n3A_2866, %mul3A_2869 : vector<16xi32>
    %swap3A_2871 = arith.constant 48 : index
    %swap3A_2872 = tpu.vector_load %arg18[%swap3A_2871] {strides = array<i32>} : memref<128xi32, #tpu.memory_space<vmem>>, vector<16xi32>,
    %swap3A_2873 = vector.shape_cast %swap3A_2872 : vector<16xi32> to vector<16xi32>
    %swap3A_2874 = vector.shape_cast %add3A_2870 : vector<16xi32> to vector<16xi32>
    tpu.vector_store %arg18[%swap3A_2871], %swap3A_2874 {strides = array<i32>} : memref<128xi32, #tpu.memory_space<vmem>>, vector<16xi32>,
    %slice3A_2875 = vector.extract_strided_slice %add3A_2731 {offsets = [10], sizes = [1], strides = [1]} : vector<16xi32> to vector<1xi32>
    %squeeze3A_2876 = vector.extract %slice3A_2875[0] : i32 from vector<1xi32>
    %slice3A_2877 = vector.extract_strided_slice %add3A_2748 {offsets = [10], sizes = [1], strides = [1]} : vector<16xi32> to vector<1xi32>
    %squeeze3A_2878 = vector.extract %slice3A_2877[0] : i32 from vector<1xi32>
    %broadcast_in_dim3A_2879 = vector.broadcast %squeeze3A_2876 : i32 to vector<16xi32>
    %broadcast_in_dim3A_2880 = vector.broadcast %squeeze3A_2878 : i32 to vector<16xi32>
    %select_n3A_2881 = arith.select %eq3A_56, %broadcast_in_dim3A_2879, %broadcast_in_dim3A_2880 : vector<16xi1>, vector<16xi32>
    %slice3A_2882 = vector.extract_strided_slice %add3A_2765 {offsets = [10], sizes = [1], strides = [1]} : vector<16xi32> to vector<1xi32>
    %squeeze3A_2883 = vector.extract %slice3A_2882[0] : i32 from vector<1xi32>
    %slice3A_2884 = vector.extract_strided_slice %add3A_2782 {offsets = [10], sizes = [1], strides = [1]} : vector<16xi32> to vector<1xi32>
    %squeeze3A_2885 = vector.extract %slice3A_2884[0] : i32 from vector<1xi32>
    %broadcast_in_dim3A_2886 = vector.broadcast %squeeze3A_2883 : i32 to vector<16xi32>
    %broadcast_in_dim3A_2887 = vector.broadcast %squeeze3A_2885 : i32 to vector<16xi32>
    %select_n3A_2888 = arith.select %eq3A_56, %broadcast_in_dim3A_2886, %broadcast_in_dim3A_2887 : vector<16xi1>, vector<16xi32>
    %select_n3A_2889 = arith.select %eq3A_62, %select_n3A_2881, %select_n3A_2888 : vector<16xi1>, vector<16xi32>
    %mul3A_2890 = arith.constant 8 : i32
    %mul3A_2891 = vector.broadcast %mul3A_2890 : i32 to vector<16xi32>
    %mul3A_2892 = arith.muli %shift_right_arithmetic3A_64, %mul3A_2891 : vector<16xi32>
    %add3A_2893 = arith.addi %select_n3A_2889, %mul3A_2892 : vector<16xi32>
    %swap3A_2894 = arith.constant 64 : index
    %swap3A_2895 = tpu.vector_load %arg18[%swap3A_2894] {strides = array<i32>} : memref<128xi32, #tpu.memory_space<vmem>>, vector<16xi32>,
    %swap3A_2896 = vector.shape_cast %swap3A_2895 : vector<16xi32> to vector<16xi32>
    %swap3A_2897 = vector.shape_cast %add3A_2893 : vector<16xi32> to vector<16xi32>
    tpu.vector_store %arg18[%swap3A_2894], %swap3A_2897 {strides = array<i32>} : memref<128xi32, #tpu.memory_space<vmem>>, vector<16xi32>,
    %slice3A_2898 = vector.extract_strided_slice %add3A_2731 {offsets = [10], sizes = [1], strides = [1]} : vector<16xi32> to vector<1xi32>
    %squeeze3A_2899 = vector.extract %slice3A_2898[0] : i32 from vector<1xi32>
    %slice3A_2900 = vector.extract_strided_slice %add3A_2748 {offsets = [10], sizes = [1], strides = [1]} : vector<16xi32> to vector<1xi32>
    %squeeze3A_2901 = vector.extract %slice3A_2900[0] : i32 from vector<1xi32>
    %broadcast_in_dim3A_2902 = vector.broadcast %squeeze3A_2899 : i32 to vector<16xi32>
    %broadcast_in_dim3A_2903 = vector.broadcast %squeeze3A_2901 : i32 to vector<16xi32>
    %select_n3A_2904 = arith.select %eq3A_56, %broadcast_in_dim3A_2902, %broadcast_in_dim3A_2903 : vector<16xi1>, vector<16xi32>
    %slice3A_2905 = vector.extract_strided_slice %add3A_2765 {offsets = [10], sizes = [1], strides = [1]} : vector<16xi32> to vector<1xi32>
    %squeeze3A_2906 = vector.extract %slice3A_2905[0] : i32 from vector<1xi32>
    %slice3A_2907 = vector.extract_strided_slice %add3A_2782 {offsets = [10], sizes = [1], strides = [1]} : vector<16xi32> to vector<1xi32>
    %squeeze3A_2908 = vector.extract %slice3A_2907[0] : i32 from vector<1xi32>
    %broadcast_in_dim3A_2909 = vector.broadcast %squeeze3A_2906 : i32 to vector<16xi32>
    %broadcast_in_dim3A_2910 = vector.broadcast %squeeze3A_2908 : i32 to vector<16xi32>
    %select_n3A_2911 = arith.select %eq3A_56, %broadcast_in_dim3A_2909, %broadcast_in_dim3A_2910 : vector<16xi1>, vector<16xi32>
    %select_n3A_2912 = arith.select %eq3A_62, %select_n3A_2904, %select_n3A_2911 : vector<16xi1>, vector<16xi32>
    %mul3A_2913 = arith.constant 8 : i32
    %mul3A_2914 = vector.broadcast %mul3A_2913 : i32 to vector<16xi32>
    %mul3A_2915 = arith.muli %shift_right_arithmetic3A_70, %mul3A_2914 : vector<16xi32>
    %add3A_2916 = arith.addi %select_n3A_2912, %mul3A_2915 : vector<16xi32>
    %swap3A_2917 = arith.constant 80 : index
    %swap3A_2918 = tpu.vector_load %arg18[%swap3A_2917] {strides = array<i32>} : memref<128xi32, #tpu.memory_space<vmem>>, vector<16xi32>,
    %swap3A_2919 = vector.shape_cast %swap3A_2918 : vector<16xi32> to vector<16xi32>
    %swap3A_2920 = vector.shape_cast %add3A_2916 : vector<16xi32> to vector<16xi32>
    tpu.vector_store %arg18[%swap3A_2917], %swap3A_2920 {strides = array<i32>} : memref<128xi32, #tpu.memory_space<vmem>>, vector<16xi32>,
    %slice3A_2921 = vector.extract_strided_slice %add3A_2731 {offsets = [11], sizes = [1], strides = [1]} : vector<16xi32> to vector<1xi32>
    %squeeze3A_2922 = vector.extract %slice3A_2921[0] : i32 from vector<1xi32>
    %slice3A_2923 = vector.extract_strided_slice %add3A_2748 {offsets = [11], sizes = [1], strides = [1]} : vector<16xi32> to vector<1xi32>
    %squeeze3A_2924 = vector.extract %slice3A_2923[0] : i32 from vector<1xi32>
    %broadcast_in_dim3A_2925 = vector.broadcast %squeeze3A_2922 : i32 to vector<16xi32>
    %broadcast_in_dim3A_2926 = vector.broadcast %squeeze3A_2924 : i32 to vector<16xi32>
    %select_n3A_2927 = arith.select %eq3A_56, %broadcast_in_dim3A_2925, %broadcast_in_dim3A_2926 : vector<16xi1>, vector<16xi32>
    %slice3A_2928 = vector.extract_strided_slice %add3A_2765 {offsets = [11], sizes = [1], strides = [1]} : vector<16xi32> to vector<1xi32>
    %squeeze3A_2929 = vector.extract %slice3A_2928[0] : i32 from vector<1xi32>
    %slice3A_2930 = vector.extract_strided_slice %add3A_2782 {offsets = [11], sizes = [1], strides = [1]} : vector<16xi32> to vector<1xi32>
    %squeeze3A_2931 = vector.extract %slice3A_2930[0] : i32 from vector<1xi32>
    %broadcast_in_dim3A_2932 = vector.broadcast %squeeze3A_2929 : i32 to vector<16xi32>
    %broadcast_in_dim3A_2933 = vector.broadcast %squeeze3A_2931 : i32 to vector<16xi32>
    %select_n3A_2934 = arith.select %eq3A_56, %broadcast_in_dim3A_2932, %broadcast_in_dim3A_2933 : vector<16xi1>, vector<16xi32>
    %select_n3A_2935 = arith.select %eq3A_62, %select_n3A_2927, %select_n3A_2934 : vector<16xi1>, vector<16xi32>
    %mul3A_2936 = arith.constant 8 : i32
    %mul3A_2937 = vector.broadcast %mul3A_2936 : i32 to vector<16xi32>
    %mul3A_2938 = arith.muli %shift_right_arithmetic3A_64, %mul3A_2937 : vector<16xi32>
    %add3A_2939 = arith.addi %select_n3A_2935, %mul3A_2938 : vector<16xi32>
    %swap3A_2940 = arith.constant 96 : index
    %swap3A_2941 = tpu.vector_load %arg18[%swap3A_2940] {strides = array<i32>} : memref<128xi32, #tpu.memory_space<vmem>>, vector<16xi32>,
    %swap3A_2942 = vector.shape_cast %swap3A_2941 : vector<16xi32> to vector<16xi32>
    %swap3A_2943 = vector.shape_cast %add3A_2939 : vector<16xi32> to vector<16xi32>
    tpu.vector_store %arg18[%swap3A_2940], %swap3A_2943 {strides = array<i32>} : memref<128xi32, #tpu.memory_space<vmem>>, vector<16xi32>,
    %slice3A_2944 = vector.extract_strided_slice %add3A_2731 {offsets = [11], sizes = [1], strides = [1]} : vector<16xi32> to vector<1xi32>
    %squeeze3A_2945 = vector.extract %slice3A_2944[0] : i32 from vector<1xi32>
    %slice3A_2946 = vector.extract_strided_slice %add3A_2748 {offsets = [11], sizes = [1], strides = [1]} : vector<16xi32> to vector<1xi32>
    %squeeze3A_2947 = vector.extract %slice3A_2946[0] : i32 from vector<1xi32>
    %broadcast_in_dim3A_2948 = vector.broadcast %squeeze3A_2945 : i32 to vector<16xi32>
    %broadcast_in_dim3A_2949 = vector.broadcast %squeeze3A_2947 : i32 to vector<16xi32>
    %select_n3A_2950 = arith.select %eq3A_56, %broadcast_in_dim3A_2948, %broadcast_in_dim3A_2949 : vector<16xi1>, vector<16xi32>
    %slice3A_2951 = vector.extract_strided_slice %add3A_2765 {offsets = [11], sizes = [1], strides = [1]} : vector<16xi32> to vector<1xi32>
    %squeeze3A_2952 = vector.extract %slice3A_2951[0] : i32 from vector<1xi32>
    %slice3A_2953 = vector.extract_strided_slice %add3A_2782 {offsets = [11], sizes = [1], strides = [1]} : vector<16xi32> to vector<1xi32>
    %squeeze3A_2954 = vector.extract %slice3A_2953[0] : i32 from vector<1xi32>
    %broadcast_in_dim3A_2955 = vector.broadcast %squeeze3A_2952 : i32 to vector<16xi32>
    %broadcast_in_dim3A_2956 = vector.broadcast %squeeze3A_2954 : i32 to vector<16xi32>
    %select_n3A_2957 = arith.select %eq3A_56, %broadcast_in_dim3A_2955, %broadcast_in_dim3A_2956 : vector<16xi1>, vector<16xi32>
    %select_n3A_2958 = arith.select %eq3A_62, %select_n3A_2950, %select_n3A_2957 : vector<16xi1>, vector<16xi32>
    %mul3A_2959 = arith.constant 8 : i32
    %mul3A_2960 = vector.broadcast %mul3A_2959 : i32 to vector<16xi32>
    %mul3A_2961 = arith.muli %shift_right_arithmetic3A_70, %mul3A_2960 : vector<16xi32>
    %add3A_2962 = arith.addi %select_n3A_2958, %mul3A_2961 : vector<16xi32>
    %swap3A_2963 = arith.constant 112 : index
    %swap3A_2964 = tpu.vector_load %arg18[%swap3A_2963] {strides = array<i32>} : memref<128xi32, #tpu.memory_space<vmem>>, vector<16xi32>,
    %swap3A_2965 = vector.shape_cast %swap3A_2964 : vector<16xi32> to vector<16xi32>
    %swap3A_2966 = vector.shape_cast %add3A_2962 : vector<16xi32> to vector<16xi32>
    tpu.vector_store %arg18[%swap3A_2963], %swap3A_2966 {strides = array<i32>} : memref<128xi32, #tpu.memory_space<vmem>>, vector<16xi32>,
    %add3A_2967 = arith.constant 16 : i32
    %add3A_2968 = arith.addi %add3A_50, %add3A_2967 : i32
    %mul3A_2969 = arith.constant 32 : i32
    %mul3A_2970 = arith.muli %add3A_2968, %mul3A_2969 : i32
    %multiple_of3A_2971 = tpu.assume_multiple %mul3A_2970, 32 : i32
    %dma_wait3A_2972 = arith.constant 0 : i32
    %dma_wait3A_2973 = tpu.memref_slice %arg5[%multiple_of3A_2971, %dma_wait3A_2972] : memref<68736x128xf32, #tpu.memory_space<hbm>> -> memref<128x128xf32, #tpu.memory_space<hbm>>
    %dma_wait3A_2974 = arith.constant 0 : i32
    %dma_wait3A_2975 = tpu.memref_slice %arg5[%multiple_of3A_2971, %dma_wait3A_2974] : memref<68736x128xf32, #tpu.memory_space<hbm>> -> memref<128x128xf32, #tpu.memory_space<hbm>>
    tpu.wait_dma2 semaphore(%arg31 : memref<!tpu.dma_semaphore, #tpu.memory_space<semaphore_mem>>) src(%arg11 : memref<128x128xf32, #tpu.memory_space<vmem>>) dst(%dma_wait3A_2975 : memref<128x128xf32, #tpu.memory_space<hbm>>)
    %dma_start3A_2976 = arith.constant 0 : i32
    %dma_start3A_2977 = arith.constant 0 : i32
    %dma_start3A_2978 = tpu.memref_slice %arg3[%dma_start3A_2976, %dma_start3A_2977] : memref<800000x128xf32, #tpu.memory_space<hbm>> -> memref<800000x128xf32, #tpu.memory_space<hbm>>
    tpu.enqueue_indirect_dma source(%dma_start3A_2978 : memref<800000x128xf32, #tpu.memory_space<hbm>>) target(%arg11 : memref<128x128xf32, #tpu.memory_space<vmem>>) offsets(%arg18 : memref<128xi32, #tpu.memory_space<vmem>>) semaphore(%arg25 : memref<!tpu.dma_semaphore, #tpu.memory_space<semaphore_mem>>)
    %dma_wait3A_2979 = arith.constant 0 : i32
    %dma_wait3A_2980 = arith.constant 0 : i32
    %dma_wait3A_2981 = tpu.memref_slice %arg3[%dma_wait3A_2979, %dma_wait3A_2980] : memref<800000x128xf32, #tpu.memory_space<hbm>> -> memref<800000x128xf32, #tpu.memory_space<hbm>>
    tpu.wait_indirect_dma semaphore(%arg26 : memref<!tpu.dma_semaphore, #tpu.memory_space<semaphore_mem>>) src(%dma_wait3A_2981 : memref<800000x128xf32, #tpu.memory_space<hbm>>) dst(%arg12 : memref<128x128xf32, #tpu.memory_space<vmem>>)
    %add3A_2982 = arith.constant 20 : i32
    %add3A_2983 = arith.addi %add3A_50, %add3A_2982 : i32
    %mul3A_2984 = arith.constant 32 : i32
    %mul3A_2985 = arith.muli %add3A_2983, %mul3A_2984 : i32
    %multiple_of3A_2986 = tpu.assume_multiple %mul3A_2985, 32 : i32
    %dma_start3A_2987 = arith.constant 0 : i32
    %dma_start3A_2988 = tpu.memref_slice %arg5[%multiple_of3A_2986, %dma_start3A_2987] : memref<68736x128xf32, #tpu.memory_space<hbm>> -> memref<128x128xf32, #tpu.memory_space<hbm>>
    %dma_start3A_2989 = arith.constant 0 : i32
    %dma_start3A_2990 = tpu.memref_slice %arg5[%multiple_of3A_2986, %dma_start3A_2989] : memref<68736x128xf32, #tpu.memory_space<hbm>> -> memref<128x128xf32, #tpu.memory_space<hbm>>
    tpu.enqueue_dma source(%arg12 : memref<128x128xf32, #tpu.memory_space<vmem>>) target(%dma_start3A_2990 : memref<128x128xf32, #tpu.memory_space<hbm>>) target_semaphore(%arg32 : memref<!tpu.dma_semaphore, #tpu.memory_space<semaphore_mem>>)
    %add3A_2991 = arith.constant 32 : i32
    %add3A_2992 = arith.addi %mul3A_46, %add3A_2991 : i32
    %get3A_2993 = arith.constant 0 : i32
    %get3A_2994 = arith.index_cast %get3A_2993 : i32 to index
    %get3A_2995 = arith.index_cast %add3A_2992 : i32 to index
    %get3A_2996 = tpu.vector_load %arg6[%get3A_2994, %get3A_2995] {strides = array<i32>} : memref<16x128xi32, #tpu.memory_space<vmem>>, vector<1x16xi32>,
    %get3A_2997 = vector.shape_cast %get3A_2996 : vector<1x16xi32> to vector<16xi32>
    %shift_right_arithmetic3A_2998 = arith.constant 3 : i32
    %shift_right_arithmetic3A_2999 = vector.broadcast %shift_right_arithmetic3A_2998 : i32 to vector<16xi32>
    %shift_right_arithmetic3A_3000 = arith.shrsi %get3A_2997, %shift_right_arithmetic3A_2999 : vector<16xi32>
    %shift_left3A_3001 = arith.constant 6 : i32
    %shift_left3A_3002 = vector.broadcast %shift_left3A_3001 : i32 to vector<16xi32>
    %shift_left3A_3003 = arith.shli %shift_right_arithmetic3A_3000, %shift_left3A_3002 : vector<16xi32>
    %and3A_3004 = arith.constant 7 : i32
    %and3A_3005 = vector.broadcast %and3A_3004 : i32 to vector<16xi32>
    %and3A_3006 = arith.andi %get3A_2997, %and3A_3005 : vector<16xi32>
    %add3A_3007 = arith.addi %shift_left3A_3003, %and3A_3006 : vector<16xi32>
    %add3A_3008 = arith.constant 32 : i32
    %add3A_3009 = arith.addi %mul3A_46, %add3A_3008 : i32
    %get3A_3010 = arith.constant 1 : i32
    %get3A_3011 = arith.index_cast %get3A_3010 : i32 to index
    %get3A_3012 = arith.index_cast %add3A_3009 : i32 to index
    %get3A_3013 = tpu.vector_load %arg6[%get3A_3011, %get3A_3012] {strides = array<i32>} : memref<16x128xi32, #tpu.memory_space<vmem>>, vector<1x16xi32>,
    %get3A_3014 = vector.shape_cast %get3A_3013 : vector<1x16xi32> to vector<16xi32>
    %shift_right_arithmetic3A_3015 = arith.constant 3 : i32
    %shift_right_arithmetic3A_3016 = vector.broadcast %shift_right_arithmetic3A_3015 : i32 to vector<16xi32>
    %shift_right_arithmetic3A_3017 = arith.shrsi %get3A_3014, %shift_right_arithmetic3A_3016 : vector<16xi32>
    %shift_left3A_3018 = arith.constant 6 : i32
    %shift_left3A_3019 = vector.broadcast %shift_left3A_3018 : i32 to vector<16xi32>
    %shift_left3A_3020 = arith.shli %shift_right_arithmetic3A_3017, %shift_left3A_3019 : vector<16xi32>
    %and3A_3021 = arith.constant 7 : i32
    %and3A_3022 = vector.broadcast %and3A_3021 : i32 to vector<16xi32>
    %and3A_3023 = arith.andi %get3A_3014, %and3A_3022 : vector<16xi32>
    %add3A_3024 = arith.addi %shift_left3A_3020, %and3A_3023 : vector<16xi32>
    %add3A_3025 = arith.constant 32 : i32
    %add3A_3026 = arith.addi %mul3A_46, %add3A_3025 : i32
    %get3A_3027 = arith.constant 2 : i32
    %get3A_3028 = arith.index_cast %get3A_3027 : i32 to index
    %get3A_3029 = arith.index_cast %add3A_3026 : i32 to index
    %get3A_3030 = tpu.vector_load %arg6[%get3A_3028, %get3A_3029] {strides = array<i32>} : memref<16x128xi32, #tpu.memory_space<vmem>>, vector<1x16xi32>,
    %get3A_3031 = vector.shape_cast %get3A_3030 : vector<1x16xi32> to vector<16xi32>
    %shift_right_arithmetic3A_3032 = arith.constant 3 : i32
    %shift_right_arithmetic3A_3033 = vector.broadcast %shift_right_arithmetic3A_3032 : i32 to vector<16xi32>
    %shift_right_arithmetic3A_3034 = arith.shrsi %get3A_3031, %shift_right_arithmetic3A_3033 : vector<16xi32>
    %shift_left3A_3035 = arith.constant 6 : i32
    %shift_left3A_3036 = vector.broadcast %shift_left3A_3035 : i32 to vector<16xi32>
    %shift_left3A_3037 = arith.shli %shift_right_arithmetic3A_3034, %shift_left3A_3036 : vector<16xi32>
    %and3A_3038 = arith.constant 7 : i32
    %and3A_3039 = vector.broadcast %and3A_3038 : i32 to vector<16xi32>
    %and3A_3040 = arith.andi %get3A_3031, %and3A_3039 : vector<16xi32>
    %add3A_3041 = arith.addi %shift_left3A_3037, %and3A_3040 : vector<16xi32>
    %add3A_3042 = arith.constant 32 : i32
    %add3A_3043 = arith.addi %mul3A_46, %add3A_3042 : i32
    %get3A_3044 = arith.constant 3 : i32
    %get3A_3045 = arith.index_cast %get3A_3044 : i32 to index
    %get3A_3046 = arith.index_cast %add3A_3043 : i32 to index
    %get3A_3047 = tpu.vector_load %arg6[%get3A_3045, %get3A_3046] {strides = array<i32>} : memref<16x128xi32, #tpu.memory_space<vmem>>, vector<1x16xi32>,
    %get3A_3048 = vector.shape_cast %get3A_3047 : vector<1x16xi32> to vector<16xi32>
    %shift_right_arithmetic3A_3049 = arith.constant 3 : i32
    %shift_right_arithmetic3A_3050 = vector.broadcast %shift_right_arithmetic3A_3049 : i32 to vector<16xi32>
    %shift_right_arithmetic3A_3051 = arith.shrsi %get3A_3048, %shift_right_arithmetic3A_3050 : vector<16xi32>
    %shift_left3A_3052 = arith.constant 6 : i32
    %shift_left3A_3053 = vector.broadcast %shift_left3A_3052 : i32 to vector<16xi32>
    %shift_left3A_3054 = arith.shli %shift_right_arithmetic3A_3051, %shift_left3A_3053 : vector<16xi32>
    %and3A_3055 = arith.constant 7 : i32
    %and3A_3056 = vector.broadcast %and3A_3055 : i32 to vector<16xi32>
    %and3A_3057 = arith.andi %get3A_3048, %and3A_3056 : vector<16xi32>
    %add3A_3058 = arith.addi %shift_left3A_3054, %and3A_3057 : vector<16xi32>
    %slice3A_3059 = vector.extract_strided_slice %add3A_3007 {offsets = [12], sizes = [1], strides = [1]} : vector<16xi32> to vector<1xi32>
    %squeeze3A_3060 = vector.extract %slice3A_3059[0] : i32 from vector<1xi32>
    %slice3A_3061 = vector.extract_strided_slice %add3A_3024 {offsets = [12], sizes = [1], strides = [1]} : vector<16xi32> to vector<1xi32>
    %squeeze3A_3062 = vector.extract %slice3A_3061[0] : i32 from vector<1xi32>
    %broadcast_in_dim3A_3063 = vector.broadcast %squeeze3A_3060 : i32 to vector<16xi32>
    %broadcast_in_dim3A_3064 = vector.broadcast %squeeze3A_3062 : i32 to vector<16xi32>
    %select_n3A_3065 = arith.select %eq3A_56, %broadcast_in_dim3A_3063, %broadcast_in_dim3A_3064 : vector<16xi1>, vector<16xi32>
    %slice3A_3066 = vector.extract_strided_slice %add3A_3041 {offsets = [12], sizes = [1], strides = [1]} : vector<16xi32> to vector<1xi32>
    %squeeze3A_3067 = vector.extract %slice3A_3066[0] : i32 from vector<1xi32>
    %slice3A_3068 = vector.extract_strided_slice %add3A_3058 {offsets = [12], sizes = [1], strides = [1]} : vector<16xi32> to vector<1xi32>
    %squeeze3A_3069 = vector.extract %slice3A_3068[0] : i32 from vector<1xi32>
    %broadcast_in_dim3A_3070 = vector.broadcast %squeeze3A_3067 : i32 to vector<16xi32>
    %broadcast_in_dim3A_3071 = vector.broadcast %squeeze3A_3069 : i32 to vector<16xi32>
    %select_n3A_3072 = arith.select %eq3A_56, %broadcast_in_dim3A_3070, %broadcast_in_dim3A_3071 : vector<16xi1>, vector<16xi32>
    %select_n3A_3073 = arith.select %eq3A_62, %select_n3A_3065, %select_n3A_3072 : vector<16xi1>, vector<16xi32>
    %mul3A_3074 = arith.constant 8 : i32
    %mul3A_3075 = vector.broadcast %mul3A_3074 : i32 to vector<16xi32>
    %mul3A_3076 = arith.muli %shift_right_arithmetic3A_64, %mul3A_3075 : vector<16xi32>
    %add3A_3077 = arith.addi %select_n3A_3073, %mul3A_3076 : vector<16xi32>
    %swap3A_3078 = arith.constant 0 : index
    %swap3A_3079 = tpu.vector_load %arg19[%swap3A_3078] {strides = array<i32>} : memref<128xi32, #tpu.memory_space<vmem>>, vector<16xi32>,
    %swap3A_3080 = vector.shape_cast %swap3A_3079 : vector<16xi32> to vector<16xi32>
    %swap3A_3081 = vector.shape_cast %add3A_3077 : vector<16xi32> to vector<16xi32>
    tpu.vector_store %arg19[%swap3A_3078], %swap3A_3081 {strides = array<i32>} : memref<128xi32, #tpu.memory_space<vmem>>, vector<16xi32>,
    %slice3A_3082 = vector.extract_strided_slice %add3A_3007 {offsets = [12], sizes = [1], strides = [1]} : vector<16xi32> to vector<1xi32>
    %squeeze3A_3083 = vector.extract %slice3A_3082[0] : i32 from vector<1xi32>
    %slice3A_3084 = vector.extract_strided_slice %add3A_3024 {offsets = [12], sizes = [1], strides = [1]} : vector<16xi32> to vector<1xi32>
    %squeeze3A_3085 = vector.extract %slice3A_3084[0] : i32 from vector<1xi32>
    %broadcast_in_dim3A_3086 = vector.broadcast %squeeze3A_3083 : i32 to vector<16xi32>
    %broadcast_in_dim3A_3087 = vector.broadcast %squeeze3A_3085 : i32 to vector<16xi32>
    %select_n3A_3088 = arith.select %eq3A_56, %broadcast_in_dim3A_3086, %broadcast_in_dim3A_3087 : vector<16xi1>, vector<16xi32>
    %slice3A_3089 = vector.extract_strided_slice %add3A_3041 {offsets = [12], sizes = [1], strides = [1]} : vector<16xi32> to vector<1xi32>
    %squeeze3A_3090 = vector.extract %slice3A_3089[0] : i32 from vector<1xi32>
    %slice3A_3091 = vector.extract_strided_slice %add3A_3058 {offsets = [12], sizes = [1], strides = [1]} : vector<16xi32> to vector<1xi32>
    %squeeze3A_3092 = vector.extract %slice3A_3091[0] : i32 from vector<1xi32>
    %broadcast_in_dim3A_3093 = vector.broadcast %squeeze3A_3090 : i32 to vector<16xi32>
    %broadcast_in_dim3A_3094 = vector.broadcast %squeeze3A_3092 : i32 to vector<16xi32>
    %select_n3A_3095 = arith.select %eq3A_56, %broadcast_in_dim3A_3093, %broadcast_in_dim3A_3094 : vector<16xi1>, vector<16xi32>
    %select_n3A_3096 = arith.select %eq3A_62, %select_n3A_3088, %select_n3A_3095 : vector<16xi1>, vector<16xi32>
    %mul3A_3097 = arith.constant 8 : i32
    %mul3A_3098 = vector.broadcast %mul3A_3097 : i32 to vector<16xi32>
    %mul3A_3099 = arith.muli %shift_right_arithmetic3A_70, %mul3A_3098 : vector<16xi32>
    %add3A_3100 = arith.addi %select_n3A_3096, %mul3A_3099 : vector<16xi32>
    %swap3A_3101 = arith.constant 16 : index
    %swap3A_3102 = tpu.vector_load %arg19[%swap3A_3101] {strides = array<i32>} : memref<128xi32, #tpu.memory_space<vmem>>, vector<16xi32>,
    %swap3A_3103 = vector.shape_cast %swap3A_3102 : vector<16xi32> to vector<16xi32>
    %swap3A_3104 = vector.shape_cast %add3A_3100 : vector<16xi32> to vector<16xi32>
    tpu.vector_store %arg19[%swap3A_3101], %swap3A_3104 {strides = array<i32>} : memref<128xi32, #tpu.memory_space<vmem>>, vector<16xi32>,
    %slice3A_3105 = vector.extract_strided_slice %add3A_3007 {offsets = [13], sizes = [1], strides = [1]} : vector<16xi32> to vector<1xi32>
    %squeeze3A_3106 = vector.extract %slice3A_3105[0] : i32 from vector<1xi32>
    %slice3A_3107 = vector.extract_strided_slice %add3A_3024 {offsets = [13], sizes = [1], strides = [1]} : vector<16xi32> to vector<1xi32>
    %squeeze3A_3108 = vector.extract %slice3A_3107[0] : i32 from vector<1xi32>
    %broadcast_in_dim3A_3109 = vector.broadcast %squeeze3A_3106 : i32 to vector<16xi32>
    %broadcast_in_dim3A_3110 = vector.broadcast %squeeze3A_3108 : i32 to vector<16xi32>
    %select_n3A_3111 = arith.select %eq3A_56, %broadcast_in_dim3A_3109, %broadcast_in_dim3A_3110 : vector<16xi1>, vector<16xi32>
    %slice3A_3112 = vector.extract_strided_slice %add3A_3041 {offsets = [13], sizes = [1], strides = [1]} : vector<16xi32> to vector<1xi32>
    %squeeze3A_3113 = vector.extract %slice3A_3112[0] : i32 from vector<1xi32>
    %slice3A_3114 = vector.extract_strided_slice %add3A_3058 {offsets = [13], sizes = [1], strides = [1]} : vector<16xi32> to vector<1xi32>
    %squeeze3A_3115 = vector.extract %slice3A_3114[0] : i32 from vector<1xi32>
    %broadcast_in_dim3A_3116 = vector.broadcast %squeeze3A_3113 : i32 to vector<16xi32>
    %broadcast_in_dim3A_3117 = vector.broadcast %squeeze3A_3115 : i32 to vector<16xi32>
    %select_n3A_3118 = arith.select %eq3A_56, %broadcast_in_dim3A_3116, %broadcast_in_dim3A_3117 : vector<16xi1>, vector<16xi32>
    %select_n3A_3119 = arith.select %eq3A_62, %select_n3A_3111, %select_n3A_3118 : vector<16xi1>, vector<16xi32>
    %mul3A_3120 = arith.constant 8 : i32
    %mul3A_3121 = vector.broadcast %mul3A_3120 : i32 to vector<16xi32>
    %mul3A_3122 = arith.muli %shift_right_arithmetic3A_64, %mul3A_3121 : vector<16xi32>
    %add3A_3123 = arith.addi %select_n3A_3119, %mul3A_3122 : vector<16xi32>
    %swap3A_3124 = arith.constant 32 : index
    %swap3A_3125 = tpu.vector_load %arg19[%swap3A_3124] {strides = array<i32>} : memref<128xi32, #tpu.memory_space<vmem>>, vector<16xi32>,
    %swap3A_3126 = vector.shape_cast %swap3A_3125 : vector<16xi32> to vector<16xi32>
    %swap3A_3127 = vector.shape_cast %add3A_3123 : vector<16xi32> to vector<16xi32>
    tpu.vector_store %arg19[%swap3A_3124], %swap3A_3127 {strides = array<i32>} : memref<128xi32, #tpu.memory_space<vmem>>, vector<16xi32>,
    %slice3A_3128 = vector.extract_strided_slice %add3A_3007 {offsets = [13], sizes = [1], strides = [1]} : vector<16xi32> to vector<1xi32>
    %squeeze3A_3129 = vector.extract %slice3A_3128[0] : i32 from vector<1xi32>
    %slice3A_3130 = vector.extract_strided_slice %add3A_3024 {offsets = [13], sizes = [1], strides = [1]} : vector<16xi32> to vector<1xi32>
    %squeeze3A_3131 = vector.extract %slice3A_3130[0] : i32 from vector<1xi32>
    %broadcast_in_dim3A_3132 = vector.broadcast %squeeze3A_3129 : i32 to vector<16xi32>
    %broadcast_in_dim3A_3133 = vector.broadcast %squeeze3A_3131 : i32 to vector<16xi32>
    %select_n3A_3134 = arith.select %eq3A_56, %broadcast_in_dim3A_3132, %broadcast_in_dim3A_3133 : vector<16xi1>, vector<16xi32>
    %slice3A_3135 = vector.extract_strided_slice %add3A_3041 {offsets = [13], sizes = [1], strides = [1]} : vector<16xi32> to vector<1xi32>
    %squeeze3A_3136 = vector.extract %slice3A_3135[0] : i32 from vector<1xi32>
    %slice3A_3137 = vector.extract_strided_slice %add3A_3058 {offsets = [13], sizes = [1], strides = [1]} : vector<16xi32> to vector<1xi32>
    %squeeze3A_3138 = vector.extract %slice3A_3137[0] : i32 from vector<1xi32>
    %broadcast_in_dim3A_3139 = vector.broadcast %squeeze3A_3136 : i32 to vector<16xi32>
    %broadcast_in_dim3A_3140 = vector.broadcast %squeeze3A_3138 : i32 to vector<16xi32>
    %select_n3A_3141 = arith.select %eq3A_56, %broadcast_in_dim3A_3139, %broadcast_in_dim3A_3140 : vector<16xi1>, vector<16xi32>
    %select_n3A_3142 = arith.select %eq3A_62, %select_n3A_3134, %select_n3A_3141 : vector<16xi1>, vector<16xi32>
    %mul3A_3143 = arith.constant 8 : i32
    %mul3A_3144 = vector.broadcast %mul3A_3143 : i32 to vector<16xi32>
    %mul3A_3145 = arith.muli %shift_right_arithmetic3A_70, %mul3A_3144 : vector<16xi32>
    %add3A_3146 = arith.addi %select_n3A_3142, %mul3A_3145 : vector<16xi32>
    %swap3A_3147 = arith.constant 48 : index
    %swap3A_3148 = tpu.vector_load %arg19[%swap3A_3147] {strides = array<i32>} : memref<128xi32, #tpu.memory_space<vmem>>, vector<16xi32>,
    %swap3A_3149 = vector.shape_cast %swap3A_3148 : vector<16xi32> to vector<16xi32>
    %swap3A_3150 = vector.shape_cast %add3A_3146 : vector<16xi32> to vector<16xi32>
    tpu.vector_store %arg19[%swap3A_3147], %swap3A_3150 {strides = array<i32>} : memref<128xi32, #tpu.memory_space<vmem>>, vector<16xi32>,
    %slice3A_3151 = vector.extract_strided_slice %add3A_3007 {offsets = [14], sizes = [1], strides = [1]} : vector<16xi32> to vector<1xi32>
    %squeeze3A_3152 = vector.extract %slice3A_3151[0] : i32 from vector<1xi32>
    %slice3A_3153 = vector.extract_strided_slice %add3A_3024 {offsets = [14], sizes = [1], strides = [1]} : vector<16xi32> to vector<1xi32>
    %squeeze3A_3154 = vector.extract %slice3A_3153[0] : i32 from vector<1xi32>
    %broadcast_in_dim3A_3155 = vector.broadcast %squeeze3A_3152 : i32 to vector<16xi32>
    %broadcast_in_dim3A_3156 = vector.broadcast %squeeze3A_3154 : i32 to vector<16xi32>
    %select_n3A_3157 = arith.select %eq3A_56, %broadcast_in_dim3A_3155, %broadcast_in_dim3A_3156 : vector<16xi1>, vector<16xi32>
    %slice3A_3158 = vector.extract_strided_slice %add3A_3041 {offsets = [14], sizes = [1], strides = [1]} : vector<16xi32> to vector<1xi32>
    %squeeze3A_3159 = vector.extract %slice3A_3158[0] : i32 from vector<1xi32>
    %slice3A_3160 = vector.extract_strided_slice %add3A_3058 {offsets = [14], sizes = [1], strides = [1]} : vector<16xi32> to vector<1xi32>
    %squeeze3A_3161 = vector.extract %slice3A_3160[0] : i32 from vector<1xi32>
    %broadcast_in_dim3A_3162 = vector.broadcast %squeeze3A_3159 : i32 to vector<16xi32>
    %broadcast_in_dim3A_3163 = vector.broadcast %squeeze3A_3161 : i32 to vector<16xi32>
    %select_n3A_3164 = arith.select %eq3A_56, %broadcast_in_dim3A_3162, %broadcast_in_dim3A_3163 : vector<16xi1>, vector<16xi32>
    %select_n3A_3165 = arith.select %eq3A_62, %select_n3A_3157, %select_n3A_3164 : vector<16xi1>, vector<16xi32>
    %mul3A_3166 = arith.constant 8 : i32
    %mul3A_3167 = vector.broadcast %mul3A_3166 : i32 to vector<16xi32>
    %mul3A_3168 = arith.muli %shift_right_arithmetic3A_64, %mul3A_3167 : vector<16xi32>
    %add3A_3169 = arith.addi %select_n3A_3165, %mul3A_3168 : vector<16xi32>
    %swap3A_3170 = arith.constant 64 : index
    %swap3A_3171 = tpu.vector_load %arg19[%swap3A_3170] {strides = array<i32>} : memref<128xi32, #tpu.memory_space<vmem>>, vector<16xi32>,
    %swap3A_3172 = vector.shape_cast %swap3A_3171 : vector<16xi32> to vector<16xi32>
    %swap3A_3173 = vector.shape_cast %add3A_3169 : vector<16xi32> to vector<16xi32>
    tpu.vector_store %arg19[%swap3A_3170], %swap3A_3173 {strides = array<i32>} : memref<128xi32, #tpu.memory_space<vmem>>, vector<16xi32>,
    %slice3A_3174 = vector.extract_strided_slice %add3A_3007 {offsets = [14], sizes = [1], strides = [1]} : vector<16xi32> to vector<1xi32>
    %squeeze3A_3175 = vector.extract %slice3A_3174[0] : i32 from vector<1xi32>
    %slice3A_3176 = vector.extract_strided_slice %add3A_3024 {offsets = [14], sizes = [1], strides = [1]} : vector<16xi32> to vector<1xi32>
    %squeeze3A_3177 = vector.extract %slice3A_3176[0] : i32 from vector<1xi32>
    %broadcast_in_dim3A_3178 = vector.broadcast %squeeze3A_3175 : i32 to vector<16xi32>
    %broadcast_in_dim3A_3179 = vector.broadcast %squeeze3A_3177 : i32 to vector<16xi32>
    %select_n3A_3180 = arith.select %eq3A_56, %broadcast_in_dim3A_3178, %broadcast_in_dim3A_3179 : vector<16xi1>, vector<16xi32>
    %slice3A_3181 = vector.extract_strided_slice %add3A_3041 {offsets = [14], sizes = [1], strides = [1]} : vector<16xi32> to vector<1xi32>
    %squeeze3A_3182 = vector.extract %slice3A_3181[0] : i32 from vector<1xi32>
    %slice3A_3183 = vector.extract_strided_slice %add3A_3058 {offsets = [14], sizes = [1], strides = [1]} : vector<16xi32> to vector<1xi32>
    %squeeze3A_3184 = vector.extract %slice3A_3183[0] : i32 from vector<1xi32>
    %broadcast_in_dim3A_3185 = vector.broadcast %squeeze3A_3182 : i32 to vector<16xi32>
    %broadcast_in_dim3A_3186 = vector.broadcast %squeeze3A_3184 : i32 to vector<16xi32>
    %select_n3A_3187 = arith.select %eq3A_56, %broadcast_in_dim3A_3185, %broadcast_in_dim3A_3186 : vector<16xi1>, vector<16xi32>
    %select_n3A_3188 = arith.select %eq3A_62, %select_n3A_3180, %select_n3A_3187 : vector<16xi1>, vector<16xi32>
    %mul3A_3189 = arith.constant 8 : i32
    %mul3A_3190 = vector.broadcast %mul3A_3189 : i32 to vector<16xi32>
    %mul3A_3191 = arith.muli %shift_right_arithmetic3A_70, %mul3A_3190 : vector<16xi32>
    %add3A_3192 = arith.addi %select_n3A_3188, %mul3A_3191 : vector<16xi32>
    %swap3A_3193 = arith.constant 80 : index
    %swap3A_3194 = tpu.vector_load %arg19[%swap3A_3193] {strides = array<i32>} : memref<128xi32, #tpu.memory_space<vmem>>, vector<16xi32>,
    %swap3A_3195 = vector.shape_cast %swap3A_3194 : vector<16xi32> to vector<16xi32>
    %swap3A_3196 = vector.shape_cast %add3A_3192 : vector<16xi32> to vector<16xi32>
    tpu.vector_store %arg19[%swap3A_3193], %swap3A_3196 {strides = array<i32>} : memref<128xi32, #tpu.memory_space<vmem>>, vector<16xi32>,
    %slice3A_3197 = vector.extract_strided_slice %add3A_3007 {offsets = [15], sizes = [1], strides = [1]} : vector<16xi32> to vector<1xi32>
    %squeeze3A_3198 = vector.extract %slice3A_3197[0] : i32 from vector<1xi32>
    %slice3A_3199 = vector.extract_strided_slice %add3A_3024 {offsets = [15], sizes = [1], strides = [1]} : vector<16xi32> to vector<1xi32>
    %squeeze3A_3200 = vector.extract %slice3A_3199[0] : i32 from vector<1xi32>
    %broadcast_in_dim3A_3201 = vector.broadcast %squeeze3A_3198 : i32 to vector<16xi32>
    %broadcast_in_dim3A_3202 = vector.broadcast %squeeze3A_3200 : i32 to vector<16xi32>
    %select_n3A_3203 = arith.select %eq3A_56, %broadcast_in_dim3A_3201, %broadcast_in_dim3A_3202 : vector<16xi1>, vector<16xi32>
    %slice3A_3204 = vector.extract_strided_slice %add3A_3041 {offsets = [15], sizes = [1], strides = [1]} : vector<16xi32> to vector<1xi32>
    %squeeze3A_3205 = vector.extract %slice3A_3204[0] : i32 from vector<1xi32>
    %slice3A_3206 = vector.extract_strided_slice %add3A_3058 {offsets = [15], sizes = [1], strides = [1]} : vector<16xi32> to vector<1xi32>
    %squeeze3A_3207 = vector.extract %slice3A_3206[0] : i32 from vector<1xi32>
    %broadcast_in_dim3A_3208 = vector.broadcast %squeeze3A_3205 : i32 to vector<16xi32>
    %broadcast_in_dim3A_3209 = vector.broadcast %squeeze3A_3207 : i32 to vector<16xi32>
    %select_n3A_3210 = arith.select %eq3A_56, %broadcast_in_dim3A_3208, %broadcast_in_dim3A_3209 : vector<16xi1>, vector<16xi32>
    %select_n3A_3211 = arith.select %eq3A_62, %select_n3A_3203, %select_n3A_3210 : vector<16xi1>, vector<16xi32>
    %mul3A_3212 = arith.constant 8 : i32
    %mul3A_3213 = vector.broadcast %mul3A_3212 : i32 to vector<16xi32>
    %mul3A_3214 = arith.muli %shift_right_arithmetic3A_64, %mul3A_3213 : vector<16xi32>
    %add3A_3215 = arith.addi %select_n3A_3211, %mul3A_3214 : vector<16xi32>
    %swap3A_3216 = arith.constant 96 : index
    %swap3A_3217 = tpu.vector_load %arg19[%swap3A_3216] {strides = array<i32>} : memref<128xi32, #tpu.memory_space<vmem>>, vector<16xi32>,
    %swap3A_3218 = vector.shape_cast %swap3A_3217 : vector<16xi32> to vector<16xi32>
    %swap3A_3219 = vector.shape_cast %add3A_3215 : vector<16xi32> to vector<16xi32>
    tpu.vector_store %arg19[%swap3A_3216], %swap3A_3219 {strides = array<i32>} : memref<128xi32, #tpu.memory_space<vmem>>, vector<16xi32>,
    %slice3A_3220 = vector.extract_strided_slice %add3A_3007 {offsets = [15], sizes = [1], strides = [1]} : vector<16xi32> to vector<1xi32>
    %squeeze3A_3221 = vector.extract %slice3A_3220[0] : i32 from vector<1xi32>
    %slice3A_3222 = vector.extract_strided_slice %add3A_3024 {offsets = [15], sizes = [1], strides = [1]} : vector<16xi32> to vector<1xi32>
    %squeeze3A_3223 = vector.extract %slice3A_3222[0] : i32 from vector<1xi32>
    %broadcast_in_dim3A_3224 = vector.broadcast %squeeze3A_3221 : i32 to vector<16xi32>
    %broadcast_in_dim3A_3225 = vector.broadcast %squeeze3A_3223 : i32 to vector<16xi32>
    %select_n3A_3226 = arith.select %eq3A_56, %broadcast_in_dim3A_3224, %broadcast_in_dim3A_3225 : vector<16xi1>, vector<16xi32>
    %slice3A_3227 = vector.extract_strided_slice %add3A_3041 {offsets = [15], sizes = [1], strides = [1]} : vector<16xi32> to vector<1xi32>
    %squeeze3A_3228 = vector.extract %slice3A_3227[0] : i32 from vector<1xi32>
    %slice3A_3229 = vector.extract_strided_slice %add3A_3058 {offsets = [15], sizes = [1], strides = [1]} : vector<16xi32> to vector<1xi32>
    %squeeze3A_3230 = vector.extract %slice3A_3229[0] : i32 from vector<1xi32>
    %broadcast_in_dim3A_3231 = vector.broadcast %squeeze3A_3228 : i32 to vector<16xi32>
    %broadcast_in_dim3A_3232 = vector.broadcast %squeeze3A_3230 : i32 to vector<16xi32>
    %select_n3A_3233 = arith.select %eq3A_56, %broadcast_in_dim3A_3231, %broadcast_in_dim3A_3232 : vector<16xi1>, vector<16xi32>
    %select_n3A_3234 = arith.select %eq3A_62, %select_n3A_3226, %select_n3A_3233 : vector<16xi1>, vector<16xi32>
    %mul3A_3235 = arith.constant 8 : i32
    %mul3A_3236 = vector.broadcast %mul3A_3235 : i32 to vector<16xi32>
    %mul3A_3237 = arith.muli %shift_right_arithmetic3A_70, %mul3A_3236 : vector<16xi32>
    %add3A_3238 = arith.addi %select_n3A_3234, %mul3A_3237 : vector<16xi32>
    %swap3A_3239 = arith.constant 112 : index
    %swap3A_3240 = tpu.vector_load %arg19[%swap3A_3239] {strides = array<i32>} : memref<128xi32, #tpu.memory_space<vmem>>, vector<16xi32>,
    %swap3A_3241 = vector.shape_cast %swap3A_3240 : vector<16xi32> to vector<16xi32>
    %swap3A_3242 = vector.shape_cast %add3A_3238 : vector<16xi32> to vector<16xi32>
    tpu.vector_store %arg19[%swap3A_3239], %swap3A_3242 {strides = array<i32>} : memref<128xi32, #tpu.memory_space<vmem>>, vector<16xi32>,
    %add3A_3243 = arith.constant 20 : i32
    %add3A_3244 = arith.addi %add3A_50, %add3A_3243 : i32
    %mul3A_3245 = arith.constant 32 : i32
    %mul3A_3246 = arith.muli %add3A_3244, %mul3A_3245 : i32
    %multiple_of3A_3247 = tpu.assume_multiple %mul3A_3246, 32 : i32
    %dma_wait3A_3248 = arith.constant 0 : i32
    %dma_wait3A_3249 = tpu.memref_slice %arg5[%multiple_of3A_3247, %dma_wait3A_3248] : memref<68736x128xf32, #tpu.memory_space<hbm>> -> memref<128x128xf32, #tpu.memory_space<hbm>>
    %dma_wait3A_3250 = arith.constant 0 : i32
    %dma_wait3A_3251 = tpu.memref_slice %arg5[%multiple_of3A_3247, %dma_wait3A_3250] : memref<68736x128xf32, #tpu.memory_space<hbm>> -> memref<128x128xf32, #tpu.memory_space<hbm>>
    tpu.wait_dma2 semaphore(%arg32 : memref<!tpu.dma_semaphore, #tpu.memory_space<semaphore_mem>>) src(%arg12 : memref<128x128xf32, #tpu.memory_space<vmem>>) dst(%dma_wait3A_3251 : memref<128x128xf32, #tpu.memory_space<hbm>>)
    %dma_start3A_3252 = arith.constant 0 : i32
    %dma_start3A_3253 = arith.constant 0 : i32
    %dma_start3A_3254 = tpu.memref_slice %arg3[%dma_start3A_3252, %dma_start3A_3253] : memref<800000x128xf32, #tpu.memory_space<hbm>> -> memref<800000x128xf32, #tpu.memory_space<hbm>>
    tpu.enqueue_indirect_dma source(%dma_start3A_3254 : memref<800000x128xf32, #tpu.memory_space<hbm>>) target(%arg12 : memref<128x128xf32, #tpu.memory_space<vmem>>) offsets(%arg19 : memref<128xi32, #tpu.memory_space<vmem>>) semaphore(%arg26 : memref<!tpu.dma_semaphore, #tpu.memory_space<semaphore_mem>>)
    %dma_wait3A_3255 = arith.constant 0 : i32
    %dma_wait3A_3256 = arith.constant 0 : i32
    %dma_wait3A_3257 = tpu.memref_slice %arg3[%dma_wait3A_3255, %dma_wait3A_3256] : memref<800000x128xf32, #tpu.memory_space<hbm>> -> memref<800000x128xf32, #tpu.memory_space<hbm>>
    tpu.wait_indirect_dma semaphore(%arg21 : memref<!tpu.dma_semaphore, #tpu.memory_space<semaphore_mem>>) src(%dma_wait3A_3257 : memref<800000x128xf32, #tpu.memory_space<hbm>>) dst(%arg7 : memref<128x128xf32, #tpu.memory_space<vmem>>)
    %add3A_3258 = arith.constant 24 : i32
    %add3A_3259 = arith.addi %add3A_50, %add3A_3258 : i32
    %mul3A_3260 = arith.constant 32 : i32
    %mul3A_3261 = arith.muli %add3A_3259, %mul3A_3260 : i32
    %multiple_of3A_3262 = tpu.assume_multiple %mul3A_3261, 32 : i32
    %dma_start3A_3263 = arith.constant 0 : i32
    %dma_start3A_3264 = tpu.memref_slice %arg5[%multiple_of3A_3262, %dma_start3A_3263] : memref<68736x128xf32, #tpu.memory_space<hbm>> -> memref<128x128xf32, #tpu.memory_space<hbm>>
    %dma_start3A_3265 = arith.constant 0 : i32
    %dma_start3A_3266 = tpu.memref_slice %arg5[%multiple_of3A_3262, %dma_start3A_3265] : memref<68736x128xf32, #tpu.memory_space<hbm>> -> memref<128x128xf32, #tpu.memory_space<hbm>>
    tpu.enqueue_dma source(%arg7 : memref<128x128xf32, #tpu.memory_space<vmem>>) target(%dma_start3A_3266 : memref<128x128xf32, #tpu.memory_space<hbm>>) target_semaphore(%arg27 : memref<!tpu.dma_semaphore, #tpu.memory_space<semaphore_mem>>)
    %add3A_3267 = arith.constant 48 : i32
    %add3A_3268 = arith.addi %mul3A_46, %add3A_3267 : i32
    %get3A_3269 = arith.constant 0 : i32
    %get3A_3270 = arith.index_cast %get3A_3269 : i32 to index
    %get3A_3271 = arith.index_cast %add3A_3268 : i32 to index
    %get3A_3272 = tpu.vector_load %arg6[%get3A_3270, %get3A_3271] {strides = array<i32>} : memref<16x128xi32, #tpu.memory_space<vmem>>, vector<1x16xi32>,
    %get3A_3273 = vector.shape_cast %get3A_3272 : vector<1x16xi32> to vector<16xi32>
    %shift_right_arithmetic3A_3274 = arith.constant 3 : i32
    %shift_right_arithmetic3A_3275 = vector.broadcast %shift_right_arithmetic3A_3274 : i32 to vector<16xi32>
    %shift_right_arithmetic3A_3276 = arith.shrsi %get3A_3273, %shift_right_arithmetic3A_3275 : vector<16xi32>
    %shift_left3A_3277 = arith.constant 6 : i32
    %shift_left3A_3278 = vector.broadcast %shift_left3A_3277 : i32 to vector<16xi32>
    %shift_left3A_3279 = arith.shli %shift_right_arithmetic3A_3276, %shift_left3A_3278 : vector<16xi32>
    %and3A_3280 = arith.constant 7 : i32
    %and3A_3281 = vector.broadcast %and3A_3280 : i32 to vector<16xi32>
    %and3A_3282 = arith.andi %get3A_3273, %and3A_3281 : vector<16xi32>
    %add3A_3283 = arith.addi %shift_left3A_3279, %and3A_3282 : vector<16xi32>
    %add3A_3284 = arith.constant 48 : i32
    %add3A_3285 = arith.addi %mul3A_46, %add3A_3284 : i32
    %get3A_3286 = arith.constant 1 : i32
    %get3A_3287 = arith.index_cast %get3A_3286 : i32 to index
    %get3A_3288 = arith.index_cast %add3A_3285 : i32 to index
    %get3A_3289 = tpu.vector_load %arg6[%get3A_3287, %get3A_3288] {strides = array<i32>} : memref<16x128xi32, #tpu.memory_space<vmem>>, vector<1x16xi32>,
    %get3A_3290 = vector.shape_cast %get3A_3289 : vector<1x16xi32> to vector<16xi32>
    %shift_right_arithmetic3A_3291 = arith.constant 3 : i32
    %shift_right_arithmetic3A_3292 = vector.broadcast %shift_right_arithmetic3A_3291 : i32 to vector<16xi32>
    %shift_right_arithmetic3A_3293 = arith.shrsi %get3A_3290, %shift_right_arithmetic3A_3292 : vector<16xi32>
    %shift_left3A_3294 = arith.constant 6 : i32
    %shift_left3A_3295 = vector.broadcast %shift_left3A_3294 : i32 to vector<16xi32>
    %shift_left3A_3296 = arith.shli %shift_right_arithmetic3A_3293, %shift_left3A_3295 : vector<16xi32>
    %and3A_3297 = arith.constant 7 : i32
    %and3A_3298 = vector.broadcast %and3A_3297 : i32 to vector<16xi32>
    %and3A_3299 = arith.andi %get3A_3290, %and3A_3298 : vector<16xi32>
    %add3A_3300 = arith.addi %shift_left3A_3296, %and3A_3299 : vector<16xi32>
    %add3A_3301 = arith.constant 48 : i32
    %add3A_3302 = arith.addi %mul3A_46, %add3A_3301 : i32
    %get3A_3303 = arith.constant 2 : i32
    %get3A_3304 = arith.index_cast %get3A_3303 : i32 to index
    %get3A_3305 = arith.index_cast %add3A_3302 : i32 to index
    %get3A_3306 = tpu.vector_load %arg6[%get3A_3304, %get3A_3305] {strides = array<i32>} : memref<16x128xi32, #tpu.memory_space<vmem>>, vector<1x16xi32>,
    %get3A_3307 = vector.shape_cast %get3A_3306 : vector<1x16xi32> to vector<16xi32>
    %shift_right_arithmetic3A_3308 = arith.constant 3 : i32
    %shift_right_arithmetic3A_3309 = vector.broadcast %shift_right_arithmetic3A_3308 : i32 to vector<16xi32>
    %shift_right_arithmetic3A_3310 = arith.shrsi %get3A_3307, %shift_right_arithmetic3A_3309 : vector<16xi32>
    %shift_left3A_3311 = arith.constant 6 : i32
    %shift_left3A_3312 = vector.broadcast %shift_left3A_3311 : i32 to vector<16xi32>
    %shift_left3A_3313 = arith.shli %shift_right_arithmetic3A_3310, %shift_left3A_3312 : vector<16xi32>
    %and3A_3314 = arith.constant 7 : i32
    %and3A_3315 = vector.broadcast %and3A_3314 : i32 to vector<16xi32>
    %and3A_3316 = arith.andi %get3A_3307, %and3A_3315 : vector<16xi32>
    %add3A_3317 = arith.addi %shift_left3A_3313, %and3A_3316 : vector<16xi32>
    %add3A_3318 = arith.constant 48 : i32
    %add3A_3319 = arith.addi %mul3A_46, %add3A_3318 : i32
    %get3A_3320 = arith.constant 3 : i32
    %get3A_3321 = arith.index_cast %get3A_3320 : i32 to index
    %get3A_3322 = arith.index_cast %add3A_3319 : i32 to index
    %get3A_3323 = tpu.vector_load %arg6[%get3A_3321, %get3A_3322] {strides = array<i32>} : memref<16x128xi32, #tpu.memory_space<vmem>>, vector<1x16xi32>,
    %get3A_3324 = vector.shape_cast %get3A_3323 : vector<1x16xi32> to vector<16xi32>
    %shift_right_arithmetic3A_3325 = arith.constant 3 : i32
    %shift_right_arithmetic3A_3326 = vector.broadcast %shift_right_arithmetic3A_3325 : i32 to vector<16xi32>
    %shift_right_arithmetic3A_3327 = arith.shrsi %get3A_3324, %shift_right_arithmetic3A_3326 : vector<16xi32>
    %shift_left3A_3328 = arith.constant 6 : i32
    %shift_left3A_3329 = vector.broadcast %shift_left3A_3328 : i32 to vector<16xi32>
    %shift_left3A_3330 = arith.shli %shift_right_arithmetic3A_3327, %shift_left3A_3329 : vector<16xi32>
    %and3A_3331 = arith.constant 7 : i32
    %and3A_3332 = vector.broadcast %and3A_3331 : i32 to vector<16xi32>
    %and3A_3333 = arith.andi %get3A_3324, %and3A_3332 : vector<16xi32>
    %add3A_3334 = arith.addi %shift_left3A_3330, %and3A_3333 : vector<16xi32>
    %slice3A_3335 = vector.extract_strided_slice %add3A_3283 {offsets = [0], sizes = [1], strides = [1]} : vector<16xi32> to vector<1xi32>
    %squeeze3A_3336 = vector.extract %slice3A_3335[0] : i32 from vector<1xi32>
    %slice3A_3337 = vector.extract_strided_slice %add3A_3300 {offsets = [0], sizes = [1], strides = [1]} : vector<16xi32> to vector<1xi32>
    %squeeze3A_3338 = vector.extract %slice3A_3337[0] : i32 from vector<1xi32>
    %broadcast_in_dim3A_3339 = vector.broadcast %squeeze3A_3336 : i32 to vector<16xi32>
    %broadcast_in_dim3A_3340 = vector.broadcast %squeeze3A_3338 : i32 to vector<16xi32>
    %select_n3A_3341 = arith.select %eq3A_56, %broadcast_in_dim3A_3339, %broadcast_in_dim3A_3340 : vector<16xi1>, vector<16xi32>
    %slice3A_3342 = vector.extract_strided_slice %add3A_3317 {offsets = [0], sizes = [1], strides = [1]} : vector<16xi32> to vector<1xi32>
    %squeeze3A_3343 = vector.extract %slice3A_3342[0] : i32 from vector<1xi32>
    %slice3A_3344 = vector.extract_strided_slice %add3A_3334 {offsets = [0], sizes = [1], strides = [1]} : vector<16xi32> to vector<1xi32>
    %squeeze3A_3345 = vector.extract %slice3A_3344[0] : i32 from vector<1xi32>
    %broadcast_in_dim3A_3346 = vector.broadcast %squeeze3A_3343 : i32 to vector<16xi32>
    %broadcast_in_dim3A_3347 = vector.broadcast %squeeze3A_3345 : i32 to vector<16xi32>
    %select_n3A_3348 = arith.select %eq3A_56, %broadcast_in_dim3A_3346, %broadcast_in_dim3A_3347 : vector<16xi1>, vector<16xi32>
    %select_n3A_3349 = arith.select %eq3A_62, %select_n3A_3341, %select_n3A_3348 : vector<16xi1>, vector<16xi32>
    %mul3A_3350 = arith.constant 8 : i32
    %mul3A_3351 = vector.broadcast %mul3A_3350 : i32 to vector<16xi32>
    %mul3A_3352 = arith.muli %shift_right_arithmetic3A_64, %mul3A_3351 : vector<16xi32>
    %add3A_3353 = arith.addi %select_n3A_3349, %mul3A_3352 : vector<16xi32>
    %swap3A_3354 = arith.constant 0 : index
    %swap3A_3355 = tpu.vector_load %arg14[%swap3A_3354] {strides = array<i32>} : memref<128xi32, #tpu.memory_space<vmem>>, vector<16xi32>,
    %swap3A_3356 = vector.shape_cast %swap3A_3355 : vector<16xi32> to vector<16xi32>
    %swap3A_3357 = vector.shape_cast %add3A_3353 : vector<16xi32> to vector<16xi32>
    tpu.vector_store %arg14[%swap3A_3354], %swap3A_3357 {strides = array<i32>} : memref<128xi32, #tpu.memory_space<vmem>>, vector<16xi32>,
    %slice3A_3358 = vector.extract_strided_slice %add3A_3283 {offsets = [0], sizes = [1], strides = [1]} : vector<16xi32> to vector<1xi32>
    %squeeze3A_3359 = vector.extract %slice3A_3358[0] : i32 from vector<1xi32>
    %slice3A_3360 = vector.extract_strided_slice %add3A_3300 {offsets = [0], sizes = [1], strides = [1]} : vector<16xi32> to vector<1xi32>
    %squeeze3A_3361 = vector.extract %slice3A_3360[0] : i32 from vector<1xi32>
    %broadcast_in_dim3A_3362 = vector.broadcast %squeeze3A_3359 : i32 to vector<16xi32>
    %broadcast_in_dim3A_3363 = vector.broadcast %squeeze3A_3361 : i32 to vector<16xi32>
    %select_n3A_3364 = arith.select %eq3A_56, %broadcast_in_dim3A_3362, %broadcast_in_dim3A_3363 : vector<16xi1>, vector<16xi32>
    %slice3A_3365 = vector.extract_strided_slice %add3A_3317 {offsets = [0], sizes = [1], strides = [1]} : vector<16xi32> to vector<1xi32>
    %squeeze3A_3366 = vector.extract %slice3A_3365[0] : i32 from vector<1xi32>
    %slice3A_3367 = vector.extract_strided_slice %add3A_3334 {offsets = [0], sizes = [1], strides = [1]} : vector<16xi32> to vector<1xi32>
    %squeeze3A_3368 = vector.extract %slice3A_3367[0] : i32 from vector<1xi32>
    %broadcast_in_dim3A_3369 = vector.broadcast %squeeze3A_3366 : i32 to vector<16xi32>
    %broadcast_in_dim3A_3370 = vector.broadcast %squeeze3A_3368 : i32 to vector<16xi32>
    %select_n3A_3371 = arith.select %eq3A_56, %broadcast_in_dim3A_3369, %broadcast_in_dim3A_3370 : vector<16xi1>, vector<16xi32>
    %select_n3A_3372 = arith.select %eq3A_62, %select_n3A_3364, %select_n3A_3371 : vector<16xi1>, vector<16xi32>
    %mul3A_3373 = arith.constant 8 : i32
    %mul3A_3374 = vector.broadcast %mul3A_3373 : i32 to vector<16xi32>
    %mul3A_3375 = arith.muli %shift_right_arithmetic3A_70, %mul3A_3374 : vector<16xi32>
    %add3A_3376 = arith.addi %select_n3A_3372, %mul3A_3375 : vector<16xi32>
    %swap3A_3377 = arith.constant 16 : index
    %swap3A_3378 = tpu.vector_load %arg14[%swap3A_3377] {strides = array<i32>} : memref<128xi32, #tpu.memory_space<vmem>>, vector<16xi32>,
    %swap3A_3379 = vector.shape_cast %swap3A_3378 : vector<16xi32> to vector<16xi32>
    %swap3A_3380 = vector.shape_cast %add3A_3376 : vector<16xi32> to vector<16xi32>
    tpu.vector_store %arg14[%swap3A_3377], %swap3A_3380 {strides = array<i32>} : memref<128xi32, #tpu.memory_space<vmem>>, vector<16xi32>,
    %slice3A_3381 = vector.extract_strided_slice %add3A_3283 {offsets = [1], sizes = [1], strides = [1]} : vector<16xi32> to vector<1xi32>
    %squeeze3A_3382 = vector.extract %slice3A_3381[0] : i32 from vector<1xi32>
    %slice3A_3383 = vector.extract_strided_slice %add3A_3300 {offsets = [1], sizes = [1], strides = [1]} : vector<16xi32> to vector<1xi32>
    %squeeze3A_3384 = vector.extract %slice3A_3383[0] : i32 from vector<1xi32>
    %broadcast_in_dim3A_3385 = vector.broadcast %squeeze3A_3382 : i32 to vector<16xi32>
    %broadcast_in_dim3A_3386 = vector.broadcast %squeeze3A_3384 : i32 to vector<16xi32>
    %select_n3A_3387 = arith.select %eq3A_56, %broadcast_in_dim3A_3385, %broadcast_in_dim3A_3386 : vector<16xi1>, vector<16xi32>
    %slice3A_3388 = vector.extract_strided_slice %add3A_3317 {offsets = [1], sizes = [1], strides = [1]} : vector<16xi32> to vector<1xi32>
    %squeeze3A_3389 = vector.extract %slice3A_3388[0] : i32 from vector<1xi32>
    %slice3A_3390 = vector.extract_strided_slice %add3A_3334 {offsets = [1], sizes = [1], strides = [1]} : vector<16xi32> to vector<1xi32>
    %squeeze3A_3391 = vector.extract %slice3A_3390[0] : i32 from vector<1xi32>
    %broadcast_in_dim3A_3392 = vector.broadcast %squeeze3A_3389 : i32 to vector<16xi32>
    %broadcast_in_dim3A_3393 = vector.broadcast %squeeze3A_3391 : i32 to vector<16xi32>
    %select_n3A_3394 = arith.select %eq3A_56, %broadcast_in_dim3A_3392, %broadcast_in_dim3A_3393 : vector<16xi1>, vector<16xi32>
    %select_n3A_3395 = arith.select %eq3A_62, %select_n3A_3387, %select_n3A_3394 : vector<16xi1>, vector<16xi32>
    %mul3A_3396 = arith.constant 8 : i32
    %mul3A_3397 = vector.broadcast %mul3A_3396 : i32 to vector<16xi32>
    %mul3A_3398 = arith.muli %shift_right_arithmetic3A_64, %mul3A_3397 : vector<16xi32>
    %add3A_3399 = arith.addi %select_n3A_3395, %mul3A_3398 : vector<16xi32>
    %swap3A_3400 = arith.constant 32 : index
    %swap3A_3401 = tpu.vector_load %arg14[%swap3A_3400] {strides = array<i32>} : memref<128xi32, #tpu.memory_space<vmem>>, vector<16xi32>,
    %swap3A_3402 = vector.shape_cast %swap3A_3401 : vector<16xi32> to vector<16xi32>
    %swap3A_3403 = vector.shape_cast %add3A_3399 : vector<16xi32> to vector<16xi32>
    tpu.vector_store %arg14[%swap3A_3400], %swap3A_3403 {strides = array<i32>} : memref<128xi32, #tpu.memory_space<vmem>>, vector<16xi32>,
    %slice3A_3404 = vector.extract_strided_slice %add3A_3283 {offsets = [1], sizes = [1], strides = [1]} : vector<16xi32> to vector<1xi32>
    %squeeze3A_3405 = vector.extract %slice3A_3404[0] : i32 from vector<1xi32>
    %slice3A_3406 = vector.extract_strided_slice %add3A_3300 {offsets = [1], sizes = [1], strides = [1]} : vector<16xi32> to vector<1xi32>
    %squeeze3A_3407 = vector.extract %slice3A_3406[0] : i32 from vector<1xi32>
    %broadcast_in_dim3A_3408 = vector.broadcast %squeeze3A_3405 : i32 to vector<16xi32>
    %broadcast_in_dim3A_3409 = vector.broadcast %squeeze3A_3407 : i32 to vector<16xi32>
    %select_n3A_3410 = arith.select %eq3A_56, %broadcast_in_dim3A_3408, %broadcast_in_dim3A_3409 : vector<16xi1>, vector<16xi32>
    %slice3A_3411 = vector.extract_strided_slice %add3A_3317 {offsets = [1], sizes = [1], strides = [1]} : vector<16xi32> to vector<1xi32>
    %squeeze3A_3412 = vector.extract %slice3A_3411[0] : i32 from vector<1xi32>
    %slice3A_3413 = vector.extract_strided_slice %add3A_3334 {offsets = [1], sizes = [1], strides = [1]} : vector<16xi32> to vector<1xi32>
    %squeeze3A_3414 = vector.extract %slice3A_3413[0] : i32 from vector<1xi32>
    %broadcast_in_dim3A_3415 = vector.broadcast %squeeze3A_3412 : i32 to vector<16xi32>
    %broadcast_in_dim3A_3416 = vector.broadcast %squeeze3A_3414 : i32 to vector<16xi32>
    %select_n3A_3417 = arith.select %eq3A_56, %broadcast_in_dim3A_3415, %broadcast_in_dim3A_3416 : vector<16xi1>, vector<16xi32>
    %select_n3A_3418 = arith.select %eq3A_62, %select_n3A_3410, %select_n3A_3417 : vector<16xi1>, vector<16xi32>
    %mul3A_3419 = arith.constant 8 : i32
    %mul3A_3420 = vector.broadcast %mul3A_3419 : i32 to vector<16xi32>
    %mul3A_3421 = arith.muli %shift_right_arithmetic3A_70, %mul3A_3420 : vector<16xi32>
    %add3A_3422 = arith.addi %select_n3A_3418, %mul3A_3421 : vector<16xi32>
    %swap3A_3423 = arith.constant 48 : index
    %swap3A_3424 = tpu.vector_load %arg14[%swap3A_3423] {strides = array<i32>} : memref<128xi32, #tpu.memory_space<vmem>>, vector<16xi32>,
    %swap3A_3425 = vector.shape_cast %swap3A_3424 : vector<16xi32> to vector<16xi32>
    %swap3A_3426 = vector.shape_cast %add3A_3422 : vector<16xi32> to vector<16xi32>
    tpu.vector_store %arg14[%swap3A_3423], %swap3A_3426 {strides = array<i32>} : memref<128xi32, #tpu.memory_space<vmem>>, vector<16xi32>,
    %slice3A_3427 = vector.extract_strided_slice %add3A_3283 {offsets = [2], sizes = [1], strides = [1]} : vector<16xi32> to vector<1xi32>
    %squeeze3A_3428 = vector.extract %slice3A_3427[0] : i32 from vector<1xi32>
    %slice3A_3429 = vector.extract_strided_slice %add3A_3300 {offsets = [2], sizes = [1], strides = [1]} : vector<16xi32> to vector<1xi32>
    %squeeze3A_3430 = vector.extract %slice3A_3429[0] : i32 from vector<1xi32>
    %broadcast_in_dim3A_3431 = vector.broadcast %squeeze3A_3428 : i32 to vector<16xi32>
    %broadcast_in_dim3A_3432 = vector.broadcast %squeeze3A_3430 : i32 to vector<16xi32>
    %select_n3A_3433 = arith.select %eq3A_56, %broadcast_in_dim3A_3431, %broadcast_in_dim3A_3432 : vector<16xi1>, vector<16xi32>
    %slice3A_3434 = vector.extract_strided_slice %add3A_3317 {offsets = [2], sizes = [1], strides = [1]} : vector<16xi32> to vector<1xi32>
    %squeeze3A_3435 = vector.extract %slice3A_3434[0] : i32 from vector<1xi32>
    %slice3A_3436 = vector.extract_strided_slice %add3A_3334 {offsets = [2], sizes = [1], strides = [1]} : vector<16xi32> to vector<1xi32>
    %squeeze3A_3437 = vector.extract %slice3A_3436[0] : i32 from vector<1xi32>
    %broadcast_in_dim3A_3438 = vector.broadcast %squeeze3A_3435 : i32 to vector<16xi32>
    %broadcast_in_dim3A_3439 = vector.broadcast %squeeze3A_3437 : i32 to vector<16xi32>
    %select_n3A_3440 = arith.select %eq3A_56, %broadcast_in_dim3A_3438, %broadcast_in_dim3A_3439 : vector<16xi1>, vector<16xi32>
    %select_n3A_3441 = arith.select %eq3A_62, %select_n3A_3433, %select_n3A_3440 : vector<16xi1>, vector<16xi32>
    %mul3A_3442 = arith.constant 8 : i32
    %mul3A_3443 = vector.broadcast %mul3A_3442 : i32 to vector<16xi32>
    %mul3A_3444 = arith.muli %shift_right_arithmetic3A_64, %mul3A_3443 : vector<16xi32>
    %add3A_3445 = arith.addi %select_n3A_3441, %mul3A_3444 : vector<16xi32>
    %swap3A_3446 = arith.constant 64 : index
    %swap3A_3447 = tpu.vector_load %arg14[%swap3A_3446] {strides = array<i32>} : memref<128xi32, #tpu.memory_space<vmem>>, vector<16xi32>,
    %swap3A_3448 = vector.shape_cast %swap3A_3447 : vector<16xi32> to vector<16xi32>
    %swap3A_3449 = vector.shape_cast %add3A_3445 : vector<16xi32> to vector<16xi32>
    tpu.vector_store %arg14[%swap3A_3446], %swap3A_3449 {strides = array<i32>} : memref<128xi32, #tpu.memory_space<vmem>>, vector<16xi32>,
    %slice3A_3450 = vector.extract_strided_slice %add3A_3283 {offsets = [2], sizes = [1], strides = [1]} : vector<16xi32> to vector<1xi32>
    %squeeze3A_3451 = vector.extract %slice3A_3450[0] : i32 from vector<1xi32>
    %slice3A_3452 = vector.extract_strided_slice %add3A_3300 {offsets = [2], sizes = [1], strides = [1]} : vector<16xi32> to vector<1xi32>
    %squeeze3A_3453 = vector.extract %slice3A_3452[0] : i32 from vector<1xi32>
    %broadcast_in_dim3A_3454 = vector.broadcast %squeeze3A_3451 : i32 to vector<16xi32>
    %broadcast_in_dim3A_3455 = vector.broadcast %squeeze3A_3453 : i32 to vector<16xi32>
    %select_n3A_3456 = arith.select %eq3A_56, %broadcast_in_dim3A_3454, %broadcast_in_dim3A_3455 : vector<16xi1>, vector<16xi32>
    %slice3A_3457 = vector.extract_strided_slice %add3A_3317 {offsets = [2], sizes = [1], strides = [1]} : vector<16xi32> to vector<1xi32>
    %squeeze3A_3458 = vector.extract %slice3A_3457[0] : i32 from vector<1xi32>
    %slice3A_3459 = vector.extract_strided_slice %add3A_3334 {offsets = [2], sizes = [1], strides = [1]} : vector<16xi32> to vector<1xi32>
    %squeeze3A_3460 = vector.extract %slice3A_3459[0] : i32 from vector<1xi32>
    %broadcast_in_dim3A_3461 = vector.broadcast %squeeze3A_3458 : i32 to vector<16xi32>
    %broadcast_in_dim3A_3462 = vector.broadcast %squeeze3A_3460 : i32 to vector<16xi32>
    %select_n3A_3463 = arith.select %eq3A_56, %broadcast_in_dim3A_3461, %broadcast_in_dim3A_3462 : vector<16xi1>, vector<16xi32>
    %select_n3A_3464 = arith.select %eq3A_62, %select_n3A_3456, %select_n3A_3463 : vector<16xi1>, vector<16xi32>
    %mul3A_3465 = arith.constant 8 : i32
    %mul3A_3466 = vector.broadcast %mul3A_3465 : i32 to vector<16xi32>
    %mul3A_3467 = arith.muli %shift_right_arithmetic3A_70, %mul3A_3466 : vector<16xi32>
    %add3A_3468 = arith.addi %select_n3A_3464, %mul3A_3467 : vector<16xi32>
    %swap3A_3469 = arith.constant 80 : index
    %swap3A_3470 = tpu.vector_load %arg14[%swap3A_3469] {strides = array<i32>} : memref<128xi32, #tpu.memory_space<vmem>>, vector<16xi32>,
    %swap3A_3471 = vector.shape_cast %swap3A_3470 : vector<16xi32> to vector<16xi32>
    %swap3A_3472 = vector.shape_cast %add3A_3468 : vector<16xi32> to vector<16xi32>
    tpu.vector_store %arg14[%swap3A_3469], %swap3A_3472 {strides = array<i32>} : memref<128xi32, #tpu.memory_space<vmem>>, vector<16xi32>,
    %slice3A_3473 = vector.extract_strided_slice %add3A_3283 {offsets = [3], sizes = [1], strides = [1]} : vector<16xi32> to vector<1xi32>
    %squeeze3A_3474 = vector.extract %slice3A_3473[0] : i32 from vector<1xi32>
    %slice3A_3475 = vector.extract_strided_slice %add3A_3300 {offsets = [3], sizes = [1], strides = [1]} : vector<16xi32> to vector<1xi32>
    %squeeze3A_3476 = vector.extract %slice3A_3475[0] : i32 from vector<1xi32>
    %broadcast_in_dim3A_3477 = vector.broadcast %squeeze3A_3474 : i32 to vector<16xi32>
    %broadcast_in_dim3A_3478 = vector.broadcast %squeeze3A_3476 : i32 to vector<16xi32>
    %select_n3A_3479 = arith.select %eq3A_56, %broadcast_in_dim3A_3477, %broadcast_in_dim3A_3478 : vector<16xi1>, vector<16xi32>
    %slice3A_3480 = vector.extract_strided_slice %add3A_3317 {offsets = [3], sizes = [1], strides = [1]} : vector<16xi32> to vector<1xi32>
    %squeeze3A_3481 = vector.extract %slice3A_3480[0] : i32 from vector<1xi32>
    %slice3A_3482 = vector.extract_strided_slice %add3A_3334 {offsets = [3], sizes = [1], strides = [1]} : vector<16xi32> to vector<1xi32>
    %squeeze3A_3483 = vector.extract %slice3A_3482[0] : i32 from vector<1xi32>
    %broadcast_in_dim3A_3484 = vector.broadcast %squeeze3A_3481 : i32 to vector<16xi32>
    %broadcast_in_dim3A_3485 = vector.broadcast %squeeze3A_3483 : i32 to vector<16xi32>
    %select_n3A_3486 = arith.select %eq3A_56, %broadcast_in_dim3A_3484, %broadcast_in_dim3A_3485 : vector<16xi1>, vector<16xi32>
    %select_n3A_3487 = arith.select %eq3A_62, %select_n3A_3479, %select_n3A_3486 : vector<16xi1>, vector<16xi32>
    %mul3A_3488 = arith.constant 8 : i32
    %mul3A_3489 = vector.broadcast %mul3A_3488 : i32 to vector<16xi32>
    %mul3A_3490 = arith.muli %shift_right_arithmetic3A_64, %mul3A_3489 : vector<16xi32>
    %add3A_3491 = arith.addi %select_n3A_3487, %mul3A_3490 : vector<16xi32>
    %swap3A_3492 = arith.constant 96 : index
    %swap3A_3493 = tpu.vector_load %arg14[%swap3A_3492] {strides = array<i32>} : memref<128xi32, #tpu.memory_space<vmem>>, vector<16xi32>,
    %swap3A_3494 = vector.shape_cast %swap3A_3493 : vector<16xi32> to vector<16xi32>
    %swap3A_3495 = vector.shape_cast %add3A_3491 : vector<16xi32> to vector<16xi32>
    tpu.vector_store %arg14[%swap3A_3492], %swap3A_3495 {strides = array<i32>} : memref<128xi32, #tpu.memory_space<vmem>>, vector<16xi32>,
    %slice3A_3496 = vector.extract_strided_slice %add3A_3283 {offsets = [3], sizes = [1], strides = [1]} : vector<16xi32> to vector<1xi32>
    %squeeze3A_3497 = vector.extract %slice3A_3496[0] : i32 from vector<1xi32>
    %slice3A_3498 = vector.extract_strided_slice %add3A_3300 {offsets = [3], sizes = [1], strides = [1]} : vector<16xi32> to vector<1xi32>
    %squeeze3A_3499 = vector.extract %slice3A_3498[0] : i32 from vector<1xi32>
    %broadcast_in_dim3A_3500 = vector.broadcast %squeeze3A_3497 : i32 to vector<16xi32>
    %broadcast_in_dim3A_3501 = vector.broadcast %squeeze3A_3499 : i32 to vector<16xi32>
    %select_n3A_3502 = arith.select %eq3A_56, %broadcast_in_dim3A_3500, %broadcast_in_dim3A_3501 : vector<16xi1>, vector<16xi32>
    %slice3A_3503 = vector.extract_strided_slice %add3A_3317 {offsets = [3], sizes = [1], strides = [1]} : vector<16xi32> to vector<1xi32>
    %squeeze3A_3504 = vector.extract %slice3A_3503[0] : i32 from vector<1xi32>
    %slice3A_3505 = vector.extract_strided_slice %add3A_3334 {offsets = [3], sizes = [1], strides = [1]} : vector<16xi32> to vector<1xi32>
    %squeeze3A_3506 = vector.extract %slice3A_3505[0] : i32 from vector<1xi32>
    %broadcast_in_dim3A_3507 = vector.broadcast %squeeze3A_3504 : i32 to vector<16xi32>
    %broadcast_in_dim3A_3508 = vector.broadcast %squeeze3A_3506 : i32 to vector<16xi32>
    %select_n3A_3509 = arith.select %eq3A_56, %broadcast_in_dim3A_3507, %broadcast_in_dim3A_3508 : vector<16xi1>, vector<16xi32>
    %select_n3A_3510 = arith.select %eq3A_62, %select_n3A_3502, %select_n3A_3509 : vector<16xi1>, vector<16xi32>
    %mul3A_3511 = arith.constant 8 : i32
    %mul3A_3512 = vector.broadcast %mul3A_3511 : i32 to vector<16xi32>
    %mul3A_3513 = arith.muli %shift_right_arithmetic3A_70, %mul3A_3512 : vector<16xi32>
    %add3A_3514 = arith.addi %select_n3A_3510, %mul3A_3513 : vector<16xi32>
    %swap3A_3515 = arith.constant 112 : index
    %swap3A_3516 = tpu.vector_load %arg14[%swap3A_3515] {strides = array<i32>} : memref<128xi32, #tpu.memory_space<vmem>>, vector<16xi32>,
    %swap3A_3517 = vector.shape_cast %swap3A_3516 : vector<16xi32> to vector<16xi32>
    %swap3A_3518 = vector.shape_cast %add3A_3514 : vector<16xi32> to vector<16xi32>
    tpu.vector_store %arg14[%swap3A_3515], %swap3A_3518 {strides = array<i32>} : memref<128xi32, #tpu.memory_space<vmem>>, vector<16xi32>,
    %add3A_3519 = arith.constant 24 : i32
    %add3A_3520 = arith.addi %add3A_50, %add3A_3519 : i32
    %mul3A_3521 = arith.constant 32 : i32
    %mul3A_3522 = arith.muli %add3A_3520, %mul3A_3521 : i32
    %multiple_of3A_3523 = tpu.assume_multiple %mul3A_3522, 32 : i32
    %dma_wait3A_3524 = arith.constant 0 : i32
    %dma_wait3A_3525 = tpu.memref_slice %arg5[%multiple_of3A_3523, %dma_wait3A_3524] : memref<68736x128xf32, #tpu.memory_space<hbm>> -> memref<128x128xf32, #tpu.memory_space<hbm>>
    %dma_wait3A_3526 = arith.constant 0 : i32
    %dma_wait3A_3527 = tpu.memref_slice %arg5[%multiple_of3A_3523, %dma_wait3A_3526] : memref<68736x128xf32, #tpu.memory_space<hbm>> -> memref<128x128xf32, #tpu.memory_space<hbm>>
    tpu.wait_dma2 semaphore(%arg27 : memref<!tpu.dma_semaphore, #tpu.memory_space<semaphore_mem>>) src(%arg7 : memref<128x128xf32, #tpu.memory_space<vmem>>) dst(%dma_wait3A_3527 : memref<128x128xf32, #tpu.memory_space<hbm>>)
    %dma_start3A_3528 = arith.constant 0 : i32
    %dma_start3A_3529 = arith.constant 0 : i32
    %dma_start3A_3530 = tpu.memref_slice %arg3[%dma_start3A_3528, %dma_start3A_3529] : memref<800000x128xf32, #tpu.memory_space<hbm>> -> memref<800000x128xf32, #tpu.memory_space<hbm>>
    tpu.enqueue_indirect_dma source(%dma_start3A_3530 : memref<800000x128xf32, #tpu.memory_space<hbm>>) target(%arg7 : memref<128x128xf32, #tpu.memory_space<vmem>>) offsets(%arg14 : memref<128xi32, #tpu.memory_space<vmem>>) semaphore(%arg21 : memref<!tpu.dma_semaphore, #tpu.memory_space<semaphore_mem>>)
    %dma_wait3A_3531 = arith.constant 0 : i32
    %dma_wait3A_3532 = arith.constant 0 : i32
    %dma_wait3A_3533 = tpu.memref_slice %arg3[%dma_wait3A_3531, %dma_wait3A_3532] : memref<800000x128xf32, #tpu.memory_space<hbm>> -> memref<800000x128xf32, #tpu.memory_space<hbm>>
    tpu.wait_indirect_dma semaphore(%arg22 : memref<!tpu.dma_semaphore, #tpu.memory_space<semaphore_mem>>) src(%dma_wait3A_3533 : memref<800000x128xf32, #tpu.memory_space<hbm>>) dst(%arg8 : memref<128x128xf32, #tpu.memory_space<vmem>>)
    %add3A_3534 = arith.constant 28 : i32
    %add3A_3535 = arith.addi %add3A_50, %add3A_3534 : i32
    %mul3A_3536 = arith.constant 32 : i32
    %mul3A_3537 = arith.muli %add3A_3535, %mul3A_3536 : i32
    %multiple_of3A_3538 = tpu.assume_multiple %mul3A_3537, 32 : i32
    %dma_start3A_3539 = arith.constant 0 : i32
    %dma_start3A_3540 = tpu.memref_slice %arg5[%multiple_of3A_3538, %dma_start3A_3539] : memref<68736x128xf32, #tpu.memory_space<hbm>> -> memref<128x128xf32, #tpu.memory_space<hbm>>
    %dma_start3A_3541 = arith.constant 0 : i32
    %dma_start3A_3542 = tpu.memref_slice %arg5[%multiple_of3A_3538, %dma_start3A_3541] : memref<68736x128xf32, #tpu.memory_space<hbm>> -> memref<128x128xf32, #tpu.memory_space<hbm>>
    tpu.enqueue_dma source(%arg8 : memref<128x128xf32, #tpu.memory_space<vmem>>) target(%dma_start3A_3542 : memref<128x128xf32, #tpu.memory_space<hbm>>) target_semaphore(%arg28 : memref<!tpu.dma_semaphore, #tpu.memory_space<semaphore_mem>>)
    %add3A_3543 = arith.constant 48 : i32
    %add3A_3544 = arith.addi %mul3A_46, %add3A_3543 : i32
    %get3A_3545 = arith.constant 0 : i32
    %get3A_3546 = arith.index_cast %get3A_3545 : i32 to index
    %get3A_3547 = arith.index_cast %add3A_3544 : i32 to index
    %get3A_3548 = tpu.vector_load %arg6[%get3A_3546, %get3A_3547] {strides = array<i32>} : memref<16x128xi32, #tpu.memory_space<vmem>>, vector<1x16xi32>,
    %get3A_3549 = vector.shape_cast %get3A_3548 : vector<1x16xi32> to vector<16xi32>
    %shift_right_arithmetic3A_3550 = arith.constant 3 : i32
    %shift_right_arithmetic3A_3551 = vector.broadcast %shift_right_arithmetic3A_3550 : i32 to vector<16xi32>
    %shift_right_arithmetic3A_3552 = arith.shrsi %get3A_3549, %shift_right_arithmetic3A_3551 : vector<16xi32>
    %shift_left3A_3553 = arith.constant 6 : i32
    %shift_left3A_3554 = vector.broadcast %shift_left3A_3553 : i32 to vector<16xi32>
    %shift_left3A_3555 = arith.shli %shift_right_arithmetic3A_3552, %shift_left3A_3554 : vector<16xi32>
    %and3A_3556 = arith.constant 7 : i32
    %and3A_3557 = vector.broadcast %and3A_3556 : i32 to vector<16xi32>
    %and3A_3558 = arith.andi %get3A_3549, %and3A_3557 : vector<16xi32>
    %add3A_3559 = arith.addi %shift_left3A_3555, %and3A_3558 : vector<16xi32>
    %add3A_3560 = arith.constant 48 : i32
    %add3A_3561 = arith.addi %mul3A_46, %add3A_3560 : i32
    %get3A_3562 = arith.constant 1 : i32
    %get3A_3563 = arith.index_cast %get3A_3562 : i32 to index
    %get3A_3564 = arith.index_cast %add3A_3561 : i32 to index
    %get3A_3565 = tpu.vector_load %arg6[%get3A_3563, %get3A_3564] {strides = array<i32>} : memref<16x128xi32, #tpu.memory_space<vmem>>, vector<1x16xi32>,
    %get3A_3566 = vector.shape_cast %get3A_3565 : vector<1x16xi32> to vector<16xi32>
    %shift_right_arithmetic3A_3567 = arith.constant 3 : i32
    %shift_right_arithmetic3A_3568 = vector.broadcast %shift_right_arithmetic3A_3567 : i32 to vector<16xi32>
    %shift_right_arithmetic3A_3569 = arith.shrsi %get3A_3566, %shift_right_arithmetic3A_3568 : vector<16xi32>
    %shift_left3A_3570 = arith.constant 6 : i32
    %shift_left3A_3571 = vector.broadcast %shift_left3A_3570 : i32 to vector<16xi32>
    %shift_left3A_3572 = arith.shli %shift_right_arithmetic3A_3569, %shift_left3A_3571 : vector<16xi32>
    %and3A_3573 = arith.constant 7 : i32
    %and3A_3574 = vector.broadcast %and3A_3573 : i32 to vector<16xi32>
    %and3A_3575 = arith.andi %get3A_3566, %and3A_3574 : vector<16xi32>
    %add3A_3576 = arith.addi %shift_left3A_3572, %and3A_3575 : vector<16xi32>
    %add3A_3577 = arith.constant 48 : i32
    %add3A_3578 = arith.addi %mul3A_46, %add3A_3577 : i32
    %get3A_3579 = arith.constant 2 : i32
    %get3A_3580 = arith.index_cast %get3A_3579 : i32 to index
    %get3A_3581 = arith.index_cast %add3A_3578 : i32 to index
    %get3A_3582 = tpu.vector_load %arg6[%get3A_3580, %get3A_3581] {strides = array<i32>} : memref<16x128xi32, #tpu.memory_space<vmem>>, vector<1x16xi32>,
    %get3A_3583 = vector.shape_cast %get3A_3582 : vector<1x16xi32> to vector<16xi32>
    %shift_right_arithmetic3A_3584 = arith.constant 3 : i32
    %shift_right_arithmetic3A_3585 = vector.broadcast %shift_right_arithmetic3A_3584 : i32 to vector<16xi32>
    %shift_right_arithmetic3A_3586 = arith.shrsi %get3A_3583, %shift_right_arithmetic3A_3585 : vector<16xi32>
    %shift_left3A_3587 = arith.constant 6 : i32
    %shift_left3A_3588 = vector.broadcast %shift_left3A_3587 : i32 to vector<16xi32>
    %shift_left3A_3589 = arith.shli %shift_right_arithmetic3A_3586, %shift_left3A_3588 : vector<16xi32>
    %and3A_3590 = arith.constant 7 : i32
    %and3A_3591 = vector.broadcast %and3A_3590 : i32 to vector<16xi32>
    %and3A_3592 = arith.andi %get3A_3583, %and3A_3591 : vector<16xi32>
    %add3A_3593 = arith.addi %shift_left3A_3589, %and3A_3592 : vector<16xi32>
    %add3A_3594 = arith.constant 48 : i32
    %add3A_3595 = arith.addi %mul3A_46, %add3A_3594 : i32
    %get3A_3596 = arith.constant 3 : i32
    %get3A_3597 = arith.index_cast %get3A_3596 : i32 to index
    %get3A_3598 = arith.index_cast %add3A_3595 : i32 to index
    %get3A_3599 = tpu.vector_load %arg6[%get3A_3597, %get3A_3598] {strides = array<i32>} : memref<16x128xi32, #tpu.memory_space<vmem>>, vector<1x16xi32>,
    %get3A_3600 = vector.shape_cast %get3A_3599 : vector<1x16xi32> to vector<16xi32>
    %shift_right_arithmetic3A_3601 = arith.constant 3 : i32
    %shift_right_arithmetic3A_3602 = vector.broadcast %shift_right_arithmetic3A_3601 : i32 to vector<16xi32>
    %shift_right_arithmetic3A_3603 = arith.shrsi %get3A_3600, %shift_right_arithmetic3A_3602 : vector<16xi32>
    %shift_left3A_3604 = arith.constant 6 : i32
    %shift_left3A_3605 = vector.broadcast %shift_left3A_3604 : i32 to vector<16xi32>
    %shift_left3A_3606 = arith.shli %shift_right_arithmetic3A_3603, %shift_left3A_3605 : vector<16xi32>
    %and3A_3607 = arith.constant 7 : i32
    %and3A_3608 = vector.broadcast %and3A_3607 : i32 to vector<16xi32>
    %and3A_3609 = arith.andi %get3A_3600, %and3A_3608 : vector<16xi32>
    %add3A_3610 = arith.addi %shift_left3A_3606, %and3A_3609 : vector<16xi32>
    %slice3A_3611 = vector.extract_strided_slice %add3A_3559 {offsets = [4], sizes = [1], strides = [1]} : vector<16xi32> to vector<1xi32>
    %squeeze3A_3612 = vector.extract %slice3A_3611[0] : i32 from vector<1xi32>
    %slice3A_3613 = vector.extract_strided_slice %add3A_3576 {offsets = [4], sizes = [1], strides = [1]} : vector<16xi32> to vector<1xi32>
    %squeeze3A_3614 = vector.extract %slice3A_3613[0] : i32 from vector<1xi32>
    %broadcast_in_dim3A_3615 = vector.broadcast %squeeze3A_3612 : i32 to vector<16xi32>
    %broadcast_in_dim3A_3616 = vector.broadcast %squeeze3A_3614 : i32 to vector<16xi32>
    %select_n3A_3617 = arith.select %eq3A_56, %broadcast_in_dim3A_3615, %broadcast_in_dim3A_3616 : vector<16xi1>, vector<16xi32>
    %slice3A_3618 = vector.extract_strided_slice %add3A_3593 {offsets = [4], sizes = [1], strides = [1]} : vector<16xi32> to vector<1xi32>
    %squeeze3A_3619 = vector.extract %slice3A_3618[0] : i32 from vector<1xi32>
    %slice3A_3620 = vector.extract_strided_slice %add3A_3610 {offsets = [4], sizes = [1], strides = [1]} : vector<16xi32> to vector<1xi32>
    %squeeze3A_3621 = vector.extract %slice3A_3620[0] : i32 from vector<1xi32>
    %broadcast_in_dim3A_3622 = vector.broadcast %squeeze3A_3619 : i32 to vector<16xi32>
    %broadcast_in_dim3A_3623 = vector.broadcast %squeeze3A_3621 : i32 to vector<16xi32>
    %select_n3A_3624 = arith.select %eq3A_56, %broadcast_in_dim3A_3622, %broadcast_in_dim3A_3623 : vector<16xi1>, vector<16xi32>
    %select_n3A_3625 = arith.select %eq3A_62, %select_n3A_3617, %select_n3A_3624 : vector<16xi1>, vector<16xi32>
    %mul3A_3626 = arith.constant 8 : i32
    %mul3A_3627 = vector.broadcast %mul3A_3626 : i32 to vector<16xi32>
    %mul3A_3628 = arith.muli %shift_right_arithmetic3A_64, %mul3A_3627 : vector<16xi32>
    %add3A_3629 = arith.addi %select_n3A_3625, %mul3A_3628 : vector<16xi32>
    %swap3A_3630 = arith.constant 0 : index
    %swap3A_3631 = tpu.vector_load %arg15[%swap3A_3630] {strides = array<i32>} : memref<128xi32, #tpu.memory_space<vmem>>, vector<16xi32>,
    %swap3A_3632 = vector.shape_cast %swap3A_3631 : vector<16xi32> to vector<16xi32>
    %swap3A_3633 = vector.shape_cast %add3A_3629 : vector<16xi32> to vector<16xi32>
    tpu.vector_store %arg15[%swap3A_3630], %swap3A_3633 {strides = array<i32>} : memref<128xi32, #tpu.memory_space<vmem>>, vector<16xi32>,
    %slice3A_3634 = vector.extract_strided_slice %add3A_3559 {offsets = [4], sizes = [1], strides = [1]} : vector<16xi32> to vector<1xi32>
    %squeeze3A_3635 = vector.extract %slice3A_3634[0] : i32 from vector<1xi32>
    %slice3A_3636 = vector.extract_strided_slice %add3A_3576 {offsets = [4], sizes = [1], strides = [1]} : vector<16xi32> to vector<1xi32>
    %squeeze3A_3637 = vector.extract %slice3A_3636[0] : i32 from vector<1xi32>
    %broadcast_in_dim3A_3638 = vector.broadcast %squeeze3A_3635 : i32 to vector<16xi32>
    %broadcast_in_dim3A_3639 = vector.broadcast %squeeze3A_3637 : i32 to vector<16xi32>
    %select_n3A_3640 = arith.select %eq3A_56, %broadcast_in_dim3A_3638, %broadcast_in_dim3A_3639 : vector<16xi1>, vector<16xi32>
    %slice3A_3641 = vector.extract_strided_slice %add3A_3593 {offsets = [4], sizes = [1], strides = [1]} : vector<16xi32> to vector<1xi32>
    %squeeze3A_3642 = vector.extract %slice3A_3641[0] : i32 from vector<1xi32>
    %slice3A_3643 = vector.extract_strided_slice %add3A_3610 {offsets = [4], sizes = [1], strides = [1]} : vector<16xi32> to vector<1xi32>
    %squeeze3A_3644 = vector.extract %slice3A_3643[0] : i32 from vector<1xi32>
    %broadcast_in_dim3A_3645 = vector.broadcast %squeeze3A_3642 : i32 to vector<16xi32>
    %broadcast_in_dim3A_3646 = vector.broadcast %squeeze3A_3644 : i32 to vector<16xi32>
    %select_n3A_3647 = arith.select %eq3A_56, %broadcast_in_dim3A_3645, %broadcast_in_dim3A_3646 : vector<16xi1>, vector<16xi32>
    %select_n3A_3648 = arith.select %eq3A_62, %select_n3A_3640, %select_n3A_3647 : vector<16xi1>, vector<16xi32>
    %mul3A_3649 = arith.constant 8 : i32
    %mul3A_3650 = vector.broadcast %mul3A_3649 : i32 to vector<16xi32>
    %mul3A_3651 = arith.muli %shift_right_arithmetic3A_70, %mul3A_3650 : vector<16xi32>
    %add3A_3652 = arith.addi %select_n3A_3648, %mul3A_3651 : vector<16xi32>
    %swap3A_3653 = arith.constant 16 : index
    %swap3A_3654 = tpu.vector_load %arg15[%swap3A_3653] {strides = array<i32>} : memref<128xi32, #tpu.memory_space<vmem>>, vector<16xi32>,
    %swap3A_3655 = vector.shape_cast %swap3A_3654 : vector<16xi32> to vector<16xi32>
    %swap3A_3656 = vector.shape_cast %add3A_3652 : vector<16xi32> to vector<16xi32>
    tpu.vector_store %arg15[%swap3A_3653], %swap3A_3656 {strides = array<i32>} : memref<128xi32, #tpu.memory_space<vmem>>, vector<16xi32>,
    %slice3A_3657 = vector.extract_strided_slice %add3A_3559 {offsets = [5], sizes = [1], strides = [1]} : vector<16xi32> to vector<1xi32>
    %squeeze3A_3658 = vector.extract %slice3A_3657[0] : i32 from vector<1xi32>
    %slice3A_3659 = vector.extract_strided_slice %add3A_3576 {offsets = [5], sizes = [1], strides = [1]} : vector<16xi32> to vector<1xi32>
    %squeeze3A_3660 = vector.extract %slice3A_3659[0] : i32 from vector<1xi32>
    %broadcast_in_dim3A_3661 = vector.broadcast %squeeze3A_3658 : i32 to vector<16xi32>
    %broadcast_in_dim3A_3662 = vector.broadcast %squeeze3A_3660 : i32 to vector<16xi32>
    %select_n3A_3663 = arith.select %eq3A_56, %broadcast_in_dim3A_3661, %broadcast_in_dim3A_3662 : vector<16xi1>, vector<16xi32>
    %slice3A_3664 = vector.extract_strided_slice %add3A_3593 {offsets = [5], sizes = [1], strides = [1]} : vector<16xi32> to vector<1xi32>
    %squeeze3A_3665 = vector.extract %slice3A_3664[0] : i32 from vector<1xi32>
    %slice3A_3666 = vector.extract_strided_slice %add3A_3610 {offsets = [5], sizes = [1], strides = [1]} : vector<16xi32> to vector<1xi32>
    %squeeze3A_3667 = vector.extract %slice3A_3666[0] : i32 from vector<1xi32>
    %broadcast_in_dim3A_3668 = vector.broadcast %squeeze3A_3665 : i32 to vector<16xi32>
    %broadcast_in_dim3A_3669 = vector.broadcast %squeeze3A_3667 : i32 to vector<16xi32>
    %select_n3A_3670 = arith.select %eq3A_56, %broadcast_in_dim3A_3668, %broadcast_in_dim3A_3669 : vector<16xi1>, vector<16xi32>
    %select_n3A_3671 = arith.select %eq3A_62, %select_n3A_3663, %select_n3A_3670 : vector<16xi1>, vector<16xi32>
    %mul3A_3672 = arith.constant 8 : i32
    %mul3A_3673 = vector.broadcast %mul3A_3672 : i32 to vector<16xi32>
    %mul3A_3674 = arith.muli %shift_right_arithmetic3A_64, %mul3A_3673 : vector<16xi32>
    %add3A_3675 = arith.addi %select_n3A_3671, %mul3A_3674 : vector<16xi32>
    %swap3A_3676 = arith.constant 32 : index
    %swap3A_3677 = tpu.vector_load %arg15[%swap3A_3676] {strides = array<i32>} : memref<128xi32, #tpu.memory_space<vmem>>, vector<16xi32>,
    %swap3A_3678 = vector.shape_cast %swap3A_3677 : vector<16xi32> to vector<16xi32>
    %swap3A_3679 = vector.shape_cast %add3A_3675 : vector<16xi32> to vector<16xi32>
    tpu.vector_store %arg15[%swap3A_3676], %swap3A_3679 {strides = array<i32>} : memref<128xi32, #tpu.memory_space<vmem>>, vector<16xi32>,
    %slice3A_3680 = vector.extract_strided_slice %add3A_3559 {offsets = [5], sizes = [1], strides = [1]} : vector<16xi32> to vector<1xi32>
    %squeeze3A_3681 = vector.extract %slice3A_3680[0] : i32 from vector<1xi32>
    %slice3A_3682 = vector.extract_strided_slice %add3A_3576 {offsets = [5], sizes = [1], strides = [1]} : vector<16xi32> to vector<1xi32>
    %squeeze3A_3683 = vector.extract %slice3A_3682[0] : i32 from vector<1xi32>
    %broadcast_in_dim3A_3684 = vector.broadcast %squeeze3A_3681 : i32 to vector<16xi32>
    %broadcast_in_dim3A_3685 = vector.broadcast %squeeze3A_3683 : i32 to vector<16xi32>
    %select_n3A_3686 = arith.select %eq3A_56, %broadcast_in_dim3A_3684, %broadcast_in_dim3A_3685 : vector<16xi1>, vector<16xi32>
    %slice3A_3687 = vector.extract_strided_slice %add3A_3593 {offsets = [5], sizes = [1], strides = [1]} : vector<16xi32> to vector<1xi32>
    %squeeze3A_3688 = vector.extract %slice3A_3687[0] : i32 from vector<1xi32>
    %slice3A_3689 = vector.extract_strided_slice %add3A_3610 {offsets = [5], sizes = [1], strides = [1]} : vector<16xi32> to vector<1xi32>
    %squeeze3A_3690 = vector.extract %slice3A_3689[0] : i32 from vector<1xi32>
    %broadcast_in_dim3A_3691 = vector.broadcast %squeeze3A_3688 : i32 to vector<16xi32>
    %broadcast_in_dim3A_3692 = vector.broadcast %squeeze3A_3690 : i32 to vector<16xi32>
    %select_n3A_3693 = arith.select %eq3A_56, %broadcast_in_dim3A_3691, %broadcast_in_dim3A_3692 : vector<16xi1>, vector<16xi32>
    %select_n3A_3694 = arith.select %eq3A_62, %select_n3A_3686, %select_n3A_3693 : vector<16xi1>, vector<16xi32>
    %mul3A_3695 = arith.constant 8 : i32
    %mul3A_3696 = vector.broadcast %mul3A_3695 : i32 to vector<16xi32>
    %mul3A_3697 = arith.muli %shift_right_arithmetic3A_70, %mul3A_3696 : vector<16xi32>
    %add3A_3698 = arith.addi %select_n3A_3694, %mul3A_3697 : vector<16xi32>
    %swap3A_3699 = arith.constant 48 : index
    %swap3A_3700 = tpu.vector_load %arg15[%swap3A_3699] {strides = array<i32>} : memref<128xi32, #tpu.memory_space<vmem>>, vector<16xi32>,
    %swap3A_3701 = vector.shape_cast %swap3A_3700 : vector<16xi32> to vector<16xi32>
    %swap3A_3702 = vector.shape_cast %add3A_3698 : vector<16xi32> to vector<16xi32>
    tpu.vector_store %arg15[%swap3A_3699], %swap3A_3702 {strides = array<i32>} : memref<128xi32, #tpu.memory_space<vmem>>, vector<16xi32>,
    %slice3A_3703 = vector.extract_strided_slice %add3A_3559 {offsets = [6], sizes = [1], strides = [1]} : vector<16xi32> to vector<1xi32>
    %squeeze3A_3704 = vector.extract %slice3A_3703[0] : i32 from vector<1xi32>
    %slice3A_3705 = vector.extract_strided_slice %add3A_3576 {offsets = [6], sizes = [1], strides = [1]} : vector<16xi32> to vector<1xi32>
    %squeeze3A_3706 = vector.extract %slice3A_3705[0] : i32 from vector<1xi32>
    %broadcast_in_dim3A_3707 = vector.broadcast %squeeze3A_3704 : i32 to vector<16xi32>
    %broadcast_in_dim3A_3708 = vector.broadcast %squeeze3A_3706 : i32 to vector<16xi32>
    %select_n3A_3709 = arith.select %eq3A_56, %broadcast_in_dim3A_3707, %broadcast_in_dim3A_3708 : vector<16xi1>, vector<16xi32>
    %slice3A_3710 = vector.extract_strided_slice %add3A_3593 {offsets = [6], sizes = [1], strides = [1]} : vector<16xi32> to vector<1xi32>
    %squeeze3A_3711 = vector.extract %slice3A_3710[0] : i32 from vector<1xi32>
    %slice3A_3712 = vector.extract_strided_slice %add3A_3610 {offsets = [6], sizes = [1], strides = [1]} : vector<16xi32> to vector<1xi32>
    %squeeze3A_3713 = vector.extract %slice3A_3712[0] : i32 from vector<1xi32>
    %broadcast_in_dim3A_3714 = vector.broadcast %squeeze3A_3711 : i32 to vector<16xi32>
    %broadcast_in_dim3A_3715 = vector.broadcast %squeeze3A_3713 : i32 to vector<16xi32>
    %select_n3A_3716 = arith.select %eq3A_56, %broadcast_in_dim3A_3714, %broadcast_in_dim3A_3715 : vector<16xi1>, vector<16xi32>
    %select_n3A_3717 = arith.select %eq3A_62, %select_n3A_3709, %select_n3A_3716 : vector<16xi1>, vector<16xi32>
    %mul3A_3718 = arith.constant 8 : i32
    %mul3A_3719 = vector.broadcast %mul3A_3718 : i32 to vector<16xi32>
    %mul3A_3720 = arith.muli %shift_right_arithmetic3A_64, %mul3A_3719 : vector<16xi32>
    %add3A_3721 = arith.addi %select_n3A_3717, %mul3A_3720 : vector<16xi32>
    %swap3A_3722 = arith.constant 64 : index
    %swap3A_3723 = tpu.vector_load %arg15[%swap3A_3722] {strides = array<i32>} : memref<128xi32, #tpu.memory_space<vmem>>, vector<16xi32>,
    %swap3A_3724 = vector.shape_cast %swap3A_3723 : vector<16xi32> to vector<16xi32>
    %swap3A_3725 = vector.shape_cast %add3A_3721 : vector<16xi32> to vector<16xi32>
    tpu.vector_store %arg15[%swap3A_3722], %swap3A_3725 {strides = array<i32>} : memref<128xi32, #tpu.memory_space<vmem>>, vector<16xi32>,
    %slice3A_3726 = vector.extract_strided_slice %add3A_3559 {offsets = [6], sizes = [1], strides = [1]} : vector<16xi32> to vector<1xi32>
    %squeeze3A_3727 = vector.extract %slice3A_3726[0] : i32 from vector<1xi32>
    %slice3A_3728 = vector.extract_strided_slice %add3A_3576 {offsets = [6], sizes = [1], strides = [1]} : vector<16xi32> to vector<1xi32>
    %squeeze3A_3729 = vector.extract %slice3A_3728[0] : i32 from vector<1xi32>
    %broadcast_in_dim3A_3730 = vector.broadcast %squeeze3A_3727 : i32 to vector<16xi32>
    %broadcast_in_dim3A_3731 = vector.broadcast %squeeze3A_3729 : i32 to vector<16xi32>
    %select_n3A_3732 = arith.select %eq3A_56, %broadcast_in_dim3A_3730, %broadcast_in_dim3A_3731 : vector<16xi1>, vector<16xi32>
    %slice3A_3733 = vector.extract_strided_slice %add3A_3593 {offsets = [6], sizes = [1], strides = [1]} : vector<16xi32> to vector<1xi32>
    %squeeze3A_3734 = vector.extract %slice3A_3733[0] : i32 from vector<1xi32>
    %slice3A_3735 = vector.extract_strided_slice %add3A_3610 {offsets = [6], sizes = [1], strides = [1]} : vector<16xi32> to vector<1xi32>
    %squeeze3A_3736 = vector.extract %slice3A_3735[0] : i32 from vector<1xi32>
    %broadcast_in_dim3A_3737 = vector.broadcast %squeeze3A_3734 : i32 to vector<16xi32>
    %broadcast_in_dim3A_3738 = vector.broadcast %squeeze3A_3736 : i32 to vector<16xi32>
    %select_n3A_3739 = arith.select %eq3A_56, %broadcast_in_dim3A_3737, %broadcast_in_dim3A_3738 : vector<16xi1>, vector<16xi32>
    %select_n3A_3740 = arith.select %eq3A_62, %select_n3A_3732, %select_n3A_3739 : vector<16xi1>, vector<16xi32>
    %mul3A_3741 = arith.constant 8 : i32
    %mul3A_3742 = vector.broadcast %mul3A_3741 : i32 to vector<16xi32>
    %mul3A_3743 = arith.muli %shift_right_arithmetic3A_70, %mul3A_3742 : vector<16xi32>
    %add3A_3744 = arith.addi %select_n3A_3740, %mul3A_3743 : vector<16xi32>
    %swap3A_3745 = arith.constant 80 : index
    %swap3A_3746 = tpu.vector_load %arg15[%swap3A_3745] {strides = array<i32>} : memref<128xi32, #tpu.memory_space<vmem>>, vector<16xi32>,
    %swap3A_3747 = vector.shape_cast %swap3A_3746 : vector<16xi32> to vector<16xi32>
    %swap3A_3748 = vector.shape_cast %add3A_3744 : vector<16xi32> to vector<16xi32>
    tpu.vector_store %arg15[%swap3A_3745], %swap3A_3748 {strides = array<i32>} : memref<128xi32, #tpu.memory_space<vmem>>, vector<16xi32>,
    %slice3A_3749 = vector.extract_strided_slice %add3A_3559 {offsets = [7], sizes = [1], strides = [1]} : vector<16xi32> to vector<1xi32>
    %squeeze3A_3750 = vector.extract %slice3A_3749[0] : i32 from vector<1xi32>
    %slice3A_3751 = vector.extract_strided_slice %add3A_3576 {offsets = [7], sizes = [1], strides = [1]} : vector<16xi32> to vector<1xi32>
    %squeeze3A_3752 = vector.extract %slice3A_3751[0] : i32 from vector<1xi32>
    %broadcast_in_dim3A_3753 = vector.broadcast %squeeze3A_3750 : i32 to vector<16xi32>
    %broadcast_in_dim3A_3754 = vector.broadcast %squeeze3A_3752 : i32 to vector<16xi32>
    %select_n3A_3755 = arith.select %eq3A_56, %broadcast_in_dim3A_3753, %broadcast_in_dim3A_3754 : vector<16xi1>, vector<16xi32>
    %slice3A_3756 = vector.extract_strided_slice %add3A_3593 {offsets = [7], sizes = [1], strides = [1]} : vector<16xi32> to vector<1xi32>
    %squeeze3A_3757 = vector.extract %slice3A_3756[0] : i32 from vector<1xi32>
    %slice3A_3758 = vector.extract_strided_slice %add3A_3610 {offsets = [7], sizes = [1], strides = [1]} : vector<16xi32> to vector<1xi32>
    %squeeze3A_3759 = vector.extract %slice3A_3758[0] : i32 from vector<1xi32>
    %broadcast_in_dim3A_3760 = vector.broadcast %squeeze3A_3757 : i32 to vector<16xi32>
    %broadcast_in_dim3A_3761 = vector.broadcast %squeeze3A_3759 : i32 to vector<16xi32>
    %select_n3A_3762 = arith.select %eq3A_56, %broadcast_in_dim3A_3760, %broadcast_in_dim3A_3761 : vector<16xi1>, vector<16xi32>
    %select_n3A_3763 = arith.select %eq3A_62, %select_n3A_3755, %select_n3A_3762 : vector<16xi1>, vector<16xi32>
    %mul3A_3764 = arith.constant 8 : i32
    %mul3A_3765 = vector.broadcast %mul3A_3764 : i32 to vector<16xi32>
    %mul3A_3766 = arith.muli %shift_right_arithmetic3A_64, %mul3A_3765 : vector<16xi32>
    %add3A_3767 = arith.addi %select_n3A_3763, %mul3A_3766 : vector<16xi32>
    %swap3A_3768 = arith.constant 96 : index
    %swap3A_3769 = tpu.vector_load %arg15[%swap3A_3768] {strides = array<i32>} : memref<128xi32, #tpu.memory_space<vmem>>, vector<16xi32>,
    %swap3A_3770 = vector.shape_cast %swap3A_3769 : vector<16xi32> to vector<16xi32>
    %swap3A_3771 = vector.shape_cast %add3A_3767 : vector<16xi32> to vector<16xi32>
    tpu.vector_store %arg15[%swap3A_3768], %swap3A_3771 {strides = array<i32>} : memref<128xi32, #tpu.memory_space<vmem>>, vector<16xi32>,
    %slice3A_3772 = vector.extract_strided_slice %add3A_3559 {offsets = [7], sizes = [1], strides = [1]} : vector<16xi32> to vector<1xi32>
    %squeeze3A_3773 = vector.extract %slice3A_3772[0] : i32 from vector<1xi32>
    %slice3A_3774 = vector.extract_strided_slice %add3A_3576 {offsets = [7], sizes = [1], strides = [1]} : vector<16xi32> to vector<1xi32>
    %squeeze3A_3775 = vector.extract %slice3A_3774[0] : i32 from vector<1xi32>
    %broadcast_in_dim3A_3776 = vector.broadcast %squeeze3A_3773 : i32 to vector<16xi32>
    %broadcast_in_dim3A_3777 = vector.broadcast %squeeze3A_3775 : i32 to vector<16xi32>
    %select_n3A_3778 = arith.select %eq3A_56, %broadcast_in_dim3A_3776, %broadcast_in_dim3A_3777 : vector<16xi1>, vector<16xi32>
    %slice3A_3779 = vector.extract_strided_slice %add3A_3593 {offsets = [7], sizes = [1], strides = [1]} : vector<16xi32> to vector<1xi32>
    %squeeze3A_3780 = vector.extract %slice3A_3779[0] : i32 from vector<1xi32>
    %slice3A_3781 = vector.extract_strided_slice %add3A_3610 {offsets = [7], sizes = [1], strides = [1]} : vector<16xi32> to vector<1xi32>
    %squeeze3A_3782 = vector.extract %slice3A_3781[0] : i32 from vector<1xi32>
    %broadcast_in_dim3A_3783 = vector.broadcast %squeeze3A_3780 : i32 to vector<16xi32>
    %broadcast_in_dim3A_3784 = vector.broadcast %squeeze3A_3782 : i32 to vector<16xi32>
    %select_n3A_3785 = arith.select %eq3A_56, %broadcast_in_dim3A_3783, %broadcast_in_dim3A_3784 : vector<16xi1>, vector<16xi32>
    %select_n3A_3786 = arith.select %eq3A_62, %select_n3A_3778, %select_n3A_3785 : vector<16xi1>, vector<16xi32>
    %mul3A_3787 = arith.constant 8 : i32
    %mul3A_3788 = vector.broadcast %mul3A_3787 : i32 to vector<16xi32>
    %mul3A_3789 = arith.muli %shift_right_arithmetic3A_70, %mul3A_3788 : vector<16xi32>
    %add3A_3790 = arith.addi %select_n3A_3786, %mul3A_3789 : vector<16xi32>
    %swap3A_3791 = arith.constant 112 : index
    %swap3A_3792 = tpu.vector_load %arg15[%swap3A_3791] {strides = array<i32>} : memref<128xi32, #tpu.memory_space<vmem>>, vector<16xi32>,
    %swap3A_3793 = vector.shape_cast %swap3A_3792 : vector<16xi32> to vector<16xi32>
    %swap3A_3794 = vector.shape_cast %add3A_3790 : vector<16xi32> to vector<16xi32>
    tpu.vector_store %arg15[%swap3A_3791], %swap3A_3794 {strides = array<i32>} : memref<128xi32, #tpu.memory_space<vmem>>, vector<16xi32>,
    %add3A_3795 = arith.constant 28 : i32
    %add3A_3796 = arith.addi %add3A_50, %add3A_3795 : i32
    %mul3A_3797 = arith.constant 32 : i32
    %mul3A_3798 = arith.muli %add3A_3796, %mul3A_3797 : i32
    %multiple_of3A_3799 = tpu.assume_multiple %mul3A_3798, 32 : i32
    %dma_wait3A_3800 = arith.constant 0 : i32
    %dma_wait3A_3801 = tpu.memref_slice %arg5[%multiple_of3A_3799, %dma_wait3A_3800] : memref<68736x128xf32, #tpu.memory_space<hbm>> -> memref<128x128xf32, #tpu.memory_space<hbm>>
    %dma_wait3A_3802 = arith.constant 0 : i32
    %dma_wait3A_3803 = tpu.memref_slice %arg5[%multiple_of3A_3799, %dma_wait3A_3802] : memref<68736x128xf32, #tpu.memory_space<hbm>> -> memref<128x128xf32, #tpu.memory_space<hbm>>
    tpu.wait_dma2 semaphore(%arg28 : memref<!tpu.dma_semaphore, #tpu.memory_space<semaphore_mem>>) src(%arg8 : memref<128x128xf32, #tpu.memory_space<vmem>>) dst(%dma_wait3A_3803 : memref<128x128xf32, #tpu.memory_space<hbm>>)
    %dma_start3A_3804 = arith.constant 0 : i32
    %dma_start3A_3805 = arith.constant 0 : i32
    %dma_start3A_3806 = tpu.memref_slice %arg3[%dma_start3A_3804, %dma_start3A_3805] : memref<800000x128xf32, #tpu.memory_space<hbm>> -> memref<800000x128xf32, #tpu.memory_space<hbm>>
    tpu.enqueue_indirect_dma source(%dma_start3A_3806 : memref<800000x128xf32, #tpu.memory_space<hbm>>) target(%arg8 : memref<128x128xf32, #tpu.memory_space<vmem>>) offsets(%arg15 : memref<128xi32, #tpu.memory_space<vmem>>) semaphore(%arg22 : memref<!tpu.dma_semaphore, #tpu.memory_space<semaphore_mem>>)
    %dma_wait3A_3807 = arith.constant 0 : i32
    %dma_wait3A_3808 = arith.constant 0 : i32
    %dma_wait3A_3809 = tpu.memref_slice %arg3[%dma_wait3A_3807, %dma_wait3A_3808] : memref<800000x128xf32, #tpu.memory_space<hbm>> -> memref<800000x128xf32, #tpu.memory_space<hbm>>
    tpu.wait_indirect_dma semaphore(%arg23 : memref<!tpu.dma_semaphore, #tpu.memory_space<semaphore_mem>>) src(%dma_wait3A_3809 : memref<800000x128xf32, #tpu.memory_space<hbm>>) dst(%arg9 : memref<128x128xf32, #tpu.memory_space<vmem>>)
    %add3A_3810 = arith.constant 32 : i32
    %add3A_3811 = arith.addi %add3A_50, %add3A_3810 : i32
    %mul3A_3812 = arith.constant 32 : i32
    %mul3A_3813 = arith.muli %add3A_3811, %mul3A_3812 : i32
    %multiple_of3A_3814 = tpu.assume_multiple %mul3A_3813, 32 : i32
    %dma_start3A_3815 = arith.constant 0 : i32
    %dma_start3A_3816 = tpu.memref_slice %arg5[%multiple_of3A_3814, %dma_start3A_3815] : memref<68736x128xf32, #tpu.memory_space<hbm>> -> memref<128x128xf32, #tpu.memory_space<hbm>>
    %dma_start3A_3817 = arith.constant 0 : i32
    %dma_start3A_3818 = tpu.memref_slice %arg5[%multiple_of3A_3814, %dma_start3A_3817] : memref<68736x128xf32, #tpu.memory_space<hbm>> -> memref<128x128xf32, #tpu.memory_space<hbm>>
    tpu.enqueue_dma source(%arg9 : memref<128x128xf32, #tpu.memory_space<vmem>>) target(%dma_start3A_3818 : memref<128x128xf32, #tpu.memory_space<hbm>>) target_semaphore(%arg29 : memref<!tpu.dma_semaphore, #tpu.memory_space<semaphore_mem>>)
    %add3A_3819 = arith.constant 48 : i32
    %add3A_3820 = arith.addi %mul3A_46, %add3A_3819 : i32
    %get3A_3821 = arith.constant 0 : i32
    %get3A_3822 = arith.index_cast %get3A_3821 : i32 to index
    %get3A_3823 = arith.index_cast %add3A_3820 : i32 to index
    %get3A_3824 = tpu.vector_load %arg6[%get3A_3822, %get3A_3823] {strides = array<i32>} : memref<16x128xi32, #tpu.memory_space<vmem>>, vector<1x16xi32>,
    %get3A_3825 = vector.shape_cast %get3A_3824 : vector<1x16xi32> to vector<16xi32>
    %shift_right_arithmetic3A_3826 = arith.constant 3 : i32
    %shift_right_arithmetic3A_3827 = vector.broadcast %shift_right_arithmetic3A_3826 : i32 to vector<16xi32>
    %shift_right_arithmetic3A_3828 = arith.shrsi %get3A_3825, %shift_right_arithmetic3A_3827 : vector<16xi32>
    %shift_left3A_3829 = arith.constant 6 : i32
    %shift_left3A_3830 = vector.broadcast %shift_left3A_3829 : i32 to vector<16xi32>
    %shift_left3A_3831 = arith.shli %shift_right_arithmetic3A_3828, %shift_left3A_3830 : vector<16xi32>
    %and3A_3832 = arith.constant 7 : i32
    %and3A_3833 = vector.broadcast %and3A_3832 : i32 to vector<16xi32>
    %and3A_3834 = arith.andi %get3A_3825, %and3A_3833 : vector<16xi32>
    %add3A_3835 = arith.addi %shift_left3A_3831, %and3A_3834 : vector<16xi32>
    %add3A_3836 = arith.constant 48 : i32
    %add3A_3837 = arith.addi %mul3A_46, %add3A_3836 : i32
    %get3A_3838 = arith.constant 1 : i32
    %get3A_3839 = arith.index_cast %get3A_3838 : i32 to index
    %get3A_3840 = arith.index_cast %add3A_3837 : i32 to index
    %get3A_3841 = tpu.vector_load %arg6[%get3A_3839, %get3A_3840] {strides = array<i32>} : memref<16x128xi32, #tpu.memory_space<vmem>>, vector<1x16xi32>,
    %get3A_3842 = vector.shape_cast %get3A_3841 : vector<1x16xi32> to vector<16xi32>
    %shift_right_arithmetic3A_3843 = arith.constant 3 : i32
    %shift_right_arithmetic3A_3844 = vector.broadcast %shift_right_arithmetic3A_3843 : i32 to vector<16xi32>
    %shift_right_arithmetic3A_3845 = arith.shrsi %get3A_3842, %shift_right_arithmetic3A_3844 : vector<16xi32>
    %shift_left3A_3846 = arith.constant 6 : i32
    %shift_left3A_3847 = vector.broadcast %shift_left3A_3846 : i32 to vector<16xi32>
    %shift_left3A_3848 = arith.shli %shift_right_arithmetic3A_3845, %shift_left3A_3847 : vector<16xi32>
    %and3A_3849 = arith.constant 7 : i32
    %and3A_3850 = vector.broadcast %and3A_3849 : i32 to vector<16xi32>
    %and3A_3851 = arith.andi %get3A_3842, %and3A_3850 : vector<16xi32>
    %add3A_3852 = arith.addi %shift_left3A_3848, %and3A_3851 : vector<16xi32>
    %add3A_3853 = arith.constant 48 : i32
    %add3A_3854 = arith.addi %mul3A_46, %add3A_3853 : i32
    %get3A_3855 = arith.constant 2 : i32
    %get3A_3856 = arith.index_cast %get3A_3855 : i32 to index
    %get3A_3857 = arith.index_cast %add3A_3854 : i32 to index
    %get3A_3858 = tpu.vector_load %arg6[%get3A_3856, %get3A_3857] {strides = array<i32>} : memref<16x128xi32, #tpu.memory_space<vmem>>, vector<1x16xi32>,
    %get3A_3859 = vector.shape_cast %get3A_3858 : vector<1x16xi32> to vector<16xi32>
    %shift_right_arithmetic3A_3860 = arith.constant 3 : i32
    %shift_right_arithmetic3A_3861 = vector.broadcast %shift_right_arithmetic3A_3860 : i32 to vector<16xi32>
    %shift_right_arithmetic3A_3862 = arith.shrsi %get3A_3859, %shift_right_arithmetic3A_3861 : vector<16xi32>
    %shift_left3A_3863 = arith.constant 6 : i32
    %shift_left3A_3864 = vector.broadcast %shift_left3A_3863 : i32 to vector<16xi32>
    %shift_left3A_3865 = arith.shli %shift_right_arithmetic3A_3862, %shift_left3A_3864 : vector<16xi32>
    %and3A_3866 = arith.constant 7 : i32
    %and3A_3867 = vector.broadcast %and3A_3866 : i32 to vector<16xi32>
    %and3A_3868 = arith.andi %get3A_3859, %and3A_3867 : vector<16xi32>
    %add3A_3869 = arith.addi %shift_left3A_3865, %and3A_3868 : vector<16xi32>
    %add3A_3870 = arith.constant 48 : i32
    %add3A_3871 = arith.addi %mul3A_46, %add3A_3870 : i32
    %get3A_3872 = arith.constant 3 : i32
    %get3A_3873 = arith.index_cast %get3A_3872 : i32 to index
    %get3A_3874 = arith.index_cast %add3A_3871 : i32 to index
    %get3A_3875 = tpu.vector_load %arg6[%get3A_3873, %get3A_3874] {strides = array<i32>} : memref<16x128xi32, #tpu.memory_space<vmem>>, vector<1x16xi32>,
    %get3A_3876 = vector.shape_cast %get3A_3875 : vector<1x16xi32> to vector<16xi32>
    %shift_right_arithmetic3A_3877 = arith.constant 3 : i32
    %shift_right_arithmetic3A_3878 = vector.broadcast %shift_right_arithmetic3A_3877 : i32 to vector<16xi32>
    %shift_right_arithmetic3A_3879 = arith.shrsi %get3A_3876, %shift_right_arithmetic3A_3878 : vector<16xi32>
    %shift_left3A_3880 = arith.constant 6 : i32
    %shift_left3A_3881 = vector.broadcast %shift_left3A_3880 : i32 to vector<16xi32>
    %shift_left3A_3882 = arith.shli %shift_right_arithmetic3A_3879, %shift_left3A_3881 : vector<16xi32>
    %and3A_3883 = arith.constant 7 : i32
    %and3A_3884 = vector.broadcast %and3A_3883 : i32 to vector<16xi32>
    %and3A_3885 = arith.andi %get3A_3876, %and3A_3884 : vector<16xi32>
    %add3A_3886 = arith.addi %shift_left3A_3882, %and3A_3885 : vector<16xi32>
    %slice3A_3887 = vector.extract_strided_slice %add3A_3835 {offsets = [8], sizes = [1], strides = [1]} : vector<16xi32> to vector<1xi32>
    %squeeze3A_3888 = vector.extract %slice3A_3887[0] : i32 from vector<1xi32>
    %slice3A_3889 = vector.extract_strided_slice %add3A_3852 {offsets = [8], sizes = [1], strides = [1]} : vector<16xi32> to vector<1xi32>
    %squeeze3A_3890 = vector.extract %slice3A_3889[0] : i32 from vector<1xi32>
    %broadcast_in_dim3A_3891 = vector.broadcast %squeeze3A_3888 : i32 to vector<16xi32>
    %broadcast_in_dim3A_3892 = vector.broadcast %squeeze3A_3890 : i32 to vector<16xi32>
    %select_n3A_3893 = arith.select %eq3A_56, %broadcast_in_dim3A_3891, %broadcast_in_dim3A_3892 : vector<16xi1>, vector<16xi32>
    %slice3A_3894 = vector.extract_strided_slice %add3A_3869 {offsets = [8], sizes = [1], strides = [1]} : vector<16xi32> to vector<1xi32>
    %squeeze3A_3895 = vector.extract %slice3A_3894[0] : i32 from vector<1xi32>
    %slice3A_3896 = vector.extract_strided_slice %add3A_3886 {offsets = [8], sizes = [1], strides = [1]} : vector<16xi32> to vector<1xi32>
    %squeeze3A_3897 = vector.extract %slice3A_3896[0] : i32 from vector<1xi32>
    %broadcast_in_dim3A_3898 = vector.broadcast %squeeze3A_3895 : i32 to vector<16xi32>
    %broadcast_in_dim3A_3899 = vector.broadcast %squeeze3A_3897 : i32 to vector<16xi32>
    %select_n3A_3900 = arith.select %eq3A_56, %broadcast_in_dim3A_3898, %broadcast_in_dim3A_3899 : vector<16xi1>, vector<16xi32>
    %select_n3A_3901 = arith.select %eq3A_62, %select_n3A_3893, %select_n3A_3900 : vector<16xi1>, vector<16xi32>
    %mul3A_3902 = arith.constant 8 : i32
    %mul3A_3903 = vector.broadcast %mul3A_3902 : i32 to vector<16xi32>
    %mul3A_3904 = arith.muli %shift_right_arithmetic3A_64, %mul3A_3903 : vector<16xi32>
    %add3A_3905 = arith.addi %select_n3A_3901, %mul3A_3904 : vector<16xi32>
    %swap3A_3906 = arith.constant 0 : index
    %swap3A_3907 = tpu.vector_load %arg16[%swap3A_3906] {strides = array<i32>} : memref<128xi32, #tpu.memory_space<vmem>>, vector<16xi32>,
    %swap3A_3908 = vector.shape_cast %swap3A_3907 : vector<16xi32> to vector<16xi32>
    %swap3A_3909 = vector.shape_cast %add3A_3905 : vector<16xi32> to vector<16xi32>
    tpu.vector_store %arg16[%swap3A_3906], %swap3A_3909 {strides = array<i32>} : memref<128xi32, #tpu.memory_space<vmem>>, vector<16xi32>,
    %slice3A_3910 = vector.extract_strided_slice %add3A_3835 {offsets = [8], sizes = [1], strides = [1]} : vector<16xi32> to vector<1xi32>
    %squeeze3A_3911 = vector.extract %slice3A_3910[0] : i32 from vector<1xi32>
    %slice3A_3912 = vector.extract_strided_slice %add3A_3852 {offsets = [8], sizes = [1], strides = [1]} : vector<16xi32> to vector<1xi32>
    %squeeze3A_3913 = vector.extract %slice3A_3912[0] : i32 from vector<1xi32>
    %broadcast_in_dim3A_3914 = vector.broadcast %squeeze3A_3911 : i32 to vector<16xi32>
    %broadcast_in_dim3A_3915 = vector.broadcast %squeeze3A_3913 : i32 to vector<16xi32>
    %select_n3A_3916 = arith.select %eq3A_56, %broadcast_in_dim3A_3914, %broadcast_in_dim3A_3915 : vector<16xi1>, vector<16xi32>
    %slice3A_3917 = vector.extract_strided_slice %add3A_3869 {offsets = [8], sizes = [1], strides = [1]} : vector<16xi32> to vector<1xi32>
    %squeeze3A_3918 = vector.extract %slice3A_3917[0] : i32 from vector<1xi32>
    %slice3A_3919 = vector.extract_strided_slice %add3A_3886 {offsets = [8], sizes = [1], strides = [1]} : vector<16xi32> to vector<1xi32>
    %squeeze3A_3920 = vector.extract %slice3A_3919[0] : i32 from vector<1xi32>
    %broadcast_in_dim3A_3921 = vector.broadcast %squeeze3A_3918 : i32 to vector<16xi32>
    %broadcast_in_dim3A_3922 = vector.broadcast %squeeze3A_3920 : i32 to vector<16xi32>
    %select_n3A_3923 = arith.select %eq3A_56, %broadcast_in_dim3A_3921, %broadcast_in_dim3A_3922 : vector<16xi1>, vector<16xi32>
    %select_n3A_3924 = arith.select %eq3A_62, %select_n3A_3916, %select_n3A_3923 : vector<16xi1>, vector<16xi32>
    %mul3A_3925 = arith.constant 8 : i32
    %mul3A_3926 = vector.broadcast %mul3A_3925 : i32 to vector<16xi32>
    %mul3A_3927 = arith.muli %shift_right_arithmetic3A_70, %mul3A_3926 : vector<16xi32>
    %add3A_3928 = arith.addi %select_n3A_3924, %mul3A_3927 : vector<16xi32>
    %swap3A_3929 = arith.constant 16 : index
    %swap3A_3930 = tpu.vector_load %arg16[%swap3A_3929] {strides = array<i32>} : memref<128xi32, #tpu.memory_space<vmem>>, vector<16xi32>,
    %swap3A_3931 = vector.shape_cast %swap3A_3930 : vector<16xi32> to vector<16xi32>
    %swap3A_3932 = vector.shape_cast %add3A_3928 : vector<16xi32> to vector<16xi32>
    tpu.vector_store %arg16[%swap3A_3929], %swap3A_3932 {strides = array<i32>} : memref<128xi32, #tpu.memory_space<vmem>>, vector<16xi32>,
    %slice3A_3933 = vector.extract_strided_slice %add3A_3835 {offsets = [9], sizes = [1], strides = [1]} : vector<16xi32> to vector<1xi32>
    %squeeze3A_3934 = vector.extract %slice3A_3933[0] : i32 from vector<1xi32>
    %slice3A_3935 = vector.extract_strided_slice %add3A_3852 {offsets = [9], sizes = [1], strides = [1]} : vector<16xi32> to vector<1xi32>
    %squeeze3A_3936 = vector.extract %slice3A_3935[0] : i32 from vector<1xi32>
    %broadcast_in_dim3A_3937 = vector.broadcast %squeeze3A_3934 : i32 to vector<16xi32>
    %broadcast_in_dim3A_3938 = vector.broadcast %squeeze3A_3936 : i32 to vector<16xi32>
    %select_n3A_3939 = arith.select %eq3A_56, %broadcast_in_dim3A_3937, %broadcast_in_dim3A_3938 : vector<16xi1>, vector<16xi32>
    %slice3A_3940 = vector.extract_strided_slice %add3A_3869 {offsets = [9], sizes = [1], strides = [1]} : vector<16xi32> to vector<1xi32>
    %squeeze3A_3941 = vector.extract %slice3A_3940[0] : i32 from vector<1xi32>
    %slice3A_3942 = vector.extract_strided_slice %add3A_3886 {offsets = [9], sizes = [1], strides = [1]} : vector<16xi32> to vector<1xi32>
    %squeeze3A_3943 = vector.extract %slice3A_3942[0] : i32 from vector<1xi32>
    %broadcast_in_dim3A_3944 = vector.broadcast %squeeze3A_3941 : i32 to vector<16xi32>
    %broadcast_in_dim3A_3945 = vector.broadcast %squeeze3A_3943 : i32 to vector<16xi32>
    %select_n3A_3946 = arith.select %eq3A_56, %broadcast_in_dim3A_3944, %broadcast_in_dim3A_3945 : vector<16xi1>, vector<16xi32>
    %select_n3A_3947 = arith.select %eq3A_62, %select_n3A_3939, %select_n3A_3946 : vector<16xi1>, vector<16xi32>
    %mul3A_3948 = arith.constant 8 : i32
    %mul3A_3949 = vector.broadcast %mul3A_3948 : i32 to vector<16xi32>
    %mul3A_3950 = arith.muli %shift_right_arithmetic3A_64, %mul3A_3949 : vector<16xi32>
    %add3A_3951 = arith.addi %select_n3A_3947, %mul3A_3950 : vector<16xi32>
    %swap3A_3952 = arith.constant 32 : index
    %swap3A_3953 = tpu.vector_load %arg16[%swap3A_3952] {strides = array<i32>} : memref<128xi32, #tpu.memory_space<vmem>>, vector<16xi32>,
    %swap3A_3954 = vector.shape_cast %swap3A_3953 : vector<16xi32> to vector<16xi32>
    %swap3A_3955 = vector.shape_cast %add3A_3951 : vector<16xi32> to vector<16xi32>
    tpu.vector_store %arg16[%swap3A_3952], %swap3A_3955 {strides = array<i32>} : memref<128xi32, #tpu.memory_space<vmem>>, vector<16xi32>,
    %slice3A_3956 = vector.extract_strided_slice %add3A_3835 {offsets = [9], sizes = [1], strides = [1]} : vector<16xi32> to vector<1xi32>
    %squeeze3A_3957 = vector.extract %slice3A_3956[0] : i32 from vector<1xi32>
    %slice3A_3958 = vector.extract_strided_slice %add3A_3852 {offsets = [9], sizes = [1], strides = [1]} : vector<16xi32> to vector<1xi32>
    %squeeze3A_3959 = vector.extract %slice3A_3958[0] : i32 from vector<1xi32>
    %broadcast_in_dim3A_3960 = vector.broadcast %squeeze3A_3957 : i32 to vector<16xi32>
    %broadcast_in_dim3A_3961 = vector.broadcast %squeeze3A_3959 : i32 to vector<16xi32>
    %select_n3A_3962 = arith.select %eq3A_56, %broadcast_in_dim3A_3960, %broadcast_in_dim3A_3961 : vector<16xi1>, vector<16xi32>
    %slice3A_3963 = vector.extract_strided_slice %add3A_3869 {offsets = [9], sizes = [1], strides = [1]} : vector<16xi32> to vector<1xi32>
    %squeeze3A_3964 = vector.extract %slice3A_3963[0] : i32 from vector<1xi32>
    %slice3A_3965 = vector.extract_strided_slice %add3A_3886 {offsets = [9], sizes = [1], strides = [1]} : vector<16xi32> to vector<1xi32>
    %squeeze3A_3966 = vector.extract %slice3A_3965[0] : i32 from vector<1xi32>
    %broadcast_in_dim3A_3967 = vector.broadcast %squeeze3A_3964 : i32 to vector<16xi32>
    %broadcast_in_dim3A_3968 = vector.broadcast %squeeze3A_3966 : i32 to vector<16xi32>
    %select_n3A_3969 = arith.select %eq3A_56, %broadcast_in_dim3A_3967, %broadcast_in_dim3A_3968 : vector<16xi1>, vector<16xi32>
    %select_n3A_3970 = arith.select %eq3A_62, %select_n3A_3962, %select_n3A_3969 : vector<16xi1>, vector<16xi32>
    %mul3A_3971 = arith.constant 8 : i32
    %mul3A_3972 = vector.broadcast %mul3A_3971 : i32 to vector<16xi32>
    %mul3A_3973 = arith.muli %shift_right_arithmetic3A_70, %mul3A_3972 : vector<16xi32>
    %add3A_3974 = arith.addi %select_n3A_3970, %mul3A_3973 : vector<16xi32>
    %swap3A_3975 = arith.constant 48 : index
    %swap3A_3976 = tpu.vector_load %arg16[%swap3A_3975] {strides = array<i32>} : memref<128xi32, #tpu.memory_space<vmem>>, vector<16xi32>,
    %swap3A_3977 = vector.shape_cast %swap3A_3976 : vector<16xi32> to vector<16xi32>
    %swap3A_3978 = vector.shape_cast %add3A_3974 : vector<16xi32> to vector<16xi32>
    tpu.vector_store %arg16[%swap3A_3975], %swap3A_3978 {strides = array<i32>} : memref<128xi32, #tpu.memory_space<vmem>>, vector<16xi32>,
    %slice3A_3979 = vector.extract_strided_slice %add3A_3835 {offsets = [10], sizes = [1], strides = [1]} : vector<16xi32> to vector<1xi32>
    %squeeze3A_3980 = vector.extract %slice3A_3979[0] : i32 from vector<1xi32>
    %slice3A_3981 = vector.extract_strided_slice %add3A_3852 {offsets = [10], sizes = [1], strides = [1]} : vector<16xi32> to vector<1xi32>
    %squeeze3A_3982 = vector.extract %slice3A_3981[0] : i32 from vector<1xi32>
    %broadcast_in_dim3A_3983 = vector.broadcast %squeeze3A_3980 : i32 to vector<16xi32>
    %broadcast_in_dim3A_3984 = vector.broadcast %squeeze3A_3982 : i32 to vector<16xi32>
    %select_n3A_3985 = arith.select %eq3A_56, %broadcast_in_dim3A_3983, %broadcast_in_dim3A_3984 : vector<16xi1>, vector<16xi32>
    %slice3A_3986 = vector.extract_strided_slice %add3A_3869 {offsets = [10], sizes = [1], strides = [1]} : vector<16xi32> to vector<1xi32>
    %squeeze3A_3987 = vector.extract %slice3A_3986[0] : i32 from vector<1xi32>
    %slice3A_3988 = vector.extract_strided_slice %add3A_3886 {offsets = [10], sizes = [1], strides = [1]} : vector<16xi32> to vector<1xi32>
    %squeeze3A_3989 = vector.extract %slice3A_3988[0] : i32 from vector<1xi32>
    %broadcast_in_dim3A_3990 = vector.broadcast %squeeze3A_3987 : i32 to vector<16xi32>
    %broadcast_in_dim3A_3991 = vector.broadcast %squeeze3A_3989 : i32 to vector<16xi32>
    %select_n3A_3992 = arith.select %eq3A_56, %broadcast_in_dim3A_3990, %broadcast_in_dim3A_3991 : vector<16xi1>, vector<16xi32>
    %select_n3A_3993 = arith.select %eq3A_62, %select_n3A_3985, %select_n3A_3992 : vector<16xi1>, vector<16xi32>
    %mul3A_3994 = arith.constant 8 : i32
    %mul3A_3995 = vector.broadcast %mul3A_3994 : i32 to vector<16xi32>
    %mul3A_3996 = arith.muli %shift_right_arithmetic3A_64, %mul3A_3995 : vector<16xi32>
    %add3A_3997 = arith.addi %select_n3A_3993, %mul3A_3996 : vector<16xi32>
    %swap3A_3998 = arith.constant 64 : index
    %swap3A_3999 = tpu.vector_load %arg16[%swap3A_3998] {strides = array<i32>} : memref<128xi32, #tpu.memory_space<vmem>>, vector<16xi32>,
    %swap3A_4000 = vector.shape_cast %swap3A_3999 : vector<16xi32> to vector<16xi32>
    %swap3A_4001 = vector.shape_cast %add3A_3997 : vector<16xi32> to vector<16xi32>
    tpu.vector_store %arg16[%swap3A_3998], %swap3A_4001 {strides = array<i32>} : memref<128xi32, #tpu.memory_space<vmem>>, vector<16xi32>,
    %slice3A_4002 = vector.extract_strided_slice %add3A_3835 {offsets = [10], sizes = [1], strides = [1]} : vector<16xi32> to vector<1xi32>
    %squeeze3A_4003 = vector.extract %slice3A_4002[0] : i32 from vector<1xi32>
    %slice3A_4004 = vector.extract_strided_slice %add3A_3852 {offsets = [10], sizes = [1], strides = [1]} : vector<16xi32> to vector<1xi32>
    %squeeze3A_4005 = vector.extract %slice3A_4004[0] : i32 from vector<1xi32>
    %broadcast_in_dim3A_4006 = vector.broadcast %squeeze3A_4003 : i32 to vector<16xi32>
    %broadcast_in_dim3A_4007 = vector.broadcast %squeeze3A_4005 : i32 to vector<16xi32>
    %select_n3A_4008 = arith.select %eq3A_56, %broadcast_in_dim3A_4006, %broadcast_in_dim3A_4007 : vector<16xi1>, vector<16xi32>
    %slice3A_4009 = vector.extract_strided_slice %add3A_3869 {offsets = [10], sizes = [1], strides = [1]} : vector<16xi32> to vector<1xi32>
    %squeeze3A_4010 = vector.extract %slice3A_4009[0] : i32 from vector<1xi32>
    %slice3A_4011 = vector.extract_strided_slice %add3A_3886 {offsets = [10], sizes = [1], strides = [1]} : vector<16xi32> to vector<1xi32>
    %squeeze3A_4012 = vector.extract %slice3A_4011[0] : i32 from vector<1xi32>
    %broadcast_in_dim3A_4013 = vector.broadcast %squeeze3A_4010 : i32 to vector<16xi32>
    %broadcast_in_dim3A_4014 = vector.broadcast %squeeze3A_4012 : i32 to vector<16xi32>
    %select_n3A_4015 = arith.select %eq3A_56, %broadcast_in_dim3A_4013, %broadcast_in_dim3A_4014 : vector<16xi1>, vector<16xi32>
    %select_n3A_4016 = arith.select %eq3A_62, %select_n3A_4008, %select_n3A_4015 : vector<16xi1>, vector<16xi32>
    %mul3A_4017 = arith.constant 8 : i32
    %mul3A_4018 = vector.broadcast %mul3A_4017 : i32 to vector<16xi32>
    %mul3A_4019 = arith.muli %shift_right_arithmetic3A_70, %mul3A_4018 : vector<16xi32>
    %add3A_4020 = arith.addi %select_n3A_4016, %mul3A_4019 : vector<16xi32>
    %swap3A_4021 = arith.constant 80 : index
    %swap3A_4022 = tpu.vector_load %arg16[%swap3A_4021] {strides = array<i32>} : memref<128xi32, #tpu.memory_space<vmem>>, vector<16xi32>,
    %swap3A_4023 = vector.shape_cast %swap3A_4022 : vector<16xi32> to vector<16xi32>
    %swap3A_4024 = vector.shape_cast %add3A_4020 : vector<16xi32> to vector<16xi32>
    tpu.vector_store %arg16[%swap3A_4021], %swap3A_4024 {strides = array<i32>} : memref<128xi32, #tpu.memory_space<vmem>>, vector<16xi32>,
    %slice3A_4025 = vector.extract_strided_slice %add3A_3835 {offsets = [11], sizes = [1], strides = [1]} : vector<16xi32> to vector<1xi32>
    %squeeze3A_4026 = vector.extract %slice3A_4025[0] : i32 from vector<1xi32>
    %slice3A_4027 = vector.extract_strided_slice %add3A_3852 {offsets = [11], sizes = [1], strides = [1]} : vector<16xi32> to vector<1xi32>
    %squeeze3A_4028 = vector.extract %slice3A_4027[0] : i32 from vector<1xi32>
    %broadcast_in_dim3A_4029 = vector.broadcast %squeeze3A_4026 : i32 to vector<16xi32>
    %broadcast_in_dim3A_4030 = vector.broadcast %squeeze3A_4028 : i32 to vector<16xi32>
    %select_n3A_4031 = arith.select %eq3A_56, %broadcast_in_dim3A_4029, %broadcast_in_dim3A_4030 : vector<16xi1>, vector<16xi32>
    %slice3A_4032 = vector.extract_strided_slice %add3A_3869 {offsets = [11], sizes = [1], strides = [1]} : vector<16xi32> to vector<1xi32>
    %squeeze3A_4033 = vector.extract %slice3A_4032[0] : i32 from vector<1xi32>
    %slice3A_4034 = vector.extract_strided_slice %add3A_3886 {offsets = [11], sizes = [1], strides = [1]} : vector<16xi32> to vector<1xi32>
    %squeeze3A_4035 = vector.extract %slice3A_4034[0] : i32 from vector<1xi32>
    %broadcast_in_dim3A_4036 = vector.broadcast %squeeze3A_4033 : i32 to vector<16xi32>
    %broadcast_in_dim3A_4037 = vector.broadcast %squeeze3A_4035 : i32 to vector<16xi32>
    %select_n3A_4038 = arith.select %eq3A_56, %broadcast_in_dim3A_4036, %broadcast_in_dim3A_4037 : vector<16xi1>, vector<16xi32>
    %select_n3A_4039 = arith.select %eq3A_62, %select_n3A_4031, %select_n3A_4038 : vector<16xi1>, vector<16xi32>
    %mul3A_4040 = arith.constant 8 : i32
    %mul3A_4041 = vector.broadcast %mul3A_4040 : i32 to vector<16xi32>
    %mul3A_4042 = arith.muli %shift_right_arithmetic3A_64, %mul3A_4041 : vector<16xi32>
    %add3A_4043 = arith.addi %select_n3A_4039, %mul3A_4042 : vector<16xi32>
    %swap3A_4044 = arith.constant 96 : index
    %swap3A_4045 = tpu.vector_load %arg16[%swap3A_4044] {strides = array<i32>} : memref<128xi32, #tpu.memory_space<vmem>>, vector<16xi32>,
    %swap3A_4046 = vector.shape_cast %swap3A_4045 : vector<16xi32> to vector<16xi32>
    %swap3A_4047 = vector.shape_cast %add3A_4043 : vector<16xi32> to vector<16xi32>
    tpu.vector_store %arg16[%swap3A_4044], %swap3A_4047 {strides = array<i32>} : memref<128xi32, #tpu.memory_space<vmem>>, vector<16xi32>,
    %slice3A_4048 = vector.extract_strided_slice %add3A_3835 {offsets = [11], sizes = [1], strides = [1]} : vector<16xi32> to vector<1xi32>
    %squeeze3A_4049 = vector.extract %slice3A_4048[0] : i32 from vector<1xi32>
    %slice3A_4050 = vector.extract_strided_slice %add3A_3852 {offsets = [11], sizes = [1], strides = [1]} : vector<16xi32> to vector<1xi32>
    %squeeze3A_4051 = vector.extract %slice3A_4050[0] : i32 from vector<1xi32>
    %broadcast_in_dim3A_4052 = vector.broadcast %squeeze3A_4049 : i32 to vector<16xi32>
    %broadcast_in_dim3A_4053 = vector.broadcast %squeeze3A_4051 : i32 to vector<16xi32>
    %select_n3A_4054 = arith.select %eq3A_56, %broadcast_in_dim3A_4052, %broadcast_in_dim3A_4053 : vector<16xi1>, vector<16xi32>
    %slice3A_4055 = vector.extract_strided_slice %add3A_3869 {offsets = [11], sizes = [1], strides = [1]} : vector<16xi32> to vector<1xi32>
    %squeeze3A_4056 = vector.extract %slice3A_4055[0] : i32 from vector<1xi32>
    %slice3A_4057 = vector.extract_strided_slice %add3A_3886 {offsets = [11], sizes = [1], strides = [1]} : vector<16xi32> to vector<1xi32>
    %squeeze3A_4058 = vector.extract %slice3A_4057[0] : i32 from vector<1xi32>
    %broadcast_in_dim3A_4059 = vector.broadcast %squeeze3A_4056 : i32 to vector<16xi32>
    %broadcast_in_dim3A_4060 = vector.broadcast %squeeze3A_4058 : i32 to vector<16xi32>
    %select_n3A_4061 = arith.select %eq3A_56, %broadcast_in_dim3A_4059, %broadcast_in_dim3A_4060 : vector<16xi1>, vector<16xi32>
    %select_n3A_4062 = arith.select %eq3A_62, %select_n3A_4054, %select_n3A_4061 : vector<16xi1>, vector<16xi32>
    %mul3A_4063 = arith.constant 8 : i32
    %mul3A_4064 = vector.broadcast %mul3A_4063 : i32 to vector<16xi32>
    %mul3A_4065 = arith.muli %shift_right_arithmetic3A_70, %mul3A_4064 : vector<16xi32>
    %add3A_4066 = arith.addi %select_n3A_4062, %mul3A_4065 : vector<16xi32>
    %swap3A_4067 = arith.constant 112 : index
    %swap3A_4068 = tpu.vector_load %arg16[%swap3A_4067] {strides = array<i32>} : memref<128xi32, #tpu.memory_space<vmem>>, vector<16xi32>,
    %swap3A_4069 = vector.shape_cast %swap3A_4068 : vector<16xi32> to vector<16xi32>
    %swap3A_4070 = vector.shape_cast %add3A_4066 : vector<16xi32> to vector<16xi32>
    tpu.vector_store %arg16[%swap3A_4067], %swap3A_4070 {strides = array<i32>} : memref<128xi32, #tpu.memory_space<vmem>>, vector<16xi32>,
    %add3A_4071 = arith.constant 32 : i32
    %add3A_4072 = arith.addi %add3A_50, %add3A_4071 : i32
    %mul3A_4073 = arith.constant 32 : i32
    %mul3A_4074 = arith.muli %add3A_4072, %mul3A_4073 : i32
    %multiple_of3A_4075 = tpu.assume_multiple %mul3A_4074, 32 : i32
    %dma_wait3A_4076 = arith.constant 0 : i32
    %dma_wait3A_4077 = tpu.memref_slice %arg5[%multiple_of3A_4075, %dma_wait3A_4076] : memref<68736x128xf32, #tpu.memory_space<hbm>> -> memref<128x128xf32, #tpu.memory_space<hbm>>
    %dma_wait3A_4078 = arith.constant 0 : i32
    %dma_wait3A_4079 = tpu.memref_slice %arg5[%multiple_of3A_4075, %dma_wait3A_4078] : memref<68736x128xf32, #tpu.memory_space<hbm>> -> memref<128x128xf32, #tpu.memory_space<hbm>>
    tpu.wait_dma2 semaphore(%arg29 : memref<!tpu.dma_semaphore, #tpu.memory_space<semaphore_mem>>) src(%arg9 : memref<128x128xf32, #tpu.memory_space<vmem>>) dst(%dma_wait3A_4079 : memref<128x128xf32, #tpu.memory_space<hbm>>)
    %dma_start3A_4080 = arith.constant 0 : i32
    %dma_start3A_4081 = arith.constant 0 : i32
    %dma_start3A_4082 = tpu.memref_slice %arg3[%dma_start3A_4080, %dma_start3A_4081] : memref<800000x128xf32, #tpu.memory_space<hbm>> -> memref<800000x128xf32, #tpu.memory_space<hbm>>
    tpu.enqueue_indirect_dma source(%dma_start3A_4082 : memref<800000x128xf32, #tpu.memory_space<hbm>>) target(%arg9 : memref<128x128xf32, #tpu.memory_space<vmem>>) offsets(%arg16 : memref<128xi32, #tpu.memory_space<vmem>>) semaphore(%arg23 : memref<!tpu.dma_semaphore, #tpu.memory_space<semaphore_mem>>)
    %dma_wait3A_4083 = arith.constant 0 : i32
    %dma_wait3A_4084 = arith.constant 0 : i32
    %dma_wait3A_4085 = tpu.memref_slice %arg3[%dma_wait3A_4083, %dma_wait3A_4084] : memref<800000x128xf32, #tpu.memory_space<hbm>> -> memref<800000x128xf32, #tpu.memory_space<hbm>>
    tpu.wait_indirect_dma semaphore(%arg24 : memref<!tpu.dma_semaphore, #tpu.memory_space<semaphore_mem>>) src(%dma_wait3A_4085 : memref<800000x128xf32, #tpu.memory_space<hbm>>) dst(%arg10 : memref<128x128xf32, #tpu.memory_space<vmem>>)
    %add3A_4086 = arith.constant 36 : i32
    %add3A_4087 = arith.addi %add3A_50, %add3A_4086 : i32
    %mul3A_4088 = arith.constant 32 : i32
    %mul3A_4089 = arith.muli %add3A_4087, %mul3A_4088 : i32
    %multiple_of3A_4090 = tpu.assume_multiple %mul3A_4089, 32 : i32
    %dma_start3A_4091 = arith.constant 0 : i32
    %dma_start3A_4092 = tpu.memref_slice %arg5[%multiple_of3A_4090, %dma_start3A_4091] : memref<68736x128xf32, #tpu.memory_space<hbm>> -> memref<128x128xf32, #tpu.memory_space<hbm>>
    %dma_start3A_4093 = arith.constant 0 : i32
    %dma_start3A_4094 = tpu.memref_slice %arg5[%multiple_of3A_4090, %dma_start3A_4093] : memref<68736x128xf32, #tpu.memory_space<hbm>> -> memref<128x128xf32, #tpu.memory_space<hbm>>
    tpu.enqueue_dma source(%arg10 : memref<128x128xf32, #tpu.memory_space<vmem>>) target(%dma_start3A_4094 : memref<128x128xf32, #tpu.memory_space<hbm>>) target_semaphore(%arg30 : memref<!tpu.dma_semaphore, #tpu.memory_space<semaphore_mem>>)
    %add3A_4095 = arith.constant 48 : i32
    %add3A_4096 = arith.addi %mul3A_46, %add3A_4095 : i32
    %get3A_4097 = arith.constant 0 : i32
    %get3A_4098 = arith.index_cast %get3A_4097 : i32 to index
    %get3A_4099 = arith.index_cast %add3A_4096 : i32 to index
    %get3A_4100 = tpu.vector_load %arg6[%get3A_4098, %get3A_4099] {strides = array<i32>} : memref<16x128xi32, #tpu.memory_space<vmem>>, vector<1x16xi32>,
    %get3A_4101 = vector.shape_cast %get3A_4100 : vector<1x16xi32> to vector<16xi32>
    %shift_right_arithmetic3A_4102 = arith.constant 3 : i32
    %shift_right_arithmetic3A_4103 = vector.broadcast %shift_right_arithmetic3A_4102 : i32 to vector<16xi32>
    %shift_right_arithmetic3A_4104 = arith.shrsi %get3A_4101, %shift_right_arithmetic3A_4103 : vector<16xi32>
    %shift_left3A_4105 = arith.constant 6 : i32
    %shift_left3A_4106 = vector.broadcast %shift_left3A_4105 : i32 to vector<16xi32>
    %shift_left3A_4107 = arith.shli %shift_right_arithmetic3A_4104, %shift_left3A_4106 : vector<16xi32>
    %and3A_4108 = arith.constant 7 : i32
    %and3A_4109 = vector.broadcast %and3A_4108 : i32 to vector<16xi32>
    %and3A_4110 = arith.andi %get3A_4101, %and3A_4109 : vector<16xi32>
    %add3A_4111 = arith.addi %shift_left3A_4107, %and3A_4110 : vector<16xi32>
    %add3A_4112 = arith.constant 48 : i32
    %add3A_4113 = arith.addi %mul3A_46, %add3A_4112 : i32
    %get3A_4114 = arith.constant 1 : i32
    %get3A_4115 = arith.index_cast %get3A_4114 : i32 to index
    %get3A_4116 = arith.index_cast %add3A_4113 : i32 to index
    %get3A_4117 = tpu.vector_load %arg6[%get3A_4115, %get3A_4116] {strides = array<i32>} : memref<16x128xi32, #tpu.memory_space<vmem>>, vector<1x16xi32>,
    %get3A_4118 = vector.shape_cast %get3A_4117 : vector<1x16xi32> to vector<16xi32>
    %shift_right_arithmetic3A_4119 = arith.constant 3 : i32
    %shift_right_arithmetic3A_4120 = vector.broadcast %shift_right_arithmetic3A_4119 : i32 to vector<16xi32>
    %shift_right_arithmetic3A_4121 = arith.shrsi %get3A_4118, %shift_right_arithmetic3A_4120 : vector<16xi32>
    %shift_left3A_4122 = arith.constant 6 : i32
    %shift_left3A_4123 = vector.broadcast %shift_left3A_4122 : i32 to vector<16xi32>
    %shift_left3A_4124 = arith.shli %shift_right_arithmetic3A_4121, %shift_left3A_4123 : vector<16xi32>
    %and3A_4125 = arith.constant 7 : i32
    %and3A_4126 = vector.broadcast %and3A_4125 : i32 to vector<16xi32>
    %and3A_4127 = arith.andi %get3A_4118, %and3A_4126 : vector<16xi32>
    %add3A_4128 = arith.addi %shift_left3A_4124, %and3A_4127 : vector<16xi32>
    %add3A_4129 = arith.constant 48 : i32
    %add3A_4130 = arith.addi %mul3A_46, %add3A_4129 : i32
    %get3A_4131 = arith.constant 2 : i32
    %get3A_4132 = arith.index_cast %get3A_4131 : i32 to index
    %get3A_4133 = arith.index_cast %add3A_4130 : i32 to index
    %get3A_4134 = tpu.vector_load %arg6[%get3A_4132, %get3A_4133] {strides = array<i32>} : memref<16x128xi32, #tpu.memory_space<vmem>>, vector<1x16xi32>,
    %get3A_4135 = vector.shape_cast %get3A_4134 : vector<1x16xi32> to vector<16xi32>
    %shift_right_arithmetic3A_4136 = arith.constant 3 : i32
    %shift_right_arithmetic3A_4137 = vector.broadcast %shift_right_arithmetic3A_4136 : i32 to vector<16xi32>
    %shift_right_arithmetic3A_4138 = arith.shrsi %get3A_4135, %shift_right_arithmetic3A_4137 : vector<16xi32>
    %shift_left3A_4139 = arith.constant 6 : i32
    %shift_left3A_4140 = vector.broadcast %shift_left3A_4139 : i32 to vector<16xi32>
    %shift_left3A_4141 = arith.shli %shift_right_arithmetic3A_4138, %shift_left3A_4140 : vector<16xi32>
    %and3A_4142 = arith.constant 7 : i32
    %and3A_4143 = vector.broadcast %and3A_4142 : i32 to vector<16xi32>
    %and3A_4144 = arith.andi %get3A_4135, %and3A_4143 : vector<16xi32>
    %add3A_4145 = arith.addi %shift_left3A_4141, %and3A_4144 : vector<16xi32>
    %add3A_4146 = arith.constant 48 : i32
    %add3A_4147 = arith.addi %mul3A_46, %add3A_4146 : i32
    %get3A_4148 = arith.constant 3 : i32
    %get3A_4149 = arith.index_cast %get3A_4148 : i32 to index
    %get3A_4150 = arith.index_cast %add3A_4147 : i32 to index
    %get3A_4151 = tpu.vector_load %arg6[%get3A_4149, %get3A_4150] {strides = array<i32>} : memref<16x128xi32, #tpu.memory_space<vmem>>, vector<1x16xi32>,
    %get3A_4152 = vector.shape_cast %get3A_4151 : vector<1x16xi32> to vector<16xi32>
    %shift_right_arithmetic3A_4153 = arith.constant 3 : i32
    %shift_right_arithmetic3A_4154 = vector.broadcast %shift_right_arithmetic3A_4153 : i32 to vector<16xi32>
    %shift_right_arithmetic3A_4155 = arith.shrsi %get3A_4152, %shift_right_arithmetic3A_4154 : vector<16xi32>
    %shift_left3A_4156 = arith.constant 6 : i32
    %shift_left3A_4157 = vector.broadcast %shift_left3A_4156 : i32 to vector<16xi32>
    %shift_left3A_4158 = arith.shli %shift_right_arithmetic3A_4155, %shift_left3A_4157 : vector<16xi32>
    %and3A_4159 = arith.constant 7 : i32
    %and3A_4160 = vector.broadcast %and3A_4159 : i32 to vector<16xi32>
    %and3A_4161 = arith.andi %get3A_4152, %and3A_4160 : vector<16xi32>
    %add3A_4162 = arith.addi %shift_left3A_4158, %and3A_4161 : vector<16xi32>
    %slice3A_4163 = vector.extract_strided_slice %add3A_4111 {offsets = [12], sizes = [1], strides = [1]} : vector<16xi32> to vector<1xi32>
    %squeeze3A_4164 = vector.extract %slice3A_4163[0] : i32 from vector<1xi32>
    %slice3A_4165 = vector.extract_strided_slice %add3A_4128 {offsets = [12], sizes = [1], strides = [1]} : vector<16xi32> to vector<1xi32>
    %squeeze3A_4166 = vector.extract %slice3A_4165[0] : i32 from vector<1xi32>
    %broadcast_in_dim3A_4167 = vector.broadcast %squeeze3A_4164 : i32 to vector<16xi32>
    %broadcast_in_dim3A_4168 = vector.broadcast %squeeze3A_4166 : i32 to vector<16xi32>
    %select_n3A_4169 = arith.select %eq3A_56, %broadcast_in_dim3A_4167, %broadcast_in_dim3A_4168 : vector<16xi1>, vector<16xi32>
    %slice3A_4170 = vector.extract_strided_slice %add3A_4145 {offsets = [12], sizes = [1], strides = [1]} : vector<16xi32> to vector<1xi32>
    %squeeze3A_4171 = vector.extract %slice3A_4170[0] : i32 from vector<1xi32>
    %slice3A_4172 = vector.extract_strided_slice %add3A_4162 {offsets = [12], sizes = [1], strides = [1]} : vector<16xi32> to vector<1xi32>
    %squeeze3A_4173 = vector.extract %slice3A_4172[0] : i32 from vector<1xi32>
    %broadcast_in_dim3A_4174 = vector.broadcast %squeeze3A_4171 : i32 to vector<16xi32>
    %broadcast_in_dim3A_4175 = vector.broadcast %squeeze3A_4173 : i32 to vector<16xi32>
    %select_n3A_4176 = arith.select %eq3A_56, %broadcast_in_dim3A_4174, %broadcast_in_dim3A_4175 : vector<16xi1>, vector<16xi32>
    %select_n3A_4177 = arith.select %eq3A_62, %select_n3A_4169, %select_n3A_4176 : vector<16xi1>, vector<16xi32>
    %mul3A_4178 = arith.constant 8 : i32
    %mul3A_4179 = vector.broadcast %mul3A_4178 : i32 to vector<16xi32>
    %mul3A_4180 = arith.muli %shift_right_arithmetic3A_64, %mul3A_4179 : vector<16xi32>
    %add3A_4181 = arith.addi %select_n3A_4177, %mul3A_4180 : vector<16xi32>
    %swap3A_4182 = arith.constant 0 : index
    %swap3A_4183 = tpu.vector_load %arg17[%swap3A_4182] {strides = array<i32>} : memref<128xi32, #tpu.memory_space<vmem>>, vector<16xi32>,
    %swap3A_4184 = vector.shape_cast %swap3A_4183 : vector<16xi32> to vector<16xi32>
    %swap3A_4185 = vector.shape_cast %add3A_4181 : vector<16xi32> to vector<16xi32>
    tpu.vector_store %arg17[%swap3A_4182], %swap3A_4185 {strides = array<i32>} : memref<128xi32, #tpu.memory_space<vmem>>, vector<16xi32>,
    %slice3A_4186 = vector.extract_strided_slice %add3A_4111 {offsets = [12], sizes = [1], strides = [1]} : vector<16xi32> to vector<1xi32>
    %squeeze3A_4187 = vector.extract %slice3A_4186[0] : i32 from vector<1xi32>
    %slice3A_4188 = vector.extract_strided_slice %add3A_4128 {offsets = [12], sizes = [1], strides = [1]} : vector<16xi32> to vector<1xi32>
    %squeeze3A_4189 = vector.extract %slice3A_4188[0] : i32 from vector<1xi32>
    %broadcast_in_dim3A_4190 = vector.broadcast %squeeze3A_4187 : i32 to vector<16xi32>
    %broadcast_in_dim3A_4191 = vector.broadcast %squeeze3A_4189 : i32 to vector<16xi32>
    %select_n3A_4192 = arith.select %eq3A_56, %broadcast_in_dim3A_4190, %broadcast_in_dim3A_4191 : vector<16xi1>, vector<16xi32>
    %slice3A_4193 = vector.extract_strided_slice %add3A_4145 {offsets = [12], sizes = [1], strides = [1]} : vector<16xi32> to vector<1xi32>
    %squeeze3A_4194 = vector.extract %slice3A_4193[0] : i32 from vector<1xi32>
    %slice3A_4195 = vector.extract_strided_slice %add3A_4162 {offsets = [12], sizes = [1], strides = [1]} : vector<16xi32> to vector<1xi32>
    %squeeze3A_4196 = vector.extract %slice3A_4195[0] : i32 from vector<1xi32>
    %broadcast_in_dim3A_4197 = vector.broadcast %squeeze3A_4194 : i32 to vector<16xi32>
    %broadcast_in_dim3A_4198 = vector.broadcast %squeeze3A_4196 : i32 to vector<16xi32>
    %select_n3A_4199 = arith.select %eq3A_56, %broadcast_in_dim3A_4197, %broadcast_in_dim3A_4198 : vector<16xi1>, vector<16xi32>
    %select_n3A_4200 = arith.select %eq3A_62, %select_n3A_4192, %select_n3A_4199 : vector<16xi1>, vector<16xi32>
    %mul3A_4201 = arith.constant 8 : i32
    %mul3A_4202 = vector.broadcast %mul3A_4201 : i32 to vector<16xi32>
    %mul3A_4203 = arith.muli %shift_right_arithmetic3A_70, %mul3A_4202 : vector<16xi32>
    %add3A_4204 = arith.addi %select_n3A_4200, %mul3A_4203 : vector<16xi32>
    %swap3A_4205 = arith.constant 16 : index
    %swap3A_4206 = tpu.vector_load %arg17[%swap3A_4205] {strides = array<i32>} : memref<128xi32, #tpu.memory_space<vmem>>, vector<16xi32>,
    %swap3A_4207 = vector.shape_cast %swap3A_4206 : vector<16xi32> to vector<16xi32>
    %swap3A_4208 = vector.shape_cast %add3A_4204 : vector<16xi32> to vector<16xi32>
    tpu.vector_store %arg17[%swap3A_4205], %swap3A_4208 {strides = array<i32>} : memref<128xi32, #tpu.memory_space<vmem>>, vector<16xi32>,
    %slice3A_4209 = vector.extract_strided_slice %add3A_4111 {offsets = [13], sizes = [1], strides = [1]} : vector<16xi32> to vector<1xi32>
    %squeeze3A_4210 = vector.extract %slice3A_4209[0] : i32 from vector<1xi32>
    %slice3A_4211 = vector.extract_strided_slice %add3A_4128 {offsets = [13], sizes = [1], strides = [1]} : vector<16xi32> to vector<1xi32>
    %squeeze3A_4212 = vector.extract %slice3A_4211[0] : i32 from vector<1xi32>
    %broadcast_in_dim3A_4213 = vector.broadcast %squeeze3A_4210 : i32 to vector<16xi32>
    %broadcast_in_dim3A_4214 = vector.broadcast %squeeze3A_4212 : i32 to vector<16xi32>
    %select_n3A_4215 = arith.select %eq3A_56, %broadcast_in_dim3A_4213, %broadcast_in_dim3A_4214 : vector<16xi1>, vector<16xi32>
    %slice3A_4216 = vector.extract_strided_slice %add3A_4145 {offsets = [13], sizes = [1], strides = [1]} : vector<16xi32> to vector<1xi32>
    %squeeze3A_4217 = vector.extract %slice3A_4216[0] : i32 from vector<1xi32>
    %slice3A_4218 = vector.extract_strided_slice %add3A_4162 {offsets = [13], sizes = [1], strides = [1]} : vector<16xi32> to vector<1xi32>
    %squeeze3A_4219 = vector.extract %slice3A_4218[0] : i32 from vector<1xi32>
    %broadcast_in_dim3A_4220 = vector.broadcast %squeeze3A_4217 : i32 to vector<16xi32>
    %broadcast_in_dim3A_4221 = vector.broadcast %squeeze3A_4219 : i32 to vector<16xi32>
    %select_n3A_4222 = arith.select %eq3A_56, %broadcast_in_dim3A_4220, %broadcast_in_dim3A_4221 : vector<16xi1>, vector<16xi32>
    %select_n3A_4223 = arith.select %eq3A_62, %select_n3A_4215, %select_n3A_4222 : vector<16xi1>, vector<16xi32>
    %mul3A_4224 = arith.constant 8 : i32
    %mul3A_4225 = vector.broadcast %mul3A_4224 : i32 to vector<16xi32>
    %mul3A_4226 = arith.muli %shift_right_arithmetic3A_64, %mul3A_4225 : vector<16xi32>
    %add3A_4227 = arith.addi %select_n3A_4223, %mul3A_4226 : vector<16xi32>
    %swap3A_4228 = arith.constant 32 : index
    %swap3A_4229 = tpu.vector_load %arg17[%swap3A_4228] {strides = array<i32>} : memref<128xi32, #tpu.memory_space<vmem>>, vector<16xi32>,
    %swap3A_4230 = vector.shape_cast %swap3A_4229 : vector<16xi32> to vector<16xi32>
    %swap3A_4231 = vector.shape_cast %add3A_4227 : vector<16xi32> to vector<16xi32>
    tpu.vector_store %arg17[%swap3A_4228], %swap3A_4231 {strides = array<i32>} : memref<128xi32, #tpu.memory_space<vmem>>, vector<16xi32>,
    %slice3A_4232 = vector.extract_strided_slice %add3A_4111 {offsets = [13], sizes = [1], strides = [1]} : vector<16xi32> to vector<1xi32>
    %squeeze3A_4233 = vector.extract %slice3A_4232[0] : i32 from vector<1xi32>
    %slice3A_4234 = vector.extract_strided_slice %add3A_4128 {offsets = [13], sizes = [1], strides = [1]} : vector<16xi32> to vector<1xi32>
    %squeeze3A_4235 = vector.extract %slice3A_4234[0] : i32 from vector<1xi32>
    %broadcast_in_dim3A_4236 = vector.broadcast %squeeze3A_4233 : i32 to vector<16xi32>
    %broadcast_in_dim3A_4237 = vector.broadcast %squeeze3A_4235 : i32 to vector<16xi32>
    %select_n3A_4238 = arith.select %eq3A_56, %broadcast_in_dim3A_4236, %broadcast_in_dim3A_4237 : vector<16xi1>, vector<16xi32>
    %slice3A_4239 = vector.extract_strided_slice %add3A_4145 {offsets = [13], sizes = [1], strides = [1]} : vector<16xi32> to vector<1xi32>
    %squeeze3A_4240 = vector.extract %slice3A_4239[0] : i32 from vector<1xi32>
    %slice3A_4241 = vector.extract_strided_slice %add3A_4162 {offsets = [13], sizes = [1], strides = [1]} : vector<16xi32> to vector<1xi32>
    %squeeze3A_4242 = vector.extract %slice3A_4241[0] : i32 from vector<1xi32>
    %broadcast_in_dim3A_4243 = vector.broadcast %squeeze3A_4240 : i32 to vector<16xi32>
    %broadcast_in_dim3A_4244 = vector.broadcast %squeeze3A_4242 : i32 to vector<16xi32>
    %select_n3A_4245 = arith.select %eq3A_56, %broadcast_in_dim3A_4243, %broadcast_in_dim3A_4244 : vector<16xi1>, vector<16xi32>
    %select_n3A_4246 = arith.select %eq3A_62, %select_n3A_4238, %select_n3A_4245 : vector<16xi1>, vector<16xi32>
    %mul3A_4247 = arith.constant 8 : i32
    %mul3A_4248 = vector.broadcast %mul3A_4247 : i32 to vector<16xi32>
    %mul3A_4249 = arith.muli %shift_right_arithmetic3A_70, %mul3A_4248 : vector<16xi32>
    %add3A_4250 = arith.addi %select_n3A_4246, %mul3A_4249 : vector<16xi32>
    %swap3A_4251 = arith.constant 48 : index
    %swap3A_4252 = tpu.vector_load %arg17[%swap3A_4251] {strides = array<i32>} : memref<128xi32, #tpu.memory_space<vmem>>, vector<16xi32>,
    %swap3A_4253 = vector.shape_cast %swap3A_4252 : vector<16xi32> to vector<16xi32>
    %swap3A_4254 = vector.shape_cast %add3A_4250 : vector<16xi32> to vector<16xi32>
    tpu.vector_store %arg17[%swap3A_4251], %swap3A_4254 {strides = array<i32>} : memref<128xi32, #tpu.memory_space<vmem>>, vector<16xi32>,
    %slice3A_4255 = vector.extract_strided_slice %add3A_4111 {offsets = [14], sizes = [1], strides = [1]} : vector<16xi32> to vector<1xi32>
    %squeeze3A_4256 = vector.extract %slice3A_4255[0] : i32 from vector<1xi32>
    %slice3A_4257 = vector.extract_strided_slice %add3A_4128 {offsets = [14], sizes = [1], strides = [1]} : vector<16xi32> to vector<1xi32>
    %squeeze3A_4258 = vector.extract %slice3A_4257[0] : i32 from vector<1xi32>
    %broadcast_in_dim3A_4259 = vector.broadcast %squeeze3A_4256 : i32 to vector<16xi32>
    %broadcast_in_dim3A_4260 = vector.broadcast %squeeze3A_4258 : i32 to vector<16xi32>
    %select_n3A_4261 = arith.select %eq3A_56, %broadcast_in_dim3A_4259, %broadcast_in_dim3A_4260 : vector<16xi1>, vector<16xi32>
    %slice3A_4262 = vector.extract_strided_slice %add3A_4145 {offsets = [14], sizes = [1], strides = [1]} : vector<16xi32> to vector<1xi32>
    %squeeze3A_4263 = vector.extract %slice3A_4262[0] : i32 from vector<1xi32>
    %slice3A_4264 = vector.extract_strided_slice %add3A_4162 {offsets = [14], sizes = [1], strides = [1]} : vector<16xi32> to vector<1xi32>
    %squeeze3A_4265 = vector.extract %slice3A_4264[0] : i32 from vector<1xi32>
    %broadcast_in_dim3A_4266 = vector.broadcast %squeeze3A_4263 : i32 to vector<16xi32>
    %broadcast_in_dim3A_4267 = vector.broadcast %squeeze3A_4265 : i32 to vector<16xi32>
    %select_n3A_4268 = arith.select %eq3A_56, %broadcast_in_dim3A_4266, %broadcast_in_dim3A_4267 : vector<16xi1>, vector<16xi32>
    %select_n3A_4269 = arith.select %eq3A_62, %select_n3A_4261, %select_n3A_4268 : vector<16xi1>, vector<16xi32>
    %mul3A_4270 = arith.constant 8 : i32
    %mul3A_4271 = vector.broadcast %mul3A_4270 : i32 to vector<16xi32>
    %mul3A_4272 = arith.muli %shift_right_arithmetic3A_64, %mul3A_4271 : vector<16xi32>
    %add3A_4273 = arith.addi %select_n3A_4269, %mul3A_4272 : vector<16xi32>
    %swap3A_4274 = arith.constant 64 : index
    %swap3A_4275 = tpu.vector_load %arg17[%swap3A_4274] {strides = array<i32>} : memref<128xi32, #tpu.memory_space<vmem>>, vector<16xi32>,
    %swap3A_4276 = vector.shape_cast %swap3A_4275 : vector<16xi32> to vector<16xi32>
    %swap3A_4277 = vector.shape_cast %add3A_4273 : vector<16xi32> to vector<16xi32>
    tpu.vector_store %arg17[%swap3A_4274], %swap3A_4277 {strides = array<i32>} : memref<128xi32, #tpu.memory_space<vmem>>, vector<16xi32>,
    %slice3A_4278 = vector.extract_strided_slice %add3A_4111 {offsets = [14], sizes = [1], strides = [1]} : vector<16xi32> to vector<1xi32>
    %squeeze3A_4279 = vector.extract %slice3A_4278[0] : i32 from vector<1xi32>
    %slice3A_4280 = vector.extract_strided_slice %add3A_4128 {offsets = [14], sizes = [1], strides = [1]} : vector<16xi32> to vector<1xi32>
    %squeeze3A_4281 = vector.extract %slice3A_4280[0] : i32 from vector<1xi32>
    %broadcast_in_dim3A_4282 = vector.broadcast %squeeze3A_4279 : i32 to vector<16xi32>
    %broadcast_in_dim3A_4283 = vector.broadcast %squeeze3A_4281 : i32 to vector<16xi32>
    %select_n3A_4284 = arith.select %eq3A_56, %broadcast_in_dim3A_4282, %broadcast_in_dim3A_4283 : vector<16xi1>, vector<16xi32>
    %slice3A_4285 = vector.extract_strided_slice %add3A_4145 {offsets = [14], sizes = [1], strides = [1]} : vector<16xi32> to vector<1xi32>
    %squeeze3A_4286 = vector.extract %slice3A_4285[0] : i32 from vector<1xi32>
    %slice3A_4287 = vector.extract_strided_slice %add3A_4162 {offsets = [14], sizes = [1], strides = [1]} : vector<16xi32> to vector<1xi32>
    %squeeze3A_4288 = vector.extract %slice3A_4287[0] : i32 from vector<1xi32>
    %broadcast_in_dim3A_4289 = vector.broadcast %squeeze3A_4286 : i32 to vector<16xi32>
    %broadcast_in_dim3A_4290 = vector.broadcast %squeeze3A_4288 : i32 to vector<16xi32>
    %select_n3A_4291 = arith.select %eq3A_56, %broadcast_in_dim3A_4289, %broadcast_in_dim3A_4290 : vector<16xi1>, vector<16xi32>
    %select_n3A_4292 = arith.select %eq3A_62, %select_n3A_4284, %select_n3A_4291 : vector<16xi1>, vector<16xi32>
    %mul3A_4293 = arith.constant 8 : i32
    %mul3A_4294 = vector.broadcast %mul3A_4293 : i32 to vector<16xi32>
    %mul3A_4295 = arith.muli %shift_right_arithmetic3A_70, %mul3A_4294 : vector<16xi32>
    %add3A_4296 = arith.addi %select_n3A_4292, %mul3A_4295 : vector<16xi32>
    %swap3A_4297 = arith.constant 80 : index
    %swap3A_4298 = tpu.vector_load %arg17[%swap3A_4297] {strides = array<i32>} : memref<128xi32, #tpu.memory_space<vmem>>, vector<16xi32>,
    %swap3A_4299 = vector.shape_cast %swap3A_4298 : vector<16xi32> to vector<16xi32>
    %swap3A_4300 = vector.shape_cast %add3A_4296 : vector<16xi32> to vector<16xi32>
    tpu.vector_store %arg17[%swap3A_4297], %swap3A_4300 {strides = array<i32>} : memref<128xi32, #tpu.memory_space<vmem>>, vector<16xi32>,
    %slice3A_4301 = vector.extract_strided_slice %add3A_4111 {offsets = [15], sizes = [1], strides = [1]} : vector<16xi32> to vector<1xi32>
    %squeeze3A_4302 = vector.extract %slice3A_4301[0] : i32 from vector<1xi32>
    %slice3A_4303 = vector.extract_strided_slice %add3A_4128 {offsets = [15], sizes = [1], strides = [1]} : vector<16xi32> to vector<1xi32>
    %squeeze3A_4304 = vector.extract %slice3A_4303[0] : i32 from vector<1xi32>
    %broadcast_in_dim3A_4305 = vector.broadcast %squeeze3A_4302 : i32 to vector<16xi32>
    %broadcast_in_dim3A_4306 = vector.broadcast %squeeze3A_4304 : i32 to vector<16xi32>
    %select_n3A_4307 = arith.select %eq3A_56, %broadcast_in_dim3A_4305, %broadcast_in_dim3A_4306 : vector<16xi1>, vector<16xi32>
    %slice3A_4308 = vector.extract_strided_slice %add3A_4145 {offsets = [15], sizes = [1], strides = [1]} : vector<16xi32> to vector<1xi32>
    %squeeze3A_4309 = vector.extract %slice3A_4308[0] : i32 from vector<1xi32>
    %slice3A_4310 = vector.extract_strided_slice %add3A_4162 {offsets = [15], sizes = [1], strides = [1]} : vector<16xi32> to vector<1xi32>
    %squeeze3A_4311 = vector.extract %slice3A_4310[0] : i32 from vector<1xi32>
    %broadcast_in_dim3A_4312 = vector.broadcast %squeeze3A_4309 : i32 to vector<16xi32>
    %broadcast_in_dim3A_4313 = vector.broadcast %squeeze3A_4311 : i32 to vector<16xi32>
    %select_n3A_4314 = arith.select %eq3A_56, %broadcast_in_dim3A_4312, %broadcast_in_dim3A_4313 : vector<16xi1>, vector<16xi32>
    %select_n3A_4315 = arith.select %eq3A_62, %select_n3A_4307, %select_n3A_4314 : vector<16xi1>, vector<16xi32>
    %mul3A_4316 = arith.constant 8 : i32
    %mul3A_4317 = vector.broadcast %mul3A_4316 : i32 to vector<16xi32>
    %mul3A_4318 = arith.muli %shift_right_arithmetic3A_64, %mul3A_4317 : vector<16xi32>
    %add3A_4319 = arith.addi %select_n3A_4315, %mul3A_4318 : vector<16xi32>
    %swap3A_4320 = arith.constant 96 : index
    %swap3A_4321 = tpu.vector_load %arg17[%swap3A_4320] {strides = array<i32>} : memref<128xi32, #tpu.memory_space<vmem>>, vector<16xi32>,
    %swap3A_4322 = vector.shape_cast %swap3A_4321 : vector<16xi32> to vector<16xi32>
    %swap3A_4323 = vector.shape_cast %add3A_4319 : vector<16xi32> to vector<16xi32>
    tpu.vector_store %arg17[%swap3A_4320], %swap3A_4323 {strides = array<i32>} : memref<128xi32, #tpu.memory_space<vmem>>, vector<16xi32>,
    %slice3A_4324 = vector.extract_strided_slice %add3A_4111 {offsets = [15], sizes = [1], strides = [1]} : vector<16xi32> to vector<1xi32>
    %squeeze3A_4325 = vector.extract %slice3A_4324[0] : i32 from vector<1xi32>
    %slice3A_4326 = vector.extract_strided_slice %add3A_4128 {offsets = [15], sizes = [1], strides = [1]} : vector<16xi32> to vector<1xi32>
    %squeeze3A_4327 = vector.extract %slice3A_4326[0] : i32 from vector<1xi32>
    %broadcast_in_dim3A_4328 = vector.broadcast %squeeze3A_4325 : i32 to vector<16xi32>
    %broadcast_in_dim3A_4329 = vector.broadcast %squeeze3A_4327 : i32 to vector<16xi32>
    %select_n3A_4330 = arith.select %eq3A_56, %broadcast_in_dim3A_4328, %broadcast_in_dim3A_4329 : vector<16xi1>, vector<16xi32>
    %slice3A_4331 = vector.extract_strided_slice %add3A_4145 {offsets = [15], sizes = [1], strides = [1]} : vector<16xi32> to vector<1xi32>
    %squeeze3A_4332 = vector.extract %slice3A_4331[0] : i32 from vector<1xi32>
    %slice3A_4333 = vector.extract_strided_slice %add3A_4162 {offsets = [15], sizes = [1], strides = [1]} : vector<16xi32> to vector<1xi32>
    %squeeze3A_4334 = vector.extract %slice3A_4333[0] : i32 from vector<1xi32>
    %broadcast_in_dim3A_4335 = vector.broadcast %squeeze3A_4332 : i32 to vector<16xi32>
    %broadcast_in_dim3A_4336 = vector.broadcast %squeeze3A_4334 : i32 to vector<16xi32>
    %select_n3A_4337 = arith.select %eq3A_56, %broadcast_in_dim3A_4335, %broadcast_in_dim3A_4336 : vector<16xi1>, vector<16xi32>
    %select_n3A_4338 = arith.select %eq3A_62, %select_n3A_4330, %select_n3A_4337 : vector<16xi1>, vector<16xi32>
    %mul3A_4339 = arith.constant 8 : i32
    %mul3A_4340 = vector.broadcast %mul3A_4339 : i32 to vector<16xi32>
    %mul3A_4341 = arith.muli %shift_right_arithmetic3A_70, %mul3A_4340 : vector<16xi32>
    %add3A_4342 = arith.addi %select_n3A_4338, %mul3A_4341 : vector<16xi32>
    %swap3A_4343 = arith.constant 112 : index
    %swap3A_4344 = tpu.vector_load %arg17[%swap3A_4343] {strides = array<i32>} : memref<128xi32, #tpu.memory_space<vmem>>, vector<16xi32>,
    %swap3A_4345 = vector.shape_cast %swap3A_4344 : vector<16xi32> to vector<16xi32>
    %swap3A_4346 = vector.shape_cast %add3A_4342 : vector<16xi32> to vector<16xi32>
    tpu.vector_store %arg17[%swap3A_4343], %swap3A_4346 {strides = array<i32>} : memref<128xi32, #tpu.memory_space<vmem>>, vector<16xi32>,
    %add3A_4347 = arith.constant 36 : i32
    %add3A_4348 = arith.addi %add3A_50, %add3A_4347 : i32
    %mul3A_4349 = arith.constant 32 : i32
    %mul3A_4350 = arith.muli %add3A_4348, %mul3A_4349 : i32
    %multiple_of3A_4351 = tpu.assume_multiple %mul3A_4350, 32 : i32
    %dma_wait3A_4352 = arith.constant 0 : i32
    %dma_wait3A_4353 = tpu.memref_slice %arg5[%multiple_of3A_4351, %dma_wait3A_4352] : memref<68736x128xf32, #tpu.memory_space<hbm>> -> memref<128x128xf32, #tpu.memory_space<hbm>>
    %dma_wait3A_4354 = arith.constant 0 : i32
    %dma_wait3A_4355 = tpu.memref_slice %arg5[%multiple_of3A_4351, %dma_wait3A_4354] : memref<68736x128xf32, #tpu.memory_space<hbm>> -> memref<128x128xf32, #tpu.memory_space<hbm>>
    tpu.wait_dma2 semaphore(%arg30 : memref<!tpu.dma_semaphore, #tpu.memory_space<semaphore_mem>>) src(%arg10 : memref<128x128xf32, #tpu.memory_space<vmem>>) dst(%dma_wait3A_4355 : memref<128x128xf32, #tpu.memory_space<hbm>>)
    %dma_start3A_4356 = arith.constant 0 : i32
    %dma_start3A_4357 = arith.constant 0 : i32
    %dma_start3A_4358 = tpu.memref_slice %arg3[%dma_start3A_4356, %dma_start3A_4357] : memref<800000x128xf32, #tpu.memory_space<hbm>> -> memref<800000x128xf32, #tpu.memory_space<hbm>>
    tpu.enqueue_indirect_dma source(%dma_start3A_4358 : memref<800000x128xf32, #tpu.memory_space<hbm>>) target(%arg10 : memref<128x128xf32, #tpu.memory_space<vmem>>) offsets(%arg17 : memref<128xi32, #tpu.memory_space<vmem>>) semaphore(%arg24 : memref<!tpu.dma_semaphore, #tpu.memory_space<semaphore_mem>>)
    %dma_wait3A_4359 = arith.constant 0 : i32
    %dma_wait3A_4360 = arith.constant 0 : i32
    %dma_wait3A_4361 = tpu.memref_slice %arg3[%dma_wait3A_4359, %dma_wait3A_4360] : memref<800000x128xf32, #tpu.memory_space<hbm>> -> memref<800000x128xf32, #tpu.memory_space<hbm>>
    tpu.wait_indirect_dma semaphore(%arg25 : memref<!tpu.dma_semaphore, #tpu.memory_space<semaphore_mem>>) src(%dma_wait3A_4361 : memref<800000x128xf32, #tpu.memory_space<hbm>>) dst(%arg11 : memref<128x128xf32, #tpu.memory_space<vmem>>)
    %add3A_4362 = arith.constant 40 : i32
    %add3A_4363 = arith.addi %add3A_50, %add3A_4362 : i32
    %mul3A_4364 = arith.constant 32 : i32
    %mul3A_4365 = arith.muli %add3A_4363, %mul3A_4364 : i32
    %multiple_of3A_4366 = tpu.assume_multiple %mul3A_4365, 32 : i32
    %dma_start3A_4367 = arith.constant 0 : i32
    %dma_start3A_4368 = tpu.memref_slice %arg5[%multiple_of3A_4366, %dma_start3A_4367] : memref<68736x128xf32, #tpu.memory_space<hbm>> -> memref<128x128xf32, #tpu.memory_space<hbm>>
    %dma_start3A_4369 = arith.constant 0 : i32
    %dma_start3A_4370 = tpu.memref_slice %arg5[%multiple_of3A_4366, %dma_start3A_4369] : memref<68736x128xf32, #tpu.memory_space<hbm>> -> memref<128x128xf32, #tpu.memory_space<hbm>>
    tpu.enqueue_dma source(%arg11 : memref<128x128xf32, #tpu.memory_space<vmem>>) target(%dma_start3A_4370 : memref<128x128xf32, #tpu.memory_space<hbm>>) target_semaphore(%arg31 : memref<!tpu.dma_semaphore, #tpu.memory_space<semaphore_mem>>)
    %dma_wait3A_4371 = arith.constant 0 : i32
    %dma_wait3A_4372 = arith.constant 0 : i32
    %dma_wait3A_4373 = tpu.memref_slice %arg3[%dma_wait3A_4371, %dma_wait3A_4372] : memref<800000x128xf32, #tpu.memory_space<hbm>> -> memref<800000x128xf32, #tpu.memory_space<hbm>>
    tpu.wait_indirect_dma semaphore(%arg26 : memref<!tpu.dma_semaphore, #tpu.memory_space<semaphore_mem>>) src(%dma_wait3A_4373 : memref<800000x128xf32, #tpu.memory_space<hbm>>) dst(%arg12 : memref<128x128xf32, #tpu.memory_space<vmem>>)
    %add3A_4374 = arith.constant 44 : i32
    %add3A_4375 = arith.addi %add3A_50, %add3A_4374 : i32
    %mul3A_4376 = arith.constant 32 : i32
    %mul3A_4377 = arith.muli %add3A_4375, %mul3A_4376 : i32
    %multiple_of3A_4378 = tpu.assume_multiple %mul3A_4377, 32 : i32
    %dma_start3A_4379 = arith.constant 0 : i32
    %dma_start3A_4380 = tpu.memref_slice %arg5[%multiple_of3A_4378, %dma_start3A_4379] : memref<68736x128xf32, #tpu.memory_space<hbm>> -> memref<128x128xf32, #tpu.memory_space<hbm>>
    %dma_start3A_4381 = arith.constant 0 : i32
    %dma_start3A_4382 = tpu.memref_slice %arg5[%multiple_of3A_4378, %dma_start3A_4381] : memref<68736x128xf32, #tpu.memory_space<hbm>> -> memref<128x128xf32, #tpu.memory_space<hbm>>
    tpu.enqueue_dma source(%arg12 : memref<128x128xf32, #tpu.memory_space<vmem>>) target(%dma_start3A_4382 : memref<128x128xf32, #tpu.memory_space<hbm>>) target_semaphore(%arg32 : memref<!tpu.dma_semaphore, #tpu.memory_space<semaphore_mem>>)
    %dma_wait3A_4383 = arith.constant 0 : i32
    %dma_wait3A_4384 = arith.constant 0 : i32
    %dma_wait3A_4385 = tpu.memref_slice %arg3[%dma_wait3A_4383, %dma_wait3A_4384] : memref<800000x128xf32, #tpu.memory_space<hbm>> -> memref<800000x128xf32, #tpu.memory_space<hbm>>
    tpu.wait_indirect_dma semaphore(%arg21 : memref<!tpu.dma_semaphore, #tpu.memory_space<semaphore_mem>>) src(%dma_wait3A_4385 : memref<800000x128xf32, #tpu.memory_space<hbm>>) dst(%arg7 : memref<128x128xf32, #tpu.memory_space<vmem>>)
    %add3A_4386 = arith.constant 48 : i32
    %add3A_4387 = arith.addi %add3A_50, %add3A_4386 : i32
    %mul3A_4388 = arith.constant 32 : i32
    %mul3A_4389 = arith.muli %add3A_4387, %mul3A_4388 : i32
    %multiple_of3A_4390 = tpu.assume_multiple %mul3A_4389, 32 : i32
    %dma_start3A_4391 = arith.constant 0 : i32
    %dma_start3A_4392 = tpu.memref_slice %arg5[%multiple_of3A_4390, %dma_start3A_4391] : memref<68736x128xf32, #tpu.memory_space<hbm>> -> memref<128x128xf32, #tpu.memory_space<hbm>>
    %dma_start3A_4393 = arith.constant 0 : i32
    %dma_start3A_4394 = tpu.memref_slice %arg5[%multiple_of3A_4390, %dma_start3A_4393] : memref<68736x128xf32, #tpu.memory_space<hbm>> -> memref<128x128xf32, #tpu.memory_space<hbm>>
    tpu.enqueue_dma source(%arg7 : memref<128x128xf32, #tpu.memory_space<vmem>>) target(%dma_start3A_4394 : memref<128x128xf32, #tpu.memory_space<hbm>>) target_semaphore(%arg27 : memref<!tpu.dma_semaphore, #tpu.memory_space<semaphore_mem>>)
    %dma_wait3A_4395 = arith.constant 0 : i32
    %dma_wait3A_4396 = arith.constant 0 : i32
    %dma_wait3A_4397 = tpu.memref_slice %arg3[%dma_wait3A_4395, %dma_wait3A_4396] : memref<800000x128xf32, #tpu.memory_space<hbm>> -> memref<800000x128xf32, #tpu.memory_space<hbm>>
    tpu.wait_indirect_dma semaphore(%arg22 : memref<!tpu.dma_semaphore, #tpu.memory_space<semaphore_mem>>) src(%dma_wait3A_4397 : memref<800000x128xf32, #tpu.memory_space<hbm>>) dst(%arg8 : memref<128x128xf32, #tpu.memory_space<vmem>>)
    %add3A_4398 = arith.constant 52 : i32
    %add3A_4399 = arith.addi %add3A_50, %add3A_4398 : i32
    %mul3A_4400 = arith.constant 32 : i32
    %mul3A_4401 = arith.muli %add3A_4399, %mul3A_4400 : i32
    %multiple_of3A_4402 = tpu.assume_multiple %mul3A_4401, 32 : i32
    %dma_start3A_4403 = arith.constant 0 : i32
    %dma_start3A_4404 = tpu.memref_slice %arg5[%multiple_of3A_4402, %dma_start3A_4403] : memref<68736x128xf32, #tpu.memory_space<hbm>> -> memref<128x128xf32, #tpu.memory_space<hbm>>
    %dma_start3A_4405 = arith.constant 0 : i32
    %dma_start3A_4406 = tpu.memref_slice %arg5[%multiple_of3A_4402, %dma_start3A_4405] : memref<68736x128xf32, #tpu.memory_space<hbm>> -> memref<128x128xf32, #tpu.memory_space<hbm>>
    tpu.enqueue_dma source(%arg8 : memref<128x128xf32, #tpu.memory_space<vmem>>) target(%dma_start3A_4406 : memref<128x128xf32, #tpu.memory_space<hbm>>) target_semaphore(%arg28 : memref<!tpu.dma_semaphore, #tpu.memory_space<semaphore_mem>>)
    %dma_wait3A_4407 = arith.constant 0 : i32
    %dma_wait3A_4408 = arith.constant 0 : i32
    %dma_wait3A_4409 = tpu.memref_slice %arg3[%dma_wait3A_4407, %dma_wait3A_4408] : memref<800000x128xf32, #tpu.memory_space<hbm>> -> memref<800000x128xf32, #tpu.memory_space<hbm>>
    tpu.wait_indirect_dma semaphore(%arg23 : memref<!tpu.dma_semaphore, #tpu.memory_space<semaphore_mem>>) src(%dma_wait3A_4409 : memref<800000x128xf32, #tpu.memory_space<hbm>>) dst(%arg9 : memref<128x128xf32, #tpu.memory_space<vmem>>)
    %add3A_4410 = arith.constant 56 : i32
    %add3A_4411 = arith.addi %add3A_50, %add3A_4410 : i32
    %mul3A_4412 = arith.constant 32 : i32
    %mul3A_4413 = arith.muli %add3A_4411, %mul3A_4412 : i32
    %multiple_of3A_4414 = tpu.assume_multiple %mul3A_4413, 32 : i32
    %dma_start3A_4415 = arith.constant 0 : i32
    %dma_start3A_4416 = tpu.memref_slice %arg5[%multiple_of3A_4414, %dma_start3A_4415] : memref<68736x128xf32, #tpu.memory_space<hbm>> -> memref<128x128xf32, #tpu.memory_space<hbm>>
    %dma_start3A_4417 = arith.constant 0 : i32
    %dma_start3A_4418 = tpu.memref_slice %arg5[%multiple_of3A_4414, %dma_start3A_4417] : memref<68736x128xf32, #tpu.memory_space<hbm>> -> memref<128x128xf32, #tpu.memory_space<hbm>>
    tpu.enqueue_dma source(%arg9 : memref<128x128xf32, #tpu.memory_space<vmem>>) target(%dma_start3A_4418 : memref<128x128xf32, #tpu.memory_space<hbm>>) target_semaphore(%arg29 : memref<!tpu.dma_semaphore, #tpu.memory_space<semaphore_mem>>)
    %dma_wait3A_4419 = arith.constant 0 : i32
    %dma_wait3A_4420 = arith.constant 0 : i32
    %dma_wait3A_4421 = tpu.memref_slice %arg3[%dma_wait3A_4419, %dma_wait3A_4420] : memref<800000x128xf32, #tpu.memory_space<hbm>> -> memref<800000x128xf32, #tpu.memory_space<hbm>>
    tpu.wait_indirect_dma semaphore(%arg24 : memref<!tpu.dma_semaphore, #tpu.memory_space<semaphore_mem>>) src(%dma_wait3A_4421 : memref<800000x128xf32, #tpu.memory_space<hbm>>) dst(%arg10 : memref<128x128xf32, #tpu.memory_space<vmem>>)
    %add3A_4422 = arith.constant 60 : i32
    %add3A_4423 = arith.addi %add3A_50, %add3A_4422 : i32
    %mul3A_4424 = arith.constant 32 : i32
    %mul3A_4425 = arith.muli %add3A_4423, %mul3A_4424 : i32
    %multiple_of3A_4426 = tpu.assume_multiple %mul3A_4425, 32 : i32
    %dma_start3A_4427 = arith.constant 0 : i32
    %dma_start3A_4428 = tpu.memref_slice %arg5[%multiple_of3A_4426, %dma_start3A_4427] : memref<68736x128xf32, #tpu.memory_space<hbm>> -> memref<128x128xf32, #tpu.memory_space<hbm>>
    %dma_start3A_4429 = arith.constant 0 : i32
    %dma_start3A_4430 = tpu.memref_slice %arg5[%multiple_of3A_4426, %dma_start3A_4429] : memref<68736x128xf32, #tpu.memory_space<hbm>> -> memref<128x128xf32, #tpu.memory_space<hbm>>
    tpu.enqueue_dma source(%arg10 : memref<128x128xf32, #tpu.memory_space<vmem>>) target(%dma_start3A_4430 : memref<128x128xf32, #tpu.memory_space<hbm>>) target_semaphore(%arg30 : memref<!tpu.dma_semaphore, #tpu.memory_space<semaphore_mem>>)
    %add3A_4431 = arith.constant 40 : i32
    %add3A_4432 = arith.addi %add3A_50, %add3A_4431 : i32
    %mul3A_4433 = arith.constant 32 : i32
    %mul3A_4434 = arith.muli %add3A_4432, %mul3A_4433 : i32
    %multiple_of3A_4435 = tpu.assume_multiple %mul3A_4434, 32 : i32
    %dma_wait3A_4436 = arith.constant 0 : i32
    %dma_wait3A_4437 = tpu.memref_slice %arg5[%multiple_of3A_4435, %dma_wait3A_4436] : memref<68736x128xf32, #tpu.memory_space<hbm>> -> memref<128x128xf32, #tpu.memory_space<hbm>>
    %dma_wait3A_4438 = arith.constant 0 : i32
    %dma_wait3A_4439 = tpu.memref_slice %arg5[%multiple_of3A_4435, %dma_wait3A_4438] : memref<68736x128xf32, #tpu.memory_space<hbm>> -> memref<128x128xf32, #tpu.memory_space<hbm>>
    tpu.wait_dma2 semaphore(%arg31 : memref<!tpu.dma_semaphore, #tpu.memory_space<semaphore_mem>>) src(%arg11 : memref<128x128xf32, #tpu.memory_space<vmem>>) dst(%dma_wait3A_4439 : memref<128x128xf32, #tpu.memory_space<hbm>>)
    %add3A_4440 = arith.constant 44 : i32
    %add3A_4441 = arith.addi %add3A_50, %add3A_4440 : i32
    %mul3A_4442 = arith.constant 32 : i32
    %mul3A_4443 = arith.muli %add3A_4441, %mul3A_4442 : i32
    %multiple_of3A_4444 = tpu.assume_multiple %mul3A_4443, 32 : i32
    %dma_wait3A_4445 = arith.constant 0 : i32
    %dma_wait3A_4446 = tpu.memref_slice %arg5[%multiple_of3A_4444, %dma_wait3A_4445] : memref<68736x128xf32, #tpu.memory_space<hbm>> -> memref<128x128xf32, #tpu.memory_space<hbm>>
    %dma_wait3A_4447 = arith.constant 0 : i32
    %dma_wait3A_4448 = tpu.memref_slice %arg5[%multiple_of3A_4444, %dma_wait3A_4447] : memref<68736x128xf32, #tpu.memory_space<hbm>> -> memref<128x128xf32, #tpu.memory_space<hbm>>
    tpu.wait_dma2 semaphore(%arg32 : memref<!tpu.dma_semaphore, #tpu.memory_space<semaphore_mem>>) src(%arg12 : memref<128x128xf32, #tpu.memory_space<vmem>>) dst(%dma_wait3A_4448 : memref<128x128xf32, #tpu.memory_space<hbm>>)
    %add3A_4449 = arith.constant 48 : i32
    %add3A_4450 = arith.addi %add3A_50, %add3A_4449 : i32
    %mul3A_4451 = arith.constant 32 : i32
    %mul3A_4452 = arith.muli %add3A_4450, %mul3A_4451 : i32
    %multiple_of3A_4453 = tpu.assume_multiple %mul3A_4452, 32 : i32
    %dma_wait3A_4454 = arith.constant 0 : i32
    %dma_wait3A_4455 = tpu.memref_slice %arg5[%multiple_of3A_4453, %dma_wait3A_4454] : memref<68736x128xf32, #tpu.memory_space<hbm>> -> memref<128x128xf32, #tpu.memory_space<hbm>>
    %dma_wait3A_4456 = arith.constant 0 : i32
    %dma_wait3A_4457 = tpu.memref_slice %arg5[%multiple_of3A_4453, %dma_wait3A_4456] : memref<68736x128xf32, #tpu.memory_space<hbm>> -> memref<128x128xf32, #tpu.memory_space<hbm>>
    tpu.wait_dma2 semaphore(%arg27 : memref<!tpu.dma_semaphore, #tpu.memory_space<semaphore_mem>>) src(%arg7 : memref<128x128xf32, #tpu.memory_space<vmem>>) dst(%dma_wait3A_4457 : memref<128x128xf32, #tpu.memory_space<hbm>>)
    %add3A_4458 = arith.constant 52 : i32
    %add3A_4459 = arith.addi %add3A_50, %add3A_4458 : i32
    %mul3A_4460 = arith.constant 32 : i32
    %mul3A_4461 = arith.muli %add3A_4459, %mul3A_4460 : i32
    %multiple_of3A_4462 = tpu.assume_multiple %mul3A_4461, 32 : i32
    %dma_wait3A_4463 = arith.constant 0 : i32
    %dma_wait3A_4464 = tpu.memref_slice %arg5[%multiple_of3A_4462, %dma_wait3A_4463] : memref<68736x128xf32, #tpu.memory_space<hbm>> -> memref<128x128xf32, #tpu.memory_space<hbm>>
    %dma_wait3A_4465 = arith.constant 0 : i32
    %dma_wait3A_4466 = tpu.memref_slice %arg5[%multiple_of3A_4462, %dma_wait3A_4465] : memref<68736x128xf32, #tpu.memory_space<hbm>> -> memref<128x128xf32, #tpu.memory_space<hbm>>
    tpu.wait_dma2 semaphore(%arg28 : memref<!tpu.dma_semaphore, #tpu.memory_space<semaphore_mem>>) src(%arg8 : memref<128x128xf32, #tpu.memory_space<vmem>>) dst(%dma_wait3A_4466 : memref<128x128xf32, #tpu.memory_space<hbm>>)
    %add3A_4467 = arith.constant 56 : i32
    %add3A_4468 = arith.addi %add3A_50, %add3A_4467 : i32
    %mul3A_4469 = arith.constant 32 : i32
    %mul3A_4470 = arith.muli %add3A_4468, %mul3A_4469 : i32
    %multiple_of3A_4471 = tpu.assume_multiple %mul3A_4470, 32 : i32
    %dma_wait3A_4472 = arith.constant 0 : i32
    %dma_wait3A_4473 = tpu.memref_slice %arg5[%multiple_of3A_4471, %dma_wait3A_4472] : memref<68736x128xf32, #tpu.memory_space<hbm>> -> memref<128x128xf32, #tpu.memory_space<hbm>>
    %dma_wait3A_4474 = arith.constant 0 : i32
    %dma_wait3A_4475 = tpu.memref_slice %arg5[%multiple_of3A_4471, %dma_wait3A_4474] : memref<68736x128xf32, #tpu.memory_space<hbm>> -> memref<128x128xf32, #tpu.memory_space<hbm>>
    tpu.wait_dma2 semaphore(%arg29 : memref<!tpu.dma_semaphore, #tpu.memory_space<semaphore_mem>>) src(%arg9 : memref<128x128xf32, #tpu.memory_space<vmem>>) dst(%dma_wait3A_4475 : memref<128x128xf32, #tpu.memory_space<hbm>>)
    %add3A_4476 = arith.constant 60 : i32
    %add3A_4477 = arith.addi %add3A_50, %add3A_4476 : i32
    %mul3A_4478 = arith.constant 32 : i32
    %mul3A_4479 = arith.muli %add3A_4477, %mul3A_4478 : i32
    %multiple_of3A_4480 = tpu.assume_multiple %mul3A_4479, 32 : i32
    %dma_wait3A_4481 = arith.constant 0 : i32
    %dma_wait3A_4482 = tpu.memref_slice %arg5[%multiple_of3A_4480, %dma_wait3A_4481] : memref<68736x128xf32, #tpu.memory_space<hbm>> -> memref<128x128xf32, #tpu.memory_space<hbm>>
    %dma_wait3A_4483 = arith.constant 0 : i32
    %dma_wait3A_4484 = tpu.memref_slice %arg5[%multiple_of3A_4480, %dma_wait3A_4483] : memref<68736x128xf32, #tpu.memory_space<hbm>> -> memref<128x128xf32, #tpu.memory_space<hbm>>
    tpu.wait_dma2 semaphore(%arg30 : memref<!tpu.dma_semaphore, #tpu.memory_space<semaphore_mem>>) src(%arg10 : memref<128x128xf32, #tpu.memory_space<vmem>>) dst(%dma_wait3A_4484 : memref<128x128xf32, #tpu.memory_space<hbm>>)
    %lt3A_4485 = arith.constant 25 : i32
    %lt3A_4486 = arith.cmpi slt, %add3A, %lt3A_4485 : i32
    %convert_element_type3A_4487 = arith.extui %lt3A_4486 : i1 to i32
    %cond3A_4488 = arith.constant 0 : i32
    %cond3A_4489 = arith.cmpi ne, %convert_element_type3A_4487, %cond3A_4488 : i32
    scf.if %cond3A_4489 {
      %mul3A_4490 = arith.constant 128 : i32
      %mul3A_4491 = arith.muli %add3A, %mul3A_4490 : i32
      %multiple_of3A_4492 = tpu.assume_multiple %mul3A_4491, 128 : i32
      %dma_wait3A_4493 = arith.constant 0 : i32
      %dma_wait3A_4494 = tpu.memref_slice %arg5[%multiple_of3A_4492, %dma_wait3A_4493] : memref<68736x128xf32, #tpu.memory_space<hbm>> -> memref<128x128xf32, #tpu.memory_space<hbm>>
      %dma_wait3A_4495 = arith.constant 0 : i32
      %dma_wait3A_4496 = tpu.memref_slice %arg5[%multiple_of3A_4492, %dma_wait3A_4495] : memref<68736x128xf32, #tpu.memory_space<hbm>> -> memref<128x128xf32, #tpu.memory_space<hbm>>
      tpu.wait_dma2 semaphore(%arg35 : memref<!tpu.dma_semaphore, #tpu.memory_space<semaphore_mem>>) src(%arg13 : memref<128x128xf32, #tpu.memory_space<vmem>>) dst(%dma_wait3A_4496 : memref<128x128xf32, #tpu.memory_space<hbm>>)
    } else {
    }
    return
  }
}

</mosaic_0001>

<sc_bundles>
// kernel: kernel.3.cloned.1.call-start
scs
__scs_entry_jumppad:
0x0: {  	(pc) =	sbr.rel $0x88, $3  }
0x1: {  	(tag) =	ssettag $0x0;
	lr =	simm.s32 $0x1  }
0x2: {  	[smem:$0x3F9E] =	sst lr;
	_ =	strace $0xD0000000  }
0x3: {  	_ = 	snop  }
0x4: {  	_ = 	snop  }
0x5: {  	_ = 	snop  }
0x6: {  	_ = 	snop  }
0x7: {  	_ = 	snop  }
__scs_overlays_trampoline_lowered:
0x8: {  	[smem:$0x3FAD] =	sst s0  }
0x9: {  	[smem:$0x3FAE] =	sst s1  }
0xa: {  	[smem:$0x3FAF] =	sst s2  }
0xb: {  	[smem:$0x3FB0] =	sst s3  }
0xc: {  	[smem:$0x3FB1] =	sst s4  }
0xd: {  	[smem:$0x3FB2] =	sst s5  }
0xe: {  	[smem:$0x3FB3] =	sst s6  }
0xf: {  	[smem:$0x3FB4] =	sst s7  }
0x10: {  	[smem:$0x3FB5] =	sst s8  }
0x11: {  	[smem:$0x3FB6] =	sst s9;
	s0 =	simm.s32 @!p0 $0x0  }
0x12: {  	s1 =	sld [smem:$0x3F9C];
	s0 =	simm.s32 @p0 $0x1  }
0x13: {  	[smem:$0x3FB7] =	sst s0;
	s0 =	simm.s32 @!p1 $0x0  }
0x14: {  	s2 =	sld [smem:$0x3F9B];
	s0 =	simm.s32 @p1 $0x1  }
0x15: {  	[smem:$0x3FB8] =	sst s0;
	s0 =	simm.s32 @!p2 $0x0  }
0x16: {  	s3 =	sld [smem:$0x3FDB];
	s0 =	simm.s32 @p2 $0x1  }
0x17: {  	s4 =	simm.s32 $0x1BF5;
	[smem:$0x3FBA] =	sst s0  }
0x18: {  	s0 =	sld [smem:$0x3F9D];
	_ =	swait.ge [sflag:s4], $0x0  }
0x19: {  	s7 =	sld [smem:$0x3F9E]  }
0x1a: {  	s8 =	sadd.s32 $0xFFFFE003, lr  }
0x1b: {  	s9 =	sadd.s32 $0xFFFFFEF7, lr;
	s5 =	simm.s32 $0xFFFFFFFF;
	p2 =	slt.u32 s8, $0xFFFFF086  }
0x1c: {  	p1 =	slt.u32 s9, $0xF7A;
	s5 =	simm.s32 @!p2 $0x0  }
0x1d: {  	s5 =	simm.s32 @p1 $0x1;
	p0 =	seq.s32 s7, s2  }
0x1e: {  	s7 =	smul.u32 @!p0 $0xF7A, s2;
	p2 =	seq.s32 @!p0 s5, $0x0  }
0x1f: {  	s9 =	smul.u32 $0xF7A, s1;
	s8 =	simm.s32 @!p0 $0x1BF5;
	p2 =	por !p2, p0  }
0x20: {  	[sflag:s8] =	ssyncset.s32 @!p0 $0xFFFFF086;
	s6 =	sadd.s32 @!p0 s3, s7;
	s7 =	simm.s32 @!p0 $0x108  }
0x21: {  	s3 =	sadd.s32 s3, s9;
	s6 =	sadd.s32 @!p0 $0x88, s6;
	s7 =	simm.s32 @p2 $0x1082  }
0x22: {  	[simem:s7], [sflag:s8] =	dma.local @!p0 [hbm:s6], $0xF7A  }
0x23: {  	s9 =	sor.u32 $0xD0000000, s2;
	s6 =	simm.s32 $0x108;
	_ =	swait.ge @!p0 [sflag:s8], $0x0  }
0x24: {  	s3 =	sadd.s32 $0x88, s3;
	s6 =	simm.s32 @!p1 $0x1082;
	[sflag:s4] =	ssyncset.s32 $0xFFFFF086  }
0x25: {  	[simem:s6], [sflag:s4] =	dma.local [hbm:s3], $0xF7A  }
0x26: {  	[smem:$0x3F9E] =	sst s1;
	(tag) =	ssettag s2;
	_ =	strace s9  }
0x27: {  	s1 =	sld [smem:$0x3FAE]  }
0x28: {  	s2 =	sld [smem:$0x3FAF]  }
0x29: {  	s4 =	sld [smem:$0x3FB1]  }
0x2a: {  	p0 =	seq.s32 s5, $0x0;
	s5 =	sld [smem:$0x3FB2]  }
0x2b: {  	s6 =	sld [smem:$0x3FB3]  }
0x2c: {  	s7 =	sld [smem:$0x3FB4]  }
0x2d: {  	s3 =	simm.s32 $0x108;
	s8 =	sld [smem:$0x3FB5]  }
0x2e: {  	s3 =	simm.s32 @!p0 $0x1082;
	s9 =	sld [smem:$0x3FB6]  }
0x2f: {  	lr =	sadd.s32 s0, s3;
	s0 =	sld [smem:$0x3FAD]  }
0x30: {  	s3 =	sld [smem:$0x3FB0]  }
0x31: {  	[smem:$0x3FB9] =	sst s10  }
0x32: {  	s10 =	sld [smem:$0x3FB7];
	_ =	sdelay $0x3  }
0x33: {  	p0 =	seq.s32 s10, $0x1;
	s10 =	sld [smem:$0x3FB9];
	_ =	sdelay $0x3  }
0x34: {  	[smem:$0x3FB9] =	sst s10  }
0x35: {  	s10 =	sld [smem:$0x3FB8];
	_ =	sdelay $0x3  }
0x36: {  	p1 =	seq.s32 s10, $0x1;
	s10 =	sld [smem:$0x3FB9];
	_ =	sdelay $0x3  }
0x37: {  	[smem:$0x3FB9] =	sst s10  }
0x38: {  	s10 =	sld [smem:$0x3FBA]  }
0x39: {  	_ = 	snop;
	(pc) =	sbr.ind lr, $3  }
0x3a: {  	_ = 	snop  }
0x3b: {  	_ = 	snop  }
0x3c: {  	p2 =	seq.s32 s10, $0x1;
	s10 =	sld [smem:$0x3FB9]  }
0x3d: {  	_ =	shalt  }
0x3e: {  	_ =	shalt  }
0x3f: {  	_ =	shalt  }
0x40: {  	_ =	shalt  }
0x41: {  	_ =	shalt  }
0x42: {  	_ =	shalt  }
0x43: {  	_ =	shalt  }
0x44: {  	_ =	shalt  }
0x45: {  	_ =	shalt  }
0x46: {  	_ =	shalt  }
0x47: {  	_ =	shalt  }
0x48: {  	_ =	shalt  }
0x49: {  	_ =	shalt  }
0x4a: {  	_ =	shalt  }
0x4b: {  	_ =	shalt  }
0x4c: {  	_ =	shalt  }
0x4d: {  	_ =	shalt  }
0x4e: {  	_ =	shalt  }
0x4f: {  	_ =	shalt  }
0x50: {  	_ =	shalt  }
0x51: {  	_ =	shalt  }
0x52: {  	_ =	shalt  }
0x53: {  	_ =	shalt  }
0x54: {  	_ =	shalt  }
0x55: {  	_ =	shalt  }
0x56: {  	_ =	shalt  }
0x57: {  	_ =	shalt  }
0x58: {  	_ =	shalt  }
0x59: {  	_ =	shalt  }
0x5a: {  	_ =	shalt  }
0x5b: {  	_ =	shalt  }
0x5c: {  	_ =	shalt  }
0x5d: {  	_ =	shalt  }
0x5e: {  	_ =	shalt  }
0x5f: {  	_ =	shalt  }
0x60: {  	_ =	shalt  }
0x61: {  	_ =	shalt  }
0x62: {  	_ =	shalt  }
0x63: {  	_ =	shalt  }
0x64: {  	_ =	shalt  }
0x65: {  	_ =	shalt  }
0x66: {  	_ =	shalt  }
0x67: {  	_ =	shalt  }
0x68: {  	_ =	shalt  }
0x69: {  	_ =	shalt  }
0x6a: {  	_ =	shalt  }
0x6b: {  	_ =	shalt  }
0x6c: {  	_ =	shalt  }
0x6d: {  	_ =	shalt  }
0x6e: {  	_ =	shalt  }
0x6f: {  	_ =	shalt  }
0x70: {  	_ =	shalt  }
0x71: {  	_ =	shalt  }
0x72: {  	_ =	shalt  }
0x73: {  	_ =	shalt  }
0x74: {  	_ =	shalt  }
0x75: {  	_ =	shalt  }
0x76: {  	_ =	shalt  }
0x77: {  	_ =	shalt  }
0x78: {  	_ =	shalt  }
0x79: {  	_ =	shalt  }
0x7a: {  	_ =	shalt  }
0x7b: {  	_ =	shalt  }
0x7c: {  	_ =	shalt  }
0x7d: {  	_ =	shalt  }
0x7e: {  	_ =	shalt  }
0x7f: {  	_ =	shalt  }
0x80: {  	_ =	shalt  }
0x81: {  	_ =	shalt  }
0x82: {  	_ =	shalt  }
0x83: {  	_ =	shalt  }
0x84: {  	_ =	shalt  }
0x85: {  	_ =	shalt  }
0x86: {  	_ =	shalt  }
0x87: {  	_ =	shalt  }
.Lfunc_end0:
.L_simem_size_0:
called_computation_lowered:
.L_overlay_start_0:
0x88: {  	s2 =	sld [smem:$0x3FD9]  }
0x89: {  	s3 =	sld [smem:$0x3FFE];
	_ =	sdelay $0x1  }
0x8a: {  	s1 =	srdreg.scid  }
0x8b: {  	s0 =	sand.u32 $0x1, s1  }
0x8c: {  	s17 =	sshll.u32 s0, $0xA;
	s2 =	sadd.s32 s3, s2  }
0x8d: {  	s2 =	sadd.s32 s2, s17  }
0x8e: {  	[smem:$0x3FC5] =	sst s2  }
0x8f: {  	_ = 	snop  }
0x90: {  	s2 =	sld [smem:$0x3FC9]  }
0x91: {  	s18 =	sld [smem:$0x3FC8]  }
0x92: {  	s4 =	sld [smem:$0x3FD0];
	(tm) =	ssettm $0x1  }
0x93: {  	s5 =	sld [smem:$0x3FFB];
	_ =	sdelay $0x3  }
0x94: {  	_ =	strace s5  }
0x95: {  	s5 =	sld [smem:$0x3FFC];
	_ =	sdelay $0x3  }
0x96: {  	_ =	strace s5  }
0x97: {  	s5 =	sld [smem:$0x3FFD];
	_ =	sdelay $0x3  }
0x98: {  	_ =	strace s5  }
0x99: {  	_ =	strace $0x8FFFFFFF  }
0x9a: {  	s19 =	sld [smem:$0x3FDB];
	_ =	sdelay $0x1  }
0x9b: {  	s6 =	simm.s32 $_scs_section_size  }
0x9c: {  	s7 =	simm.s32 $_size__tile_overlayer_lowered;
	s8 =	simm.s32 $_tile_overlayer_lowered  }
0x9d: {  	s22 =	simm.s32 $0x1BFF;
	s21 =	sshll.u32 s8, $0x1;
	s5 =	sadd.s32 s6, s19  }
0x9e: {  	s9 =	simm.s32 $0x0;
	s20 =	sshll.u32 s7, $0x1;
	s7 =	sadd.s32 s21, s5  }
0x9f: {  	[timem:s9], [sflag:s22] =	dma.local [hbm:s7], s20  }
0xa0: {  	_ =	swait.ge [sflag:s22], s20  }
0xa1: {  	s6 =	ssub.s32 $0x0, s20;
	[sflag:s22] =	ssyncset.done $0x0  }
0xa2: {  	[sflag:s22] =	ssyncadd.s32 s6;
	_ =	sdelay $0x1  }
0xa3: {  	s23 =	simm.s32 $0x1B8B  }
0xa4: {  	_ =	swait.ge [sflag:s23], $0x1  }
0xa5: {  	[sflag:s23] =	ssyncset.done $0x0  }
0xa6: {  	s25 =	simm.s32 $0x1B8E;
	s24 =	sld [smem:$0x3FFE];
	[sflag:s23] =	ssyncadd.s32 $0xFFFFFFFF  }
0xa7: {  	s26 =	simm.s32 $execute0_lowered;
	[smem:$0x3FD2] =	sst s25  }
0xa8: {  	s7 =	sshll.u32 s26, $0x1;
	_ =	strace $0x80000046;
	[dreg:$0x1] =	wrdreg $0xFFFFFFFF  }
0xa9: {  	s28 =	simm.s32 $_size_execute0_lowered;
	s5 =	sadd.s32 s5, s7;
	[dreg:$0x0] =	wrdreg $0x0  }
0xaa: {  	s7 =	sshll.u32 s28, $0x1;
	[dreg:$0x2] =	wrdreg s5  }
0xab: {  	[dreg:$0x3] =	wrdreg s7  }
0xac: {  	[dreg:$0x4] =	wrdreg $0xC0  }
0xad: {  	_ =	task [dreg:s9], $0x5FFFF  }
0xae: {  	[dreg:$0x1] =	wrdreg $0xFFFFFFFF  }
0xaf: {  	[dreg:$0x0] =	wrdreg $0x60  }
0xb0: {  	[dreg:$0x2] =	wrdreg s2  }
0xb1: {  	[dreg:$0x3] =	wrdreg s18  }
0xb2: {  	[dreg:$0x4] =	wrdreg s24  }
0xb3: {  	[dreg:$0x5] =	wrdreg s4  }
0xb4: {  	[dreg:$0x6] =	wrdreg $0x9  }
0xb5: {  	_ =	task.clear_ibuf [dreg:s9], $0x7FFFF;
	_ =	strace $0x90000046  }
0xb6: {  	s29 =	simm.s32 $0x9;
	_ =	strace $0x80000048  }
0xb7: {  	_ =	swait.ge [sflag:s29], $0x1  }
0xb8: {  	[sflag:s29] =	ssyncadd.s32 $0xFFFFFFFF  }
0xb9: {  	_ =	strace $0x90000048  }
0xba: {  	_ =	sfence  }
0xbb: {  	s30 =	sld [smem:$0x0];
	_ =	sdelay $0x2  }
0xbc: {  	s31 =	sshll.u32 s1, $0xD;
	s1 =	sshrl.u32 s1, $0x2  }
0xbd: {  	s3 =	sand.u32 $0x4000, s31;
	s1 =	sadd.s32 s1, s30  }
0xbe: {  	s0 =	sor.u32 s3, s0;
	s1 =	sshll.u32 s1, $0x11  }
0xbf: {  	s0 =	sor.u32 s1, s0  }
0xc0: {  	s0 =	sadd.s32 $0x8F2B, s0  }
0xc1: {  	[sflag:s0] =	ssyncadd.remote.s32 $0x1  }
0xc2: {  	_ =	sfence.sel $0xFFFF  }
0xc3: {  	[dreg:$0x0] =	wrdreg $0xFFFFFFFF;
	(pc) =	sbr.abs _section_cstart, $3  }
0xc4: {  	[dreg:$0x1] =	wrdreg $0xFFFFFFFF  }
0xc5: {  	_ =	task.clear_ibuf [dreg:s9], $0x2FFFF;
	_ =	strace $0x9FFFFFFF  }
0xc6: {  	(tm) =	ssettm $0x7FFFFFFF  }
0xc7: {  	_ =	shalt  }
tec
execute0_lowered:
.L_overlay_start_1:
0x0: {  	(tag) =	ssettag $0x1  }
0x1: {  	s0 =	rddreg [dreg:$0x0]  }
0x2: {  	s1 =	rddreg [dreg:$0x1]  }
0x3: {  	s22 =	rddreg [dreg:$0x2]  }
0x4: {  	s4 =	rddreg [dreg:$0x3];
	s3 =	simm.s32 $0x0;
	s2 =	srdreg.scid  }
0x5: {  	s8 =	stileid.u32;
	s7 =	simm.s32 $0x1;
	s28 =	simm.s32 $0xA  }
0x6: {  	[dreg:$0x5] =	wrdreg s0;
	s2 =	sand.u32 $0x1, s2;
	s5 =	sshll.u32 s8, $0x1  }
0x7: {  	[smem:$0x7FF] =	sst s3;
	s6 =	sadd.s32 $0x400, s22;
	s0 =	sor.u32 s2, s5  }
0x8: {  	_ =	strace $0x80000047;
	s5 =	sshll.u32 s0, $0xB;
	s23 =	sshll.u32 s0, $0xF  }
0x9: {  	[dreg:$0x6] =	wrdreg s6;
	s5 =	sadd.s32 s4, s5;
	s4 =	sadd.s32 s4, s23  }
0xa: {  	s29 =	simm.s32 $0x5;
	[dreg:$0x7] =	wrdreg s5;
	s24 =	sadd.s32 $0xC800, s4  }
0xb: {  	s30 =	simm.s32 $0xB;
	s26 =	sadd.s32 $0xD000, s4;
	[dreg:$0x8] =	wrdreg s24  }
0xc: {  	v1 =	vlaneseq.u32;
	s31 =	simm.s32 $0x6;
	s9 =	sadd.s32 $0xD800, s4;
	[dreg:$0x9] =	wrdreg s26  }
0xd: {  	vm0 =	vcmask $0x1310;
	vm1 =	vcmask $0x300;
	vm2 =	vcmask $0x1B18;
	p1 =	seq.s32 s2, $0x1;
	s10 =	sadd.s32 $0xE000, s4;
	[dreg:$0xa] =	wrdreg s9  }
0xe: {  	vm3 =	vcmask $0xB08;
	vm0 =	vmor vm1, vm0;
	vm1 =	vcmask $0x2320;
	s22 =	ssub.s32 $0x2, s2;
	s11 =	sadd.s32 $0xE800, s4;
	[dreg:$0xb] =	wrdreg s10  }
0xf: {  	vm4 =	vcmask $0x700;
	vm0 =	vmor vm0, vm1;
	vm1 =	vcmask $0x3330;
	p0 =	seq.s32 s0, $0x0;
	s12 =	sadd.s32 $0xF000, s4;
	[dreg:$0xc] =	wrdreg s11  }
0x10: {  	vm5 =	vcmask $0x3730;
	s25 =	sshll.u32 s0, $0x7;
	vm0 =	vmor vm0, vm1;
	vm1 =	vmor vm3, vm2;
	s14 =	sadd.s32 $0xF800, s4;
	[dreg:$0xd] =	wrdreg s12  }
0x11: {  	vm2 =	vcmask $0x2B28;
	vm3 =	vcmask $0x1710;
	p0 =	por !p0, !p1;
	v0 =	vmov s25;
	s15 =	sadd.s32 $0x10000, s4;
	[dreg:$0xe] =	wrdreg s14  }
0x12: {  	s13 =	sor.u32 $0x20, s25;
	vm1 =	vmor vm1, vm2;
	vm2 =	vmor vm4, vm3;
	vm3 =	vcmask $0x2720;
	s17 =	sadd.s32 $0x10800, s4;
	[dreg:$0xf] =	wrdreg s15  }
0x13: {  	s6 =	sor.u32 $0x60, s25;
	vm4 =	vcmask $0x3B38;
	v0 =	vshrl.u32 v0, $0x5;
	v4 =	vmov s13;
	s18 =	sadd.s32 $0x11000, s4;
	[dreg:$0x10] =	wrdreg s17  }
0x14: {  	s16 =	sor.u32 $0x40, s25;
	s19 =	sadd.s32 $0x11800, s4;
	v9 =	vmov s6;
	vm3 =	vmor vm2, vm3;
	vm1 =	vmor vm1, vm4;
	[dreg:$0x11] =	wrdreg s18  }
0x15: {  	p0 =	por !p0, !p0;
	s20 =	sadd.s32 $0x12000, s4;
	vm2 =	vmmov $0xffff;
	v2 =	vbroadcast v0, $0x0;
	v0 =	vand.u32 $0x3, v1;
	[dreg:$0x12] =	wrdreg s19  }
0x16: {  	s21 =	sadd.s32 $0x12800, s4;
	s23 =	sadd.s32 $0x13000, s4;
	v1 =	vshrl.u32 v1, $0x2;
	v4 =	vshrl.u32 v4, $0x5;
	[dreg:$0x13] =	wrdreg s20;
	vm3 =	vmor vm3, vm5  }
0x17: {  	s25 =	sadd.s32 $0x13800, s4;
	s5 =	sshll.u32 s2, $0x6;
	[dreg:$0x14] =	wrdreg s21;
	v1 =	vmul.u32 $0x8, v1;
	v6 =	vbroadcast v4, $0x0;
	v3 =	vshll.u32 v2, $0x3  }
0x18: {  	s13 =	simm.s32 $0x1C880;
	s7 =	simm.s32 @!p0 $0x0;
	[dreg:$0x15] =	wrdreg s23;
	v4 =	vmov s16;
	v2 =	vand.u32 $0x4, v2;
	v3 =	vand.u32 $0x1FFFFFC0, v3  }
0x19: {  	s24 =	sshrl.u32 s22, $0x1;
	[dreg:$0x16] =	wrdreg s25;
	s26 =	sadd.s32 $0x14000, s4;
	v4 =	vshrl.u32 v4, $0x5;
	v7 =	vshll.u32 v6, $0x3;
	v5 =	vor.u32 v3, v2  }
0x1a: {  	s4 =	simm.s32 $0x1;
	p0 =	sgt.u32 s0, $0x18;
	s7 =	ssub.s32 s8, s7;
	v8 =	vbroadcast v4, $0x0;
	v3 =	vor.u32 $0x20, v1;
	v2 =	vor.u32 v1, v5  }
0x1b: {  	s18 =	simm.s32 $0x800;
	s12 =	simm.s32 $0x4800;
	s7 =	sshll.u32 s7, $0x2;
	v4 =	vor.u32 v3, v5;
	v5 =	vand.u32 $0x7FFFFFC0, v7;
	v7 =	vshrl.u32 v9, $0x5  }
0x1c: {  	s14 =	simm.s32 $0x8800;
	s21 =	simm.s32 $0x7;
	s23 =	simm.s32 $0x8;
	v0 =	vor.u32 s7, v0;
	v6 =	vand.u32 $0x5, v6;
	v10 =	vbroadcast v7, $0x0  }
0x1d: {  	s25 =	simm.s32 $0x9;
	s0 =	simm.s32 $0xC;
	s11 =	simm.s32 $0x1C800;
	v9 =	vshll.u32 v8, $0x3;
	v8 =	vand.u32 $0x6, v8;
	v6 =	vor.u32 v5, v6  }
0x1e: {  	s15 =	simm.s32 $0x1C900;
	s20 =	simm.s32 $0x10800;
	s9 =	simm.s32 $0x1CA80;
	v7 =	vand.u32 $0x7FFFFFC0, v9;
	v5 =	vor.u32 v1, v6;
	v9 =	vshll.u32 v10, $0x3  }
0x1f: {  	s10 =	simm.s32 $0x14800;
	s6 =	ssub.s32 s22, s24;
	[dreg:$0x17] =	wrdreg s26;
	v8 =	vor.u32 v7, v8;
	v10 =	vand.u32 $0x7, v10;
	v9 =	vand.u32 $0x7FFFFFC0, v9  }
0x20: {  	s8 =	simm.s32 $0x80;
	s16 =	simm.s32 $0xC800;
	s22 =	simm.s32 $0x2;
	v6 =	vor.u32 v3, v6;
	v7 =	vor.u32 v1, v8;
	v10 =	vor.u32 v9, v10  }
0x21: {  	s24 =	simm.s32 $0x3;
	s26 =	simm.s32 $0x4;
	s6 =	smax.u32 s6, $0x1;
	v8 =	vor.u32 v3, v8;
	v9 =	vor.u32 v1, v10;
	v10 =	vor.u32 v3, v10  }
.LBB2_1:
0x22: {  	s2 =	rddreg [dreg:$0x5]  }
0x23: {  	[tilespmem:s3], [sflag:$0xD] =	stream.indirect_vreg.gather [hbm4b:s2+s3], $0x80, v0, vm2, $0xb8;
	[tilespmem:$0x1CB80] =	vst v63  }
0x24: {  	[tilespmem:$0x1CB00] =	vst @!p0 v2  }
0x25: {  	[tilespmem:$0x1CB10] =	vst @!p0 v4  }
0x26: {  	[tilespmem:$0x1CB20] =	vst @!p0 v5  }
0x27: {  	[tilespmem:$0x1CB30] =	vst @!p0 v6  }
0x28: {  	[tilespmem:$0x1CB40] =	vst @!p0 v7  }
0x29: {  	[tilespmem:$0x1CB50] =	vst @!p0 v8  }
0x2a: {  	s17 =	rddreg [dreg:$0x6];
	[tilespmem:$0x1CB60] =	vst @!p0 v9  }
0x2b: {  	s19 =	simm.s32 @!p0 $0x80;
	s7 =	simm.s32 @!p0 $0x1CB00;
	s2 =	simm.s32 @!p0 $0x18800;
	[tilespmem:$0x1CB70] =	vst @!p0 v10  }
0x2c: {  	[tilespmem:s2], [sflag:$0xE] =	stream.indirect.gather @!p0 [hbm4b:s17+s19], $0x80, s7, s19, $0xb8;
	[tilespmem:$0x1CB80] =	vst v63  }
0x2d: {  	s17 =	simm.s32 $0xD  }
0x2e: {  	_ =	swait.ge [sflag:s17], $0x800  }
0x2f: {  	[sflag:s17] =	ssyncset.done $0x0  }
0x30: {  	[sflag:s17] =	ssyncadd.s32 $0xFFFFF800  }
0x31: {  	v11 =	vld [tilespmem:s5+$0x0]  }
0x32: {  	v12 =	vld [tilespmem:s5+$0x80]  }
0x33: {  	v14 =	vld [tilespmem:s5+$0x180];
	_ =	sdelay $0x2  }
0x34: {  	v13 =	vld [tilespmem:s5+$0x100];
	v15 =	vshll.u32 v11, $0x3  }
0x35: {  	v16 =	vshll.u32 v12, $0x3;
	v11 =	vand.u32 $0x7, v11;
	v12 =	vand.u32 $0x7, v12  }
0x36: {  	v36 =	vshll.u32 v14, $0x3;
	v14 =	vand.u32 $0x7, v14;
	v15 =	vand.u32 $0xFFFFFFC0, v15  }
0x37: {  	v16 =	vand.u32 $0xFFFFFFC0, v16;
	v37 =	vand.u32 $0xFFFFFFC0, v36;
	v11 =	vor.u32 v11, v15  }
0x38: {  	v12 =	vor.u32 v12, v16;
	v14 =	vor.u32 v14, v37;
	v38 =	vbroadcast v11, $0x0  }
0x39: {  	v35 =	vshll.u32 v13, $0x3;
	v39 =	vbroadcast v12, $0x0;
	v18 =	vbroadcast v14, $0x0  }
0x3a: {  	v13 =	vand.u32 $0x7, v13;
	v41 =	vbroadcast v11, $0x1;
	v42 =	vbroadcast v12, $0x1  }
0x3b: {  	v15 =	vand.u32 $0xFFFFFFC0, v35;
	v19 =	vbroadcast v14, $0x1;
	v44 =	vbroadcast v11, $0x2  }
0x3c: {  	v13 =	vor.u32 v13, v15;
	v45 =	vbroadcast v12, $0x2;
	v22 =	vbroadcast v14, $0x2  }
0x3d: {  	v11 =	vbroadcast v11, $0x3;
	v17 =	vbroadcast v13, $0x0  }
0x3e: {  	v12 =	vbroadcast v12, $0x3;
	v14 =	vbroadcast v14, $0x3  }
0x3f: {  	v43 =	vbroadcast v13, $0x1;
	v15 =	vsel vm0, v38, v39;
	v40 =	vsel vm1, v17, v18  }
0x40: {  	v21 =	vbroadcast v13, $0x2;
	v13 =	vbroadcast v13, $0x3;
	v15 =	vsel vm3, v15, v40  }
0x41: {  	v17 =	vsel vm0, v41, v42;
	v16 =	vsel vm1, v43, v19;
	v20 =	vor.u32 v1, v15  }
0x42: {  	v16 =	vsel vm3, v17, v16;
	v15 =	vor.u32 v3, v15;
	[tilespmem:$0x1C800] =	vst v20  }
0x43: {  	v11 =	vsel vm0, v11, v12;
	v49 =	vsel vm1, v13, v14;
	v46 =	vor.u32 v1, v16;
	[tilespmem:$0x1C810] =	vst v15  }
0x44: {  	v11 =	vsel vm3, v11, v49;
	v16 =	vor.u32 v3, v16;
	[tilespmem:$0x1C820] =	vst v46  }
0x45: {  	v47 =	vsel vm1, v21, v22;
	v17 =	vsel vm0, v44, v45;
	v12 =	vor.u32 v1, v11;
	[tilespmem:$0x1C830] =	vst v16  }
0x46: {  	v11 =	vor.u32 v3, v11;
	v15 =	vsel vm3, v17, v47;
	[tilespmem:$0x1C860] =	vst v12  }
0x47: {  	[tilespmem:$0x1C870] =	vst v11;
	v48 =	vor.u32 v1, v15  }
0x48: {  	v50 =	vor.u32 v3, v15;
	[tilespmem:$0x1C840] =	vst v48  }
0x49: {  	[tilespmem:$0x1C850] =	vst v50  }
0x4a: {  	[tilespmem:s18], [sflag:$0x1] =	stream.indirect.gather [hbm4b:s1+s8], $0x80, s11, s8, $0xb8;
	[tilespmem:$0x1CB80] =	vst v63  }
0x4b: {  	v11 =	vld [tilespmem:s5+$0x0]  }
0x4c: {  	v12 =	vld [tilespmem:s5+$0x80]  }
0x4d: {  	v51 =	vld [tilespmem:s5+$0x180];
	_ =	sdelay $0x2  }
0x4e: {  	v13 =	vld [tilespmem:s5+$0x100];
	v52 =	vshll.u32 v11, $0x3  }
0x4f: {  	v53 =	vshll.u32 v12, $0x3;
	v11 =	vand.u32 $0x7, v11;
	v12 =	vand.u32 $0x7, v12  }
0x50: {  	v55 =	vshll.u32 v51, $0x3;
	v14 =	vand.u32 $0x7, v51;
	v15 =	vand.u32 $0xFFFFFFC0, v52  }
0x51: {  	v16 =	vand.u32 $0xFFFFFFC0, v53;
	v56 =	vand.u32 $0xFFFFFFC0, v55;
	v11 =	vor.u32 v11, v15  }
0x52: {  	v12 =	vor.u32 v12, v16;
	v14 =	vor.u32 v14, v56;
	v57 =	vbroadcast v11, $0x4  }
0x53: {  	v54 =	vshll.u32 v13, $0x3;
	v58 =	vbroadcast v12, $0x4;
	v60 =	vbroadcast v14, $0x4  }
0x54: {  	v13 =	vand.u32 $0x7, v13;
	v62 =	vbroadcast v11, $0x5;
	v63 =	vbroadcast v12, $0x5  }
0x55: {  	v15 =	vand.u32 $0xFFFFFFC0, v54;
	v25 =	vbroadcast v14, $0x5;
	v27 =	vbroadcast v11, $0x6  }
0x56: {  	v13 =	vor.u32 v13, v15;
	v28 =	vbroadcast v12, $0x6;
	v31 =	vbroadcast v14, $0x6  }
0x57: {  	v11 =	vbroadcast v11, $0x7;
	v59 =	vbroadcast v13, $0x4  }
0x58: {  	v12 =	vbroadcast v12, $0x7;
	v14 =	vbroadcast v14, $0x7  }
0x59: {  	v24 =	vbroadcast v13, $0x5;
	v15 =	vsel vm0, v57, v58;
	v61 =	vsel vm1, v59, v60  }
0x5a: {  	v30 =	vbroadcast v13, $0x6;
	v13 =	vbroadcast v13, $0x7;
	v15 =	vsel vm3, v15, v61  }
0x5b: {  	v17 =	vsel vm0, v62, v63;
	v16 =	vsel vm1, v24, v25;
	v26 =	vor.u32 v1, v15  }
0x5c: {  	v16 =	vsel vm3, v17, v16;
	v15 =	vor.u32 v3, v15;
	[tilespmem:$0x1C880] =	vst v26  }
0x5d: {  	v11 =	vsel vm0, v11, v12;
	v34 =	vsel vm1, v13, v14;
	v29 =	vor.u32 v1, v16;
	[tilespmem:$0x1C890] =	vst v15  }
0x5e: {  	v11 =	vsel vm3, v11, v34;
	v16 =	vor.u32 v3, v16;
	[tilespmem:$0x1C8A0] =	vst v29  }
0x5f: {  	v32 =	vsel vm1, v30, v31;
	v17 =	vsel vm0, v27, v28;
	v12 =	vor.u32 v1, v11;
	[tilespmem:$0x1C8B0] =	vst v16  }
0x60: {  	v11 =	vor.u32 v3, v11;
	v15 =	vsel vm3, v17, v32;
	[tilespmem:$0x1C8E0] =	vst v12  }
0x61: {  	[tilespmem:$0x1C8F0] =	vst v11;
	v33 =	vor.u32 v1, v15  }
0x62: {  	v35 =	vor.u32 v3, v15;
	[tilespmem:$0x1C8C0] =	vst v33  }
0x63: {  	[tilespmem:$0x1C8D0] =	vst v35  }
0x64: {  	[tilespmem:s12], [sflag:$0x2] =	stream.indirect.gather [hbm4b:s1+s8], $0x80, s13, s8, $0xb8;
	[tilespmem:$0x1CB80] =	vst v63  }
0x65: {  	v11 =	vld [tilespmem:s5+$0x0]  }
0x66: {  	v12 =	vld [tilespmem:s5+$0x80]  }
0x67: {  	v36 =	vld [tilespmem:s5+$0x180];
	_ =	sdelay $0x2  }
0x68: {  	v13 =	vld [tilespmem:s5+$0x100];
	v37 =	vshll.u32 v11, $0x3  }
0x69: {  	v38 =	vshll.u32 v12, $0x3;
	v11 =	vand.u32 $0x7, v11;
	v12 =	vand.u32 $0x7, v12  }
0x6a: {  	v40 =	vshll.u32 v36, $0x3;
	v14 =	vand.u32 $0x7, v36;
	v15 =	vand.u32 $0xFFFFFFC0, v37  }
0x6b: {  	v16 =	vand.u32 $0xFFFFFFC0, v38;
	v41 =	vand.u32 $0xFFFFFFC0, v40;
	v11 =	vor.u32 v11, v15  }
0x6c: {  	v12 =	vor.u32 v12, v16;
	v14 =	vor.u32 v14, v41;
	v42 =	vbroadcast v11, $0x8  }
0x6d: {  	v39 =	vshll.u32 v13, $0x3;
	v43 =	vbroadcast v12, $0x8;
	v45 =	vbroadcast v14, $0x8  }
0x6e: {  	v13 =	vand.u32 $0x7, v13;
	v47 =	vbroadcast v11, $0x9;
	v48 =	vbroadcast v12, $0x9  }
0x6f: {  	v15 =	vand.u32 $0xFFFFFFC0, v39;
	v50 =	vbroadcast v14, $0x9;
	v52 =	vbroadcast v11, $0xA  }
0x70: {  	v13 =	vor.u32 v13, v15;
	v53 =	vbroadcast v12, $0xA;
	v56 =	vbroadcast v14, $0xA  }
0x71: {  	v11 =	vbroadcast v11, $0xB;
	v44 =	vbroadcast v13, $0x8  }
0x72: {  	v12 =	vbroadcast v12, $0xB;
	v14 =	vbroadcast v14, $0xB  }
0x73: {  	v49 =	vbroadcast v13, $0x9;
	v15 =	vsel vm0, v42, v43;
	v46 =	vsel vm1, v44, v45  }
0x74: {  	v55 =	vbroadcast v13, $0xA;
	v13 =	vbroadcast v13, $0xB;
	v15 =	vsel vm3, v15, v46  }
0x75: {  	v17 =	vsel vm0, v47, v48;
	v16 =	vsel vm1, v49, v50;
	v51 =	vor.u32 v1, v15  }
0x76: {  	v16 =	vsel vm3, v17, v16;
	v15 =	vor.u32 v3, v15;
	[tilespmem:$0x1C900] =	vst v51  }
0x77: {  	v11 =	vsel vm0, v11, v12;
	v59 =	vsel vm1, v13, v14;
	v54 =	vor.u32 v1, v16;
	[tilespmem:$0x1C910] =	vst v15  }
0x78: {  	v11 =	vsel vm3, v11, v59;
	v16 =	vor.u32 v3, v16;
	[tilespmem:$0x1C920] =	vst v54  }
0x79: {  	v57 =	vsel vm1, v55, v56;
	v17 =	vsel vm0, v52, v53;
	v12 =	vor.u32 v1, v11;
	[tilespmem:$0x1C930] =	vst v16  }
0x7a: {  	v11 =	vor.u32 v3, v11;
	v15 =	vsel vm3, v17, v57;
	[tilespmem:$0x1C960] =	vst v12  }
0x7b: {  	[tilespmem:$0x1C970] =	vst v11;
	v58 =	vor.u32 v1, v15  }
0x7c: {  	v60 =	vor.u32 v3, v15;
	[tilespmem:$0x1C940] =	vst v58  }
0x7d: {  	[tilespmem:$0x1C950] =	vst v60  }
0x7e: {  	[tilespmem:s14], [sflag:$0x3] =	stream.indirect.gather [hbm4b:s1+s8], $0x80, s15, s8, $0xb8;
	[tilespmem:$0x1CB80] =	vst v63  }
0x7f: {  	v11 =	vld [tilespmem:s5+$0x0]  }
0x80: {  	v12 =	vld [tilespmem:s5+$0x80]  }
0x81: {  	v61 =	vld [tilespmem:s5+$0x180];
	_ =	sdelay $0x2  }
0x82: {  	v13 =	vld [tilespmem:s5+$0x100];
	v62 =	vshll.u32 v11, $0x3  }
0x83: {  	v63 =	vshll.u32 v12, $0x3;
	v11 =	vand.u32 $0x7, v11;
	v12 =	vand.u32 $0x7, v12  }
0x84: {  	v20 =	vshll.u32 v61, $0x3;
	v14 =	vand.u32 $0x7, v61;
	v15 =	vand.u32 $0xFFFFFFC0, v62  }
0x85: {  	v16 =	vand.u32 $0xFFFFFFC0, v63;
	v21 =	vand.u32 $0xFFFFFFC0, v20;
	v11 =	vor.u32 v11, v15  }
0x86: {  	v12 =	vor.u32 v12, v16;
	v14 =	vor.u32 v14, v21;
	v22 =	vbroadcast v11, $0xC  }
0x87: {  	v19 =	vshll.u32 v13, $0x3;
	v23 =	vbroadcast v12, $0xC;
	v25 =	vbroadcast v14, $0xC  }
0x88: {  	v13 =	vand.u32 $0x7, v13;
	v27 =	vbroadcast v11, $0xD;
	v28 =	vbroadcast v12, $0xD  }
0x89: {  	v15 =	vand.u32 $0xFFFFFFC0, v19;
	v30 =	vbroadcast v14, $0xD;
	v32 =	vbroadcast v11, $0xE  }
0x8a: {  	v13 =	vor.u32 v13, v15;
	v33 =	vbroadcast v12, $0xE;
	v36 =	vbroadcast v14, $0xE  }
0x8b: {  	v11 =	vbroadcast v11, $0xF;
	v24 =	vbroadcast v13, $0xC  }
0x8c: {  	v12 =	vbroadcast v12, $0xF;
	v14 =	vbroadcast v14, $0xF  }
0x8d: {  	v29 =	vbroadcast v13, $0xD;
	v15 =	vsel vm0, v22, v23;
	v26 =	vsel vm1, v24, v25  }
0x8e: {  	v35 =	vbroadcast v13, $0xE;
	v13 =	vbroadcast v13, $0xF;
	v15 =	vsel vm3, v15, v26  }
0x8f: {  	v17 =	vsel vm0, v27, v28;
	v16 =	vsel vm1, v29, v30;
	v31 =	vor.u32 v1, v15  }
0x90: {  	v16 =	vsel vm3, v17, v16;
	v15 =	vor.u32 v3, v15;
	[tilespmem:$0x1C980] =	vst v31  }
0x91: {  	v11 =	vsel vm0, v11, v12;
	v39 =	vsel vm1, v13, v14;
	v34 =	vor.u32 v1, v16;
	[tilespmem:$0x1C990] =	vst v15  }
0x92: {  	v11 =	vsel vm3, v11, v39;
	v16 =	vor.u32 v3, v16;
	[tilespmem:$0x1C9A0] =	vst v34  }
0x93: {  	v37 =	vsel vm1, v35, v36;
	v17 =	vsel vm0, v32, v33;
	v12 =	vor.u32 v1, v11;
	[tilespmem:$0x1C9B0] =	vst v16  }
0x94: {  	v11 =	vor.u32 v3, v11;
	v15 =	vsel vm3, v17, v37;
	[tilespmem:$0x1C9E0] =	vst v12  }
0x95: {  	[tilespmem:$0x1C9F0] =	vst v11;
	v38 =	vor.u32 v1, v15  }
0x96: {  	v40 =	vor.u32 v3, v15;
	[tilespmem:$0x1C9C0] =	vst v38  }
0x97: {  	s19 =	simm.s32 $0x1C980;
	[tilespmem:$0x1C9D0] =	vst v40  }
0x98: {  	[tilespmem:s16], [sflag:$0x4] =	stream.indirect.gather [hbm4b:s1+s8], $0x80, s19, s8, $0xb8;
	[tilespmem:$0x1CB80] =	vst v63  }
0x99: {  	v11 =	vld [tilespmem:s5+$0x10]  }
0x9a: {  	v12 =	vld [tilespmem:s5+$0x90]  }
0x9b: {  	v41 =	vld [tilespmem:s5+$0x190];
	_ =	sdelay $0x2  }
0x9c: {  	v13 =	vld [tilespmem:s5+$0x110];
	v42 =	vshll.u32 v11, $0x3  }
0x9d: {  	v43 =	vshll.u32 v12, $0x3;
	v11 =	vand.u32 $0x7, v11;
	v12 =	vand.u32 $0x7, v12  }
0x9e: {  	v45 =	vshll.u32 v41, $0x3;
	v14 =	vand.u32 $0x7, v41;
	v15 =	vand.u32 $0xFFFFFFC0, v42  }
0x9f: {  	v16 =	vand.u32 $0xFFFFFFC0, v43;
	v46 =	vand.u32 $0xFFFFFFC0, v45;
	v11 =	vor.u32 v11, v15  }
0xa0: {  	v12 =	vor.u32 v12, v16;
	v14 =	vor.u32 v14, v46;
	v47 =	vbroadcast v11, $0x0  }
0xa1: {  	v44 =	vshll.u32 v13, $0x3;
	v48 =	vbroadcast v12, $0x0;
	v50 =	vbroadcast v14, $0x0  }
0xa2: {  	v13 =	vand.u32 $0x7, v13;
	v52 =	vbroadcast v11, $0x1;
	v53 =	vbroadcast v12, $0x1  }
0xa3: {  	v15 =	vand.u32 $0xFFFFFFC0, v44;
	v55 =	vbroadcast v14, $0x1;
	v57 =	vbroadcast v11, $0x2  }
0xa4: {  	v13 =	vor.u32 v13, v15;
	v58 =	vbroadcast v12, $0x2;
	v61 =	vbroadcast v14, $0x2  }
0xa5: {  	v11 =	vbroadcast v11, $0x3;
	v49 =	vbroadcast v13, $0x0  }
0xa6: {  	v12 =	vbroadcast v12, $0x3;
	v14 =	vbroadcast v14, $0x3  }
0xa7: {  	v54 =	vbroadcast v13, $0x1;
	v15 =	vsel vm0, v47, v48;
	v51 =	vsel vm1, v49, v50  }
0xa8: {  	v60 =	vbroadcast v13, $0x2;
	v13 =	vbroadcast v13, $0x3;
	v15 =	vsel vm3, v15, v51  }
0xa9: {  	v17 =	vsel vm0, v52, v53;
	v16 =	vsel vm1, v54, v55;
	v56 =	vor.u32 v1, v15  }
0xaa: {  	v16 =	vsel vm3, v17, v16;
	v15 =	vor.u32 v3, v15;
	[tilespmem:$0x1CA00] =	vst v56  }
0xab: {  	v11 =	vsel vm0, v11, v12;
	v18 =	vsel vm1, v13, v14;
	v59 =	vor.u32 v1, v16;
	[tilespmem:$0x1CA10] =	vst v15  }
0xac: {  	v11 =	vsel vm3, v11, v18;
	v16 =	vor.u32 v3, v16;
	[tilespmem:$0x1CA20] =	vst v59  }
0xad: {  	v62 =	vsel vm1, v60, v61;
	v17 =	vsel vm0, v57, v58;
	v12 =	vor.u32 v1, v11;
	[tilespmem:$0x1CA30] =	vst v16  }
0xae: {  	v11 =	vor.u32 v3, v11;
	v15 =	vsel vm3, v17, v62;
	[tilespmem:$0x1CA60] =	vst v12  }
0xaf: {  	[tilespmem:$0x1CA70] =	vst v11;
	v63 =	vor.u32 v1, v15  }
0xb0: {  	v19 =	vor.u32 v3, v15;
	[tilespmem:$0x1CA40] =	vst v63  }
0xb1: {  	s19 =	simm.s32 $0x1CA00;
	[tilespmem:$0x1CA50] =	vst v19  }
0xb2: {  	[tilespmem:s20], [sflag:$0x5] =	stream.indirect.gather [hbm4b:s1+s8], $0x80, s19, s8, $0xb8;
	[tilespmem:$0x1CB80] =	vst v63  }
0xb3: {  	v11 =	vld [tilespmem:s5+$0x10]  }
0xb4: {  	v12 =	vld [tilespmem:s5+$0x90]  }
0xb5: {  	v20 =	vld [tilespmem:s5+$0x190];
	_ =	sdelay $0x2  }
0xb6: {  	v13 =	vld [tilespmem:s5+$0x110];
	v21 =	vshll.u32 v11, $0x3  }
0xb7: {  	v22 =	vshll.u32 v12, $0x3;
	v11 =	vand.u32 $0x7, v11;
	v12 =	vand.u32 $0x7, v12  }
0xb8: {  	v24 =	vshll.u32 v20, $0x3;
	v14 =	vand.u32 $0x7, v20;
	v15 =	vand.u32 $0xFFFFFFC0, v21  }
0xb9: {  	v16 =	vand.u32 $0xFFFFFFC0, v22;
	v25 =	vand.u32 $0xFFFFFFC0, v24;
	v11 =	vor.u32 v11, v15  }
0xba: {  	v12 =	vor.u32 v12, v16;
	v14 =	vor.u32 v14, v25;
	v26 =	vbroadcast v11, $0x4  }
0xbb: {  	v23 =	vshll.u32 v13, $0x3;
	v27 =	vbroadcast v12, $0x4;
	v29 =	vbroadcast v14, $0x4  }
0xbc: {  	v13 =	vand.u32 $0x7, v13;
	v31 =	vbroadcast v11, $0x5;
	v32 =	vbroadcast v12, $0x5  }
0xbd: {  	v15 =	vand.u32 $0xFFFFFFC0, v23;
	v34 =	vbroadcast v14, $0x5;
	v36 =	vbroadcast v11, $0x6  }
0xbe: {  	v13 =	vor.u32 v13, v15;
	v37 =	vbroadcast v12, $0x6;
	v40 =	vbroadcast v14, $0x6  }
0xbf: {  	v11 =	vbroadcast v11, $0x7;
	v28 =	vbroadcast v13, $0x4  }
0xc0: {  	v12 =	vbroadcast v12, $0x7;
	v14 =	vbroadcast v14, $0x7  }
0xc1: {  	v33 =	vbroadcast v13, $0x5;
	v15 =	vsel vm0, v26, v27;
	v30 =	vsel vm1, v28, v29  }
0xc2: {  	v39 =	vbroadcast v13, $0x6;
	v13 =	vbroadcast v13, $0x7;
	v15 =	vsel vm3, v15, v30  }
0xc3: {  	v17 =	vsel vm0, v31, v32;
	v16 =	vsel vm1, v33, v34;
	v35 =	vor.u32 v1, v15  }
0xc4: {  	v16 =	vsel vm3, v17, v16;
	v15 =	vor.u32 v3, v15;
	[tilespmem:$0x1CA80] =	vst v35  }
0xc5: {  	v11 =	vsel vm0, v11, v12;
	v43 =	vsel vm1, v13, v14;
	v38 =	vor.u32 v1, v16;
	[tilespmem:$0x1CA90] =	vst v15  }
0xc6: {  	v11 =	vsel vm3, v11, v43;
	v16 =	vor.u32 v3, v16;
	[tilespmem:$0x1CAA0] =	vst v38  }
0xc7: {  	v41 =	vsel vm1, v39, v40;
	v17 =	vsel vm0, v36, v37;
	v12 =	vor.u32 v1, v11;
	[tilespmem:$0x1CAB0] =	vst v16  }
0xc8: {  	v11 =	vor.u32 v3, v11;
	v15 =	vsel vm3, v17, v41;
	[tilespmem:$0x1CAE0] =	vst v12  }
0xc9: {  	[tilespmem:$0x1CAF0] =	vst v11;
	v42 =	vor.u32 v1, v15  }
0xca: {  	v44 =	vor.u32 v3, v15;
	[tilespmem:$0x1CAC0] =	vst v42  }
0xcb: {  	s7 =	simm.s32 @!p0 $0xE;
	[tilespmem:$0x1CAD0] =	vst v44  }
0xcc: {  	[tilespmem:s10], [sflag:$0x6] =	stream.indirect.gather [hbm4b:s1+s8], $0x80, s9, s8, $0xb8;
	[tilespmem:$0x1CB80] =	vst v63  }
0xcd: {  	_ =	swait.ge @!p0 [sflag:s7], $0x4000  }
0xce: {  	[sflag:s7] =	ssyncset.done @!p0 $0x0  }
0xcf: {  	s17 =	rddreg [dreg:$0x7];
	[sflag:s7] =	ssyncadd.s32 @!p0 $0xFFFFC000;
	s7 =	simm.s32 @!p0 $0x0  }
0xd0: {  	[hbm4b:s17+s7] =	stream.linear.scatter @!p0 [tilespmem:s2], [sflag:$0xF], $0x4000, $0x38;
	[tilespmem:$0x1CB80] =	vst v63  }
0xd1: {  	_ =	swait.ge [sflag:s4], $0x4000  }
0xd2: {  	[sflag:s4] =	ssyncset.done $0x0  }
0xd3: {  	s17 =	rddreg [dreg:$0x8];
	[sflag:s4] =	ssyncadd.s32 $0xFFFFC000  }
0xd4: {  	[hbm4b:s17+s3] =	stream.linear.scatter [tilespmem:s18], [sflag:$0x7], $0x4000, $0x38;
	[tilespmem:$0x1CB80] =	vst v63  }
0xd5: {  	v11 =	vld [tilespmem:s5+$0x10]  }
0xd6: {  	v45 =	vld [tilespmem:s5+$0x90]  }
0xd7: {  	v47 =	vld [tilespmem:s5+$0x190];
	_ =	sdelay $0x2  }
0xd8: {  	v46 =	vld [tilespmem:s5+$0x110];
	v48 =	vshll.u32 v11, $0x3  }
0xd9: {  	v49 =	vshll.u32 v45, $0x3;
	v11 =	vand.u32 $0x7, v11;
	v12 =	vand.u32 $0x7, v45  }
0xda: {  	v51 =	vshll.u32 v47, $0x3;
	v14 =	vand.u32 $0x7, v47;
	v15 =	vand.u32 $0xFFFFFFC0, v48  }
0xdb: {  	v16 =	vand.u32 $0xFFFFFFC0, v49;
	v52 =	vand.u32 $0xFFFFFFC0, v51;
	v11 =	vor.u32 v11, v15  }
0xdc: {  	v12 =	vor.u32 v12, v16;
	v14 =	vor.u32 v14, v52;
	v53 =	vbroadcast v11, $0x8  }
0xdd: {  	v50 =	vshll.u32 v46, $0x3;
	v54 =	vbroadcast v12, $0x8;
	v56 =	vbroadcast v14, $0x8  }
0xde: {  	v13 =	vand.u32 $0x7, v46;
	v58 =	vbroadcast v11, $0x9;
	v59 =	vbroadcast v12, $0x9  }
0xdf: {  	v15 =	vand.u32 $0xFFFFFFC0, v50;
	v61 =	vbroadcast v14, $0x9;
	v63 =	vbroadcast v11, $0xA  }
0xe0: {  	v13 =	vor.u32 v13, v15;
	v24 =	vbroadcast v12, $0xA;
	v27 =	vbroadcast v14, $0xA  }
0xe1: {  	v11 =	vbroadcast v11, $0xB;
	v55 =	vbroadcast v13, $0x8  }
0xe2: {  	v12 =	vbroadcast v12, $0xB;
	v14 =	vbroadcast v14, $0xB  }
0xe3: {  	v60 =	vbroadcast v13, $0x9;
	v15 =	vsel vm0, v53, v54;
	v57 =	vsel vm1, v55, v56  }
0xe4: {  	v26 =	vbroadcast v13, $0xA;
	v13 =	vbroadcast v13, $0xB;
	v15 =	vsel vm3, v15, v57  }
0xe5: {  	v17 =	vsel vm0, v58, v59;
	v16 =	vsel vm1, v60, v61;
	v62 =	vor.u32 v1, v15  }
0xe6: {  	v16 =	vsel vm3, v17, v16;
	v15 =	vor.u32 v3, v15;
	[tilespmem:$0x1C800] =	vst v62  }
0xe7: {  	v11 =	vsel vm0, v11, v12;
	v30 =	vsel vm1, v13, v14;
	v25 =	vor.u32 v1, v16;
	[tilespmem:$0x1C810] =	vst v15  }
0xe8: {  	v11 =	vsel vm3, v11, v30;
	v16 =	vor.u32 v3, v16;
	[tilespmem:$0x1C820] =	vst v25  }
0xe9: {  	v28 =	vsel vm1, v26, v27;
	v17 =	vsel vm0, v63, v24;
	v12 =	vor.u32 v1, v11;
	[tilespmem:$0x1C830] =	vst v16  }
0xea: {  	v11 =	vor.u32 v3, v11;
	v15 =	vsel vm3, v17, v28;
	[tilespmem:$0x1C860] =	vst v12  }
0xeb: {  	[tilespmem:$0x1C870] =	vst v11;
	v29 =	vor.u32 v1, v15  }
0xec: {  	v31 =	vor.u32 v3, v15;
	[tilespmem:$0x1C840] =	vst v29  }
0xed: {  	[tilespmem:$0x1C850] =	vst v31  }
0xee: {  	_ =	swait.ge [sflag:s21], $0x4000  }
0xef: {  	[sflag:s21] =	ssyncset.done $0x0  }
0xf0: {  	[sflag:s21] =	ssyncadd.s32 $0xFFFFC000  }
0xf1: {  	[tilespmem:s18], [sflag:$0x1] =	stream.indirect.gather [hbm4b:s1+s8], $0x80, s11, s8, $0xb8;
	[tilespmem:$0x1CB80] =	vst v63  }
0xf2: {  	_ =	swait.ge [sflag:s22], $0x4000  }
0xf3: {  	[sflag:s22] =	ssyncset.done $0x0  }
0xf4: {  	s7 =	rddreg [dreg:$0x9];
	[sflag:s22] =	ssyncadd.s32 $0xFFFFC000  }
0xf5: {  	[hbm4b:s7+s3] =	stream.linear.scatter [tilespmem:s12], [sflag:$0x8], $0x4000, $0x38;
	[tilespmem:$0x1CB80] =	vst v63  }
0xf6: {  	v11 =	vld [tilespmem:s5+$0x10]  }
0xf7: {  	v32 =	vld [tilespmem:s5+$0x90]  }
0xf8: {  	v34 =	vld [tilespmem:s5+$0x190];
	_ =	sdelay $0x2  }
0xf9: {  	v33 =	vld [tilespmem:s5+$0x110];
	v35 =	vshll.u32 v11, $0x3  }
0xfa: {  	v36 =	vshll.u32 v32, $0x3;
	v11 =	vand.u32 $0x7, v11;
	v12 =	vand.u32 $0x7, v32  }
0xfb: {  	v38 =	vshll.u32 v34, $0x3;
	v14 =	vand.u32 $0x7, v34;
	v15 =	vand.u32 $0xFFFFFFC0, v35  }
0xfc: {  	v16 =	vand.u32 $0xFFFFFFC0, v36;
	v39 =	vand.u32 $0xFFFFFFC0, v38;
	v11 =	vor.u32 v11, v15  }
0xfd: {  	v12 =	vor.u32 v12, v16;
	v14 =	vor.u32 v14, v39;
	v40 =	vbroadcast v11, $0xC  }
0xfe: {  	v37 =	vshll.u32 v33, $0x3;
	v41 =	vbroadcast v12, $0xC;
	v43 =	vbroadcast v14, $0xC  }
0xff: {  	v13 =	vand.u32 $0x7, v33;
	v45 =	vbroadcast v11, $0xD;
	v46 =	vbroadcast v12, $0xD  }
0x100: {  	v15 =	vand.u32 $0xFFFFFFC0, v37;
	v48 =	vbroadcast v14, $0xD;
	v50 =	vbroadcast v11, $0xE  }
0x101: {  	v13 =	vor.u32 v13, v15;
	v51 =	vbroadcast v12, $0xE;
	v54 =	vbroadcast v14, $0xE  }
0x102: {  	v11 =	vbroadcast v11, $0xF;
	v42 =	vbroadcast v13, $0xC  }
0x103: {  	v12 =	vbroadcast v12, $0xF;
	v14 =	vbroadcast v14, $0xF  }
0x104: {  	v47 =	vbroadcast v13, $0xD;
	v15 =	vsel vm0, v40, v41;
	v44 =	vsel vm1, v42, v43  }
0x105: {  	v53 =	vbroadcast v13, $0xE;
	v13 =	vbroadcast v13, $0xF;
	v15 =	vsel vm3, v15, v44  }
0x106: {  	v17 =	vsel vm0, v45, v46;
	v16 =	vsel vm1, v47, v48;
	v49 =	vor.u32 v1, v15  }
0x107: {  	v16 =	vsel vm3, v17, v16;
	v15 =	vor.u32 v3, v15;
	[tilespmem:$0x1C880] =	vst v49  }
0x108: {  	v11 =	vsel vm0, v11, v12;
	v57 =	vsel vm1, v13, v14;
	v52 =	vor.u32 v1, v16;
	[tilespmem:$0x1C890] =	vst v15  }
0x109: {  	v11 =	vsel vm3, v11, v57;
	v16 =	vor.u32 v3, v16;
	[tilespmem:$0x1C8A0] =	vst v52  }
0x10a: {  	v55 =	vsel vm1, v53, v54;
	v17 =	vsel vm0, v50, v51;
	v12 =	vor.u32 v1, v11;
	[tilespmem:$0x1C8B0] =	vst v16  }
0x10b: {  	v11 =	vor.u32 v3, v11;
	v15 =	vsel vm3, v17, v55;
	[tilespmem:$0x1C8E0] =	vst v12  }
0x10c: {  	[tilespmem:$0x1C8F0] =	vst v11;
	v56 =	vor.u32 v1, v15  }
0x10d: {  	v58 =	vor.u32 v3, v15;
	[tilespmem:$0x1C8C0] =	vst v56  }
0x10e: {  	[tilespmem:$0x1C8D0] =	vst v58  }
0x10f: {  	_ =	swait.ge [sflag:s23], $0x4000  }
0x110: {  	[sflag:s23] =	ssyncset.done $0x0  }
0x111: {  	[sflag:s23] =	ssyncadd.s32 $0xFFFFC000  }
0x112: {  	[tilespmem:s12], [sflag:$0x2] =	stream.indirect.gather [hbm4b:s1+s8], $0x80, s13, s8, $0xb8;
	[tilespmem:$0x1CB80] =	vst v63  }
0x113: {  	_ =	swait.ge [sflag:s24], $0x4000  }
0x114: {  	[sflag:s24] =	ssyncset.done $0x0  }
0x115: {  	s17 =	rddreg [dreg:$0xa];
	[sflag:s24] =	ssyncadd.s32 $0xFFFFC000  }
0x116: {  	[hbm4b:s17+s3] =	stream.linear.scatter [tilespmem:s14], [sflag:$0x9], $0x4000, $0x38;
	[tilespmem:$0x1CB80] =	vst v63  }
0x117: {  	v11 =	vld [tilespmem:s5+$0x20]  }
0x118: {  	v59 =	vld [tilespmem:s5+$0xA0]  }
0x119: {  	v61 =	vld [tilespmem:s5+$0x1A0];
	_ =	sdelay $0x2  }
0x11a: {  	v60 =	vld [tilespmem:s5+$0x120];
	v62 =	vshll.u32 v11, $0x3  }
0x11b: {  	v63 =	vshll.u32 v59, $0x3;
	v11 =	vand.u32 $0x7, v11;
	v12 =	vand.u32 $0x7, v59  }
0x11c: {  	v20 =	vshll.u32 v61, $0x3;
	v14 =	vand.u32 $0x7, v61;
	v15 =	vand.u32 $0xFFFFFFC0, v62  }
0x11d: {  	v16 =	vand.u32 $0xFFFFFFC0, v63;
	v21 =	vand.u32 $0xFFFFFFC0, v20;
	v11 =	vor.u32 v11, v15  }
0x11e: {  	v12 =	vor.u32 v12, v16;
	v14 =	vor.u32 v14, v21;
	v22 =	vbroadcast v11, $0x0  }
0x11f: {  	v19 =	vshll.u32 v60, $0x3;
	v23 =	vbroadcast v12, $0x0;
	v25 =	vbroadcast v14, $0x0  }
0x120: {  	v13 =	vand.u32 $0x7, v60;
	v27 =	vbroadcast v11, $0x1;
	v28 =	vbroadcast v12, $0x1  }
0x121: {  	v15 =	vand.u32 $0xFFFFFFC0, v19;
	v30 =	vbroadcast v14, $0x1;
	v32 =	vbroadcast v11, $0x2  }
0x122: {  	v13 =	vor.u32 v13, v15;
	v33 =	vbroadcast v12, $0x2;
	v36 =	vbroadcast v14, $0x2  }
0x123: {  	v11 =	vbroadcast v11, $0x3;
	v24 =	vbroadcast v13, $0x0  }
0x124: {  	v12 =	vbroadcast v12, $0x3;
	v14 =	vbroadcast v14, $0x3  }
0x125: {  	v29 =	vbroadcast v13, $0x1;
	v15 =	vsel vm0, v22, v23;
	v26 =	vsel vm1, v24, v25  }
0x126: {  	v35 =	vbroadcast v13, $0x2;
	v13 =	vbroadcast v13, $0x3;
	v15 =	vsel vm3, v15, v26  }
0x127: {  	v17 =	vsel vm0, v27, v28;
	v16 =	vsel vm1, v29, v30;
	v31 =	vor.u32 v1, v15  }
0x128: {  	v16 =	vsel vm3, v17, v16;
	v15 =	vor.u32 v3, v15;
	[tilespmem:$0x1C900] =	vst v31  }
0x129: {  	v11 =	vsel vm0, v11, v12;
	v39 =	vsel vm1, v13, v14;
	v34 =	vor.u32 v1, v16;
	[tilespmem:$0x1C910] =	vst v15  }
0x12a: {  	v11 =	vsel vm3, v11, v39;
	v16 =	vor.u32 v3, v16;
	[tilespmem:$0x1C920] =	vst v34  }
0x12b: {  	v37 =	vsel vm1, v35, v36;
	v17 =	vsel vm0, v32, v33;
	v12 =	vor.u32 v1, v11;
	[tilespmem:$0x1C930] =	vst v16  }
0x12c: {  	v11 =	vor.u32 v3, v11;
	v15 =	vsel vm3, v17, v37;
	[tilespmem:$0x1C960] =	vst v12  }
0x12d: {  	[tilespmem:$0x1C970] =	vst v11;
	v38 =	vor.u32 v1, v15  }
0x12e: {  	v40 =	vor.u32 v3, v15;
	[tilespmem:$0x1C940] =	vst v38  }
0x12f: {  	[tilespmem:$0x1C950] =	vst v40  }
0x130: {  	_ =	swait.ge [sflag:s25], $0x4000  }
0x131: {  	[sflag:s25] =	ssyncset.done $0x0  }
0x132: {  	[sflag:s25] =	ssyncadd.s32 $0xFFFFC000  }
0x133: {  	[tilespmem:s14], [sflag:$0x3] =	stream.indirect.gather [hbm4b:s1+s8], $0x80, s15, s8, $0xb8;
	[tilespmem:$0x1CB80] =	vst v63  }
0x134: {  	_ =	swait.ge [sflag:s26], $0x4000  }
0x135: {  	[sflag:s26] =	ssyncset.done $0x0  }
0x136: {  	s7 =	rddreg [dreg:$0xb];
	[sflag:s26] =	ssyncadd.s32 $0xFFFFC000  }
0x137: {  	[hbm4b:s7+s3] =	stream.linear.scatter [tilespmem:s16], [sflag:$0xA], $0x4000, $0x38;
	[tilespmem:$0x1CB80] =	vst v63  }
0x138: {  	v11 =	vld [tilespmem:s5+$0x20]  }
0x139: {  	v41 =	vld [tilespmem:s5+$0xA0]  }
0x13a: {  	v43 =	vld [tilespmem:s5+$0x1A0];
	_ =	sdelay $0x2  }
0x13b: {  	v42 =	vld [tilespmem:s5+$0x120];
	v44 =	vshll.u32 v11, $0x3  }
0x13c: {  	v45 =	vshll.u32 v41, $0x3;
	v11 =	vand.u32 $0x7, v11;
	v12 =	vand.u32 $0x7, v41  }
0x13d: {  	v47 =	vshll.u32 v43, $0x3;
	v14 =	vand.u32 $0x7, v43;
	v15 =	vand.u32 $0xFFFFFFC0, v44  }
0x13e: {  	v16 =	vand.u32 $0xFFFFFFC0, v45;
	v48 =	vand.u32 $0xFFFFFFC0, v47;
	v11 =	vor.u32 v11, v15  }
0x13f: {  	v12 =	vor.u32 v12, v16;
	v14 =	vor.u32 v14, v48;
	v49 =	vbroadcast v11, $0x4  }
0x140: {  	v46 =	vshll.u32 v42, $0x3;
	v50 =	vbroadcast v12, $0x4;
	v52 =	vbroadcast v14, $0x4  }
0x141: {  	v13 =	vand.u32 $0x7, v42;
	v54 =	vbroadcast v11, $0x5;
	v55 =	vbroadcast v12, $0x5  }
0x142: {  	v15 =	vand.u32 $0xFFFFFFC0, v46;
	v57 =	vbroadcast v14, $0x5;
	v59 =	vbroadcast v11, $0x6  }
0x143: {  	v13 =	vor.u32 v13, v15;
	v60 =	vbroadcast v12, $0x6;
	v63 =	vbroadcast v14, $0x6  }
0x144: {  	v11 =	vbroadcast v11, $0x7;
	v51 =	vbroadcast v13, $0x4  }
0x145: {  	v12 =	vbroadcast v12, $0x7;
	v14 =	vbroadcast v14, $0x7  }
0x146: {  	v56 =	vbroadcast v13, $0x5;
	v15 =	vsel vm0, v49, v50;
	v53 =	vsel vm1, v51, v52  }
0x147: {  	v62 =	vbroadcast v13, $0x6;
	v13 =	vbroadcast v13, $0x7;
	v15 =	vsel vm3, v15, v53  }
0x148: {  	v17 =	vsel vm0, v54, v55;
	v16 =	vsel vm1, v56, v57;
	v58 =	vor.u32 v1, v15  }
0x149: {  	v16 =	vsel vm3, v17, v16;
	v15 =	vor.u32 v3, v15;
	[tilespmem:$0x1C980] =	vst v58  }
0x14a: {  	v11 =	vsel vm0, v11, v12;
	v26 =	vsel vm1, v13, v14;
	v61 =	vor.u32 v1, v16;
	[tilespmem:$0x1C990] =	vst v15  }
0x14b: {  	v11 =	vsel vm3, v11, v26;
	v16 =	vor.u32 v3, v16;
	[tilespmem:$0x1C9A0] =	vst v61  }
0x14c: {  	v24 =	vsel vm1, v62, v63;
	v17 =	vsel vm0, v59, v60;
	v12 =	vor.u32 v1, v11;
	[tilespmem:$0x1C9B0] =	vst v16  }
0x14d: {  	v11 =	vor.u32 v3, v11;
	v15 =	vsel vm3, v17, v24;
	[tilespmem:$0x1C9E0] =	vst v12  }
0x14e: {  	[tilespmem:$0x1C9F0] =	vst v11;
	v25 =	vor.u32 v1, v15  }
0x14f: {  	v27 =	vor.u32 v3, v15;
	[tilespmem:$0x1C9C0] =	vst v25  }
0x150: {  	[tilespmem:$0x1C9D0] =	vst v27  }
0x151: {  	_ =	swait.ge [sflag:s28], $0x4000  }
0x152: {  	[sflag:s28] =	ssyncset.done $0x0  }
0x153: {  	s7 =	simm.s32 $0x1C980;
	[sflag:s28] =	ssyncadd.s32 $0xFFFFC000  }
0x154: {  	[tilespmem:s16], [sflag:$0x4] =	stream.indirect.gather [hbm4b:s1+s8], $0x80, s7, s8, $0xb8;
	[tilespmem:$0x1CB80] =	vst v63  }
0x155: {  	_ =	swait.ge [sflag:s29], $0x4000  }
0x156: {  	[sflag:s29] =	ssyncset.done $0x0  }
0x157: {  	s17 =	rddreg [dreg:$0xc];
	[sflag:s29] =	ssyncadd.s32 $0xFFFFC000  }
0x158: {  	[hbm4b:s17+s3] =	stream.linear.scatter [tilespmem:s20], [sflag:$0xB], $0x4000, $0x38;
	[tilespmem:$0x1CB80] =	vst v63  }
0x159: {  	v11 =	vld [tilespmem:s5+$0x20]  }
0x15a: {  	v28 =	vld [tilespmem:s5+$0xA0]  }
0x15b: {  	v30 =	vld [tilespmem:s5+$0x1A0];
	_ =	sdelay $0x2  }
0x15c: {  	v29 =	vld [tilespmem:s5+$0x120];
	v31 =	vshll.u32 v11, $0x3  }
0x15d: {  	v32 =	vshll.u32 v28, $0x3;
	v11 =	vand.u32 $0x7, v11;
	v12 =	vand.u32 $0x7, v28  }
0x15e: {  	v34 =	vshll.u32 v30, $0x3;
	v14 =	vand.u32 $0x7, v30;
	v15 =	vand.u32 $0xFFFFFFC0, v31  }
0x15f: {  	v16 =	vand.u32 $0xFFFFFFC0, v32;
	v35 =	vand.u32 $0xFFFFFFC0, v34;
	v11 =	vor.u32 v11, v15  }
0x160: {  	v12 =	vor.u32 v12, v16;
	v14 =	vor.u32 v14, v35;
	v36 =	vbroadcast v11, $0x8  }
0x161: {  	v33 =	vshll.u32 v29, $0x3;
	v37 =	vbroadcast v12, $0x8;
	v39 =	vbroadcast v14, $0x8  }
0x162: {  	v13 =	vand.u32 $0x7, v29;
	v41 =	vbroadcast v11, $0x9;
	v42 =	vbroadcast v12, $0x9  }
0x163: {  	v15 =	vand.u32 $0xFFFFFFC0, v33;
	v44 =	vbroadcast v14, $0x9;
	v46 =	vbroadcast v11, $0xA  }
0x164: {  	v13 =	vor.u32 v13, v15;
	v47 =	vbroadcast v12, $0xA;
	v50 =	vbroadcast v14, $0xA  }
0x165: {  	v11 =	vbroadcast v11, $0xB;
	v38 =	vbroadcast v13, $0x8  }
0x166: {  	v12 =	vbroadcast v12, $0xB;
	v14 =	vbroadcast v14, $0xB  }
0x167: {  	v43 =	vbroadcast v13, $0x9;
	v15 =	vsel vm0, v36, v37;
	v40 =	vsel vm1, v38, v39  }
0x168: {  	v49 =	vbroadcast v13, $0xA;
	v13 =	vbroadcast v13, $0xB;
	v15 =	vsel vm3, v15, v40  }
0x169: {  	v17 =	vsel vm0, v41, v42;
	v16 =	vsel vm1, v43, v44;
	v45 =	vor.u32 v1, v15  }
0x16a: {  	v16 =	vsel vm3, v17, v16;
	v15 =	vor.u32 v3, v15;
	[tilespmem:$0x1CA00] =	vst v45  }
0x16b: {  	v11 =	vsel vm0, v11, v12;
	v53 =	vsel vm1, v13, v14;
	v48 =	vor.u32 v1, v16;
	[tilespmem:$0x1CA10] =	vst v15  }
0x16c: {  	v11 =	vsel vm3, v11, v53;
	v16 =	vor.u32 v3, v16;
	[tilespmem:$0x1CA20] =	vst v48  }
0x16d: {  	v51 =	vsel vm1, v49, v50;
	v17 =	vsel vm0, v46, v47;
	v12 =	vor.u32 v1, v11;
	[tilespmem:$0x1CA30] =	vst v16  }
0x16e: {  	v11 =	vor.u32 v3, v11;
	v15 =	vsel vm3, v17, v51;
	[tilespmem:$0x1CA60] =	vst v12  }
0x16f: {  	[tilespmem:$0x1CA70] =	vst v11;
	v52 =	vor.u32 v1, v15  }
0x170: {  	v54 =	vor.u32 v3, v15;
	[tilespmem:$0x1CA40] =	vst v52  }
0x171: {  	[tilespmem:$0x1CA50] =	vst v54  }
0x172: {  	_ =	swait.ge [sflag:s30], $0x4000  }
0x173: {  	[sflag:s30] =	ssyncset.done $0x0  }
0x174: {  	[sflag:s30] =	ssyncadd.s32 $0xFFFFC000  }
0x175: {  	[tilespmem:s20], [sflag:$0x5] =	stream.indirect.gather [hbm4b:s1+s8], $0x80, s19, s8, $0xb8;
	[tilespmem:$0x1CB80] =	vst v63  }
0x176: {  	_ =	swait.ge [sflag:s31], $0x4000  }
0x177: {  	[sflag:s31] =	ssyncset.done $0x0  }
0x178: {  	s19 =	rddreg [dreg:$0xd];
	[sflag:s31] =	ssyncadd.s32 $0xFFFFC000  }
0x179: {  	[hbm4b:s19+s3] =	stream.linear.scatter [tilespmem:s10], [sflag:$0xC], $0x4000, $0x38;
	[tilespmem:$0x1CB80] =	vst v63  }
0x17a: {  	v11 =	vld [tilespmem:s5+$0x20]  }
0x17b: {  	v55 =	vld [tilespmem:s5+$0xA0]  }
0x17c: {  	v57 =	vld [tilespmem:s5+$0x1A0];
	_ =	sdelay $0x2  }
0x17d: {  	v56 =	vld [tilespmem:s5+$0x120];
	v58 =	vshll.u32 v11, $0x3  }
0x17e: {  	v59 =	vshll.u32 v55, $0x3;
	v11 =	vand.u32 $0x7, v11;
	v12 =	vand.u32 $0x7, v55  }
0x17f: {  	v61 =	vshll.u32 v57, $0x3;
	v14 =	vand.u32 $0x7, v57;
	v15 =	vand.u32 $0xFFFFFFC0, v58  }
0x180: {  	v16 =	vand.u32 $0xFFFFFFC0, v59;
	v62 =	vand.u32 $0xFFFFFFC0, v61;
	v11 =	vor.u32 v11, v15  }
0x181: {  	v12 =	vor.u32 v12, v16;
	v14 =	vor.u32 v14, v62;
	v63 =	vbroadcast v11, $0xC  }
0x182: {  	v60 =	vshll.u32 v56, $0x3;
	v21 =	vbroadcast v12, $0xC;
	v23 =	vbroadcast v14, $0xC  }
0x183: {  	v13 =	vand.u32 $0x7, v56;
	v25 =	vbroadcast v11, $0xD;
	v26 =	vbroadcast v12, $0xD  }
0x184: {  	v15 =	vand.u32 $0xFFFFFFC0, v60;
	v28 =	vbroadcast v14, $0xD;
	v30 =	vbroadcast v11, $0xE  }
0x185: {  	v13 =	vor.u32 v13, v15;
	v31 =	vbroadcast v12, $0xE;
	v34 =	vbroadcast v14, $0xE  }
0x186: {  	v11 =	vbroadcast v11, $0xF;
	v22 =	vbroadcast v13, $0xC  }
0x187: {  	v12 =	vbroadcast v12, $0xF;
	v14 =	vbroadcast v14, $0xF  }
0x188: {  	v27 =	vbroadcast v13, $0xD;
	v15 =	vsel vm0, v63, v21;
	v24 =	vsel vm1, v22, v23  }
0x189: {  	v33 =	vbroadcast v13, $0xE;
	v13 =	vbroadcast v13, $0xF;
	v15 =	vsel vm3, v15, v24  }
0x18a: {  	v17 =	vsel vm0, v25, v26;
	v16 =	vsel vm1, v27, v28;
	v29 =	vor.u32 v1, v15  }
0x18b: {  	v16 =	vsel vm3, v17, v16;
	v15 =	vor.u32 v3, v15;
	[tilespmem:$0x1CA80] =	vst v29  }
0x18c: {  	v11 =	vsel vm0, v11, v12;
	v37 =	vsel vm1, v13, v14;
	v32 =	vor.u32 v1, v16;
	[tilespmem:$0x1CA90] =	vst v15  }
0x18d: {  	v11 =	vsel vm3, v11, v37;
	v16 =	vor.u32 v3, v16;
	[tilespmem:$0x1CAA0] =	vst v32  }
0x18e: {  	v35 =	vsel vm1, v33, v34;
	v17 =	vsel vm0, v30, v31;
	v12 =	vor.u32 v1, v11;
	[tilespmem:$0x1CAB0] =	vst v16  }
0x18f: {  	v11 =	vor.u32 v3, v11;
	v15 =	vsel vm3, v17, v35;
	[tilespmem:$0x1CAE0] =	vst v12  }
0x190: {  	[tilespmem:$0x1CAF0] =	vst v11;
	v36 =	vor.u32 v1, v15  }
0x191: {  	v38 =	vor.u32 v3, v15;
	[tilespmem:$0x1CAC0] =	vst v36  }
0x192: {  	[tilespmem:$0x1CAD0] =	vst v38  }
0x193: {  	_ =	swait.ge [sflag:s0], $0x4000  }
0x194: {  	[sflag:s0] =	ssyncset.done $0x0  }
0x195: {  	[sflag:s0] =	ssyncadd.s32 $0xFFFFC000  }
0x196: {  	[tilespmem:s10], [sflag:$0x6] =	stream.indirect.gather [hbm4b:s1+s8], $0x80, s9, s8, $0xb8;
	[tilespmem:$0x1CB80] =	vst v63  }
0x197: {  	_ =	swait.ge [sflag:s4], $0x4000  }
0x198: {  	[sflag:s4] =	ssyncset.done $0x0  }
0x199: {  	s17 =	rddreg [dreg:$0xe];
	[sflag:s4] =	ssyncadd.s32 $0xFFFFC000  }
0x19a: {  	[hbm4b:s17+s3] =	stream.linear.scatter [tilespmem:s18], [sflag:$0x7], $0x4000, $0x38;
	[tilespmem:$0x1CB80] =	vst v63  }
0x19b: {  	v11 =	vld [tilespmem:s5+$0x30]  }
0x19c: {  	v39 =	vld [tilespmem:s5+$0xB0]  }
0x19d: {  	v41 =	vld [tilespmem:s5+$0x1B0];
	_ =	sdelay $0x2  }
0x19e: {  	v40 =	vld [tilespmem:s5+$0x130];
	v42 =	vshll.u32 v11, $0x3  }
0x19f: {  	v43 =	vshll.u32 v39, $0x3;
	v11 =	vand.u32 $0x7, v11;
	v12 =	vand.u32 $0x7, v39  }
0x1a0: {  	v45 =	vshll.u32 v41, $0x3;
	v14 =	vand.u32 $0x7, v41;
	v15 =	vand.u32 $0xFFFFFFC0, v42  }
0x1a1: {  	v16 =	vand.u32 $0xFFFFFFC0, v43;
	v46 =	vand.u32 $0xFFFFFFC0, v45;
	v11 =	vor.u32 v11, v15  }
0x1a2: {  	v12 =	vor.u32 v12, v16;
	v14 =	vor.u32 v14, v46;
	v47 =	vbroadcast v11, $0x0  }
0x1a3: {  	v44 =	vshll.u32 v40, $0x3;
	v48 =	vbroadcast v12, $0x0;
	v50 =	vbroadcast v14, $0x0  }
0x1a4: {  	v13 =	vand.u32 $0x7, v40;
	v52 =	vbroadcast v11, $0x1;
	v53 =	vbroadcast v12, $0x1  }
0x1a5: {  	v15 =	vand.u32 $0xFFFFFFC0, v44;
	v55 =	vbroadcast v14, $0x1;
	v57 =	vbroadcast v11, $0x2  }
0x1a6: {  	v13 =	vor.u32 v13, v15;
	v58 =	vbroadcast v12, $0x2;
	v61 =	vbroadcast v14, $0x2  }
0x1a7: {  	v11 =	vbroadcast v11, $0x3;
	v49 =	vbroadcast v13, $0x0  }
0x1a8: {  	v12 =	vbroadcast v12, $0x3;
	v14 =	vbroadcast v14, $0x3  }
0x1a9: {  	v54 =	vbroadcast v13, $0x1;
	v15 =	vsel vm0, v47, v48;
	v51 =	vsel vm1, v49, v50  }
0x1aa: {  	v60 =	vbroadcast v13, $0x2;
	v13 =	vbroadcast v13, $0x3;
	v15 =	vsel vm3, v15, v51  }
0x1ab: {  	v17 =	vsel vm0, v52, v53;
	v16 =	vsel vm1, v54, v55;
	v56 =	vor.u32 v1, v15  }
0x1ac: {  	v16 =	vsel vm3, v17, v16;
	v15 =	vor.u32 v3, v15;
	[tilespmem:$0x1C800] =	vst v56  }
0x1ad: {  	v11 =	vsel vm0, v11, v12;
	v19 =	vsel vm1, v13, v14;
	v59 =	vor.u32 v1, v16;
	[tilespmem:$0x1C810] =	vst v15  }
0x1ae: {  	v11 =	vsel vm3, v11, v19;
	v16 =	vor.u32 v3, v16;
	[tilespmem:$0x1C820] =	vst v59  }
0x1af: {  	v62 =	vsel vm1, v60, v61;
	v17 =	vsel vm0, v57, v58;
	v12 =	vor.u32 v1, v11;
	[tilespmem:$0x1C830] =	vst v16  }
0x1b0: {  	v11 =	vor.u32 v3, v11;
	v15 =	vsel vm3, v17, v62;
	[tilespmem:$0x1C860] =	vst v12  }
0x1b1: {  	[tilespmem:$0x1C870] =	vst v11;
	v63 =	vor.u32 v1, v15  }
0x1b2: {  	v20 =	vor.u32 v3, v15;
	[tilespmem:$0x1C840] =	vst v63  }
0x1b3: {  	[tilespmem:$0x1C850] =	vst v20  }
0x1b4: {  	_ =	swait.ge [sflag:s21], $0x4000  }
0x1b5: {  	[sflag:s21] =	ssyncset.done $0x0  }
0x1b6: {  	[sflag:s21] =	ssyncadd.s32 $0xFFFFC000  }
0x1b7: {  	[tilespmem:s18], [sflag:$0x1] =	stream.indirect.gather [hbm4b:s1+s8], $0x80, s11, s8, $0xb8;
	[tilespmem:$0x1CB80] =	vst v63  }
0x1b8: {  	_ =	swait.ge [sflag:s22], $0x4000  }
0x1b9: {  	[sflag:s22] =	ssyncset.done $0x0  }
0x1ba: {  	s19 =	rddreg [dreg:$0xf];
	[sflag:s22] =	ssyncadd.s32 $0xFFFFC000  }
0x1bb: {  	[hbm4b:s19+s3] =	stream.linear.scatter [tilespmem:s12], [sflag:$0x8], $0x4000, $0x38;
	[tilespmem:$0x1CB80] =	vst v63  }
0x1bc: {  	v11 =	vld [tilespmem:s5+$0x30]  }
0x1bd: {  	v21 =	vld [tilespmem:s5+$0xB0]  }
0x1be: {  	v23 =	vld [tilespmem:s5+$0x1B0];
	_ =	sdelay $0x2  }
0x1bf: {  	v22 =	vld [tilespmem:s5+$0x130];
	v24 =	vshll.u32 v11, $0x3  }
0x1c0: {  	v25 =	vshll.u32 v21, $0x3;
	v11 =	vand.u32 $0x7, v11;
	v12 =	vand.u32 $0x7, v21  }
0x1c1: {  	v27 =	vshll.u32 v23, $0x3;
	v14 =	vand.u32 $0x7, v23;
	v15 =	vand.u32 $0xFFFFFFC0, v24  }
0x1c2: {  	v16 =	vand.u32 $0xFFFFFFC0, v25;
	v28 =	vand.u32 $0xFFFFFFC0, v27;
	v11 =	vor.u32 v11, v15  }
0x1c3: {  	v12 =	vor.u32 v12, v16;
	v14 =	vor.u32 v14, v28;
	v29 =	vbroadcast v11, $0x4  }
0x1c4: {  	v26 =	vshll.u32 v22, $0x3;
	v30 =	vbroadcast v12, $0x4;
	v32 =	vbroadcast v14, $0x4  }
0x1c5: {  	v13 =	vand.u32 $0x7, v22;
	v34 =	vbroadcast v11, $0x5;
	v35 =	vbroadcast v12, $0x5  }
0x1c6: {  	v15 =	vand.u32 $0xFFFFFFC0, v26;
	v37 =	vbroadcast v14, $0x5;
	v39 =	vbroadcast v11, $0x6  }
0x1c7: {  	v13 =	vor.u32 v13, v15;
	v40 =	vbroadcast v12, $0x6;
	v43 =	vbroadcast v14, $0x6  }
0x1c8: {  	v11 =	vbroadcast v11, $0x7;
	v31 =	vbroadcast v13, $0x4  }
0x1c9: {  	v12 =	vbroadcast v12, $0x7;
	v14 =	vbroadcast v14, $0x7  }
0x1ca: {  	v36 =	vbroadcast v13, $0x5;
	v15 =	vsel vm0, v29, v30;
	v33 =	vsel vm1, v31, v32  }
0x1cb: {  	v42 =	vbroadcast v13, $0x6;
	v13 =	vbroadcast v13, $0x7;
	v15 =	vsel vm3, v15, v33  }
0x1cc: {  	v17 =	vsel vm0, v34, v35;
	v16 =	vsel vm1, v36, v37;
	v38 =	vor.u32 v1, v15  }
0x1cd: {  	v16 =	vsel vm3, v17, v16;
	v15 =	vor.u32 v3, v15;
	[tilespmem:$0x1C880] =	vst v38  }
0x1ce: {  	v11 =	vsel vm0, v11, v12;
	v46 =	vsel vm1, v13, v14;
	v41 =	vor.u32 v1, v16;
	[tilespmem:$0x1C890] =	vst v15  }
0x1cf: {  	v11 =	vsel vm3, v11, v46;
	v16 =	vor.u32 v3, v16;
	[tilespmem:$0x1C8A0] =	vst v41  }
0x1d0: {  	v44 =	vsel vm1, v42, v43;
	v17 =	vsel vm0, v39, v40;
	v12 =	vor.u32 v1, v11;
	[tilespmem:$0x1C8B0] =	vst v16  }
0x1d1: {  	v11 =	vor.u32 v3, v11;
	v15 =	vsel vm3, v17, v44;
	[tilespmem:$0x1C8E0] =	vst v12  }
0x1d2: {  	[tilespmem:$0x1C8F0] =	vst v11;
	v45 =	vor.u32 v1, v15  }
0x1d3: {  	v47 =	vor.u32 v3, v15;
	[tilespmem:$0x1C8C0] =	vst v45  }
0x1d4: {  	[tilespmem:$0x1C8D0] =	vst v47  }
0x1d5: {  	_ =	swait.ge [sflag:s23], $0x4000  }
0x1d6: {  	[sflag:s23] =	ssyncset.done $0x0  }
0x1d7: {  	[sflag:s23] =	ssyncadd.s32 $0xFFFFC000  }
0x1d8: {  	[tilespmem:s12], [sflag:$0x2] =	stream.indirect.gather [hbm4b:s1+s8], $0x80, s13, s8, $0xb8;
	[tilespmem:$0x1CB80] =	vst v63  }
0x1d9: {  	_ =	swait.ge [sflag:s24], $0x4000  }
0x1da: {  	[sflag:s24] =	ssyncset.done $0x0  }
0x1db: {  	s17 =	rddreg [dreg:$0x10];
	[sflag:s24] =	ssyncadd.s32 $0xFFFFC000  }
0x1dc: {  	[hbm4b:s17+s3] =	stream.linear.scatter [tilespmem:s14], [sflag:$0x9], $0x4000, $0x38;
	[tilespmem:$0x1CB80] =	vst v63  }
0x1dd: {  	v11 =	vld [tilespmem:s5+$0x30]  }
0x1de: {  	v48 =	vld [tilespmem:s5+$0xB0]  }
0x1df: {  	v50 =	vld [tilespmem:s5+$0x1B0];
	_ =	sdelay $0x2  }
0x1e0: {  	v49 =	vld [tilespmem:s5+$0x130];
	v51 =	vshll.u32 v11, $0x3  }
0x1e1: {  	v52 =	vshll.u32 v48, $0x3;
	v11 =	vand.u32 $0x7, v11;
	v12 =	vand.u32 $0x7, v48  }
0x1e2: {  	v54 =	vshll.u32 v50, $0x3;
	v14 =	vand.u32 $0x7, v50;
	v15 =	vand.u32 $0xFFFFFFC0, v51  }
0x1e3: {  	v16 =	vand.u32 $0xFFFFFFC0, v52;
	v55 =	vand.u32 $0xFFFFFFC0, v54;
	v11 =	vor.u32 v11, v15  }
0x1e4: {  	v12 =	vor.u32 v12, v16;
	v14 =	vor.u32 v14, v55;
	v56 =	vbroadcast v11, $0x8  }
0x1e5: {  	v53 =	vshll.u32 v49, $0x3;
	v57 =	vbroadcast v12, $0x8;
	v59 =	vbroadcast v14, $0x8  }
0x1e6: {  	v13 =	vand.u32 $0x7, v49;
	v61 =	vbroadcast v11, $0x9;
	v62 =	vbroadcast v12, $0x9  }
0x1e7: {  	v15 =	vand.u32 $0xFFFFFFC0, v53;
	v24 =	vbroadcast v14, $0x9;
	v26 =	vbroadcast v11, $0xA  }
0x1e8: {  	v13 =	vor.u32 v13, v15;
	v27 =	vbroadcast v12, $0xA;
	v30 =	vbroadcast v14, $0xA  }
0x1e9: {  	v11 =	vbroadcast v11, $0xB;
	v58 =	vbroadcast v13, $0x8  }
0x1ea: {  	v12 =	vbroadcast v12, $0xB;
	v14 =	vbroadcast v14, $0xB  }
0x1eb: {  	v63 =	vbroadcast v13, $0x9;
	v15 =	vsel vm0, v56, v57;
	v60 =	vsel vm1, v58, v59  }
0x1ec: {  	v29 =	vbroadcast v13, $0xA;
	v13 =	vbroadcast v13, $0xB;
	v15 =	vsel vm3, v15, v60  }
0x1ed: {  	v17 =	vsel vm0, v61, v62;
	v16 =	vsel vm1, v63, v24;
	v25 =	vor.u32 v1, v15  }
0x1ee: {  	v16 =	vsel vm3, v17, v16;
	v15 =	vor.u32 v3, v15;
	[tilespmem:$0x1C900] =	vst v25  }
0x1ef: {  	v11 =	vsel vm0, v11, v12;
	v33 =	vsel vm1, v13, v14;
	v28 =	vor.u32 v1, v16;
	[tilespmem:$0x1C910] =	vst v15  }
0x1f0: {  	v11 =	vsel vm3, v11, v33;
	v16 =	vor.u32 v3, v16;
	[tilespmem:$0x1C920] =	vst v28  }
0x1f1: {  	v31 =	vsel vm1, v29, v30;
	v17 =	vsel vm0, v26, v27;
	v12 =	vor.u32 v1, v11;
	[tilespmem:$0x1C930] =	vst v16  }
0x1f2: {  	v11 =	vor.u32 v3, v11;
	v15 =	vsel vm3, v17, v31;
	[tilespmem:$0x1C960] =	vst v12  }
0x1f3: {  	[tilespmem:$0x1C970] =	vst v11;
	v32 =	vor.u32 v1, v15  }
0x1f4: {  	v34 =	vor.u32 v3, v15;
	[tilespmem:$0x1C940] =	vst v32  }
0x1f5: {  	[tilespmem:$0x1C950] =	vst v34  }
0x1f6: {  	_ =	swait.ge [sflag:s25], $0x4000  }
0x1f7: {  	[sflag:s25] =	ssyncset.done $0x0  }
0x1f8: {  	[sflag:s25] =	ssyncadd.s32 $0xFFFFC000  }
0x1f9: {  	[tilespmem:s14], [sflag:$0x3] =	stream.indirect.gather [hbm4b:s1+s8], $0x80, s15, s8, $0xb8;
	[tilespmem:$0x1CB80] =	vst v63  }
0x1fa: {  	_ =	swait.ge [sflag:s26], $0x4000  }
0x1fb: {  	[sflag:s26] =	ssyncset.done $0x0  }
0x1fc: {  	s19 =	rddreg [dreg:$0x11];
	[sflag:s26] =	ssyncadd.s32 $0xFFFFC000  }
0x1fd: {  	[hbm4b:s19+s3] =	stream.linear.scatter [tilespmem:s16], [sflag:$0xA], $0x4000, $0x38;
	[tilespmem:$0x1CB80] =	vst v63  }
0x1fe: {  	v11 =	vld [tilespmem:s5+$0x30]  }
0x1ff: {  	v35 =	vld [tilespmem:s5+$0xB0]  }
0x200: {  	v36 =	vld [tilespmem:s5+$0x130]  }
0x201: {  	v37 =	vld [tilespmem:s5+$0x1B0];
	_ =	sdelay $0x3  }
0x202: {  	v38 =	vshll.u32 v11, $0x3;
	v39 =	vshll.u32 v35, $0x3;
	v11 =	vand.u32 $0x7, v11  }
0x203: {  	v12 =	vand.u32 $0x7, v35;
	v40 =	vshll.u32 v36, $0x3;
	v41 =	vshll.u32 v37, $0x3  }
0x204: {  	v14 =	vand.u32 $0x7, v37;
	v15 =	vand.u32 $0xFFFFFFC0, v38;
	v16 =	vand.u32 $0xFFFFFFC0, v39  }
0x205: {  	v42 =	vand.u32 $0xFFFFFFC0, v41;
	v11 =	vor.u32 v11, v15;
	v12 =	vor.u32 v12, v16  }
0x206: {  	v14 =	vor.u32 v14, v42;
	v43 =	vbroadcast v11, $0xC;
	v44 =	vbroadcast v12, $0xC  }
0x207: {  	v13 =	vand.u32 $0x7, v36;
	v46 =	vbroadcast v14, $0xC;
	v47 =	vbroadcast v11, $0xD  }
0x208: {  	v15 =	vand.u32 $0xFFFFFFC0, v40;
	v48 =	vbroadcast v12, $0xD;
	v50 =	vbroadcast v14, $0xD  }
0x209: {  	v13 =	vor.u32 v13, v15;
	v51 =	vbroadcast v11, $0xE;
	v52 =	vbroadcast v12, $0xE  }
0x20a: {  	v54 =	vbroadcast v14, $0xE;
	v45 =	vbroadcast v13, $0xC  }
0x20b: {  	v11 =	vbroadcast v11, $0xF;
	v12 =	vbroadcast v12, $0xF  }
0x20c: {  	v49 =	vbroadcast v13, $0xD;
	v15 =	vsel vm0, v43, v44;
	v17 =	vsel vm1, v45, v46  }
0x20d: {  	v14 =	vbroadcast v14, $0xF;
	v53 =	vbroadcast v13, $0xE;
	v15 =	vsel vm3, v15, v17  }
0x20e: {  	v16 =	vsel vm0, v47, v48;
	v18 =	vsel vm1, v49, v50;
	v57 =	vor.u32 v1, v15  }
0x20f: {  	v13 =	vbroadcast v13, $0xF;
	v16 =	vsel vm3, v16, v18;
	v15 =	vor.u32 v3, v15;
	[tilespmem:$0x1C980] =	vst v57  }
0x210: {  	v55 =	vsel vm0, v51, v52;
	v56 =	vsel vm1, v53, v54;
	v58 =	vor.u32 v1, v16;
	[tilespmem:$0x1C990] =	vst v15  }
0x211: {  	v60 =	vsel vm3, v55, v56;
	v59 =	vor.u32 v3, v16;
	[tilespmem:$0x1C9A0] =	vst v58  }
0x212: {  	v11 =	vsel vm0, v11, v12;
	v62 =	vsel vm1, v13, v14;
	v61 =	vor.u32 v1, v60;
	[tilespmem:$0x1C9B0] =	vst v59  }
0x213: {  	v11 =	vsel vm3, v11, v62;
	v63 =	vor.u32 v3, v60;
	[tilespmem:$0x1C9C0] =	vst v61  }
0x214: {  	v12 =	vor.u32 v1, v11;
	[tilespmem:$0x1C9D0] =	vst v63  }
0x215: {  	v11 =	vor.u32 v3, v11;
	[tilespmem:$0x1C9E0] =	vst v12  }
0x216: {  	[tilespmem:$0x1C9F0] =	vst v11  }
0x217: {  	_ =	swait.ge [sflag:s28], $0x4000  }
0x218: {  	[sflag:s28] =	ssyncset.done $0x0  }
0x219: {  	[sflag:s28] =	ssyncadd.s32 $0xFFFFC000  }
0x21a: {  	[tilespmem:s16], [sflag:$0x4] =	stream.indirect.gather [hbm4b:s1+s8], $0x80, s7, s8, $0xb8;
	[tilespmem:$0x1CB80] =	vst v63  }
0x21b: {  	_ =	swait.ge [sflag:s29], $0x4000  }
0x21c: {  	[sflag:s29] =	ssyncset.done $0x0  }
0x21d: {  	s7 =	rddreg [dreg:$0x12];
	[sflag:s29] =	ssyncadd.s32 $0xFFFFC000  }
0x21e: {  	[hbm4b:s7+s3] =	stream.linear.scatter [tilespmem:s20], [sflag:$0xB], $0x4000, $0x38;
	[tilespmem:$0x1CB80] =	vst v63  }
0x21f: {  	_ =	swait.ge [sflag:s31], $0x4000  }
0x220: {  	[sflag:s31] =	ssyncset.done $0x0  }
0x221: {  	s17 =	rddreg [dreg:$0x13];
	[sflag:s31] =	ssyncadd.s32 $0xFFFFC000  }
0x222: {  	[hbm4b:s17+s3] =	stream.linear.scatter [tilespmem:s10], [sflag:$0xC], $0x4000, $0x38;
	[tilespmem:$0x1CB80] =	vst v63  }
0x223: {  	_ =	swait.ge [sflag:s4], $0x4000  }
0x224: {  	[sflag:s4] =	ssyncset.done $0x0  }
0x225: {  	s19 =	rddreg [dreg:$0x14];
	[sflag:s4] =	ssyncadd.s32 $0xFFFFC000  }
0x226: {  	[hbm4b:s19+s3] =	stream.linear.scatter [tilespmem:s18], [sflag:$0x7], $0x4000, $0x38;
	[tilespmem:$0x1CB80] =	vst v63  }
0x227: {  	_ =	swait.ge [sflag:s22], $0x4000  }
0x228: {  	[sflag:s22] =	ssyncset.done $0x0  }
0x229: {  	s7 =	rddreg [dreg:$0x15];
	[sflag:s22] =	ssyncadd.s32 $0xFFFFC000  }
0x22a: {  	[hbm4b:s7+s3] =	stream.linear.scatter [tilespmem:s12], [sflag:$0x8], $0x4000, $0x38;
	[tilespmem:$0x1CB80] =	vst v63  }
0x22b: {  	_ =	swait.ge [sflag:s24], $0x4000  }
0x22c: {  	[sflag:s24] =	ssyncset.done $0x0  }
0x22d: {  	s17 =	rddreg [dreg:$0x16];
	[sflag:s24] =	ssyncadd.s32 $0xFFFFC000  }
0x22e: {  	[hbm4b:s17+s3] =	stream.linear.scatter [tilespmem:s14], [sflag:$0x9], $0x4000, $0x38;
	[tilespmem:$0x1CB80] =	vst v63  }
0x22f: {  	_ =	swait.ge [sflag:s26], $0x4000  }
0x230: {  	[sflag:s26] =	ssyncset.done $0x0  }
0x231: {  	s19 =	rddreg [dreg:$0x17];
	[sflag:s26] =	ssyncadd.s32 $0xFFFFC000  }
0x232: {  	[hbm4b:s19+s3] =	stream.linear.scatter [tilespmem:s16], [sflag:$0xA], $0x4000, $0x38;
	[tilespmem:$0x1CB80] =	vst v63  }
0x233: {  	_ =	swait.ge [sflag:s30], $0x4000  }
0x234: {  	[sflag:s30] =	ssyncset.done $0x0  }
0x235: {  	[sflag:s30] =	ssyncadd.s32 $0xFFFFC000  }
0x236: {  	_ =	swait.ge [sflag:s0], $0x4000  }
0x237: {  	[sflag:s0] =	ssyncset.done $0x0  }
0x238: {  	[sflag:s0] =	ssyncadd.s32 $0xFFFFC000  }
0x239: {  	_ =	swait.ge [sflag:s21], $0x4000  }
0x23a: {  	[sflag:s21] =	ssyncset.done $0x0  }
0x23b: {  	[sflag:s21] =	ssyncadd.s32 $0xFFFFC000  }
0x23c: {  	_ =	swait.ge [sflag:s23], $0x4000  }
0x23d: {  	[sflag:s23] =	ssyncset.done $0x0  }
0x23e: {  	[sflag:s23] =	ssyncadd.s32 $0xFFFFC000  }
0x23f: {  	_ =	swait.ge [sflag:s25], $0x4000  }
0x240: {  	[sflag:s25] =	ssyncset.done $0x0  }
0x241: {  	s6 =	sadd.s32 $0xFFFFFFFF, s6;
	[sflag:s25] =	ssyncadd.s32 $0xFFFFC000  }
0x242: {  	p1 =	sne.s32 s6, $0x0;
	_ =	swait.ge [sflag:s28], $0x4000  }
.Ltmp0:
0x243: {  	[sflag:s28] =	ssyncset.done $0x0;
	(pc) =	sbr.rel @p1 .LBB2_1-.Ltmp0, $4  }
0x244: {  	s2 =	simm.s32 @!p0 $0xF;
	[sflag:s28] =	ssyncadd.s32 $0xFFFFC000  }
0x245: {  	_ =	swait.ge @!p0 [sflag:s2], $0x4000  }
0x246: {  	[sflag:s2] =	ssyncset.done @!p0 $0x0  }
0x247: {  	[sflag:s2] =	ssyncadd.s32 @!p0 $0xFFFFC000  }
0x248: {  	_ =	sfence.sel $0x180000  }
0x249: {  	[bflag:$0x0] =	sbarrier.arrive $0xFFFF  }
0x24a: {  	_ =	strace $0x90000047  }
0x24b: {  	s0 =	stileid.u32;
	[bflag:$0x2] =	sbarrier.arrive $0xFFFF  }
0x24c: {  	p0 =	sne.s32 s0, $0x0;
	s0 =	rddreg [dreg:$0x4]  }
0x24d: {  	s0 =	sadd.s32 @!p0 $0x100000, s0  }
0x24e: {  	[sflag:s0] =	ssyncadd.tile.s32 @!p0 $0x1;
	_ =	shalt  }
.Lfunc_end2:
_tile_overlayer_lowered:
.L_overlay_start_2:
0x24f: {  	(tag) =	ssettag $0x2  }
0x250: {  	s0 =	rddreg [dreg:$0x0];
	s2 =	stileid.u32  }
0x251: {  	s1 =	rddreg [dreg:$0x1];
	p0 =	sne.s32 s2, $0x0  }
0x252: {  	s3 =	rddreg [dreg:$0x2];
	[bflag:$0x3] =	sbarrier.arrive $0xFFFF;
	s2 =	simm.s32 @!p0 $0x1C10  }
0x253: {  	[timem:s3], [sflag:s2] =	dma.local @!p0 [hbm:s0], s1  }
0x254: {  	s0 =	simm.s32 @!p0 $0x10  }
0x255: {  	_ =	swait.ge @!p0 [sflag:s0], s1  }
0x256: {  	s1 =	ssub.s32 @!p0 $0x0, s1;
	[sflag:s0] =	ssyncset.done @!p0 $0x0  }
0x257: {  	[sflag:s0] =	ssyncadd.s32 @!p0 s1  }
0x258: {  	[bflag:$0x3] =	sbarrier.arrive $0xFFFF  }
0x259: {  	_ =	shalt  }

</sc_bundles>
